<compile_context>
chip_gen: v7x
topology: tpu7x:2x2x1
jax: 0.10.2.dev20260603
libtpu: 0.0.44.dev20260713+nightly
codegen_flags: <defaults>
</compile_context>

<pallas_src>
import functools

import jax
import jax.numpy as jnp
from jax import lax
from jax.experimental import pallas as pl
from jax.experimental.pallas import tpu as pltpu
from jax.experimental.pallas import tpu_sc as plsc

N = 10000
E = 320000
D = 128
NC = 2
NS = 16
NW = NC * NS
EP = 327680
DCHUNK = 128
DCH = (EP // NW) // DCHUNK
CHUNK = 80
N_CHUNKS = (EP // NW) // CHUNK
GR = 64
NT = 10080
IO = 80
IDXR = 4
RING = 3

_MESH = plsc.VectorSubcoreMesh(
    core_axis_name="c", subcore_axis_name="s", num_cores=NC, num_subcores=NS)


def _strided_copy(n_chunks, sid, body):
  for k in range(-(-n_chunks // NS)):
    j = k * NS + sid

    @pl.when(j < n_chunks)
    def _():
      body(j)


@functools.partial(
    pl.kernel,
    out_type=jax.ShapeDtypeStruct((NC, N, D), jnp.float32),
    mesh=_MESH,
    scratch_types=[
        pltpu.VMEM_SHARED((NT, D), jnp.float32),
        pltpu.VMEM((DCH, DCHUNK), jnp.int32),
        pltpu.VMEM((DCHUNK, D), jnp.float32),
        pltpu.SemaphoreType.DMA,
    ],
)
def _deg_kernel(dst3d_hbm, zrows_hbm, ones_hbm, deg_out,
                deg_sp, didx_all, ones_v, sem):
  cid = lax.axis_index("c")
  sid = lax.axis_index("s")
  _strided_copy(N // IO, sid,
                lambda j: pltpu.sync_copy(zrows_hbm,
                                          deg_sp.at[pl.ds(j * IO, IO)]))
  pltpu.sync_copy(ones_hbm, ones_v)
  wid = cid * NS + sid
  pltpu.sync_copy(dst3d_hbm.at[wid], didx_all)
  plsc.subcore_barrier()

  FD = 5

  def blk(k, _):
    base = k * FD
    for j in range(FD):
      pltpu.async_copy(ones_v, deg_sp.at[didx_all.at[base + j]], sem, add=True)
    for j in range(FD):
      pltpu.make_async_copy(ones_v, deg_sp.at[didx_all.at[base + j]],
                            sem).wait()
    return ()

  lax.fori_loop(0, DCH // FD, blk, ())
  plsc.subcore_barrier()
  _strided_copy(N // IO, sid,
                lambda j: pltpu.sync_copy(
                    deg_sp.at[pl.ds(j * IO, IO)],
                    deg_out.at[cid, pl.ds(j * IO, IO)]))


@functools.partial(
    pl.kernel,
    out_type=jax.ShapeDtypeStruct((NC, N, D), jnp.float32),
    mesh=_MESH,
    scratch_types=[
        pltpu.VMEM_SHARED((NT, D), jnp.float32),
        [pltpu.VMEM((CHUNK,), jnp.int32)] * IDXR,
        [pltpu.VMEM((CHUNK,), jnp.int32)] * IDXR,
        [pltpu.VMEM((CHUNK, D), jnp.float32)] * RING,
        [pltpu.SemaphoreType.DMA] * IDXR,
        [pltpu.SemaphoreType.DMA] * RING,
        pltpu.SemaphoreType.DMA,
    ],
)
def _agg_kernel(y_hbm, src_hbm, dst_hbm, zrows_hbm, z_out,
                z_sp, sidx, didx, rows, semi, semg, sems):
  cid = lax.axis_index("c")
  sid = lax.axis_index("s")
  _strided_copy(N // IO, sid,
                lambda j: pltpu.sync_copy(zrows_hbm,
                                          z_sp.at[pl.ds(j * IO, IO)]))
  wid = cid * NS + sid
  base0 = wid * N_CHUNKS

  def load_idx(j, s, sync):
    hs = src_hbm.at[pl.ds((base0 + j) * CHUNK, CHUNK)]
    hd = dst_hbm.at[pl.ds((base0 + j) * CHUNK, CHUNK)]
    if sync:
      pltpu.sync_copy(hs, sidx[s])
      pltpu.sync_copy(hd, didx[s])
    else:
      pltpu.async_copy(hs, sidx[s], semi[s])
      pltpu.async_copy(hd, didx[s], semi[s])

  def wait_idx(j, s):
    eb = (base0 + j) * CHUNK
    pltpu.make_async_copy(src_hbm.at[pl.ds(eb, CHUNK)], sidx[s],
                          semi[s]).wait()
    pltpu.make_async_copy(dst_hbm.at[pl.ds(eb, CHUNK)], didx[s],
                          semi[s]).wait()

  def drain_scatter():
    pltpu.make_async_copy(rows[0], z_sp.at[didx[0]], sems).wait()

  plsc.subcore_barrier()

  load_idx(0, 0, True)
  pltpu.async_copy(y_hbm.at[sidx[0]], rows[0], semg[0])
  load_idx(1, 1, False)
  load_idx(2, 2, False)

  def handle(j, si, ri, drain):
    @pl.when(j + 1 < N_CHUNKS)
    def _():
      wait_idx(j + 1, (si + 1) % IDXR)
      pltpu.async_copy(y_hbm.at[sidx[(si + 1) % IDXR]],
                       rows[(ri + 1) % RING], semg[(ri + 1) % RING])

    pltpu.make_async_copy(y_hbm.at[sidx[si]], rows[ri], semg[ri]).wait()
    pltpu.async_copy(rows[ri], z_sp.at[didx[si]], sems, add=True)
    if drain:
      drain_scatter()

    @pl.when(j + 3 < N_CHUNKS)
    def _():
      load_idx(j + 3, (si + 3) % IDXR, False)

  def step(k, _):
    base = 12 * k
    for u in range(12):
      handle(base + u, u % IDXR, u % RING, True)
    return ()

  for u in range(12):
    handle(u, u % IDXR, u % RING, u > 0)
  lax.fori_loop(1, N_CHUNKS // 12, step, ())
  for u in range(120, N_CHUNKS):
    handle(u, u % IDXR, u % RING, True)
  drain_scatter()
  plsc.subcore_barrier()
  _strided_copy(N // IO, sid,
                lambda j: pltpu.sync_copy(
                    z_sp.at[pl.ds(j * IO, IO)],
                    z_out.at[cid, pl.ds(j * IO, IO)]))


_ROWS_TC = 2000


def _xw_body(x_ref, w_ref, o_ref):
  o_ref[...] = jnp.dot(x_ref[...], w_ref[...],
                       preferred_element_type=jnp.float32)


def _scale_body(deg_ref, xw_ref, y_ref, dis_ref):
  deg = deg_ref[0, :, 0:1] + deg_ref[1, :, 0:1] + 1.0
  dis = lax.rsqrt(deg)
  dis_ref[...] = dis
  y_ref[...] = dis * xw_ref[...]


def _final_body(z_ref, y_ref, dis_ref, b_ref, o_ref):
  o_ref[...] = dis_ref[...] * (z_ref[0] + z_ref[1] + y_ref[...]) + b_ref[...]


def _tc_xw(x, W):
  grid = (N // _ROWS_TC,)
  return pl.pallas_call(
      _xw_body,
      grid=grid,
      in_specs=[
          pl.BlockSpec((_ROWS_TC, D), lambda i: (i, 0)),
          pl.BlockSpec((D, D), lambda i: (0, 0)),
      ],
      out_specs=pl.BlockSpec((_ROWS_TC, D), lambda i: (i, 0)),
      out_shape=jax.ShapeDtypeStruct((N, D), jnp.float32),
  )(x, W)


def _tc_scale(degparts, xw):
  grid = (N // _ROWS_TC,)
  return pl.pallas_call(
      _scale_body,
      grid=grid,
      in_specs=[
          pl.BlockSpec((NC, _ROWS_TC, D), lambda i: (0, i, 0)),
          pl.BlockSpec((_ROWS_TC, D), lambda i: (i, 0)),
      ],
      out_specs=[
          pl.BlockSpec((_ROWS_TC, D), lambda i: (i, 0)),
          pl.BlockSpec((_ROWS_TC, 1), lambda i: (i, 0)),
      ],
      out_shape=[
          jax.ShapeDtypeStruct((N, D), jnp.float32),
          jax.ShapeDtypeStruct((N, 1), jnp.float32),
      ],
  )(degparts, xw)


def _tc_final(zparts, y, dis, b2):
  grid = (N // _ROWS_TC,)
  return pl.pallas_call(
      _final_body,
      grid=grid,
      in_specs=[
          pl.BlockSpec((NC, _ROWS_TC, D), lambda i: (0, i, 0)),
          pl.BlockSpec((_ROWS_TC, D), lambda i: (i, 0)),
          pl.BlockSpec((_ROWS_TC, 1), lambda i: (i, 0)),
          pl.BlockSpec((1, D), lambda i: (0, 0)),
      ],
      out_specs=pl.BlockSpec((_ROWS_TC, D), lambda i: (i, 0)),
      out_shape=jax.ShapeDtypeStruct((N, D), jnp.float32),
  )(zparts, y, dis, b2)


def kernel(x, edge_index, W, b):
  ei = edge_index.astype(jnp.int32)
  pad = EP - E
  spread = jnp.arange(pad, dtype=jnp.int32) % GR
  pads = jnp.concatenate(
      [spread.reshape(1, pad), (N + spread).reshape(1, pad)], axis=0)
  ei = jnp.concatenate([ei, pads], axis=1)
  src = ei[0]
  dst = ei[1]
  dst3d = dst.reshape(NW, DCH, DCHUNK)
  ones = jnp.ones((DCHUNK, D), jnp.float32)
  zrows = jnp.zeros((IO, D), jnp.float32)

  xw = _tc_xw(x, W)
  degparts = _deg_kernel(dst3d, zrows, ones)
  y, dis = _tc_scale(degparts, xw)
  zparts = _agg_kernel(y, src, dst, zrows)
  return _tc_final(zparts, y, dis, b.reshape(1, D))

# --- scband reference (transcript-rebuilt; emitter-appended) ---
"""Pipeline reference for scband-gcn-65274912964781 (READ-ONLY COPY).

The authoritative reference and input builder live on the scoring server;
editing this copy changes nothing except your own understanding.
"""

import jax, jax.numpy as jnp
import numpy as np

N_NODES = 10000
N_EDGES = 320000
D_IN = 128
D_OUT = 128


def setup_inputs(seed: int = 0) -> dict:
    key = jax.random.key(seed)
    k1, k2, k3 = jax.random.split(key, 3)
    x = jax.random.normal(k1, (N_NODES, D_IN), dtype=jnp.float32)
    edge_index = jax.random.randint(k2, (2, N_EDGES), 0, N_NODES, dtype=jnp.int64)
    # GCNConv learned parameters: weight [in, out] (glorot), bias [out] (zeros-init, use small random here)
    limit = float(np.sqrt(6.0 / (D_IN + D_OUT)))
    W = jax.random.uniform(k3, (D_IN, D_OUT), dtype=jnp.float32, minval=-limit, maxval=limit)
    b = jnp.zeros((D_OUT,), dtype=jnp.float32)
    return {"x": x, "edge_index": edge_index, "W": W, "b": b}


def reference(x, edge_index, W, b):
    # Faithful PyG GCNConv forward (normalize=True, add_self_loops=True):
    #   out = D^{-1/2} (A + I) D^{-1/2} X W + b
    N = x.shape[0]
    src = edge_index[0]
    dst = edge_index[1]
    loop = jnp.arange(N, dtype=edge_index.dtype)
    src = jnp.concatenate([src, loop])
    dst = jnp.concatenate([dst, loop])
    ones = jnp.ones(src.shape[0], dtype=x.dtype)
    deg = jnp.zeros((N,), dtype=x.dtype).at[dst].add(ones)
    deg_inv_sqrt = jnp.where(deg > 0, jax.lax.rsqrt(jnp.maximum(deg, 1e-12)), 0.0)
    norm = deg_inv_sqrt[src] * deg_inv_sqrt[dst]
    xw = x @ W
    msgs = jnp.take(xw, src, axis=0) * norm[:, None]
    out = jnp.zeros((N, W.shape[1]), dtype=x.dtype).at[dst].add(msgs)
    return out + b

if __name__ == "__main__":
    import jax
    _d = setup_inputs()
    print(jax.jit(kernel)(*tuple(_d.values())))

</pallas_src>

<mosaic_0001>
#map = affine_map<(d0, d1) -> (0, 0, 0)>
#map1 = affine_map<(d0, d1) -> (0, 0)>
module attributes {stable_mosaic.version = 14 : i64} {
  func.func @_deg_kernel(%arg0: i32, %arg1: i32, %arg2: memref<32x80x128xi32, #tpu.memory_space<hbm>>, %arg3: memref<80x128xf32, #tpu.memory_space<hbm>>, %arg4: memref<128x128xf32, #tpu.memory_space<hbm>>, %arg5: memref<2x10000x128xf32, #tpu.memory_space<hbm>>, %arg6: memref<10080x128xf32, #tpu.memory_space<vmem_shared>>, %arg7: memref<80x128xi32, #tpu.memory_space<vmem>>, %arg8: memref<128x128xf32, #tpu.memory_space<vmem>>, %arg9: memref<!tpu.dma_semaphore, #tpu.memory_space<semaphore_mem>>) attributes {dimension_semantics = [#tpu.dimension_semantics<core_parallel>, #tpu.dimension_semantics<subcore_parallel>], iteration_bounds = array<i64: 2, 16>, scalar_prefetch = 0 : i64, scratch_operands = 4 : i64, tpu.core_type = #tpu.core_type<sc_vector_subcore>, window_params = [{transform_indices = #map}, {transform_indices = #map1}, {transform_indices = #map1}, {transform_indices = #map}]} {
    %add3A = arith.constant 0 : i32
    %add3A_0 = arith.addi %add3A, %arg1 : i32
    %lt3A = arith.constant 125 : i32
    %lt3A_1 = arith.cmpi slt, %add3A_0, %lt3A : i32
    %convert_element_type3A = arith.extui %lt3A_1 : i1 to i32
    %cond3A = arith.constant 0 : i32
    %cond3A_2 = arith.cmpi ne, %convert_element_type3A, %cond3A : i32
    scf.if %cond3A_2 {
      %mul3A_115 = arith.constant 80 : i32
      %mul3A_116 = arith.muli %add3A_0, %mul3A_115 : i32
      "tpu.region"() ({
        %run_scoped3A = tpu.sem_alloc : memref<!tpu.dma_semaphore, #tpu.memory_space<semaphore_mem>>
        %dma_start3A = arith.constant 0 : i32
        %dma_start3A_117 = tpu.memref_slice %arg6[%mul3A_116, %dma_start3A] : memref<10080x128xf32, #tpu.memory_space<vmem_shared>> -> memref<80x128xf32, #tpu.memory_space<vmem_shared>>
        tpu.enqueue_dma source(%arg3 : memref<80x128xf32, #tpu.memory_space<hbm>>) target(%dma_start3A_117 : memref<80x128xf32, #tpu.memory_space<vmem_shared>>) target_semaphore(%run_scoped3A : memref<!tpu.dma_semaphore, #tpu.memory_space<semaphore_mem>>)
        %dma_wait3A = arith.constant 0 : i32
        %dma_wait3A_118 = tpu.memref_slice %arg6[%mul3A_116, %dma_wait3A] : memref<10080x128xf32, #tpu.memory_space<vmem_shared>> -> memref<80x128xf32, #tpu.memory_space<vmem_shared>>
        tpu.wait_dma2 semaphore(%run_scoped3A : memref<!tpu.dma_semaphore, #tpu.memory_space<semaphore_mem>>) src(%arg3 : memref<80x128xf32, #tpu.memory_space<hbm>>) dst(%dma_wait3A_118 : memref<80x128xf32, #tpu.memory_space<vmem_shared>>)
        tpu.yield
      }) : () -> ()
    } else {
    }
    %add3A_3 = arith.constant 16 : i32
    %add3A_4 = arith.addi %add3A_3, %arg1 : i32
    %lt3A_5 = arith.constant 125 : i32
    %lt3A_6 = arith.cmpi slt, %add3A_4, %lt3A_5 : i32
    %convert_element_type3A_7 = arith.extui %lt3A_6 : i1 to i32
    %cond3A_8 = arith.constant 0 : i32
    %cond3A_9 = arith.cmpi ne, %convert_element_type3A_7, %cond3A_8 : i32
    scf.if %cond3A_9 {
      %mul3A_115 = arith.constant 80 : i32
      %mul3A_116 = arith.muli %add3A_4, %mul3A_115 : i32
      "tpu.region"() ({
        %run_scoped3A = tpu.sem_alloc : memref<!tpu.dma_semaphore, #tpu.memory_space<semaphore_mem>>
        %dma_start3A = arith.constant 0 : i32
        %dma_start3A_117 = tpu.memref_slice %arg6[%mul3A_116, %dma_start3A] : memref<10080x128xf32, #tpu.memory_space<vmem_shared>> -> memref<80x128xf32, #tpu.memory_space<vmem_shared>>
        tpu.enqueue_dma source(%arg3 : memref<80x128xf32, #tpu.memory_space<hbm>>) target(%dma_start3A_117 : memref<80x128xf32, #tpu.memory_space<vmem_shared>>) target_semaphore(%run_scoped3A : memref<!tpu.dma_semaphore, #tpu.memory_space<semaphore_mem>>)
        %dma_wait3A = arith.constant 0 : i32
        %dma_wait3A_118 = tpu.memref_slice %arg6[%mul3A_116, %dma_wait3A] : memref<10080x128xf32, #tpu.memory_space<vmem_shared>> -> memref<80x128xf32, #tpu.memory_space<vmem_shared>>
        tpu.wait_dma2 semaphore(%run_scoped3A : memref<!tpu.dma_semaphore, #tpu.memory_space<semaphore_mem>>) src(%arg3 : memref<80x128xf32, #tpu.memory_space<hbm>>) dst(%dma_wait3A_118 : memref<80x128xf32, #tpu.memory_space<vmem_shared>>)
        tpu.yield
      }) : () -> ()
    } else {
    }
    %add3A_10 = arith.constant 32 : i32
    %add3A_11 = arith.addi %add3A_10, %arg1 : i32
    %lt3A_12 = arith.constant 125 : i32
    %lt3A_13 = arith.cmpi slt, %add3A_11, %lt3A_12 : i32
    %convert_element_type3A_14 = arith.extui %lt3A_13 : i1 to i32
    %cond3A_15 = arith.constant 0 : i32
    %cond3A_16 = arith.cmpi ne, %convert_element_type3A_14, %cond3A_15 : i32
    scf.if %cond3A_16 {
      %mul3A_115 = arith.constant 80 : i32
      %mul3A_116 = arith.muli %add3A_11, %mul3A_115 : i32
      "tpu.region"() ({
        %run_scoped3A = tpu.sem_alloc : memref<!tpu.dma_semaphore, #tpu.memory_space<semaphore_mem>>
        %dma_start3A = arith.constant 0 : i32
        %dma_start3A_117 = tpu.memref_slice %arg6[%mul3A_116, %dma_start3A] : memref<10080x128xf32, #tpu.memory_space<vmem_shared>> -> memref<80x128xf32, #tpu.memory_space<vmem_shared>>
        tpu.enqueue_dma source(%arg3 : memref<80x128xf32, #tpu.memory_space<hbm>>) target(%dma_start3A_117 : memref<80x128xf32, #tpu.memory_space<vmem_shared>>) target_semaphore(%run_scoped3A : memref<!tpu.dma_semaphore, #tpu.memory_space<semaphore_mem>>)
        %dma_wait3A = arith.constant 0 : i32
        %dma_wait3A_118 = tpu.memref_slice %arg6[%mul3A_116, %dma_wait3A] : memref<10080x128xf32, #tpu.memory_space<vmem_shared>> -> memref<80x128xf32, #tpu.memory_space<vmem_shared>>
        tpu.wait_dma2 semaphore(%run_scoped3A : memref<!tpu.dma_semaphore, #tpu.memory_space<semaphore_mem>>) src(%arg3 : memref<80x128xf32, #tpu.memory_space<hbm>>) dst(%dma_wait3A_118 : memref<80x128xf32, #tpu.memory_space<vmem_shared>>)
        tpu.yield
      }) : () -> ()
    } else {
    }
    %add3A_17 = arith.constant 48 : i32
    %add3A_18 = arith.addi %add3A_17, %arg1 : i32
    %lt3A_19 = arith.constant 125 : i32
    %lt3A_20 = arith.cmpi slt, %add3A_18, %lt3A_19 : i32
    %convert_element_type3A_21 = arith.extui %lt3A_20 : i1 to i32
    %cond3A_22 = arith.constant 0 : i32
    %cond3A_23 = arith.cmpi ne, %convert_element_type3A_21, %cond3A_22 : i32
    scf.if %cond3A_23 {
      %mul3A_115 = arith.constant 80 : i32
      %mul3A_116 = arith.muli %add3A_18, %mul3A_115 : i32
      "tpu.region"() ({
        %run_scoped3A = tpu.sem_alloc : memref<!tpu.dma_semaphore, #tpu.memory_space<semaphore_mem>>
        %dma_start3A = arith.constant 0 : i32
        %dma_start3A_117 = tpu.memref_slice %arg6[%mul3A_116, %dma_start3A] : memref<10080x128xf32, #tpu.memory_space<vmem_shared>> -> memref<80x128xf32, #tpu.memory_space<vmem_shared>>
        tpu.enqueue_dma source(%arg3 : memref<80x128xf32, #tpu.memory_space<hbm>>) target(%dma_start3A_117 : memref<80x128xf32, #tpu.memory_space<vmem_shared>>) target_semaphore(%run_scoped3A : memref<!tpu.dma_semaphore, #tpu.memory_space<semaphore_mem>>)
        %dma_wait3A = arith.constant 0 : i32
        %dma_wait3A_118 = tpu.memref_slice %arg6[%mul3A_116, %dma_wait3A] : memref<10080x128xf32, #tpu.memory_space<vmem_shared>> -> memref<80x128xf32, #tpu.memory_space<vmem_shared>>
        tpu.wait_dma2 semaphore(%run_scoped3A : memref<!tpu.dma_semaphore, #tpu.memory_space<semaphore_mem>>) src(%arg3 : memref<80x128xf32, #tpu.memory_space<hbm>>) dst(%dma_wait3A_118 : memref<80x128xf32, #tpu.memory_space<vmem_shared>>)
        tpu.yield
      }) : () -> ()
    } else {
    }
    %add3A_24 = arith.constant 64 : i32
    %add3A_25 = arith.addi %add3A_24, %arg1 : i32
    %lt3A_26 = arith.constant 125 : i32
    %lt3A_27 = arith.cmpi slt, %add3A_25, %lt3A_26 : i32
    %convert_element_type3A_28 = arith.extui %lt3A_27 : i1 to i32
    %cond3A_29 = arith.constant 0 : i32
    %cond3A_30 = arith.cmpi ne, %convert_element_type3A_28, %cond3A_29 : i32
    scf.if %cond3A_30 {
      %mul3A_115 = arith.constant 80 : i32
      %mul3A_116 = arith.muli %add3A_25, %mul3A_115 : i32
      "tpu.region"() ({
        %run_scoped3A = tpu.sem_alloc : memref<!tpu.dma_semaphore, #tpu.memory_space<semaphore_mem>>
        %dma_start3A = arith.constant 0 : i32
        %dma_start3A_117 = tpu.memref_slice %arg6[%mul3A_116, %dma_start3A] : memref<10080x128xf32, #tpu.memory_space<vmem_shared>> -> memref<80x128xf32, #tpu.memory_space<vmem_shared>>
        tpu.enqueue_dma source(%arg3 : memref<80x128xf32, #tpu.memory_space<hbm>>) target(%dma_start3A_117 : memref<80x128xf32, #tpu.memory_space<vmem_shared>>) target_semaphore(%run_scoped3A : memref<!tpu.dma_semaphore, #tpu.memory_space<semaphore_mem>>)
        %dma_wait3A = arith.constant 0 : i32
        %dma_wait3A_118 = tpu.memref_slice %arg6[%mul3A_116, %dma_wait3A] : memref<10080x128xf32, #tpu.memory_space<vmem_shared>> -> memref<80x128xf32, #tpu.memory_space<vmem_shared>>
        tpu.wait_dma2 semaphore(%run_scoped3A : memref<!tpu.dma_semaphore, #tpu.memory_space<semaphore_mem>>) src(%arg3 : memref<80x128xf32, #tpu.memory_space<hbm>>) dst(%dma_wait3A_118 : memref<80x128xf32, #tpu.memory_space<vmem_shared>>)
        tpu.yield
      }) : () -> ()
    } else {
    }
    %add3A_31 = arith.constant 80 : i32
    %add3A_32 = arith.addi %add3A_31, %arg1 : i32
    %lt3A_33 = arith.constant 125 : i32
    %lt3A_34 = arith.cmpi slt, %add3A_32, %lt3A_33 : i32
    %convert_element_type3A_35 = arith.extui %lt3A_34 : i1 to i32
    %cond3A_36 = arith.constant 0 : i32
    %cond3A_37 = arith.cmpi ne, %convert_element_type3A_35, %cond3A_36 : i32
    scf.if %cond3A_37 {
      %mul3A_115 = arith.constant 80 : i32
      %mul3A_116 = arith.muli %add3A_32, %mul3A_115 : i32
      "tpu.region"() ({
        %run_scoped3A = tpu.sem_alloc : memref<!tpu.dma_semaphore, #tpu.memory_space<semaphore_mem>>
        %dma_start3A = arith.constant 0 : i32
        %dma_start3A_117 = tpu.memref_slice %arg6[%mul3A_116, %dma_start3A] : memref<10080x128xf32, #tpu.memory_space<vmem_shared>> -> memref<80x128xf32, #tpu.memory_space<vmem_shared>>
        tpu.enqueue_dma source(%arg3 : memref<80x128xf32, #tpu.memory_space<hbm>>) target(%dma_start3A_117 : memref<80x128xf32, #tpu.memory_space<vmem_shared>>) target_semaphore(%run_scoped3A : memref<!tpu.dma_semaphore, #tpu.memory_space<semaphore_mem>>)
        %dma_wait3A = arith.constant 0 : i32
        %dma_wait3A_118 = tpu.memref_slice %arg6[%mul3A_116, %dma_wait3A] : memref<10080x128xf32, #tpu.memory_space<vmem_shared>> -> memref<80x128xf32, #tpu.memory_space<vmem_shared>>
        tpu.wait_dma2 semaphore(%run_scoped3A : memref<!tpu.dma_semaphore, #tpu.memory_space<semaphore_mem>>) src(%arg3 : memref<80x128xf32, #tpu.memory_space<hbm>>) dst(%dma_wait3A_118 : memref<80x128xf32, #tpu.memory_space<vmem_shared>>)
        tpu.yield
      }) : () -> ()
    } else {
    }
    %add3A_38 = arith.constant 96 : i32
    %add3A_39 = arith.addi %add3A_38, %arg1 : i32
    %lt3A_40 = arith.constant 125 : i32
    %lt3A_41 = arith.cmpi slt, %add3A_39, %lt3A_40 : i32
    %convert_element_type3A_42 = arith.extui %lt3A_41 : i1 to i32
    %cond3A_43 = arith.constant 0 : i32
    %cond3A_44 = arith.cmpi ne, %convert_element_type3A_42, %cond3A_43 : i32
    scf.if %cond3A_44 {
      %mul3A_115 = arith.constant 80 : i32
      %mul3A_116 = arith.muli %add3A_39, %mul3A_115 : i32
      "tpu.region"() ({
        %run_scoped3A = tpu.sem_alloc : memref<!tpu.dma_semaphore, #tpu.memory_space<semaphore_mem>>
        %dma_start3A = arith.constant 0 : i32
        %dma_start3A_117 = tpu.memref_slice %arg6[%mul3A_116, %dma_start3A] : memref<10080x128xf32, #tpu.memory_space<vmem_shared>> -> memref<80x128xf32, #tpu.memory_space<vmem_shared>>
        tpu.enqueue_dma source(%arg3 : memref<80x128xf32, #tpu.memory_space<hbm>>) target(%dma_start3A_117 : memref<80x128xf32, #tpu.memory_space<vmem_shared>>) target_semaphore(%run_scoped3A : memref<!tpu.dma_semaphore, #tpu.memory_space<semaphore_mem>>)
        %dma_wait3A = arith.constant 0 : i32
        %dma_wait3A_118 = tpu.memref_slice %arg6[%mul3A_116, %dma_wait3A] : memref<10080x128xf32, #tpu.memory_space<vmem_shared>> -> memref<80x128xf32, #tpu.memory_space<vmem_shared>>
        tpu.wait_dma2 semaphore(%run_scoped3A : memref<!tpu.dma_semaphore, #tpu.memory_space<semaphore_mem>>) src(%arg3 : memref<80x128xf32, #tpu.memory_space<hbm>>) dst(%dma_wait3A_118 : memref<80x128xf32, #tpu.memory_space<vmem_shared>>)
        tpu.yield
      }) : () -> ()
    } else {
    }
    %add3A_45 = arith.constant 112 : i32
    %add3A_46 = arith.addi %add3A_45, %arg1 : i32
    %lt3A_47 = arith.constant 125 : i32
    %lt3A_48 = arith.cmpi slt, %add3A_46, %lt3A_47 : i32
    %convert_element_type3A_49 = arith.extui %lt3A_48 : i1 to i32
    %cond3A_50 = arith.constant 0 : i32
    %cond3A_51 = arith.cmpi ne, %convert_element_type3A_49, %cond3A_50 : i32
    scf.if %cond3A_51 {
      %mul3A_115 = arith.constant 80 : i32
      %mul3A_116 = arith.muli %add3A_46, %mul3A_115 : i32
      "tpu.region"() ({
        %run_scoped3A = tpu.sem_alloc : memref<!tpu.dma_semaphore, #tpu.memory_space<semaphore_mem>>
        %dma_start3A = arith.constant 0 : i32
        %dma_start3A_117 = tpu.memref_slice %arg6[%mul3A_116, %dma_start3A] : memref<10080x128xf32, #tpu.memory_space<vmem_shared>> -> memref<80x128xf32, #tpu.memory_space<vmem_shared>>
        tpu.enqueue_dma source(%arg3 : memref<80x128xf32, #tpu.memory_space<hbm>>) target(%dma_start3A_117 : memref<80x128xf32, #tpu.memory_space<vmem_shared>>) target_semaphore(%run_scoped3A : memref<!tpu.dma_semaphore, #tpu.memory_space<semaphore_mem>>)
        %dma_wait3A = arith.constant 0 : i32
        %dma_wait3A_118 = tpu.memref_slice %arg6[%mul3A_116, %dma_wait3A] : memref<10080x128xf32, #tpu.memory_space<vmem_shared>> -> memref<80x128xf32, #tpu.memory_space<vmem_shared>>
        tpu.wait_dma2 semaphore(%run_scoped3A : memref<!tpu.dma_semaphore, #tpu.memory_space<semaphore_mem>>) src(%arg3 : memref<80x128xf32, #tpu.memory_space<hbm>>) dst(%dma_wait3A_118 : memref<80x128xf32, #tpu.memory_space<vmem_shared>>)
        tpu.yield
      }) : () -> ()
    } else {
    }
    "tpu.region"() ({
      %run_scoped3A = tpu.sem_alloc : memref<!tpu.dma_semaphore, #tpu.memory_space<semaphore_mem>>
      tpu.enqueue_dma source(%arg4 : memref<128x128xf32, #tpu.memory_space<hbm>>) target(%arg8 : memref<128x128xf32, #tpu.memory_space<vmem>>) target_semaphore(%run_scoped3A : memref<!tpu.dma_semaphore, #tpu.memory_space<semaphore_mem>>)
      tpu.wait_dma2 semaphore(%run_scoped3A : memref<!tpu.dma_semaphore, #tpu.memory_space<semaphore_mem>>) src(%arg4 : memref<128x128xf32, #tpu.memory_space<hbm>>) dst(%arg8 : memref<128x128xf32, #tpu.memory_space<vmem>>)
      tpu.yield
    }) : () -> ()
    %mul3A = arith.constant 16 : i32
    %mul3A_52 = arith.muli %arg0, %mul3A : i32
    %add3A_53 = arith.addi %mul3A_52, %arg1 : i32
    "tpu.region"() ({
      %run_scoped3A = tpu.sem_alloc : memref<!tpu.dma_semaphore, #tpu.memory_space<semaphore_mem>>
      %dma_start3A = arith.constant 0 : i32
      %dma_start3A_115 = arith.constant 0 : i32
      %dma_start3A_116 = tpu.memref_slice %arg2[%add3A_53, %dma_start3A, %dma_start3A_115] : memref<32x80x128xi32, #tpu.memory_space<hbm>> -> memref<1x80x128xi32, #tpu.memory_space<hbm>>
      %dma_start3A_117 = tpu.memref_squeeze %dma_start3A_116 : memref<1x80x128xi32, #tpu.memory_space<hbm>> -> memref<80x128xi32, #tpu.memory_space<hbm>>
      %dma_start3A_118 = arith.constant 0 : i32
      %dma_start3A_119 = arith.constant 0 : i32
      %dma_start3A_120 = tpu.memref_slice %arg2[%add3A_53, %dma_start3A_118, %dma_start3A_119] : memref<32x80x128xi32, #tpu.memory_space<hbm>> -> memref<1x80x128xi32, #tpu.memory_space<hbm>>
      %dma_start3A_121 = tpu.memref_squeeze %dma_start3A_120 : memref<1x80x128xi32, #tpu.memory_space<hbm>> -> memref<80x128xi32, #tpu.memory_space<hbm>>
      tpu.enqueue_dma source(%dma_start3A_121 : memref<80x128xi32, #tpu.memory_space<hbm>>) target(%arg7 : memref<80x128xi32, #tpu.memory_space<vmem>>) target_semaphore(%run_scoped3A : memref<!tpu.dma_semaphore, #tpu.memory_space<semaphore_mem>>)
      %dma_wait3A = arith.constant 0 : i32
      %dma_wait3A_122 = arith.constant 0 : i32
      %dma_wait3A_123 = tpu.memref_slice %arg2[%add3A_53, %dma_wait3A, %dma_wait3A_122] : memref<32x80x128xi32, #tpu.memory_space<hbm>> -> memref<1x80x128xi32, #tpu.memory_space<hbm>>
      %dma_wait3A_124 = tpu.memref_squeeze %dma_wait3A_123 : memref<1x80x128xi32, #tpu.memory_space<hbm>> -> memref<80x128xi32, #tpu.memory_space<hbm>>
      %dma_wait3A_125 = arith.constant 0 : i32
      %dma_wait3A_126 = arith.constant 0 : i32
      %dma_wait3A_127 = tpu.memref_slice %arg2[%add3A_53, %dma_wait3A_125, %dma_wait3A_126] : memref<32x80x128xi32, #tpu.memory_space<hbm>> -> memref<1x80x128xi32, #tpu.memory_space<hbm>>
      %dma_wait3A_128 = tpu.memref_squeeze %dma_wait3A_127 : memref<1x80x128xi32, #tpu.memory_space<hbm>> -> memref<80x128xi32, #tpu.memory_space<hbm>>
      tpu.wait_dma2 semaphore(%run_scoped3A : memref<!tpu.dma_semaphore, #tpu.memory_space<semaphore_mem>>) src(%dma_wait3A_128 : memref<80x128xi32, #tpu.memory_space<hbm>>) dst(%arg7 : memref<80x128xi32, #tpu.memory_space<vmem>>)
      tpu.yield
    }) : () -> ()
    %barrier3A = arith.constant 0 : index
    tpu.barrier barrier_id(%barrier3A)
    %scan3A = arith.constant 0 : i32
    %scan3A_54 = arith.constant 16 : i32
    %scan3A_55 = arith.addi %scan3A, %scan3A_54 : i32
    %scan3A_56 = arith.constant 1 : i32
    scf.for %scan3A_115 = %scan3A to %scan3A_55 step %scan3A_56  : i32 {
      %mul3A_116 = arith.constant 5 : i32
      %mul3A_117 = arith.muli %scan3A_115, %mul3A_116 : i32
      %add3A_118 = arith.constant 0 : i32
      %add3A_119 = arith.addi %mul3A_117, %add3A_118 : i32
      %dma_start3A = arith.constant 0 : i32
      %dma_start3A_120 = tpu.memref_slice %arg7[%add3A_119, %dma_start3A] : memref<80x128xi32, #tpu.memory_space<vmem>> -> memref<1x128xi32, #tpu.memory_space<vmem>>
      %dma_start3A_121 = tpu.memref_squeeze %dma_start3A_120 : memref<1x128xi32, #tpu.memory_space<vmem>> -> memref<128xi32, #tpu.memory_space<vmem>>
      %dma_start3A_122 = arith.constant 0 : i32
      %dma_start3A_123 = arith.constant 0 : i32
      %dma_start3A_124 = tpu.memref_slice %arg6[%dma_start3A_122, %dma_start3A_123] : memref<10080x128xf32, #tpu.memory_space<vmem_shared>> -> memref<10080x128xf32, #tpu.memory_space<vmem_shared>>
      tpu.enqueue_indirect_dma source(%arg8 : memref<128x128xf32, #tpu.memory_space<vmem>>) target(%dma_start3A_124 : memref<10080x128xf32, #tpu.memory_space<vmem_shared>>) offsets(%dma_start3A_121 : memref<128xi32, #tpu.memory_space<vmem>>) semaphore(%arg9 : memref<!tpu.dma_semaphore, #tpu.memory_space<semaphore_mem>>) {add = true}
      %add3A_125 = arith.constant 1 : i32
      %add3A_126 = arith.addi %mul3A_117, %add3A_125 : i32
      %dma_start3A_127 = arith.constant 0 : i32
      %dma_start3A_128 = tpu.memref_slice %arg7[%add3A_126, %dma_start3A_127] : memref<80x128xi32, #tpu.memory_space<vmem>> -> memref<1x128xi32, #tpu.memory_space<vmem>>
      %dma_start3A_129 = tpu.memref_squeeze %dma_start3A_128 : memref<1x128xi32, #tpu.memory_space<vmem>> -> memref<128xi32, #tpu.memory_space<vmem>>
      %dma_start3A_130 = arith.constant 0 : i32
      %dma_start3A_131 = arith.constant 0 : i32
      %dma_start3A_132 = tpu.memref_slice %arg6[%dma_start3A_130, %dma_start3A_131] : memref<10080x128xf32, #tpu.memory_space<vmem_shared>> -> memref<10080x128xf32, #tpu.memory_space<vmem_shared>>
      tpu.enqueue_indirect_dma source(%arg8 : memref<128x128xf32, #tpu.memory_space<vmem>>) target(%dma_start3A_132 : memref<10080x128xf32, #tpu.memory_space<vmem_shared>>) offsets(%dma_start3A_129 : memref<128xi32, #tpu.memory_space<vmem>>) semaphore(%arg9 : memref<!tpu.dma_semaphore, #tpu.memory_space<semaphore_mem>>) {add = true}
      %add3A_133 = arith.constant 2 : i32
      %add3A_134 = arith.addi %mul3A_117, %add3A_133 : i32
      %dma_start3A_135 = arith.constant 0 : i32
      %dma_start3A_136 = tpu.memref_slice %arg7[%add3A_134, %dma_start3A_135] : memref<80x128xi32, #tpu.memory_space<vmem>> -> memref<1x128xi32, #tpu.memory_space<vmem>>
      %dma_start3A_137 = tpu.memref_squeeze %dma_start3A_136 : memref<1x128xi32, #tpu.memory_space<vmem>> -> memref<128xi32, #tpu.memory_space<vmem>>
      %dma_start3A_138 = arith.constant 0 : i32
      %dma_start3A_139 = arith.constant 0 : i32
      %dma_start3A_140 = tpu.memref_slice %arg6[%dma_start3A_138, %dma_start3A_139] : memref<10080x128xf32, #tpu.memory_space<vmem_shared>> -> memref<10080x128xf32, #tpu.memory_space<vmem_shared>>
      tpu.enqueue_indirect_dma source(%arg8 : memref<128x128xf32, #tpu.memory_space<vmem>>) target(%dma_start3A_140 : memref<10080x128xf32, #tpu.memory_space<vmem_shared>>) offsets(%dma_start3A_137 : memref<128xi32, #tpu.memory_space<vmem>>) semaphore(%arg9 : memref<!tpu.dma_semaphore, #tpu.memory_space<semaphore_mem>>) {add = true}
      %add3A_141 = arith.constant 3 : i32
      %add3A_142 = arith.addi %mul3A_117, %add3A_141 : i32
      %dma_start3A_143 = arith.constant 0 : i32
      %dma_start3A_144 = tpu.memref_slice %arg7[%add3A_142, %dma_start3A_143] : memref<80x128xi32, #tpu.memory_space<vmem>> -> memref<1x128xi32, #tpu.memory_space<vmem>>
      %dma_start3A_145 = tpu.memref_squeeze %dma_start3A_144 : memref<1x128xi32, #tpu.memory_space<vmem>> -> memref<128xi32, #tpu.memory_space<vmem>>
      %dma_start3A_146 = arith.constant 0 : i32
      %dma_start3A_147 = arith.constant 0 : i32
      %dma_start3A_148 = tpu.memref_slice %arg6[%dma_start3A_146, %dma_start3A_147] : memref<10080x128xf32, #tpu.memory_space<vmem_shared>> -> memref<10080x128xf32, #tpu.memory_space<vmem_shared>>
      tpu.enqueue_indirect_dma source(%arg8 : memref<128x128xf32, #tpu.memory_space<vmem>>) target(%dma_start3A_148 : memref<10080x128xf32, #tpu.memory_space<vmem_shared>>) offsets(%dma_start3A_145 : memref<128xi32, #tpu.memory_space<vmem>>) semaphore(%arg9 : memref<!tpu.dma_semaphore, #tpu.memory_space<semaphore_mem>>) {add = true}
      %add3A_149 = arith.constant 4 : i32
      %add3A_150 = arith.addi %mul3A_117, %add3A_149 : i32
      %dma_start3A_151 = arith.constant 0 : i32
      %dma_start3A_152 = tpu.memref_slice %arg7[%add3A_150, %dma_start3A_151] : memref<80x128xi32, #tpu.memory_space<vmem>> -> memref<1x128xi32, #tpu.memory_space<vmem>>
      %dma_start3A_153 = tpu.memref_squeeze %dma_start3A_152 : memref<1x128xi32, #tpu.memory_space<vmem>> -> memref<128xi32, #tpu.memory_space<vmem>>
      %dma_start3A_154 = arith.constant 0 : i32
      %dma_start3A_155 = arith.constant 0 : i32
      %dma_start3A_156 = tpu.memref_slice %arg6[%dma_start3A_154, %dma_start3A_155] : memref<10080x128xf32, #tpu.memory_space<vmem_shared>> -> memref<10080x128xf32, #tpu.memory_space<vmem_shared>>
      tpu.enqueue_indirect_dma source(%arg8 : memref<128x128xf32, #tpu.memory_space<vmem>>) target(%dma_start3A_156 : memref<10080x128xf32, #tpu.memory_space<vmem_shared>>) offsets(%dma_start3A_153 : memref<128xi32, #tpu.memory_space<vmem>>) semaphore(%arg9 : memref<!tpu.dma_semaphore, #tpu.memory_space<semaphore_mem>>) {add = true}
      %add3A_157 = arith.constant 0 : i32
      %add3A_158 = arith.addi %mul3A_117, %add3A_157 : i32
      %dma_wait3A = arith.constant 0 : i32
      %dma_wait3A_159 = tpu.memref_slice %arg7[%add3A_158, %dma_wait3A] : memref<80x128xi32, #tpu.memory_space<vmem>> -> memref<1x128xi32, #tpu.memory_space<vmem>>
      %dma_wait3A_160 = tpu.memref_squeeze %dma_wait3A_159 : memref<1x128xi32, #tpu.memory_space<vmem>> -> memref<128xi32, #tpu.memory_space<vmem>>
      %dma_wait3A_161 = arith.constant 0 : i32
      %dma_wait3A_162 = arith.constant 0 : i32
      %dma_wait3A_163 = tpu.memref_slice %arg6[%dma_wait3A_161, %dma_wait3A_162] : memref<10080x128xf32, #tpu.memory_space<vmem_shared>> -> memref<10080x128xf32, #tpu.memory_space<vmem_shared>>
      tpu.wait_indirect_dma semaphore(%arg9 : memref<!tpu.dma_semaphore, #tpu.memory_space<semaphore_mem>>) src(%arg8 : memref<128x128xf32, #tpu.memory_space<vmem>>) dst(%dma_wait3A_163 : memref<10080x128xf32, #tpu.memory_space<vmem_shared>>)
      %add3A_164 = arith.constant 1 : i32
      %add3A_165 = arith.addi %mul3A_117, %add3A_164 : i32
      %dma_wait3A_166 = arith.constant 0 : i32
      %dma_wait3A_167 = tpu.memref_slice %arg7[%add3A_165, %dma_wait3A_166] : memref<80x128xi32, #tpu.memory_space<vmem>> -> memref<1x128xi32, #tpu.memory_space<vmem>>
      %dma_wait3A_168 = tpu.memref_squeeze %dma_wait3A_167 : memref<1x128xi32, #tpu.memory_space<vmem>> -> memref<128xi32, #tpu.memory_space<vmem>>
      %dma_wait3A_169 = arith.constant 0 : i32
      %dma_wait3A_170 = arith.constant 0 : i32
      %dma_wait3A_171 = tpu.memref_slice %arg6[%dma_wait3A_169, %dma_wait3A_170] : memref<10080x128xf32, #tpu.memory_space<vmem_shared>> -> memref<10080x128xf32, #tpu.memory_space<vmem_shared>>
      tpu.wait_indirect_dma semaphore(%arg9 : memref<!tpu.dma_semaphore, #tpu.memory_space<semaphore_mem>>) src(%arg8 : memref<128x128xf32, #tpu.memory_space<vmem>>) dst(%dma_wait3A_171 : memref<10080x128xf32, #tpu.memory_space<vmem_shared>>)
      %add3A_172 = arith.constant 2 : i32
      %add3A_173 = arith.addi %mul3A_117, %add3A_172 : i32
      %dma_wait3A_174 = arith.constant 0 : i32
      %dma_wait3A_175 = tpu.memref_slice %arg7[%add3A_173, %dma_wait3A_174] : memref<80x128xi32, #tpu.memory_space<vmem>> -> memref<1x128xi32, #tpu.memory_space<vmem>>
      %dma_wait3A_176 = tpu.memref_squeeze %dma_wait3A_175 : memref<1x128xi32, #tpu.memory_space<vmem>> -> memref<128xi32, #tpu.memory_space<vmem>>
      %dma_wait3A_177 = arith.constant 0 : i32
      %dma_wait3A_178 = arith.constant 0 : i32
      %dma_wait3A_179 = tpu.memref_slice %arg6[%dma_wait3A_177, %dma_wait3A_178] : memref<10080x128xf32, #tpu.memory_space<vmem_shared>> -> memref<10080x128xf32, #tpu.memory_space<vmem_shared>>
      tpu.wait_indirect_dma semaphore(%arg9 : memref<!tpu.dma_semaphore, #tpu.memory_space<semaphore_mem>>) src(%arg8 : memref<128x128xf32, #tpu.memory_space<vmem>>) dst(%dma_wait3A_179 : memref<10080x128xf32, #tpu.memory_space<vmem_shared>>)
      %add3A_180 = arith.constant 3 : i32
      %add3A_181 = arith.addi %mul3A_117, %add3A_180 : i32
      %dma_wait3A_182 = arith.constant 0 : i32
      %dma_wait3A_183 = tpu.memref_slice %arg7[%add3A_181, %dma_wait3A_182] : memref<80x128xi32, #tpu.memory_space<vmem>> -> memref<1x128xi32, #tpu.memory_space<vmem>>
      %dma_wait3A_184 = tpu.memref_squeeze %dma_wait3A_183 : memref<1x128xi32, #tpu.memory_space<vmem>> -> memref<128xi32, #tpu.memory_space<vmem>>
      %dma_wait3A_185 = arith.constant 0 : i32
      %dma_wait3A_186 = arith.constant 0 : i32
      %dma_wait3A_187 = tpu.memref_slice %arg6[%dma_wait3A_185, %dma_wait3A_186] : memref<10080x128xf32, #tpu.memory_space<vmem_shared>> -> memref<10080x128xf32, #tpu.memory_space<vmem_shared>>
      tpu.wait_indirect_dma semaphore(%arg9 : memref<!tpu.dma_semaphore, #tpu.memory_space<semaphore_mem>>) src(%arg8 : memref<128x128xf32, #tpu.memory_space<vmem>>) dst(%dma_wait3A_187 : memref<10080x128xf32, #tpu.memory_space<vmem_shared>>)
      %add3A_188 = arith.constant 4 : i32
      %add3A_189 = arith.addi %mul3A_117, %add3A_188 : i32
      %dma_wait3A_190 = arith.constant 0 : i32
      %dma_wait3A_191 = tpu.memref_slice %arg7[%add3A_189, %dma_wait3A_190] : memref<80x128xi32, #tpu.memory_space<vmem>> -> memref<1x128xi32, #tpu.memory_space<vmem>>
      %dma_wait3A_192 = tpu.memref_squeeze %dma_wait3A_191 : memref<1x128xi32, #tpu.memory_space<vmem>> -> memref<128xi32, #tpu.memory_space<vmem>>
      %dma_wait3A_193 = arith.constant 0 : i32
      %dma_wait3A_194 = arith.constant 0 : i32
      %dma_wait3A_195 = tpu.memref_slice %arg6[%dma_wait3A_193, %dma_wait3A_194] : memref<10080x128xf32, #tpu.memory_space<vmem_shared>> -> memref<10080x128xf32, #tpu.memory_space<vmem_shared>>
      tpu.wait_indirect_dma semaphore(%arg9 : memref<!tpu.dma_semaphore, #tpu.memory_space<semaphore_mem>>) src(%arg8 : memref<128x128xf32, #tpu.memory_space<vmem>>) dst(%dma_wait3A_195 : memref<10080x128xf32, #tpu.memory_space<vmem_shared>>)
    }
    %scan3A_57 = arith.constant 16 : i32
    %barrier3A_58 = arith.constant 0 : index
    tpu.barrier barrier_id(%barrier3A_58)
    %add3A_59 = arith.constant 0 : i32
    %add3A_60 = arith.addi %add3A_59, %arg1 : i32
    %lt3A_61 = arith.constant 125 : i32
    %lt3A_62 = arith.cmpi slt, %add3A_60, %lt3A_61 : i32
    %convert_element_type3A_63 = arith.extui %lt3A_62 : i1 to i32
    %cond3A_64 = arith.constant 0 : i32
    %cond3A_65 = arith.cmpi ne, %convert_element_type3A_63, %cond3A_64 : i32
    scf.if %cond3A_65 {
      %mul3A_115 = arith.constant 80 : i32
      %mul3A_116 = arith.muli %add3A_60, %mul3A_115 : i32
      %mul3A_117 = arith.constant 80 : i32
      %mul3A_118 = arith.muli %add3A_60, %mul3A_117 : i32
      "tpu.region"() ({
        %run_scoped3A = tpu.sem_alloc : memref<!tpu.dma_semaphore, #tpu.memory_space<semaphore_mem>>
        %dma_start3A = arith.constant 0 : i32
        %dma_start3A_119 = tpu.memref_slice %arg5[%arg0, %mul3A_118, %dma_start3A] : memref<2x10000x128xf32, #tpu.memory_space<hbm>> -> memref<1x80x128xf32, #tpu.memory_space<hbm>>
        %dma_start3A_120 = tpu.memref_squeeze %dma_start3A_119 : memref<1x80x128xf32, #tpu.memory_space<hbm>> -> memref<80x128xf32, #tpu.memory_space<hbm>>
        %dma_start3A_121 = arith.constant 0 : i32
        %dma_start3A_122 = tpu.memref_slice %arg6[%mul3A_116, %dma_start3A_121] : memref<10080x128xf32, #tpu.memory_space<vmem_shared>> -> memref<80x128xf32, #tpu.memory_space<vmem_shared>>
        tpu.enqueue_dma source(%dma_start3A_122 : memref<80x128xf32, #tpu.memory_space<vmem_shared>>) target(%dma_start3A_120 : memref<80x128xf32, #tpu.memory_space<hbm>>) target_semaphore(%run_scoped3A : memref<!tpu.dma_semaphore, #tpu.memory_space<semaphore_mem>>)
        %dma_wait3A = arith.constant 0 : i32
        %dma_wait3A_123 = tpu.memref_slice %arg5[%arg0, %mul3A_118, %dma_wait3A] : memref<2x10000x128xf32, #tpu.memory_space<hbm>> -> memref<1x80x128xf32, #tpu.memory_space<hbm>>
        %dma_wait3A_124 = tpu.memref_squeeze %dma_wait3A_123 : memref<1x80x128xf32, #tpu.memory_space<hbm>> -> memref<80x128xf32, #tpu.memory_space<hbm>>
        %dma_wait3A_125 = arith.constant 0 : i32
        %dma_wait3A_126 = tpu.memref_slice %arg6[%mul3A_116, %dma_wait3A_125] : memref<10080x128xf32, #tpu.memory_space<vmem_shared>> -> memref<80x128xf32, #tpu.memory_space<vmem_shared>>
        tpu.wait_dma2 semaphore(%run_scoped3A : memref<!tpu.dma_semaphore, #tpu.memory_space<semaphore_mem>>) src(%dma_wait3A_126 : memref<80x128xf32, #tpu.memory_space<vmem_shared>>) dst(%dma_wait3A_124 : memref<80x128xf32, #tpu.memory_space<hbm>>)
        tpu.yield
      }) : () -> ()
    } else {
    }
    %add3A_66 = arith.constant 16 : i32
    %add3A_67 = arith.addi %add3A_66, %arg1 : i32
    %lt3A_68 = arith.constant 125 : i32
    %lt3A_69 = arith.cmpi slt, %add3A_67, %lt3A_68 : i32
    %convert_element_type3A_70 = arith.extui %lt3A_69 : i1 to i32
    %cond3A_71 = arith.constant 0 : i32
    %cond3A_72 = arith.cmpi ne, %convert_element_type3A_70, %cond3A_71 : i32
    scf.if %cond3A_72 {
      %mul3A_115 = arith.constant 80 : i32
      %mul3A_116 = arith.muli %add3A_67, %mul3A_115 : i32
      %mul3A_117 = arith.constant 80 : i32
      %mul3A_118 = arith.muli %add3A_67, %mul3A_117 : i32
      "tpu.region"() ({
        %run_scoped3A = tpu.sem_alloc : memref<!tpu.dma_semaphore, #tpu.memory_space<semaphore_mem>>
        %dma_start3A = arith.constant 0 : i32
        %dma_start3A_119 = tpu.memref_slice %arg5[%arg0, %mul3A_118, %dma_start3A] : memref<2x10000x128xf32, #tpu.memory_space<hbm>> -> memref<1x80x128xf32, #tpu.memory_space<hbm>>
        %dma_start3A_120 = tpu.memref_squeeze %dma_start3A_119 : memref<1x80x128xf32, #tpu.memory_space<hbm>> -> memref<80x128xf32, #tpu.memory_space<hbm>>
        %dma_start3A_121 = arith.constant 0 : i32
        %dma_start3A_122 = tpu.memref_slice %arg6[%mul3A_116, %dma_start3A_121] : memref<10080x128xf32, #tpu.memory_space<vmem_shared>> -> memref<80x128xf32, #tpu.memory_space<vmem_shared>>
        tpu.enqueue_dma source(%dma_start3A_122 : memref<80x128xf32, #tpu.memory_space<vmem_shared>>) target(%dma_start3A_120 : memref<80x128xf32, #tpu.memory_space<hbm>>) target_semaphore(%run_scoped3A : memref<!tpu.dma_semaphore, #tpu.memory_space<semaphore_mem>>)
        %dma_wait3A = arith.constant 0 : i32
        %dma_wait3A_123 = tpu.memref_slice %arg5[%arg0, %mul3A_118, %dma_wait3A] : memref<2x10000x128xf32, #tpu.memory_space<hbm>> -> memref<1x80x128xf32, #tpu.memory_space<hbm>>
        %dma_wait3A_124 = tpu.memref_squeeze %dma_wait3A_123 : memref<1x80x128xf32, #tpu.memory_space<hbm>> -> memref<80x128xf32, #tpu.memory_space<hbm>>
        %dma_wait3A_125 = arith.constant 0 : i32
        %dma_wait3A_126 = tpu.memref_slice %arg6[%mul3A_116, %dma_wait3A_125] : memref<10080x128xf32, #tpu.memory_space<vmem_shared>> -> memref<80x128xf32, #tpu.memory_space<vmem_shared>>
        tpu.wait_dma2 semaphore(%run_scoped3A : memref<!tpu.dma_semaphore, #tpu.memory_space<semaphore_mem>>) src(%dma_wait3A_126 : memref<80x128xf32, #tpu.memory_space<vmem_shared>>) dst(%dma_wait3A_124 : memref<80x128xf32, #tpu.memory_space<hbm>>)
        tpu.yield
      }) : () -> ()
    } else {
    }
    %add3A_73 = arith.constant 32 : i32
    %add3A_74 = arith.addi %add3A_73, %arg1 : i32
    %lt3A_75 = arith.constant 125 : i32
    %lt3A_76 = arith.cmpi slt, %add3A_74, %lt3A_75 : i32
    %convert_element_type3A_77 = arith.extui %lt3A_76 : i1 to i32
    %cond3A_78 = arith.constant 0 : i32
    %cond3A_79 = arith.cmpi ne, %convert_element_type3A_77, %cond3A_78 : i32
    scf.if %cond3A_79 {
      %mul3A_115 = arith.constant 80 : i32
      %mul3A_116 = arith.muli %add3A_74, %mul3A_115 : i32
      %mul3A_117 = arith.constant 80 : i32
      %mul3A_118 = arith.muli %add3A_74, %mul3A_117 : i32
      "tpu.region"() ({
        %run_scoped3A = tpu.sem_alloc : memref<!tpu.dma_semaphore, #tpu.memory_space<semaphore_mem>>
        %dma_start3A = arith.constant 0 : i32
        %dma_start3A_119 = tpu.memref_slice %arg5[%arg0, %mul3A_118, %dma_start3A] : memref<2x10000x128xf32, #tpu.memory_space<hbm>> -> memref<1x80x128xf32, #tpu.memory_space<hbm>>
        %dma_start3A_120 = tpu.memref_squeeze %dma_start3A_119 : memref<1x80x128xf32, #tpu.memory_space<hbm>> -> memref<80x128xf32, #tpu.memory_space<hbm>>
        %dma_start3A_121 = arith.constant 0 : i32
        %dma_start3A_122 = tpu.memref_slice %arg6[%mul3A_116, %dma_start3A_121] : memref<10080x128xf32, #tpu.memory_space<vmem_shared>> -> memref<80x128xf32, #tpu.memory_space<vmem_shared>>
        tpu.enqueue_dma source(%dma_start3A_122 : memref<80x128xf32, #tpu.memory_space<vmem_shared>>) target(%dma_start3A_120 : memref<80x128xf32, #tpu.memory_space<hbm>>) target_semaphore(%run_scoped3A : memref<!tpu.dma_semaphore, #tpu.memory_space<semaphore_mem>>)
        %dma_wait3A = arith.constant 0 : i32
        %dma_wait3A_123 = tpu.memref_slice %arg5[%arg0, %mul3A_118, %dma_wait3A] : memref<2x10000x128xf32, #tpu.memory_space<hbm>> -> memref<1x80x128xf32, #tpu.memory_space<hbm>>
        %dma_wait3A_124 = tpu.memref_squeeze %dma_wait3A_123 : memref<1x80x128xf32, #tpu.memory_space<hbm>> -> memref<80x128xf32, #tpu.memory_space<hbm>>
        %dma_wait3A_125 = arith.constant 0 : i32
        %dma_wait3A_126 = tpu.memref_slice %arg6[%mul3A_116, %dma_wait3A_125] : memref<10080x128xf32, #tpu.memory_space<vmem_shared>> -> memref<80x128xf32, #tpu.memory_space<vmem_shared>>
        tpu.wait_dma2 semaphore(%run_scoped3A : memref<!tpu.dma_semaphore, #tpu.memory_space<semaphore_mem>>) src(%dma_wait3A_126 : memref<80x128xf32, #tpu.memory_space<vmem_shared>>) dst(%dma_wait3A_124 : memref<80x128xf32, #tpu.memory_space<hbm>>)
        tpu.yield
      }) : () -> ()
    } else {
    }
    %add3A_80 = arith.constant 48 : i32
    %add3A_81 = arith.addi %add3A_80, %arg1 : i32
    %lt3A_82 = arith.constant 125 : i32
    %lt3A_83 = arith.cmpi slt, %add3A_81, %lt3A_82 : i32
    %convert_element_type3A_84 = arith.extui %lt3A_83 : i1 to i32
    %cond3A_85 = arith.constant 0 : i32
    %cond3A_86 = arith.cmpi ne, %convert_element_type3A_84, %cond3A_85 : i32
    scf.if %cond3A_86 {
      %mul3A_115 = arith.constant 80 : i32
      %mul3A_116 = arith.muli %add3A_81, %mul3A_115 : i32
      %mul3A_117 = arith.constant 80 : i32
      %mul3A_118 = arith.muli %add3A_81, %mul3A_117 : i32
      "tpu.region"() ({
        %run_scoped3A = tpu.sem_alloc : memref<!tpu.dma_semaphore, #tpu.memory_space<semaphore_mem>>
        %dma_start3A = arith.constant 0 : i32
        %dma_start3A_119 = tpu.memref_slice %arg5[%arg0, %mul3A_118, %dma_start3A] : memref<2x10000x128xf32, #tpu.memory_space<hbm>> -> memref<1x80x128xf32, #tpu.memory_space<hbm>>
        %dma_start3A_120 = tpu.memref_squeeze %dma_start3A_119 : memref<1x80x128xf32, #tpu.memory_space<hbm>> -> memref<80x128xf32, #tpu.memory_space<hbm>>
        %dma_start3A_121 = arith.constant 0 : i32
        %dma_start3A_122 = tpu.memref_slice %arg6[%mul3A_116, %dma_start3A_121] : memref<10080x128xf32, #tpu.memory_space<vmem_shared>> -> memref<80x128xf32, #tpu.memory_space<vmem_shared>>
        tpu.enqueue_dma source(%dma_start3A_122 : memref<80x128xf32, #tpu.memory_space<vmem_shared>>) target(%dma_start3A_120 : memref<80x128xf32, #tpu.memory_space<hbm>>) target_semaphore(%run_scoped3A : memref<!tpu.dma_semaphore, #tpu.memory_space<semaphore_mem>>)
        %dma_wait3A = arith.constant 0 : i32
        %dma_wait3A_123 = tpu.memref_slice %arg5[%arg0, %mul3A_118, %dma_wait3A] : memref<2x10000x128xf32, #tpu.memory_space<hbm>> -> memref<1x80x128xf32, #tpu.memory_space<hbm>>
        %dma_wait3A_124 = tpu.memref_squeeze %dma_wait3A_123 : memref<1x80x128xf32, #tpu.memory_space<hbm>> -> memref<80x128xf32, #tpu.memory_space<hbm>>
        %dma_wait3A_125 = arith.constant 0 : i32
        %dma_wait3A_126 = tpu.memref_slice %arg6[%mul3A_116, %dma_wait3A_125] : memref<10080x128xf32, #tpu.memory_space<vmem_shared>> -> memref<80x128xf32, #tpu.memory_space<vmem_shared>>
        tpu.wait_dma2 semaphore(%run_scoped3A : memref<!tpu.dma_semaphore, #tpu.memory_space<semaphore_mem>>) src(%dma_wait3A_126 : memref<80x128xf32, #tpu.memory_space<vmem_shared>>) dst(%dma_wait3A_124 : memref<80x128xf32, #tpu.memory_space<hbm>>)
        tpu.yield
      }) : () -> ()
    } else {
    }
    %add3A_87 = arith.constant 64 : i32
    %add3A_88 = arith.addi %add3A_87, %arg1 : i32
    %lt3A_89 = arith.constant 125 : i32
    %lt3A_90 = arith.cmpi slt, %add3A_88, %lt3A_89 : i32
    %convert_element_type3A_91 = arith.extui %lt3A_90 : i1 to i32
    %cond3A_92 = arith.constant 0 : i32
    %cond3A_93 = arith.cmpi ne, %convert_element_type3A_91, %cond3A_92 : i32
    scf.if %cond3A_93 {
      %mul3A_115 = arith.constant 80 : i32
      %mul3A_116 = arith.muli %add3A_88, %mul3A_115 : i32
      %mul3A_117 = arith.constant 80 : i32
      %mul3A_118 = arith.muli %add3A_88, %mul3A_117 : i32
      "tpu.region"() ({
        %run_scoped3A = tpu.sem_alloc : memref<!tpu.dma_semaphore, #tpu.memory_space<semaphore_mem>>
        %dma_start3A = arith.constant 0 : i32
        %dma_start3A_119 = tpu.memref_slice %arg5[%arg0, %mul3A_118, %dma_start3A] : memref<2x10000x128xf32, #tpu.memory_space<hbm>> -> memref<1x80x128xf32, #tpu.memory_space<hbm>>
        %dma_start3A_120 = tpu.memref_squeeze %dma_start3A_119 : memref<1x80x128xf32, #tpu.memory_space<hbm>> -> memref<80x128xf32, #tpu.memory_space<hbm>>
        %dma_start3A_121 = arith.constant 0 : i32
        %dma_start3A_122 = tpu.memref_slice %arg6[%mul3A_116, %dma_start3A_121] : memref<10080x128xf32, #tpu.memory_space<vmem_shared>> -> memref<80x128xf32, #tpu.memory_space<vmem_shared>>
        tpu.enqueue_dma source(%dma_start3A_122 : memref<80x128xf32, #tpu.memory_space<vmem_shared>>) target(%dma_start3A_120 : memref<80x128xf32, #tpu.memory_space<hbm>>) target_semaphore(%run_scoped3A : memref<!tpu.dma_semaphore, #tpu.memory_space<semaphore_mem>>)
        %dma_wait3A = arith.constant 0 : i32
        %dma_wait3A_123 = tpu.memref_slice %arg5[%arg0, %mul3A_118, %dma_wait3A] : memref<2x10000x128xf32, #tpu.memory_space<hbm>> -> memref<1x80x128xf32, #tpu.memory_space<hbm>>
        %dma_wait3A_124 = tpu.memref_squeeze %dma_wait3A_123 : memref<1x80x128xf32, #tpu.memory_space<hbm>> -> memref<80x128xf32, #tpu.memory_space<hbm>>
        %dma_wait3A_125 = arith.constant 0 : i32
        %dma_wait3A_126 = tpu.memref_slice %arg6[%mul3A_116, %dma_wait3A_125] : memref<10080x128xf32, #tpu.memory_space<vmem_shared>> -> memref<80x128xf32, #tpu.memory_space<vmem_shared>>
        tpu.wait_dma2 semaphore(%run_scoped3A : memref<!tpu.dma_semaphore, #tpu.memory_space<semaphore_mem>>) src(%dma_wait3A_126 : memref<80x128xf32, #tpu.memory_space<vmem_shared>>) dst(%dma_wait3A_124 : memref<80x128xf32, #tpu.memory_space<hbm>>)
        tpu.yield
      }) : () -> ()
    } else {
    }
    %add3A_94 = arith.constant 80 : i32
    %add3A_95 = arith.addi %add3A_94, %arg1 : i32
    %lt3A_96 = arith.constant 125 : i32
    %lt3A_97 = arith.cmpi slt, %add3A_95, %lt3A_96 : i32
    %convert_element_type3A_98 = arith.extui %lt3A_97 : i1 to i32
    %cond3A_99 = arith.constant 0 : i32
    %cond3A_100 = arith.cmpi ne, %convert_element_type3A_98, %cond3A_99 : i32
    scf.if %cond3A_100 {
      %mul3A_115 = arith.constant 80 : i32
      %mul3A_116 = arith.muli %add3A_95, %mul3A_115 : i32
      %mul3A_117 = arith.constant 80 : i32
      %mul3A_118 = arith.muli %add3A_95, %mul3A_117 : i32
      "tpu.region"() ({
        %run_scoped3A = tpu.sem_alloc : memref<!tpu.dma_semaphore, #tpu.memory_space<semaphore_mem>>
        %dma_start3A = arith.constant 0 : i32
        %dma_start3A_119 = tpu.memref_slice %arg5[%arg0, %mul3A_118, %dma_start3A] : memref<2x10000x128xf32, #tpu.memory_space<hbm>> -> memref<1x80x128xf32, #tpu.memory_space<hbm>>
        %dma_start3A_120 = tpu.memref_squeeze %dma_start3A_119 : memref<1x80x128xf32, #tpu.memory_space<hbm>> -> memref<80x128xf32, #tpu.memory_space<hbm>>
        %dma_start3A_121 = arith.constant 0 : i32
        %dma_start3A_122 = tpu.memref_slice %arg6[%mul3A_116, %dma_start3A_121] : memref<10080x128xf32, #tpu.memory_space<vmem_shared>> -> memref<80x128xf32, #tpu.memory_space<vmem_shared>>
        tpu.enqueue_dma source(%dma_start3A_122 : memref<80x128xf32, #tpu.memory_space<vmem_shared>>) target(%dma_start3A_120 : memref<80x128xf32, #tpu.memory_space<hbm>>) target_semaphore(%run_scoped3A : memref<!tpu.dma_semaphore, #tpu.memory_space<semaphore_mem>>)
        %dma_wait3A = arith.constant 0 : i32
        %dma_wait3A_123 = tpu.memref_slice %arg5[%arg0, %mul3A_118, %dma_wait3A] : memref<2x10000x128xf32, #tpu.memory_space<hbm>> -> memref<1x80x128xf32, #tpu.memory_space<hbm>>
        %dma_wait3A_124 = tpu.memref_squeeze %dma_wait3A_123 : memref<1x80x128xf32, #tpu.memory_space<hbm>> -> memref<80x128xf32, #tpu.memory_space<hbm>>
        %dma_wait3A_125 = arith.constant 0 : i32
        %dma_wait3A_126 = tpu.memref_slice %arg6[%mul3A_116, %dma_wait3A_125] : memref<10080x128xf32, #tpu.memory_space<vmem_shared>> -> memref<80x128xf32, #tpu.memory_space<vmem_shared>>
        tpu.wait_dma2 semaphore(%run_scoped3A : memref<!tpu.dma_semaphore, #tpu.memory_space<semaphore_mem>>) src(%dma_wait3A_126 : memref<80x128xf32, #tpu.memory_space<vmem_shared>>) dst(%dma_wait3A_124 : memref<80x128xf32, #tpu.memory_space<hbm>>)
        tpu.yield
      }) : () -> ()
    } else {
    }
    %add3A_101 = arith.constant 96 : i32
    %add3A_102 = arith.addi %add3A_101, %arg1 : i32
    %lt3A_103 = arith.constant 125 : i32
    %lt3A_104 = arith.cmpi slt, %add3A_102, %lt3A_103 : i32
    %convert_element_type3A_105 = arith.extui %lt3A_104 : i1 to i32
    %cond3A_106 = arith.constant 0 : i32
    %cond3A_107 = arith.cmpi ne, %convert_element_type3A_105, %cond3A_106 : i32
    scf.if %cond3A_107 {
      %mul3A_115 = arith.constant 80 : i32
      %mul3A_116 = arith.muli %add3A_102, %mul3A_115 : i32
      %mul3A_117 = arith.constant 80 : i32
      %mul3A_118 = arith.muli %add3A_102, %mul3A_117 : i32
      "tpu.region"() ({
        %run_scoped3A = tpu.sem_alloc : memref<!tpu.dma_semaphore, #tpu.memory_space<semaphore_mem>>
        %dma_start3A = arith.constant 0 : i32
        %dma_start3A_119 = tpu.memref_slice %arg5[%arg0, %mul3A_118, %dma_start3A] : memref<2x10000x128xf32, #tpu.memory_space<hbm>> -> memref<1x80x128xf32, #tpu.memory_space<hbm>>
        %dma_start3A_120 = tpu.memref_squeeze %dma_start3A_119 : memref<1x80x128xf32, #tpu.memory_space<hbm>> -> memref<80x128xf32, #tpu.memory_space<hbm>>
        %dma_start3A_121 = arith.constant 0 : i32
        %dma_start3A_122 = tpu.memref_slice %arg6[%mul3A_116, %dma_start3A_121] : memref<10080x128xf32, #tpu.memory_space<vmem_shared>> -> memref<80x128xf32, #tpu.memory_space<vmem_shared>>
        tpu.enqueue_dma source(%dma_start3A_122 : memref<80x128xf32, #tpu.memory_space<vmem_shared>>) target(%dma_start3A_120 : memref<80x128xf32, #tpu.memory_space<hbm>>) target_semaphore(%run_scoped3A : memref<!tpu.dma_semaphore, #tpu.memory_space<semaphore_mem>>)
        %dma_wait3A = arith.constant 0 : i32
        %dma_wait3A_123 = tpu.memref_slice %arg5[%arg0, %mul3A_118, %dma_wait3A] : memref<2x10000x128xf32, #tpu.memory_space<hbm>> -> memref<1x80x128xf32, #tpu.memory_space<hbm>>
        %dma_wait3A_124 = tpu.memref_squeeze %dma_wait3A_123 : memref<1x80x128xf32, #tpu.memory_space<hbm>> -> memref<80x128xf32, #tpu.memory_space<hbm>>
        %dma_wait3A_125 = arith.constant 0 : i32
        %dma_wait3A_126 = tpu.memref_slice %arg6[%mul3A_116, %dma_wait3A_125] : memref<10080x128xf32, #tpu.memory_space<vmem_shared>> -> memref<80x128xf32, #tpu.memory_space<vmem_shared>>
        tpu.wait_dma2 semaphore(%run_scoped3A : memref<!tpu.dma_semaphore, #tpu.memory_space<semaphore_mem>>) src(%dma_wait3A_126 : memref<80x128xf32, #tpu.memory_space<vmem_shared>>) dst(%dma_wait3A_124 : memref<80x128xf32, #tpu.memory_space<hbm>>)
        tpu.yield
      }) : () -> ()
    } else {
    }
    %add3A_108 = arith.constant 112 : i32
    %add3A_109 = arith.addi %add3A_108, %arg1 : i32
    %lt3A_110 = arith.constant 125 : i32
    %lt3A_111 = arith.cmpi slt, %add3A_109, %lt3A_110 : i32
    %convert_element_type3A_112 = arith.extui %lt3A_111 : i1 to i32
    %cond3A_113 = arith.constant 0 : i32
    %cond3A_114 = arith.cmpi ne, %convert_element_type3A_112, %cond3A_113 : i32
    scf.if %cond3A_114 {
      %mul3A_115 = arith.constant 80 : i32
      %mul3A_116 = arith.muli %add3A_109, %mul3A_115 : i32
      %mul3A_117 = arith.constant 80 : i32
      %mul3A_118 = arith.muli %add3A_109, %mul3A_117 : i32
      "tpu.region"() ({
        %run_scoped3A = tpu.sem_alloc : memref<!tpu.dma_semaphore, #tpu.memory_space<semaphore_mem>>
        %dma_start3A = arith.constant 0 : i32
        %dma_start3A_119 = tpu.memref_slice %arg5[%arg0, %mul3A_118, %dma_start3A] : memref<2x10000x128xf32, #tpu.memory_space<hbm>> -> memref<1x80x128xf32, #tpu.memory_space<hbm>>
        %dma_start3A_120 = tpu.memref_squeeze %dma_start3A_119 : memref<1x80x128xf32, #tpu.memory_space<hbm>> -> memref<80x128xf32, #tpu.memory_space<hbm>>
        %dma_start3A_121 = arith.constant 0 : i32
        %dma_start3A_122 = tpu.memref_slice %arg6[%mul3A_116, %dma_start3A_121] : memref<10080x128xf32, #tpu.memory_space<vmem_shared>> -> memref<80x128xf32, #tpu.memory_space<vmem_shared>>
        tpu.enqueue_dma source(%dma_start3A_122 : memref<80x128xf32, #tpu.memory_space<vmem_shared>>) target(%dma_start3A_120 : memref<80x128xf32, #tpu.memory_space<hbm>>) target_semaphore(%run_scoped3A : memref<!tpu.dma_semaphore, #tpu.memory_space<semaphore_mem>>)
        %dma_wait3A = arith.constant 0 : i32
        %dma_wait3A_123 = tpu.memref_slice %arg5[%arg0, %mul3A_118, %dma_wait3A] : memref<2x10000x128xf32, #tpu.memory_space<hbm>> -> memref<1x80x128xf32, #tpu.memory_space<hbm>>
        %dma_wait3A_124 = tpu.memref_squeeze %dma_wait3A_123 : memref<1x80x128xf32, #tpu.memory_space<hbm>> -> memref<80x128xf32, #tpu.memory_space<hbm>>
        %dma_wait3A_125 = arith.constant 0 : i32
        %dma_wait3A_126 = tpu.memref_slice %arg6[%mul3A_116, %dma_wait3A_125] : memref<10080x128xf32, #tpu.memory_space<vmem_shared>> -> memref<80x128xf32, #tpu.memory_space<vmem_shared>>
        tpu.wait_dma2 semaphore(%run_scoped3A : memref<!tpu.dma_semaphore, #tpu.memory_space<semaphore_mem>>) src(%dma_wait3A_126 : memref<80x128xf32, #tpu.memory_space<vmem_shared>>) dst(%dma_wait3A_124 : memref<80x128xf32, #tpu.memory_space<hbm>>)
        tpu.yield
      }) : () -> ()
    } else {
    }
    return
  }
}

#map = affine_map<(d0, d1) -> (0, 0)>
#map1 = affine_map<(d0, d1) -> (0)>
#map2 = affine_map<(d0, d1) -> (0, 0, 0)>
module attributes {stable_mosaic.version = 14 : i64} {
  func.func @_agg_kernel(%arg0: i32, %arg1: i32, %arg2: memref<10000x128xf32, #tpu.memory_space<hbm>>, %arg3: memref<327680xi32, #tpu.memory_space<hbm>>, %arg4: memref<327680xi32, #tpu.memory_space<hbm>>, %arg5: memref<80x128xf32, #tpu.memory_space<hbm>>, %arg6: memref<2x10000x128xf32, #tpu.memory_space<hbm>>, %arg7: memref<10080x128xf32, #tpu.memory_space<vmem_shared>>, %arg8: memref<80xi32, #tpu.memory_space<vmem>>, %arg9: memref<80xi32, #tpu.memory_space<vmem>>, %arg10: memref<80xi32, #tpu.memory_space<vmem>>, %arg11: memref<80xi32, #tpu.memory_space<vmem>>, %arg12: memref<80xi32, #tpu.memory_space<vmem>>, %arg13: memref<80xi32, #tpu.memory_space<vmem>>, %arg14: memref<80xi32, #tpu.memory_space<vmem>>, %arg15: memref<80xi32, #tpu.memory_space<vmem>>, %arg16: memref<80x128xf32, #tpu.memory_space<vmem>>, %arg17: memref<80x128xf32, #tpu.memory_space<vmem>>, %arg18: memref<80x128xf32, #tpu.memory_space<vmem>>, %arg19: memref<!tpu.dma_semaphore, #tpu.memory_space<semaphore_mem>>, %arg20: memref<!tpu.dma_semaphore, #tpu.memory_space<semaphore_mem>>, %arg21: memref<!tpu.dma_semaphore, #tpu.memory_space<semaphore_mem>>, %arg22: memref<!tpu.dma_semaphore, #tpu.memory_space<semaphore_mem>>, %arg23: memref<!tpu.dma_semaphore, #tpu.memory_space<semaphore_mem>>, %arg24: memref<!tpu.dma_semaphore, #tpu.memory_space<semaphore_mem>>, %arg25: memref<!tpu.dma_semaphore, #tpu.memory_space<semaphore_mem>>, %arg26: memref<!tpu.dma_semaphore, #tpu.memory_space<semaphore_mem>>) attributes {dimension_semantics = [#tpu.dimension_semantics<core_parallel>, #tpu.dimension_semantics<subcore_parallel>], iteration_bounds = array<i64: 2, 16>, scalar_prefetch = 0 : i64, scratch_operands = 20 : i64, tpu.core_type = #tpu.core_type<sc_vector_subcore>, window_params = [{transform_indices = #map}, {transform_indices = #map1}, {transform_indices = #map1}, {transform_indices = #map}, {transform_indices = #map2}]} {
    %add3A = arith.constant 0 : i32
    %add3A_0 = arith.addi %add3A, %arg1 : i32
    %lt3A = arith.constant 125 : i32
    %lt3A_1 = arith.cmpi slt, %add3A_0, %lt3A : i32
    %convert_element_type3A = arith.extui %lt3A_1 : i1 to i32
    %cond3A = arith.constant 0 : i32
    %cond3A_2 = arith.cmpi ne, %convert_element_type3A, %cond3A : i32
    scf.if %cond3A_2 {
      %mul3A_743 = arith.constant 80 : i32
      %mul3A_744 = arith.muli %add3A_0, %mul3A_743 : i32
      "tpu.region"() ({
        %run_scoped3A = tpu.sem_alloc : memref<!tpu.dma_semaphore, #tpu.memory_space<semaphore_mem>>
        %dma_start3A_745 = arith.constant 0 : i32
        %dma_start3A_746 = tpu.memref_slice %arg7[%mul3A_744, %dma_start3A_745] : memref<10080x128xf32, #tpu.memory_space<vmem_shared>> -> memref<80x128xf32, #tpu.memory_space<vmem_shared>>
        tpu.enqueue_dma source(%arg5 : memref<80x128xf32, #tpu.memory_space<hbm>>) target(%dma_start3A_746 : memref<80x128xf32, #tpu.memory_space<vmem_shared>>) target_semaphore(%run_scoped3A : memref<!tpu.dma_semaphore, #tpu.memory_space<semaphore_mem>>)
        %dma_wait3A_747 = arith.constant 0 : i32
        %dma_wait3A_748 = tpu.memref_slice %arg7[%mul3A_744, %dma_wait3A_747] : memref<10080x128xf32, #tpu.memory_space<vmem_shared>> -> memref<80x128xf32, #tpu.memory_space<vmem_shared>>
        tpu.wait_dma2 semaphore(%run_scoped3A : memref<!tpu.dma_semaphore, #tpu.memory_space<semaphore_mem>>) src(%arg5 : memref<80x128xf32, #tpu.memory_space<hbm>>) dst(%dma_wait3A_748 : memref<80x128xf32, #tpu.memory_space<vmem_shared>>)
        tpu.yield
      }) : () -> ()
    } else {
    }
    %add3A_3 = arith.constant 16 : i32
    %add3A_4 = arith.addi %add3A_3, %arg1 : i32
    %lt3A_5 = arith.constant 125 : i32
    %lt3A_6 = arith.cmpi slt, %add3A_4, %lt3A_5 : i32
    %convert_element_type3A_7 = arith.extui %lt3A_6 : i1 to i32
    %cond3A_8 = arith.constant 0 : i32
    %cond3A_9 = arith.cmpi ne, %convert_element_type3A_7, %cond3A_8 : i32
    scf.if %cond3A_9 {
      %mul3A_743 = arith.constant 80 : i32
      %mul3A_744 = arith.muli %add3A_4, %mul3A_743 : i32
      "tpu.region"() ({
        %run_scoped3A = tpu.sem_alloc : memref<!tpu.dma_semaphore, #tpu.memory_space<semaphore_mem>>
        %dma_start3A_745 = arith.constant 0 : i32
        %dma_start3A_746 = tpu.memref_slice %arg7[%mul3A_744, %dma_start3A_745] : memref<10080x128xf32, #tpu.memory_space<vmem_shared>> -> memref<80x128xf32, #tpu.memory_space<vmem_shared>>
        tpu.enqueue_dma source(%arg5 : memref<80x128xf32, #tpu.memory_space<hbm>>) target(%dma_start3A_746 : memref<80x128xf32, #tpu.memory_space<vmem_shared>>) target_semaphore(%run_scoped3A : memref<!tpu.dma_semaphore, #tpu.memory_space<semaphore_mem>>)
        %dma_wait3A_747 = arith.constant 0 : i32
        %dma_wait3A_748 = tpu.memref_slice %arg7[%mul3A_744, %dma_wait3A_747] : memref<10080x128xf32, #tpu.memory_space<vmem_shared>> -> memref<80x128xf32, #tpu.memory_space<vmem_shared>>
        tpu.wait_dma2 semaphore(%run_scoped3A : memref<!tpu.dma_semaphore, #tpu.memory_space<semaphore_mem>>) src(%arg5 : memref<80x128xf32, #tpu.memory_space<hbm>>) dst(%dma_wait3A_748 : memref<80x128xf32, #tpu.memory_space<vmem_shared>>)
        tpu.yield
      }) : () -> ()
    } else {
    }
    %add3A_10 = arith.constant 32 : i32
    %add3A_11 = arith.addi %add3A_10, %arg1 : i32
    %lt3A_12 = arith.constant 125 : i32
    %lt3A_13 = arith.cmpi slt, %add3A_11, %lt3A_12 : i32
    %convert_element_type3A_14 = arith.extui %lt3A_13 : i1 to i32
    %cond3A_15 = arith.constant 0 : i32
    %cond3A_16 = arith.cmpi ne, %convert_element_type3A_14, %cond3A_15 : i32
    scf.if %cond3A_16 {
      %mul3A_743 = arith.constant 80 : i32
      %mul3A_744 = arith.muli %add3A_11, %mul3A_743 : i32
      "tpu.region"() ({
        %run_scoped3A = tpu.sem_alloc : memref<!tpu.dma_semaphore, #tpu.memory_space<semaphore_mem>>
        %dma_start3A_745 = arith.constant 0 : i32
        %dma_start3A_746 = tpu.memref_slice %arg7[%mul3A_744, %dma_start3A_745] : memref<10080x128xf32, #tpu.memory_space<vmem_shared>> -> memref<80x128xf32, #tpu.memory_space<vmem_shared>>
        tpu.enqueue_dma source(%arg5 : memref<80x128xf32, #tpu.memory_space<hbm>>) target(%dma_start3A_746 : memref<80x128xf32, #tpu.memory_space<vmem_shared>>) target_semaphore(%run_scoped3A : memref<!tpu.dma_semaphore, #tpu.memory_space<semaphore_mem>>)
        %dma_wait3A_747 = arith.constant 0 : i32
        %dma_wait3A_748 = tpu.memref_slice %arg7[%mul3A_744, %dma_wait3A_747] : memref<10080x128xf32, #tpu.memory_space<vmem_shared>> -> memref<80x128xf32, #tpu.memory_space<vmem_shared>>
        tpu.wait_dma2 semaphore(%run_scoped3A : memref<!tpu.dma_semaphore, #tpu.memory_space<semaphore_mem>>) src(%arg5 : memref<80x128xf32, #tpu.memory_space<hbm>>) dst(%dma_wait3A_748 : memref<80x128xf32, #tpu.memory_space<vmem_shared>>)
        tpu.yield
      }) : () -> ()
    } else {
    }
    %add3A_17 = arith.constant 48 : i32
    %add3A_18 = arith.addi %add3A_17, %arg1 : i32
    %lt3A_19 = arith.constant 125 : i32
    %lt3A_20 = arith.cmpi slt, %add3A_18, %lt3A_19 : i32
    %convert_element_type3A_21 = arith.extui %lt3A_20 : i1 to i32
    %cond3A_22 = arith.constant 0 : i32
    %cond3A_23 = arith.cmpi ne, %convert_element_type3A_21, %cond3A_22 : i32
    scf.if %cond3A_23 {
      %mul3A_743 = arith.constant 80 : i32
      %mul3A_744 = arith.muli %add3A_18, %mul3A_743 : i32
      "tpu.region"() ({
        %run_scoped3A = tpu.sem_alloc : memref<!tpu.dma_semaphore, #tpu.memory_space<semaphore_mem>>
        %dma_start3A_745 = arith.constant 0 : i32
        %dma_start3A_746 = tpu.memref_slice %arg7[%mul3A_744, %dma_start3A_745] : memref<10080x128xf32, #tpu.memory_space<vmem_shared>> -> memref<80x128xf32, #tpu.memory_space<vmem_shared>>
        tpu.enqueue_dma source(%arg5 : memref<80x128xf32, #tpu.memory_space<hbm>>) target(%dma_start3A_746 : memref<80x128xf32, #tpu.memory_space<vmem_shared>>) target_semaphore(%run_scoped3A : memref<!tpu.dma_semaphore, #tpu.memory_space<semaphore_mem>>)
        %dma_wait3A_747 = arith.constant 0 : i32
        %dma_wait3A_748 = tpu.memref_slice %arg7[%mul3A_744, %dma_wait3A_747] : memref<10080x128xf32, #tpu.memory_space<vmem_shared>> -> memref<80x128xf32, #tpu.memory_space<vmem_shared>>
        tpu.wait_dma2 semaphore(%run_scoped3A : memref<!tpu.dma_semaphore, #tpu.memory_space<semaphore_mem>>) src(%arg5 : memref<80x128xf32, #tpu.memory_space<hbm>>) dst(%dma_wait3A_748 : memref<80x128xf32, #tpu.memory_space<vmem_shared>>)
        tpu.yield
      }) : () -> ()
    } else {
    }
    %add3A_24 = arith.constant 64 : i32
    %add3A_25 = arith.addi %add3A_24, %arg1 : i32
    %lt3A_26 = arith.constant 125 : i32
    %lt3A_27 = arith.cmpi slt, %add3A_25, %lt3A_26 : i32
    %convert_element_type3A_28 = arith.extui %lt3A_27 : i1 to i32
    %cond3A_29 = arith.constant 0 : i32
    %cond3A_30 = arith.cmpi ne, %convert_element_type3A_28, %cond3A_29 : i32
    scf.if %cond3A_30 {
      %mul3A_743 = arith.constant 80 : i32
      %mul3A_744 = arith.muli %add3A_25, %mul3A_743 : i32
      "tpu.region"() ({
        %run_scoped3A = tpu.sem_alloc : memref<!tpu.dma_semaphore, #tpu.memory_space<semaphore_mem>>
        %dma_start3A_745 = arith.constant 0 : i32
        %dma_start3A_746 = tpu.memref_slice %arg7[%mul3A_744, %dma_start3A_745] : memref<10080x128xf32, #tpu.memory_space<vmem_shared>> -> memref<80x128xf32, #tpu.memory_space<vmem_shared>>
        tpu.enqueue_dma source(%arg5 : memref<80x128xf32, #tpu.memory_space<hbm>>) target(%dma_start3A_746 : memref<80x128xf32, #tpu.memory_space<vmem_shared>>) target_semaphore(%run_scoped3A : memref<!tpu.dma_semaphore, #tpu.memory_space<semaphore_mem>>)
        %dma_wait3A_747 = arith.constant 0 : i32
        %dma_wait3A_748 = tpu.memref_slice %arg7[%mul3A_744, %dma_wait3A_747] : memref<10080x128xf32, #tpu.memory_space<vmem_shared>> -> memref<80x128xf32, #tpu.memory_space<vmem_shared>>
        tpu.wait_dma2 semaphore(%run_scoped3A : memref<!tpu.dma_semaphore, #tpu.memory_space<semaphore_mem>>) src(%arg5 : memref<80x128xf32, #tpu.memory_space<hbm>>) dst(%dma_wait3A_748 : memref<80x128xf32, #tpu.memory_space<vmem_shared>>)
        tpu.yield
      }) : () -> ()
    } else {
    }
    %add3A_31 = arith.constant 80 : i32
    %add3A_32 = arith.addi %add3A_31, %arg1 : i32
    %lt3A_33 = arith.constant 125 : i32
    %lt3A_34 = arith.cmpi slt, %add3A_32, %lt3A_33 : i32
    %convert_element_type3A_35 = arith.extui %lt3A_34 : i1 to i32
    %cond3A_36 = arith.constant 0 : i32
    %cond3A_37 = arith.cmpi ne, %convert_element_type3A_35, %cond3A_36 : i32
    scf.if %cond3A_37 {
      %mul3A_743 = arith.constant 80 : i32
      %mul3A_744 = arith.muli %add3A_32, %mul3A_743 : i32
      "tpu.region"() ({
        %run_scoped3A = tpu.sem_alloc : memref<!tpu.dma_semaphore, #tpu.memory_space<semaphore_mem>>
        %dma_start3A_745 = arith.constant 0 : i32
        %dma_start3A_746 = tpu.memref_slice %arg7[%mul3A_744, %dma_start3A_745] : memref<10080x128xf32, #tpu.memory_space<vmem_shared>> -> memref<80x128xf32, #tpu.memory_space<vmem_shared>>
        tpu.enqueue_dma source(%arg5 : memref<80x128xf32, #tpu.memory_space<hbm>>) target(%dma_start3A_746 : memref<80x128xf32, #tpu.memory_space<vmem_shared>>) target_semaphore(%run_scoped3A : memref<!tpu.dma_semaphore, #tpu.memory_space<semaphore_mem>>)
        %dma_wait3A_747 = arith.constant 0 : i32
        %dma_wait3A_748 = tpu.memref_slice %arg7[%mul3A_744, %dma_wait3A_747] : memref<10080x128xf32, #tpu.memory_space<vmem_shared>> -> memref<80x128xf32, #tpu.memory_space<vmem_shared>>
        tpu.wait_dma2 semaphore(%run_scoped3A : memref<!tpu.dma_semaphore, #tpu.memory_space<semaphore_mem>>) src(%arg5 : memref<80x128xf32, #tpu.memory_space<hbm>>) dst(%dma_wait3A_748 : memref<80x128xf32, #tpu.memory_space<vmem_shared>>)
        tpu.yield
      }) : () -> ()
    } else {
    }
    %add3A_38 = arith.constant 96 : i32
    %add3A_39 = arith.addi %add3A_38, %arg1 : i32
    %lt3A_40 = arith.constant 125 : i32
    %lt3A_41 = arith.cmpi slt, %add3A_39, %lt3A_40 : i32
    %convert_element_type3A_42 = arith.extui %lt3A_41 : i1 to i32
    %cond3A_43 = arith.constant 0 : i32
    %cond3A_44 = arith.cmpi ne, %convert_element_type3A_42, %cond3A_43 : i32
    scf.if %cond3A_44 {
      %mul3A_743 = arith.constant 80 : i32
      %mul3A_744 = arith.muli %add3A_39, %mul3A_743 : i32
      "tpu.region"() ({
        %run_scoped3A = tpu.sem_alloc : memref<!tpu.dma_semaphore, #tpu.memory_space<semaphore_mem>>
        %dma_start3A_745 = arith.constant 0 : i32
        %dma_start3A_746 = tpu.memref_slice %arg7[%mul3A_744, %dma_start3A_745] : memref<10080x128xf32, #tpu.memory_space<vmem_shared>> -> memref<80x128xf32, #tpu.memory_space<vmem_shared>>
        tpu.enqueue_dma source(%arg5 : memref<80x128xf32, #tpu.memory_space<hbm>>) target(%dma_start3A_746 : memref<80x128xf32, #tpu.memory_space<vmem_shared>>) target_semaphore(%run_scoped3A : memref<!tpu.dma_semaphore, #tpu.memory_space<semaphore_mem>>)
        %dma_wait3A_747 = arith.constant 0 : i32
        %dma_wait3A_748 = tpu.memref_slice %arg7[%mul3A_744, %dma_wait3A_747] : memref<10080x128xf32, #tpu.memory_space<vmem_shared>> -> memref<80x128xf32, #tpu.memory_space<vmem_shared>>
        tpu.wait_dma2 semaphore(%run_scoped3A : memref<!tpu.dma_semaphore, #tpu.memory_space<semaphore_mem>>) src(%arg5 : memref<80x128xf32, #tpu.memory_space<hbm>>) dst(%dma_wait3A_748 : memref<80x128xf32, #tpu.memory_space<vmem_shared>>)
        tpu.yield
      }) : () -> ()
    } else {
    }
    %add3A_45 = arith.constant 112 : i32
    %add3A_46 = arith.addi %add3A_45, %arg1 : i32
    %lt3A_47 = arith.constant 125 : i32
    %lt3A_48 = arith.cmpi slt, %add3A_46, %lt3A_47 : i32
    %convert_element_type3A_49 = arith.extui %lt3A_48 : i1 to i32
    %cond3A_50 = arith.constant 0 : i32
    %cond3A_51 = arith.cmpi ne, %convert_element_type3A_49, %cond3A_50 : i32
    scf.if %cond3A_51 {
      %mul3A_743 = arith.constant 80 : i32
      %mul3A_744 = arith.muli %add3A_46, %mul3A_743 : i32
      "tpu.region"() ({
        %run_scoped3A = tpu.sem_alloc : memref<!tpu.dma_semaphore, #tpu.memory_space<semaphore_mem>>
        %dma_start3A_745 = arith.constant 0 : i32
        %dma_start3A_746 = tpu.memref_slice %arg7[%mul3A_744, %dma_start3A_745] : memref<10080x128xf32, #tpu.memory_space<vmem_shared>> -> memref<80x128xf32, #tpu.memory_space<vmem_shared>>
        tpu.enqueue_dma source(%arg5 : memref<80x128xf32, #tpu.memory_space<hbm>>) target(%dma_start3A_746 : memref<80x128xf32, #tpu.memory_space<vmem_shared>>) target_semaphore(%run_scoped3A : memref<!tpu.dma_semaphore, #tpu.memory_space<semaphore_mem>>)
        %dma_wait3A_747 = arith.constant 0 : i32
        %dma_wait3A_748 = tpu.memref_slice %arg7[%mul3A_744, %dma_wait3A_747] : memref<10080x128xf32, #tpu.memory_space<vmem_shared>> -> memref<80x128xf32, #tpu.memory_space<vmem_shared>>
        tpu.wait_dma2 semaphore(%run_scoped3A : memref<!tpu.dma_semaphore, #tpu.memory_space<semaphore_mem>>) src(%arg5 : memref<80x128xf32, #tpu.memory_space<hbm>>) dst(%dma_wait3A_748 : memref<80x128xf32, #tpu.memory_space<vmem_shared>>)
        tpu.yield
      }) : () -> ()
    } else {
    }
    %mul3A = arith.constant 16 : i32
    %mul3A_52 = arith.muli %arg0, %mul3A : i32
    %add3A_53 = arith.addi %mul3A_52, %arg1 : i32
    %mul3A_54 = arith.constant 128 : i32
    %mul3A_55 = arith.muli %add3A_53, %mul3A_54 : i32
    %barrier3A = arith.constant 0 : index
    tpu.barrier barrier_id(%barrier3A)
    %add3A_56 = arith.constant 0 : i32
    %add3A_57 = arith.addi %mul3A_55, %add3A_56 : i32
    %mul3A_58 = arith.constant 80 : i32
    %mul3A_59 = arith.muli %add3A_57, %mul3A_58 : i32
    %add3A_60 = arith.constant 0 : i32
    %add3A_61 = arith.addi %mul3A_55, %add3A_60 : i32
    %mul3A_62 = arith.constant 80 : i32
    %mul3A_63 = arith.muli %add3A_61, %mul3A_62 : i32
    "tpu.region"() ({
      %run_scoped3A = tpu.sem_alloc : memref<!tpu.dma_semaphore, #tpu.memory_space<semaphore_mem>>
      %dma_start3A_743 = tpu.memref_slice %arg3[%mul3A_59] : memref<327680xi32, #tpu.memory_space<hbm>> -> memref<80xi32, #tpu.memory_space<hbm>>
      %dma_start3A_744 = tpu.memref_slice %arg3[%mul3A_59] : memref<327680xi32, #tpu.memory_space<hbm>> -> memref<80xi32, #tpu.memory_space<hbm>>
      tpu.enqueue_dma source(%dma_start3A_744 : memref<80xi32, #tpu.memory_space<hbm>>) target(%arg8 : memref<80xi32, #tpu.memory_space<vmem>>) target_semaphore(%run_scoped3A : memref<!tpu.dma_semaphore, #tpu.memory_space<semaphore_mem>>)
      %dma_wait3A_745 = tpu.memref_slice %arg3[%mul3A_59] : memref<327680xi32, #tpu.memory_space<hbm>> -> memref<80xi32, #tpu.memory_space<hbm>>
      %dma_wait3A_746 = tpu.memref_slice %arg3[%mul3A_59] : memref<327680xi32, #tpu.memory_space<hbm>> -> memref<80xi32, #tpu.memory_space<hbm>>
      tpu.wait_dma2 semaphore(%run_scoped3A : memref<!tpu.dma_semaphore, #tpu.memory_space<semaphore_mem>>) src(%dma_wait3A_746 : memref<80xi32, #tpu.memory_space<hbm>>) dst(%arg8 : memref<80xi32, #tpu.memory_space<vmem>>)
      tpu.yield
    }) : () -> ()
    "tpu.region"() ({
      %run_scoped3A = tpu.sem_alloc : memref<!tpu.dma_semaphore, #tpu.memory_space<semaphore_mem>>
      %dma_start3A_743 = tpu.memref_slice %arg4[%mul3A_63] : memref<327680xi32, #tpu.memory_space<hbm>> -> memref<80xi32, #tpu.memory_space<hbm>>
      %dma_start3A_744 = tpu.memref_slice %arg4[%mul3A_63] : memref<327680xi32, #tpu.memory_space<hbm>> -> memref<80xi32, #tpu.memory_space<hbm>>
      tpu.enqueue_dma source(%dma_start3A_744 : memref<80xi32, #tpu.memory_space<hbm>>) target(%arg12 : memref<80xi32, #tpu.memory_space<vmem>>) target_semaphore(%run_scoped3A : memref<!tpu.dma_semaphore, #tpu.memory_space<semaphore_mem>>)
      %dma_wait3A_745 = tpu.memref_slice %arg4[%mul3A_63] : memref<327680xi32, #tpu.memory_space<hbm>> -> memref<80xi32, #tpu.memory_space<hbm>>
      %dma_wait3A_746 = tpu.memref_slice %arg4[%mul3A_63] : memref<327680xi32, #tpu.memory_space<hbm>> -> memref<80xi32, #tpu.memory_space<hbm>>
      tpu.wait_dma2 semaphore(%run_scoped3A : memref<!tpu.dma_semaphore, #tpu.memory_space<semaphore_mem>>) src(%dma_wait3A_746 : memref<80xi32, #tpu.memory_space<hbm>>) dst(%arg12 : memref<80xi32, #tpu.memory_space<vmem>>)
      tpu.yield
    }) : () -> ()
    %dma_start3A = arith.constant 0 : i32
    %dma_start3A_64 = arith.constant 0 : i32
    %dma_start3A_65 = tpu.memref_slice %arg2[%dma_start3A, %dma_start3A_64] : memref<10000x128xf32, #tpu.memory_space<hbm>> -> memref<10000x128xf32, #tpu.memory_space<hbm>>
    tpu.enqueue_indirect_dma source(%dma_start3A_65 : memref<10000x128xf32, #tpu.memory_space<hbm>>) target(%arg16 : memref<80x128xf32, #tpu.memory_space<vmem>>) offsets(%arg8 : memref<80xi32, #tpu.memory_space<vmem>>) semaphore(%arg23 : memref<!tpu.dma_semaphore, #tpu.memory_space<semaphore_mem>>)
    %add3A_66 = arith.constant 1 : i32
    %add3A_67 = arith.addi %mul3A_55, %add3A_66 : i32
    %mul3A_68 = arith.constant 80 : i32
    %mul3A_69 = arith.muli %add3A_67, %mul3A_68 : i32
    %add3A_70 = arith.constant 1 : i32
    %add3A_71 = arith.addi %mul3A_55, %add3A_70 : i32
    %mul3A_72 = arith.constant 80 : i32
    %mul3A_73 = arith.muli %add3A_71, %mul3A_72 : i32
    %dma_start3A_74 = tpu.memref_slice %arg3[%mul3A_69] : memref<327680xi32, #tpu.memory_space<hbm>> -> memref<80xi32, #tpu.memory_space<hbm>>
    %dma_start3A_75 = tpu.memref_slice %arg3[%mul3A_69] : memref<327680xi32, #tpu.memory_space<hbm>> -> memref<80xi32, #tpu.memory_space<hbm>>
    tpu.enqueue_dma source(%dma_start3A_75 : memref<80xi32, #tpu.memory_space<hbm>>) target(%arg9 : memref<80xi32, #tpu.memory_space<vmem>>) target_semaphore(%arg20 : memref<!tpu.dma_semaphore, #tpu.memory_space<semaphore_mem>>)
    %dma_start3A_76 = tpu.memref_slice %arg4[%mul3A_73] : memref<327680xi32, #tpu.memory_space<hbm>> -> memref<80xi32, #tpu.memory_space<hbm>>
    %dma_start3A_77 = tpu.memref_slice %arg4[%mul3A_73] : memref<327680xi32, #tpu.memory_space<hbm>> -> memref<80xi32, #tpu.memory_space<hbm>>
    tpu.enqueue_dma source(%dma_start3A_77 : memref<80xi32, #tpu.memory_space<hbm>>) target(%arg13 : memref<80xi32, #tpu.memory_space<vmem>>) target_semaphore(%arg20 : memref<!tpu.dma_semaphore, #tpu.memory_space<semaphore_mem>>)
    %add3A_78 = arith.constant 2 : i32
    %add3A_79 = arith.addi %mul3A_55, %add3A_78 : i32
    %mul3A_80 = arith.constant 80 : i32
    %mul3A_81 = arith.muli %add3A_79, %mul3A_80 : i32
    %add3A_82 = arith.constant 2 : i32
    %add3A_83 = arith.addi %mul3A_55, %add3A_82 : i32
    %mul3A_84 = arith.constant 80 : i32
    %mul3A_85 = arith.muli %add3A_83, %mul3A_84 : i32
    %dma_start3A_86 = tpu.memref_slice %arg3[%mul3A_81] : memref<327680xi32, #tpu.memory_space<hbm>> -> memref<80xi32, #tpu.memory_space<hbm>>
    %dma_start3A_87 = tpu.memref_slice %arg3[%mul3A_81] : memref<327680xi32, #tpu.memory_space<hbm>> -> memref<80xi32, #tpu.memory_space<hbm>>
    tpu.enqueue_dma source(%dma_start3A_87 : memref<80xi32, #tpu.memory_space<hbm>>) target(%arg10 : memref<80xi32, #tpu.memory_space<vmem>>) target_semaphore(%arg21 : memref<!tpu.dma_semaphore, #tpu.memory_space<semaphore_mem>>)
    %dma_start3A_88 = tpu.memref_slice %arg4[%mul3A_85] : memref<327680xi32, #tpu.memory_space<hbm>> -> memref<80xi32, #tpu.memory_space<hbm>>
    %dma_start3A_89 = tpu.memref_slice %arg4[%mul3A_85] : memref<327680xi32, #tpu.memory_space<hbm>> -> memref<80xi32, #tpu.memory_space<hbm>>
    tpu.enqueue_dma source(%dma_start3A_89 : memref<80xi32, #tpu.memory_space<hbm>>) target(%arg14 : memref<80xi32, #tpu.memory_space<vmem>>) target_semaphore(%arg21 : memref<!tpu.dma_semaphore, #tpu.memory_space<semaphore_mem>>)
    %add3A_90 = arith.constant 1 : i32
    %add3A_91 = arith.addi %mul3A_55, %add3A_90 : i32
    %mul3A_92 = arith.constant 80 : i32
    %mul3A_93 = arith.muli %add3A_91, %mul3A_92 : i32
    %dma_wait3A = tpu.memref_slice %arg3[%mul3A_93] : memref<327680xi32, #tpu.memory_space<hbm>> -> memref<80xi32, #tpu.memory_space<hbm>>
    %dma_wait3A_94 = tpu.memref_slice %arg3[%mul3A_93] : memref<327680xi32, #tpu.memory_space<hbm>> -> memref<80xi32, #tpu.memory_space<hbm>>
    tpu.wait_dma2 semaphore(%arg20 : memref<!tpu.dma_semaphore, #tpu.memory_space<semaphore_mem>>) src(%dma_wait3A_94 : memref<80xi32, #tpu.memory_space<hbm>>) dst(%arg9 : memref<80xi32, #tpu.memory_space<vmem>>)
    %dma_wait3A_95 = tpu.memref_slice %arg4[%mul3A_93] : memref<327680xi32, #tpu.memory_space<hbm>> -> memref<80xi32, #tpu.memory_space<hbm>>
    %dma_wait3A_96 = tpu.memref_slice %arg4[%mul3A_93] : memref<327680xi32, #tpu.memory_space<hbm>> -> memref<80xi32, #tpu.memory_space<hbm>>
    tpu.wait_dma2 semaphore(%arg20 : memref<!tpu.dma_semaphore, #tpu.memory_space<semaphore_mem>>) src(%dma_wait3A_96 : memref<80xi32, #tpu.memory_space<hbm>>) dst(%arg13 : memref<80xi32, #tpu.memory_space<vmem>>)
    %dma_start3A_97 = arith.constant 0 : i32
    %dma_start3A_98 = arith.constant 0 : i32
    %dma_start3A_99 = tpu.memref_slice %arg2[%dma_start3A_97, %dma_start3A_98] : memref<10000x128xf32, #tpu.memory_space<hbm>> -> memref<10000x128xf32, #tpu.memory_space<hbm>>
    tpu.enqueue_indirect_dma source(%dma_start3A_99 : memref<10000x128xf32, #tpu.memory_space<hbm>>) target(%arg17 : memref<80x128xf32, #tpu.memory_space<vmem>>) offsets(%arg9 : memref<80xi32, #tpu.memory_space<vmem>>) semaphore(%arg24 : memref<!tpu.dma_semaphore, #tpu.memory_space<semaphore_mem>>)
    %dma_wait3A_100 = arith.constant 0 : i32
    %dma_wait3A_101 = arith.constant 0 : i32
    %dma_wait3A_102 = tpu.memref_slice %arg2[%dma_wait3A_100, %dma_wait3A_101] : memref<10000x128xf32, #tpu.memory_space<hbm>> -> memref<10000x128xf32, #tpu.memory_space<hbm>>
    tpu.wait_indirect_dma semaphore(%arg23 : memref<!tpu.dma_semaphore, #tpu.memory_space<semaphore_mem>>) src(%dma_wait3A_102 : memref<10000x128xf32, #tpu.memory_space<hbm>>) dst(%arg16 : memref<80x128xf32, #tpu.memory_space<vmem>>)
    %dma_start3A_103 = arith.constant 0 : i32
    %dma_start3A_104 = arith.constant 0 : i32
    %dma_start3A_105 = tpu.memref_slice %arg7[%dma_start3A_103, %dma_start3A_104] : memref<10080x128xf32, #tpu.memory_space<vmem_shared>> -> memref<10080x128xf32, #tpu.memory_space<vmem_shared>>
    tpu.enqueue_indirect_dma source(%arg16 : memref<80x128xf32, #tpu.memory_space<vmem>>) target(%dma_start3A_105 : memref<10080x128xf32, #tpu.memory_space<vmem_shared>>) offsets(%arg12 : memref<80xi32, #tpu.memory_space<vmem>>) semaphore(%arg26 : memref<!tpu.dma_semaphore, #tpu.memory_space<semaphore_mem>>) {add = true}
    %add3A_106 = arith.constant 3 : i32
    %add3A_107 = arith.addi %mul3A_55, %add3A_106 : i32
    %mul3A_108 = arith.constant 80 : i32
    %mul3A_109 = arith.muli %add3A_107, %mul3A_108 : i32
    %add3A_110 = arith.constant 3 : i32
    %add3A_111 = arith.addi %mul3A_55, %add3A_110 : i32
    %mul3A_112 = arith.constant 80 : i32
    %mul3A_113 = arith.muli %add3A_111, %mul3A_112 : i32
    %dma_start3A_114 = tpu.memref_slice %arg3[%mul3A_109] : memref<327680xi32, #tpu.memory_space<hbm>> -> memref<80xi32, #tpu.memory_space<hbm>>
    %dma_start3A_115 = tpu.memref_slice %arg3[%mul3A_109] : memref<327680xi32, #tpu.memory_space<hbm>> -> memref<80xi32, #tpu.memory_space<hbm>>
    tpu.enqueue_dma source(%dma_start3A_115 : memref<80xi32, #tpu.memory_space<hbm>>) target(%arg11 : memref<80xi32, #tpu.memory_space<vmem>>) target_semaphore(%arg22 : memref<!tpu.dma_semaphore, #tpu.memory_space<semaphore_mem>>)
    %dma_start3A_116 = tpu.memref_slice %arg4[%mul3A_113] : memref<327680xi32, #tpu.memory_space<hbm>> -> memref<80xi32, #tpu.memory_space<hbm>>
    %dma_start3A_117 = tpu.memref_slice %arg4[%mul3A_113] : memref<327680xi32, #tpu.memory_space<hbm>> -> memref<80xi32, #tpu.memory_space<hbm>>
    tpu.enqueue_dma source(%dma_start3A_117 : memref<80xi32, #tpu.memory_space<hbm>>) target(%arg15 : memref<80xi32, #tpu.memory_space<vmem>>) target_semaphore(%arg22 : memref<!tpu.dma_semaphore, #tpu.memory_space<semaphore_mem>>)
    %add3A_118 = arith.constant 2 : i32
    %add3A_119 = arith.addi %mul3A_55, %add3A_118 : i32
    %mul3A_120 = arith.constant 80 : i32
    %mul3A_121 = arith.muli %add3A_119, %mul3A_120 : i32
    %dma_wait3A_122 = tpu.memref_slice %arg3[%mul3A_121] : memref<327680xi32, #tpu.memory_space<hbm>> -> memref<80xi32, #tpu.memory_space<hbm>>
    %dma_wait3A_123 = tpu.memref_slice %arg3[%mul3A_121] : memref<327680xi32, #tpu.memory_space<hbm>> -> memref<80xi32, #tpu.memory_space<hbm>>
    tpu.wait_dma2 semaphore(%arg21 : memref<!tpu.dma_semaphore, #tpu.memory_space<semaphore_mem>>) src(%dma_wait3A_123 : memref<80xi32, #tpu.memory_space<hbm>>) dst(%arg10 : memref<80xi32, #tpu.memory_space<vmem>>)
    %dma_wait3A_124 = tpu.memref_slice %arg4[%mul3A_121] : memref<327680xi32, #tpu.memory_space<hbm>> -> memref<80xi32, #tpu.memory_space<hbm>>
    %dma_wait3A_125 = tpu.memref_slice %arg4[%mul3A_121] : memref<327680xi32, #tpu.memory_space<hbm>> -> memref<80xi32, #tpu.memory_space<hbm>>
    tpu.wait_dma2 semaphore(%arg21 : memref<!tpu.dma_semaphore, #tpu.memory_space<semaphore_mem>>) src(%dma_wait3A_125 : memref<80xi32, #tpu.memory_space<hbm>>) dst(%arg14 : memref<80xi32, #tpu.memory_space<vmem>>)
    %dma_start3A_126 = arith.constant 0 : i32
    %dma_start3A_127 = arith.constant 0 : i32
    %dma_start3A_128 = tpu.memref_slice %arg2[%dma_start3A_126, %dma_start3A_127] : memref<10000x128xf32, #tpu.memory_space<hbm>> -> memref<10000x128xf32, #tpu.memory_space<hbm>>
    tpu.enqueue_indirect_dma source(%dma_start3A_128 : memref<10000x128xf32, #tpu.memory_space<hbm>>) target(%arg18 : memref<80x128xf32, #tpu.memory_space<vmem>>) offsets(%arg10 : memref<80xi32, #tpu.memory_space<vmem>>) semaphore(%arg25 : memref<!tpu.dma_semaphore, #tpu.memory_space<semaphore_mem>>)
    %dma_wait3A_129 = arith.constant 0 : i32
    %dma_wait3A_130 = arith.constant 0 : i32
    %dma_wait3A_131 = tpu.memref_slice %arg2[%dma_wait3A_129, %dma_wait3A_130] : memref<10000x128xf32, #tpu.memory_space<hbm>> -> memref<10000x128xf32, #tpu.memory_space<hbm>>
    tpu.wait_indirect_dma semaphore(%arg24 : memref<!tpu.dma_semaphore, #tpu.memory_space<semaphore_mem>>) src(%dma_wait3A_131 : memref<10000x128xf32, #tpu.memory_space<hbm>>) dst(%arg17 : memref<80x128xf32, #tpu.memory_space<vmem>>)
    %dma_start3A_132 = arith.constant 0 : i32
    %dma_start3A_133 = arith.constant 0 : i32
    %dma_start3A_134 = tpu.memref_slice %arg7[%dma_start3A_132, %dma_start3A_133] : memref<10080x128xf32, #tpu.memory_space<vmem_shared>> -> memref<10080x128xf32, #tpu.memory_space<vmem_shared>>
    tpu.enqueue_indirect_dma source(%arg17 : memref<80x128xf32, #tpu.memory_space<vmem>>) target(%dma_start3A_134 : memref<10080x128xf32, #tpu.memory_space<vmem_shared>>) offsets(%arg13 : memref<80xi32, #tpu.memory_space<vmem>>) semaphore(%arg26 : memref<!tpu.dma_semaphore, #tpu.memory_space<semaphore_mem>>) {add = true}
    %dma_wait3A_135 = arith.constant 0 : i32
    %dma_wait3A_136 = arith.constant 0 : i32
    %dma_wait3A_137 = tpu.memref_slice %arg7[%dma_wait3A_135, %dma_wait3A_136] : memref<10080x128xf32, #tpu.memory_space<vmem_shared>> -> memref<10080x128xf32, #tpu.memory_space<vmem_shared>>
    tpu.wait_indirect_dma semaphore(%arg26 : memref<!tpu.dma_semaphore, #tpu.memory_space<semaphore_mem>>) src(%arg16 : memref<80x128xf32, #tpu.memory_space<vmem>>) dst(%dma_wait3A_137 : memref<10080x128xf32, #tpu.memory_space<vmem_shared>>)
    %add3A_138 = arith.constant 4 : i32
    %add3A_139 = arith.addi %mul3A_55, %add3A_138 : i32
    %mul3A_140 = arith.constant 80 : i32
    %mul3A_141 = arith.muli %add3A_139, %mul3A_140 : i32
    %add3A_142 = arith.constant 4 : i32
    %add3A_143 = arith.addi %mul3A_55, %add3A_142 : i32
    %mul3A_144 = arith.constant 80 : i32
    %mul3A_145 = arith.muli %add3A_143, %mul3A_144 : i32
    %dma_start3A_146 = tpu.memref_slice %arg3[%mul3A_141] : memref<327680xi32, #tpu.memory_space<hbm>> -> memref<80xi32, #tpu.memory_space<hbm>>
    %dma_start3A_147 = tpu.memref_slice %arg3[%mul3A_141] : memref<327680xi32, #tpu.memory_space<hbm>> -> memref<80xi32, #tpu.memory_space<hbm>>
    tpu.enqueue_dma source(%dma_start3A_147 : memref<80xi32, #tpu.memory_space<hbm>>) target(%arg8 : memref<80xi32, #tpu.memory_space<vmem>>) target_semaphore(%arg19 : memref<!tpu.dma_semaphore, #tpu.memory_space<semaphore_mem>>)
    %dma_start3A_148 = tpu.memref_slice %arg4[%mul3A_145] : memref<327680xi32, #tpu.memory_space<hbm>> -> memref<80xi32, #tpu.memory_space<hbm>>
    %dma_start3A_149 = tpu.memref_slice %arg4[%mul3A_145] : memref<327680xi32, #tpu.memory_space<hbm>> -> memref<80xi32, #tpu.memory_space<hbm>>
    tpu.enqueue_dma source(%dma_start3A_149 : memref<80xi32, #tpu.memory_space<hbm>>) target(%arg12 : memref<80xi32, #tpu.memory_space<vmem>>) target_semaphore(%arg19 : memref<!tpu.dma_semaphore, #tpu.memory_space<semaphore_mem>>)
    %add3A_150 = arith.constant 3 : i32
    %add3A_151 = arith.addi %mul3A_55, %add3A_150 : i32
    %mul3A_152 = arith.constant 80 : i32
    %mul3A_153 = arith.muli %add3A_151, %mul3A_152 : i32
    %dma_wait3A_154 = tpu.memref_slice %arg3[%mul3A_153] : memref<327680xi32, #tpu.memory_space<hbm>> -> memref<80xi32, #tpu.memory_space<hbm>>
    %dma_wait3A_155 = tpu.memref_slice %arg3[%mul3A_153] : memref<327680xi32, #tpu.memory_space<hbm>> -> memref<80xi32, #tpu.memory_space<hbm>>
    tpu.wait_dma2 semaphore(%arg22 : memref<!tpu.dma_semaphore, #tpu.memory_space<semaphore_mem>>) src(%dma_wait3A_155 : memref<80xi32, #tpu.memory_space<hbm>>) dst(%arg11 : memref<80xi32, #tpu.memory_space<vmem>>)
    %dma_wait3A_156 = tpu.memref_slice %arg4[%mul3A_153] : memref<327680xi32, #tpu.memory_space<hbm>> -> memref<80xi32, #tpu.memory_space<hbm>>
    %dma_wait3A_157 = tpu.memref_slice %arg4[%mul3A_153] : memref<327680xi32, #tpu.memory_space<hbm>> -> memref<80xi32, #tpu.memory_space<hbm>>
    tpu.wait_dma2 semaphore(%arg22 : memref<!tpu.dma_semaphore, #tpu.memory_space<semaphore_mem>>) src(%dma_wait3A_157 : memref<80xi32, #tpu.memory_space<hbm>>) dst(%arg15 : memref<80xi32, #tpu.memory_space<vmem>>)
    %dma_start3A_158 = arith.constant 0 : i32
    %dma_start3A_159 = arith.constant 0 : i32
    %dma_start3A_160 = tpu.memref_slice %arg2[%dma_start3A_158, %dma_start3A_159] : memref<10000x128xf32, #tpu.memory_space<hbm>> -> memref<10000x128xf32, #tpu.memory_space<hbm>>
    tpu.enqueue_indirect_dma source(%dma_start3A_160 : memref<10000x128xf32, #tpu.memory_space<hbm>>) target(%arg16 : memref<80x128xf32, #tpu.memory_space<vmem>>) offsets(%arg11 : memref<80xi32, #tpu.memory_space<vmem>>) semaphore(%arg23 : memref<!tpu.dma_semaphore, #tpu.memory_space<semaphore_mem>>)
    %dma_wait3A_161 = arith.constant 0 : i32
    %dma_wait3A_162 = arith.constant 0 : i32
    %dma_wait3A_163 = tpu.memref_slice %arg2[%dma_wait3A_161, %dma_wait3A_162] : memref<10000x128xf32, #tpu.memory_space<hbm>> -> memref<10000x128xf32, #tpu.memory_space<hbm>>
    tpu.wait_indirect_dma semaphore(%arg25 : memref<!tpu.dma_semaphore, #tpu.memory_space<semaphore_mem>>) src(%dma_wait3A_163 : memref<10000x128xf32, #tpu.memory_space<hbm>>) dst(%arg18 : memref<80x128xf32, #tpu.memory_space<vmem>>)
    %dma_start3A_164 = arith.constant 0 : i32
    %dma_start3A_165 = arith.constant 0 : i32
    %dma_start3A_166 = tpu.memref_slice %arg7[%dma_start3A_164, %dma_start3A_165] : memref<10080x128xf32, #tpu.memory_space<vmem_shared>> -> memref<10080x128xf32, #tpu.memory_space<vmem_shared>>
    tpu.enqueue_indirect_dma source(%arg18 : memref<80x128xf32, #tpu.memory_space<vmem>>) target(%dma_start3A_166 : memref<10080x128xf32, #tpu.memory_space<vmem_shared>>) offsets(%arg14 : memref<80xi32, #tpu.memory_space<vmem>>) semaphore(%arg26 : memref<!tpu.dma_semaphore, #tpu.memory_space<semaphore_mem>>) {add = true}
    %dma_wait3A_167 = arith.constant 0 : i32
    %dma_wait3A_168 = arith.constant 0 : i32
    %dma_wait3A_169 = tpu.memref_slice %arg7[%dma_wait3A_167, %dma_wait3A_168] : memref<10080x128xf32, #tpu.memory_space<vmem_shared>> -> memref<10080x128xf32, #tpu.memory_space<vmem_shared>>
    tpu.wait_indirect_dma semaphore(%arg26 : memref<!tpu.dma_semaphore, #tpu.memory_space<semaphore_mem>>) src(%arg16 : memref<80x128xf32, #tpu.memory_space<vmem>>) dst(%dma_wait3A_169 : memref<10080x128xf32, #tpu.memory_space<vmem_shared>>)
    %add3A_170 = arith.constant 5 : i32
    %add3A_171 = arith.addi %mul3A_55, %add3A_170 : i32
    %mul3A_172 = arith.constant 80 : i32
    %mul3A_173 = arith.muli %add3A_171, %mul3A_172 : i32
    %add3A_174 = arith.constant 5 : i32
    %add3A_175 = arith.addi %mul3A_55, %add3A_174 : i32
    %mul3A_176 = arith.constant 80 : i32
    %mul3A_177 = arith.muli %add3A_175, %mul3A_176 : i32
    %dma_start3A_178 = tpu.memref_slice %arg3[%mul3A_173] : memref<327680xi32, #tpu.memory_space<hbm>> -> memref<80xi32, #tpu.memory_space<hbm>>
    %dma_start3A_179 = tpu.memref_slice %arg3[%mul3A_173] : memref<327680xi32, #tpu.memory_space<hbm>> -> memref<80xi32, #tpu.memory_space<hbm>>
    tpu.enqueue_dma source(%dma_start3A_179 : memref<80xi32, #tpu.memory_space<hbm>>) target(%arg9 : memref<80xi32, #tpu.memory_space<vmem>>) target_semaphore(%arg20 : memref<!tpu.dma_semaphore, #tpu.memory_space<semaphore_mem>>)
    %dma_start3A_180 = tpu.memref_slice %arg4[%mul3A_177] : memref<327680xi32, #tpu.memory_space<hbm>> -> memref<80xi32, #tpu.memory_space<hbm>>
    %dma_start3A_181 = tpu.memref_slice %arg4[%mul3A_177] : memref<327680xi32, #tpu.memory_space<hbm>> -> memref<80xi32, #tpu.memory_space<hbm>>
    tpu.enqueue_dma source(%dma_start3A_181 : memref<80xi32, #tpu.memory_space<hbm>>) target(%arg13 : memref<80xi32, #tpu.memory_space<vmem>>) target_semaphore(%arg20 : memref<!tpu.dma_semaphore, #tpu.memory_space<semaphore_mem>>)
    %add3A_182 = arith.constant 4 : i32
    %add3A_183 = arith.addi %mul3A_55, %add3A_182 : i32
    %mul3A_184 = arith.constant 80 : i32
    %mul3A_185 = arith.muli %add3A_183, %mul3A_184 : i32
    %dma_wait3A_186 = tpu.memref_slice %arg3[%mul3A_185] : memref<327680xi32, #tpu.memory_space<hbm>> -> memref<80xi32, #tpu.memory_space<hbm>>
    %dma_wait3A_187 = tpu.memref_slice %arg3[%mul3A_185] : memref<327680xi32, #tpu.memory_space<hbm>> -> memref<80xi32, #tpu.memory_space<hbm>>
    tpu.wait_dma2 semaphore(%arg19 : memref<!tpu.dma_semaphore, #tpu.memory_space<semaphore_mem>>) src(%dma_wait3A_187 : memref<80xi32, #tpu.memory_space<hbm>>) dst(%arg8 : memref<80xi32, #tpu.memory_space<vmem>>)
    %dma_wait3A_188 = tpu.memref_slice %arg4[%mul3A_185] : memref<327680xi32, #tpu.memory_space<hbm>> -> memref<80xi32, #tpu.memory_space<hbm>>
    %dma_wait3A_189 = tpu.memref_slice %arg4[%mul3A_185] : memref<327680xi32, #tpu.memory_space<hbm>> -> memref<80xi32, #tpu.memory_space<hbm>>
    tpu.wait_dma2 semaphore(%arg19 : memref<!tpu.dma_semaphore, #tpu.memory_space<semaphore_mem>>) src(%dma_wait3A_189 : memref<80xi32, #tpu.memory_space<hbm>>) dst(%arg12 : memref<80xi32, #tpu.memory_space<vmem>>)
    %dma_start3A_190 = arith.constant 0 : i32
    %dma_start3A_191 = arith.constant 0 : i32
    %dma_start3A_192 = tpu.memref_slice %arg2[%dma_start3A_190, %dma_start3A_191] : memref<10000x128xf32, #tpu.memory_space<hbm>> -> memref<10000x128xf32, #tpu.memory_space<hbm>>
    tpu.enqueue_indirect_dma source(%dma_start3A_192 : memref<10000x128xf32, #tpu.memory_space<hbm>>) target(%arg17 : memref<80x128xf32, #tpu.memory_space<vmem>>) offsets(%arg8 : memref<80xi32, #tpu.memory_space<vmem>>) semaphore(%arg24 : memref<!tpu.dma_semaphore, #tpu.memory_space<semaphore_mem>>)
    %dma_wait3A_193 = arith.constant 0 : i32
    %dma_wait3A_194 = arith.constant 0 : i32
    %dma_wait3A_195 = tpu.memref_slice %arg2[%dma_wait3A_193, %dma_wait3A_194] : memref<10000x128xf32, #tpu.memory_space<hbm>> -> memref<10000x128xf32, #tpu.memory_space<hbm>>
    tpu.wait_indirect_dma semaphore(%arg23 : memref<!tpu.dma_semaphore, #tpu.memory_space<semaphore_mem>>) src(%dma_wait3A_195 : memref<10000x128xf32, #tpu.memory_space<hbm>>) dst(%arg16 : memref<80x128xf32, #tpu.memory_space<vmem>>)
    %dma_start3A_196 = arith.constant 0 : i32
    %dma_start3A_197 = arith.constant 0 : i32
    %dma_start3A_198 = tpu.memref_slice %arg7[%dma_start3A_196, %dma_start3A_197] : memref<10080x128xf32, #tpu.memory_space<vmem_shared>> -> memref<10080x128xf32, #tpu.memory_space<vmem_shared>>
    tpu.enqueue_indirect_dma source(%arg16 : memref<80x128xf32, #tpu.memory_space<vmem>>) target(%dma_start3A_198 : memref<10080x128xf32, #tpu.memory_space<vmem_shared>>) offsets(%arg15 : memref<80xi32, #tpu.memory_space<vmem>>) semaphore(%arg26 : memref<!tpu.dma_semaphore, #tpu.memory_space<semaphore_mem>>) {add = true}
    %dma_wait3A_199 = arith.constant 0 : i32
    %dma_wait3A_200 = arith.constant 0 : i32
    %dma_wait3A_201 = tpu.memref_slice %arg7[%dma_wait3A_199, %dma_wait3A_200] : memref<10080x128xf32, #tpu.memory_space<vmem_shared>> -> memref<10080x128xf32, #tpu.memory_space<vmem_shared>>
    tpu.wait_indirect_dma semaphore(%arg26 : memref<!tpu.dma_semaphore, #tpu.memory_space<semaphore_mem>>) src(%arg16 : memref<80x128xf32, #tpu.memory_space<vmem>>) dst(%dma_wait3A_201 : memref<10080x128xf32, #tpu.memory_space<vmem_shared>>)
    %add3A_202 = arith.constant 6 : i32
    %add3A_203 = arith.addi %mul3A_55, %add3A_202 : i32
    %mul3A_204 = arith.constant 80 : i32
    %mul3A_205 = arith.muli %add3A_203, %mul3A_204 : i32
    %add3A_206 = arith.constant 6 : i32
    %add3A_207 = arith.addi %mul3A_55, %add3A_206 : i32
    %mul3A_208 = arith.constant 80 : i32
    %mul3A_209 = arith.muli %add3A_207, %mul3A_208 : i32
    %dma_start3A_210 = tpu.memref_slice %arg3[%mul3A_205] : memref<327680xi32, #tpu.memory_space<hbm>> -> memref<80xi32, #tpu.memory_space<hbm>>
    %dma_start3A_211 = tpu.memref_slice %arg3[%mul3A_205] : memref<327680xi32, #tpu.memory_space<hbm>> -> memref<80xi32, #tpu.memory_space<hbm>>
    tpu.enqueue_dma source(%dma_start3A_211 : memref<80xi32, #tpu.memory_space<hbm>>) target(%arg10 : memref<80xi32, #tpu.memory_space<vmem>>) target_semaphore(%arg21 : memref<!tpu.dma_semaphore, #tpu.memory_space<semaphore_mem>>)
    %dma_start3A_212 = tpu.memref_slice %arg4[%mul3A_209] : memref<327680xi32, #tpu.memory_space<hbm>> -> memref<80xi32, #tpu.memory_space<hbm>>
    %dma_start3A_213 = tpu.memref_slice %arg4[%mul3A_209] : memref<327680xi32, #tpu.memory_space<hbm>> -> memref<80xi32, #tpu.memory_space<hbm>>
    tpu.enqueue_dma source(%dma_start3A_213 : memref<80xi32, #tpu.memory_space<hbm>>) target(%arg14 : memref<80xi32, #tpu.memory_space<vmem>>) target_semaphore(%arg21 : memref<!tpu.dma_semaphore, #tpu.memory_space<semaphore_mem>>)
    %add3A_214 = arith.constant 5 : i32
    %add3A_215 = arith.addi %mul3A_55, %add3A_214 : i32
    %mul3A_216 = arith.constant 80 : i32
    %mul3A_217 = arith.muli %add3A_215, %mul3A_216 : i32
    %dma_wait3A_218 = tpu.memref_slice %arg3[%mul3A_217] : memref<327680xi32, #tpu.memory_space<hbm>> -> memref<80xi32, #tpu.memory_space<hbm>>
    %dma_wait3A_219 = tpu.memref_slice %arg3[%mul3A_217] : memref<327680xi32, #tpu.memory_space<hbm>> -> memref<80xi32, #tpu.memory_space<hbm>>
    tpu.wait_dma2 semaphore(%arg20 : memref<!tpu.dma_semaphore, #tpu.memory_space<semaphore_mem>>) src(%dma_wait3A_219 : memref<80xi32, #tpu.memory_space<hbm>>) dst(%arg9 : memref<80xi32, #tpu.memory_space<vmem>>)
    %dma_wait3A_220 = tpu.memref_slice %arg4[%mul3A_217] : memref<327680xi32, #tpu.memory_space<hbm>> -> memref<80xi32, #tpu.memory_space<hbm>>
    %dma_wait3A_221 = tpu.memref_slice %arg4[%mul3A_217] : memref<327680xi32, #tpu.memory_space<hbm>> -> memref<80xi32, #tpu.memory_space<hbm>>
    tpu.wait_dma2 semaphore(%arg20 : memref<!tpu.dma_semaphore, #tpu.memory_space<semaphore_mem>>) src(%dma_wait3A_221 : memref<80xi32, #tpu.memory_space<hbm>>) dst(%arg13 : memref<80xi32, #tpu.memory_space<vmem>>)
    %dma_start3A_222 = arith.constant 0 : i32
    %dma_start3A_223 = arith.constant 0 : i32
    %dma_start3A_224 = tpu.memref_slice %arg2[%dma_start3A_222, %dma_start3A_223] : memref<10000x128xf32, #tpu.memory_space<hbm>> -> memref<10000x128xf32, #tpu.memory_space<hbm>>
    tpu.enqueue_indirect_dma source(%dma_start3A_224 : memref<10000x128xf32, #tpu.memory_space<hbm>>) target(%arg18 : memref<80x128xf32, #tpu.memory_space<vmem>>) offsets(%arg9 : memref<80xi32, #tpu.memory_space<vmem>>) semaphore(%arg25 : memref<!tpu.dma_semaphore, #tpu.memory_space<semaphore_mem>>)
    %dma_wait3A_225 = arith.constant 0 : i32
    %dma_wait3A_226 = arith.constant 0 : i32
    %dma_wait3A_227 = tpu.memref_slice %arg2[%dma_wait3A_225, %dma_wait3A_226] : memref<10000x128xf32, #tpu.memory_space<hbm>> -> memref<10000x128xf32, #tpu.memory_space<hbm>>
    tpu.wait_indirect_dma semaphore(%arg24 : memref<!tpu.dma_semaphore, #tpu.memory_space<semaphore_mem>>) src(%dma_wait3A_227 : memref<10000x128xf32, #tpu.memory_space<hbm>>) dst(%arg17 : memref<80x128xf32, #tpu.memory_space<vmem>>)
    %dma_start3A_228 = arith.constant 0 : i32
    %dma_start3A_229 = arith.constant 0 : i32
    %dma_start3A_230 = tpu.memref_slice %arg7[%dma_start3A_228, %dma_start3A_229] : memref<10080x128xf32, #tpu.memory_space<vmem_shared>> -> memref<10080x128xf32, #tpu.memory_space<vmem_shared>>
    tpu.enqueue_indirect_dma source(%arg17 : memref<80x128xf32, #tpu.memory_space<vmem>>) target(%dma_start3A_230 : memref<10080x128xf32, #tpu.memory_space<vmem_shared>>) offsets(%arg12 : memref<80xi32, #tpu.memory_space<vmem>>) semaphore(%arg26 : memref<!tpu.dma_semaphore, #tpu.memory_space<semaphore_mem>>) {add = true}
    %dma_wait3A_231 = arith.constant 0 : i32
    %dma_wait3A_232 = arith.constant 0 : i32
    %dma_wait3A_233 = tpu.memref_slice %arg7[%dma_wait3A_231, %dma_wait3A_232] : memref<10080x128xf32, #tpu.memory_space<vmem_shared>> -> memref<10080x128xf32, #tpu.memory_space<vmem_shared>>
    tpu.wait_indirect_dma semaphore(%arg26 : memref<!tpu.dma_semaphore, #tpu.memory_space<semaphore_mem>>) src(%arg16 : memref<80x128xf32, #tpu.memory_space<vmem>>) dst(%dma_wait3A_233 : memref<10080x128xf32, #tpu.memory_space<vmem_shared>>)
    %add3A_234 = arith.constant 7 : i32
    %add3A_235 = arith.addi %mul3A_55, %add3A_234 : i32
    %mul3A_236 = arith.constant 80 : i32
    %mul3A_237 = arith.muli %add3A_235, %mul3A_236 : i32
    %add3A_238 = arith.constant 7 : i32
    %add3A_239 = arith.addi %mul3A_55, %add3A_238 : i32
    %mul3A_240 = arith.constant 80 : i32
    %mul3A_241 = arith.muli %add3A_239, %mul3A_240 : i32
    %dma_start3A_242 = tpu.memref_slice %arg3[%mul3A_237] : memref<327680xi32, #tpu.memory_space<hbm>> -> memref<80xi32, #tpu.memory_space<hbm>>
    %dma_start3A_243 = tpu.memref_slice %arg3[%mul3A_237] : memref<327680xi32, #tpu.memory_space<hbm>> -> memref<80xi32, #tpu.memory_space<hbm>>
    tpu.enqueue_dma source(%dma_start3A_243 : memref<80xi32, #tpu.memory_space<hbm>>) target(%arg11 : memref<80xi32, #tpu.memory_space<vmem>>) target_semaphore(%arg22 : memref<!tpu.dma_semaphore, #tpu.memory_space<semaphore_mem>>)
    %dma_start3A_244 = tpu.memref_slice %arg4[%mul3A_241] : memref<327680xi32, #tpu.memory_space<hbm>> -> memref<80xi32, #tpu.memory_space<hbm>>
    %dma_start3A_245 = tpu.memref_slice %arg4[%mul3A_241] : memref<327680xi32, #tpu.memory_space<hbm>> -> memref<80xi32, #tpu.memory_space<hbm>>
    tpu.enqueue_dma source(%dma_start3A_245 : memref<80xi32, #tpu.memory_space<hbm>>) target(%arg15 : memref<80xi32, #tpu.memory_space<vmem>>) target_semaphore(%arg22 : memref<!tpu.dma_semaphore, #tpu.memory_space<semaphore_mem>>)
    %add3A_246 = arith.constant 6 : i32
    %add3A_247 = arith.addi %mul3A_55, %add3A_246 : i32
    %mul3A_248 = arith.constant 80 : i32
    %mul3A_249 = arith.muli %add3A_247, %mul3A_248 : i32
    %dma_wait3A_250 = tpu.memref_slice %arg3[%mul3A_249] : memref<327680xi32, #tpu.memory_space<hbm>> -> memref<80xi32, #tpu.memory_space<hbm>>
    %dma_wait3A_251 = tpu.memref_slice %arg3[%mul3A_249] : memref<327680xi32, #tpu.memory_space<hbm>> -> memref<80xi32, #tpu.memory_space<hbm>>
    tpu.wait_dma2 semaphore(%arg21 : memref<!tpu.dma_semaphore, #tpu.memory_space<semaphore_mem>>) src(%dma_wait3A_251 : memref<80xi32, #tpu.memory_space<hbm>>) dst(%arg10 : memref<80xi32, #tpu.memory_space<vmem>>)
    %dma_wait3A_252 = tpu.memref_slice %arg4[%mul3A_249] : memref<327680xi32, #tpu.memory_space<hbm>> -> memref<80xi32, #tpu.memory_space<hbm>>
    %dma_wait3A_253 = tpu.memref_slice %arg4[%mul3A_249] : memref<327680xi32, #tpu.memory_space<hbm>> -> memref<80xi32, #tpu.memory_space<hbm>>
    tpu.wait_dma2 semaphore(%arg21 : memref<!tpu.dma_semaphore, #tpu.memory_space<semaphore_mem>>) src(%dma_wait3A_253 : memref<80xi32, #tpu.memory_space<hbm>>) dst(%arg14 : memref<80xi32, #tpu.memory_space<vmem>>)
    %dma_start3A_254 = arith.constant 0 : i32
    %dma_start3A_255 = arith.constant 0 : i32
    %dma_start3A_256 = tpu.memref_slice %arg2[%dma_start3A_254, %dma_start3A_255] : memref<10000x128xf32, #tpu.memory_space<hbm>> -> memref<10000x128xf32, #tpu.memory_space<hbm>>
    tpu.enqueue_indirect_dma source(%dma_start3A_256 : memref<10000x128xf32, #tpu.memory_space<hbm>>) target(%arg16 : memref<80x128xf32, #tpu.memory_space<vmem>>) offsets(%arg10 : memref<80xi32, #tpu.memory_space<vmem>>) semaphore(%arg23 : memref<!tpu.dma_semaphore, #tpu.memory_space<semaphore_mem>>)
    %dma_wait3A_257 = arith.constant 0 : i32
    %dma_wait3A_258 = arith.constant 0 : i32
    %dma_wait3A_259 = tpu.memref_slice %arg2[%dma_wait3A_257, %dma_wait3A_258] : memref<10000x128xf32, #tpu.memory_space<hbm>> -> memref<10000x128xf32, #tpu.memory_space<hbm>>
    tpu.wait_indirect_dma semaphore(%arg25 : memref<!tpu.dma_semaphore, #tpu.memory_space<semaphore_mem>>) src(%dma_wait3A_259 : memref<10000x128xf32, #tpu.memory_space<hbm>>) dst(%arg18 : memref<80x128xf32, #tpu.memory_space<vmem>>)
    %dma_start3A_260 = arith.constant 0 : i32
    %dma_start3A_261 = arith.constant 0 : i32
    %dma_start3A_262 = tpu.memref_slice %arg7[%dma_start3A_260, %dma_start3A_261] : memref<10080x128xf32, #tpu.memory_space<vmem_shared>> -> memref<10080x128xf32, #tpu.memory_space<vmem_shared>>
    tpu.enqueue_indirect_dma source(%arg18 : memref<80x128xf32, #tpu.memory_space<vmem>>) target(%dma_start3A_262 : memref<10080x128xf32, #tpu.memory_space<vmem_shared>>) offsets(%arg13 : memref<80xi32, #tpu.memory_space<vmem>>) semaphore(%arg26 : memref<!tpu.dma_semaphore, #tpu.memory_space<semaphore_mem>>) {add = true}
    %dma_wait3A_263 = arith.constant 0 : i32
    %dma_wait3A_264 = arith.constant 0 : i32
    %dma_wait3A_265 = tpu.memref_slice %arg7[%dma_wait3A_263, %dma_wait3A_264] : memref<10080x128xf32, #tpu.memory_space<vmem_shared>> -> memref<10080x128xf32, #tpu.memory_space<vmem_shared>>
    tpu.wait_indirect_dma semaphore(%arg26 : memref<!tpu.dma_semaphore, #tpu.memory_space<semaphore_mem>>) src(%arg16 : memref<80x128xf32, #tpu.memory_space<vmem>>) dst(%dma_wait3A_265 : memref<10080x128xf32, #tpu.memory_space<vmem_shared>>)
    %add3A_266 = arith.constant 8 : i32
    %add3A_267 = arith.addi %mul3A_55, %add3A_266 : i32
    %mul3A_268 = arith.constant 80 : i32
    %mul3A_269 = arith.muli %add3A_267, %mul3A_268 : i32
    %add3A_270 = arith.constant 8 : i32
    %add3A_271 = arith.addi %mul3A_55, %add3A_270 : i32
    %mul3A_272 = arith.constant 80 : i32
    %mul3A_273 = arith.muli %add3A_271, %mul3A_272 : i32
    %dma_start3A_274 = tpu.memref_slice %arg3[%mul3A_269] : memref<327680xi32, #tpu.memory_space<hbm>> -> memref<80xi32, #tpu.memory_space<hbm>>
    %dma_start3A_275 = tpu.memref_slice %arg3[%mul3A_269] : memref<327680xi32, #tpu.memory_space<hbm>> -> memref<80xi32, #tpu.memory_space<hbm>>
    tpu.enqueue_dma source(%dma_start3A_275 : memref<80xi32, #tpu.memory_space<hbm>>) target(%arg8 : memref<80xi32, #tpu.memory_space<vmem>>) target_semaphore(%arg19 : memref<!tpu.dma_semaphore, #tpu.memory_space<semaphore_mem>>)
    %dma_start3A_276 = tpu.memref_slice %arg4[%mul3A_273] : memref<327680xi32, #tpu.memory_space<hbm>> -> memref<80xi32, #tpu.memory_space<hbm>>
    %dma_start3A_277 = tpu.memref_slice %arg4[%mul3A_273] : memref<327680xi32, #tpu.memory_space<hbm>> -> memref<80xi32, #tpu.memory_space<hbm>>
    tpu.enqueue_dma source(%dma_start3A_277 : memref<80xi32, #tpu.memory_space<hbm>>) target(%arg12 : memref<80xi32, #tpu.memory_space<vmem>>) target_semaphore(%arg19 : memref<!tpu.dma_semaphore, #tpu.memory_space<semaphore_mem>>)
    %add3A_278 = arith.constant 7 : i32
    %add3A_279 = arith.addi %mul3A_55, %add3A_278 : i32
    %mul3A_280 = arith.constant 80 : i32
    %mul3A_281 = arith.muli %add3A_279, %mul3A_280 : i32
    %dma_wait3A_282 = tpu.memref_slice %arg3[%mul3A_281] : memref<327680xi32, #tpu.memory_space<hbm>> -> memref<80xi32, #tpu.memory_space<hbm>>
    %dma_wait3A_283 = tpu.memref_slice %arg3[%mul3A_281] : memref<327680xi32, #tpu.memory_space<hbm>> -> memref<80xi32, #tpu.memory_space<hbm>>
    tpu.wait_dma2 semaphore(%arg22 : memref<!tpu.dma_semaphore, #tpu.memory_space<semaphore_mem>>) src(%dma_wait3A_283 : memref<80xi32, #tpu.memory_space<hbm>>) dst(%arg11 : memref<80xi32, #tpu.memory_space<vmem>>)
    %dma_wait3A_284 = tpu.memref_slice %arg4[%mul3A_281] : memref<327680xi32, #tpu.memory_space<hbm>> -> memref<80xi32, #tpu.memory_space<hbm>>
    %dma_wait3A_285 = tpu.memref_slice %arg4[%mul3A_281] : memref<327680xi32, #tpu.memory_space<hbm>> -> memref<80xi32, #tpu.memory_space<hbm>>
    tpu.wait_dma2 semaphore(%arg22 : memref<!tpu.dma_semaphore, #tpu.memory_space<semaphore_mem>>) src(%dma_wait3A_285 : memref<80xi32, #tpu.memory_space<hbm>>) dst(%arg15 : memref<80xi32, #tpu.memory_space<vmem>>)
    %dma_start3A_286 = arith.constant 0 : i32
    %dma_start3A_287 = arith.constant 0 : i32
    %dma_start3A_288 = tpu.memref_slice %arg2[%dma_start3A_286, %dma_start3A_287] : memref<10000x128xf32, #tpu.memory_space<hbm>> -> memref<10000x128xf32, #tpu.memory_space<hbm>>
    tpu.enqueue_indirect_dma source(%dma_start3A_288 : memref<10000x128xf32, #tpu.memory_space<hbm>>) target(%arg17 : memref<80x128xf32, #tpu.memory_space<vmem>>) offsets(%arg11 : memref<80xi32, #tpu.memory_space<vmem>>) semaphore(%arg24 : memref<!tpu.dma_semaphore, #tpu.memory_space<semaphore_mem>>)
    %dma_wait3A_289 = arith.constant 0 : i32
    %dma_wait3A_290 = arith.constant 0 : i32
    %dma_wait3A_291 = tpu.memref_slice %arg2[%dma_wait3A_289, %dma_wait3A_290] : memref<10000x128xf32, #tpu.memory_space<hbm>> -> memref<10000x128xf32, #tpu.memory_space<hbm>>
    tpu.wait_indirect_dma semaphore(%arg23 : memref<!tpu.dma_semaphore, #tpu.memory_space<semaphore_mem>>) src(%dma_wait3A_291 : memref<10000x128xf32, #tpu.memory_space<hbm>>) dst(%arg16 : memref<80x128xf32, #tpu.memory_space<vmem>>)
    %dma_start3A_292 = arith.constant 0 : i32
    %dma_start3A_293 = arith.constant 0 : i32
    %dma_start3A_294 = tpu.memref_slice %arg7[%dma_start3A_292, %dma_start3A_293] : memref<10080x128xf32, #tpu.memory_space<vmem_shared>> -> memref<10080x128xf32, #tpu.memory_space<vmem_shared>>
    tpu.enqueue_indirect_dma source(%arg16 : memref<80x128xf32, #tpu.memory_space<vmem>>) target(%dma_start3A_294 : memref<10080x128xf32, #tpu.memory_space<vmem_shared>>) offsets(%arg14 : memref<80xi32, #tpu.memory_space<vmem>>) semaphore(%arg26 : memref<!tpu.dma_semaphore, #tpu.memory_space<semaphore_mem>>) {add = true}
    %dma_wait3A_295 = arith.constant 0 : i32
    %dma_wait3A_296 = arith.constant 0 : i32
    %dma_wait3A_297 = tpu.memref_slice %arg7[%dma_wait3A_295, %dma_wait3A_296] : memref<10080x128xf32, #tpu.memory_space<vmem_shared>> -> memref<10080x128xf32, #tpu.memory_space<vmem_shared>>
    tpu.wait_indirect_dma semaphore(%arg26 : memref<!tpu.dma_semaphore, #tpu.memory_space<semaphore_mem>>) src(%arg16 : memref<80x128xf32, #tpu.memory_space<vmem>>) dst(%dma_wait3A_297 : memref<10080x128xf32, #tpu.memory_space<vmem_shared>>)
    %add3A_298 = arith.constant 9 : i32
    %add3A_299 = arith.addi %mul3A_55, %add3A_298 : i32
    %mul3A_300 = arith.constant 80 : i32
    %mul3A_301 = arith.muli %add3A_299, %mul3A_300 : i32
    %add3A_302 = arith.constant 9 : i32
    %add3A_303 = arith.addi %mul3A_55, %add3A_302 : i32
    %mul3A_304 = arith.constant 80 : i32
    %mul3A_305 = arith.muli %add3A_303, %mul3A_304 : i32
    %dma_start3A_306 = tpu.memref_slice %arg3[%mul3A_301] : memref<327680xi32, #tpu.memory_space<hbm>> -> memref<80xi32, #tpu.memory_space<hbm>>
    %dma_start3A_307 = tpu.memref_slice %arg3[%mul3A_301] : memref<327680xi32, #tpu.memory_space<hbm>> -> memref<80xi32, #tpu.memory_space<hbm>>
    tpu.enqueue_dma source(%dma_start3A_307 : memref<80xi32, #tpu.memory_space<hbm>>) target(%arg9 : memref<80xi32, #tpu.memory_space<vmem>>) target_semaphore(%arg20 : memref<!tpu.dma_semaphore, #tpu.memory_space<semaphore_mem>>)
    %dma_start3A_308 = tpu.memref_slice %arg4[%mul3A_305] : memref<327680xi32, #tpu.memory_space<hbm>> -> memref<80xi32, #tpu.memory_space<hbm>>
    %dma_start3A_309 = tpu.memref_slice %arg4[%mul3A_305] : memref<327680xi32, #tpu.memory_space<hbm>> -> memref<80xi32, #tpu.memory_space<hbm>>
    tpu.enqueue_dma source(%dma_start3A_309 : memref<80xi32, #tpu.memory_space<hbm>>) target(%arg13 : memref<80xi32, #tpu.memory_space<vmem>>) target_semaphore(%arg20 : memref<!tpu.dma_semaphore, #tpu.memory_space<semaphore_mem>>)
    %add3A_310 = arith.constant 8 : i32
    %add3A_311 = arith.addi %mul3A_55, %add3A_310 : i32
    %mul3A_312 = arith.constant 80 : i32
    %mul3A_313 = arith.muli %add3A_311, %mul3A_312 : i32
    %dma_wait3A_314 = tpu.memref_slice %arg3[%mul3A_313] : memref<327680xi32, #tpu.memory_space<hbm>> -> memref<80xi32, #tpu.memory_space<hbm>>
    %dma_wait3A_315 = tpu.memref_slice %arg3[%mul3A_313] : memref<327680xi32, #tpu.memory_space<hbm>> -> memref<80xi32, #tpu.memory_space<hbm>>
    tpu.wait_dma2 semaphore(%arg19 : memref<!tpu.dma_semaphore, #tpu.memory_space<semaphore_mem>>) src(%dma_wait3A_315 : memref<80xi32, #tpu.memory_space<hbm>>) dst(%arg8 : memref<80xi32, #tpu.memory_space<vmem>>)
    %dma_wait3A_316 = tpu.memref_slice %arg4[%mul3A_313] : memref<327680xi32, #tpu.memory_space<hbm>> -> memref<80xi32, #tpu.memory_space<hbm>>
    %dma_wait3A_317 = tpu.memref_slice %arg4[%mul3A_313] : memref<327680xi32, #tpu.memory_space<hbm>> -> memref<80xi32, #tpu.memory_space<hbm>>
    tpu.wait_dma2 semaphore(%arg19 : memref<!tpu.dma_semaphore, #tpu.memory_space<semaphore_mem>>) src(%dma_wait3A_317 : memref<80xi32, #tpu.memory_space<hbm>>) dst(%arg12 : memref<80xi32, #tpu.memory_space<vmem>>)
    %dma_start3A_318 = arith.constant 0 : i32
    %dma_start3A_319 = arith.constant 0 : i32
    %dma_start3A_320 = tpu.memref_slice %arg2[%dma_start3A_318, %dma_start3A_319] : memref<10000x128xf32, #tpu.memory_space<hbm>> -> memref<10000x128xf32, #tpu.memory_space<hbm>>
    tpu.enqueue_indirect_dma source(%dma_start3A_320 : memref<10000x128xf32, #tpu.memory_space<hbm>>) target(%arg18 : memref<80x128xf32, #tpu.memory_space<vmem>>) offsets(%arg8 : memref<80xi32, #tpu.memory_space<vmem>>) semaphore(%arg25 : memref<!tpu.dma_semaphore, #tpu.memory_space<semaphore_mem>>)
    %dma_wait3A_321 = arith.constant 0 : i32
    %dma_wait3A_322 = arith.constant 0 : i32
    %dma_wait3A_323 = tpu.memref_slice %arg2[%dma_wait3A_321, %dma_wait3A_322] : memref<10000x128xf32, #tpu.memory_space<hbm>> -> memref<10000x128xf32, #tpu.memory_space<hbm>>
    tpu.wait_indirect_dma semaphore(%arg24 : memref<!tpu.dma_semaphore, #tpu.memory_space<semaphore_mem>>) src(%dma_wait3A_323 : memref<10000x128xf32, #tpu.memory_space<hbm>>) dst(%arg17 : memref<80x128xf32, #tpu.memory_space<vmem>>)
    %dma_start3A_324 = arith.constant 0 : i32
    %dma_start3A_325 = arith.constant 0 : i32
    %dma_start3A_326 = tpu.memref_slice %arg7[%dma_start3A_324, %dma_start3A_325] : memref<10080x128xf32, #tpu.memory_space<vmem_shared>> -> memref<10080x128xf32, #tpu.memory_space<vmem_shared>>
    tpu.enqueue_indirect_dma source(%arg17 : memref<80x128xf32, #tpu.memory_space<vmem>>) target(%dma_start3A_326 : memref<10080x128xf32, #tpu.memory_space<vmem_shared>>) offsets(%arg15 : memref<80xi32, #tpu.memory_space<vmem>>) semaphore(%arg26 : memref<!tpu.dma_semaphore, #tpu.memory_space<semaphore_mem>>) {add = true}
    %dma_wait3A_327 = arith.constant 0 : i32
    %dma_wait3A_328 = arith.constant 0 : i32
    %dma_wait3A_329 = tpu.memref_slice %arg7[%dma_wait3A_327, %dma_wait3A_328] : memref<10080x128xf32, #tpu.memory_space<vmem_shared>> -> memref<10080x128xf32, #tpu.memory_space<vmem_shared>>
    tpu.wait_indirect_dma semaphore(%arg26 : memref<!tpu.dma_semaphore, #tpu.memory_space<semaphore_mem>>) src(%arg16 : memref<80x128xf32, #tpu.memory_space<vmem>>) dst(%dma_wait3A_329 : memref<10080x128xf32, #tpu.memory_space<vmem_shared>>)
    %add3A_330 = arith.constant 10 : i32
    %add3A_331 = arith.addi %mul3A_55, %add3A_330 : i32
    %mul3A_332 = arith.constant 80 : i32
    %mul3A_333 = arith.muli %add3A_331, %mul3A_332 : i32
    %add3A_334 = arith.constant 10 : i32
    %add3A_335 = arith.addi %mul3A_55, %add3A_334 : i32
    %mul3A_336 = arith.constant 80 : i32
    %mul3A_337 = arith.muli %add3A_335, %mul3A_336 : i32
    %dma_start3A_338 = tpu.memref_slice %arg3[%mul3A_333] : memref<327680xi32, #tpu.memory_space<hbm>> -> memref<80xi32, #tpu.memory_space<hbm>>
    %dma_start3A_339 = tpu.memref_slice %arg3[%mul3A_333] : memref<327680xi32, #tpu.memory_space<hbm>> -> memref<80xi32, #tpu.memory_space<hbm>>
    tpu.enqueue_dma source(%dma_start3A_339 : memref<80xi32, #tpu.memory_space<hbm>>) target(%arg10 : memref<80xi32, #tpu.memory_space<vmem>>) target_semaphore(%arg21 : memref<!tpu.dma_semaphore, #tpu.memory_space<semaphore_mem>>)
    %dma_start3A_340 = tpu.memref_slice %arg4[%mul3A_337] : memref<327680xi32, #tpu.memory_space<hbm>> -> memref<80xi32, #tpu.memory_space<hbm>>
    %dma_start3A_341 = tpu.memref_slice %arg4[%mul3A_337] : memref<327680xi32, #tpu.memory_space<hbm>> -> memref<80xi32, #tpu.memory_space<hbm>>
    tpu.enqueue_dma source(%dma_start3A_341 : memref<80xi32, #tpu.memory_space<hbm>>) target(%arg14 : memref<80xi32, #tpu.memory_space<vmem>>) target_semaphore(%arg21 : memref<!tpu.dma_semaphore, #tpu.memory_space<semaphore_mem>>)
    %add3A_342 = arith.constant 9 : i32
    %add3A_343 = arith.addi %mul3A_55, %add3A_342 : i32
    %mul3A_344 = arith.constant 80 : i32
    %mul3A_345 = arith.muli %add3A_343, %mul3A_344 : i32
    %dma_wait3A_346 = tpu.memref_slice %arg3[%mul3A_345] : memref<327680xi32, #tpu.memory_space<hbm>> -> memref<80xi32, #tpu.memory_space<hbm>>
    %dma_wait3A_347 = tpu.memref_slice %arg3[%mul3A_345] : memref<327680xi32, #tpu.memory_space<hbm>> -> memref<80xi32, #tpu.memory_space<hbm>>
    tpu.wait_dma2 semaphore(%arg20 : memref<!tpu.dma_semaphore, #tpu.memory_space<semaphore_mem>>) src(%dma_wait3A_347 : memref<80xi32, #tpu.memory_space<hbm>>) dst(%arg9 : memref<80xi32, #tpu.memory_space<vmem>>)
    %dma_wait3A_348 = tpu.memref_slice %arg4[%mul3A_345] : memref<327680xi32, #tpu.memory_space<hbm>> -> memref<80xi32, #tpu.memory_space<hbm>>
    %dma_wait3A_349 = tpu.memref_slice %arg4[%mul3A_345] : memref<327680xi32, #tpu.memory_space<hbm>> -> memref<80xi32, #tpu.memory_space<hbm>>
    tpu.wait_dma2 semaphore(%arg20 : memref<!tpu.dma_semaphore, #tpu.memory_space<semaphore_mem>>) src(%dma_wait3A_349 : memref<80xi32, #tpu.memory_space<hbm>>) dst(%arg13 : memref<80xi32, #tpu.memory_space<vmem>>)
    %dma_start3A_350 = arith.constant 0 : i32
    %dma_start3A_351 = arith.constant 0 : i32
    %dma_start3A_352 = tpu.memref_slice %arg2[%dma_start3A_350, %dma_start3A_351] : memref<10000x128xf32, #tpu.memory_space<hbm>> -> memref<10000x128xf32, #tpu.memory_space<hbm>>
    tpu.enqueue_indirect_dma source(%dma_start3A_352 : memref<10000x128xf32, #tpu.memory_space<hbm>>) target(%arg16 : memref<80x128xf32, #tpu.memory_space<vmem>>) offsets(%arg9 : memref<80xi32, #tpu.memory_space<vmem>>) semaphore(%arg23 : memref<!tpu.dma_semaphore, #tpu.memory_space<semaphore_mem>>)
    %dma_wait3A_353 = arith.constant 0 : i32
    %dma_wait3A_354 = arith.constant 0 : i32
    %dma_wait3A_355 = tpu.memref_slice %arg2[%dma_wait3A_353, %dma_wait3A_354] : memref<10000x128xf32, #tpu.memory_space<hbm>> -> memref<10000x128xf32, #tpu.memory_space<hbm>>
    tpu.wait_indirect_dma semaphore(%arg25 : memref<!tpu.dma_semaphore, #tpu.memory_space<semaphore_mem>>) src(%dma_wait3A_355 : memref<10000x128xf32, #tpu.memory_space<hbm>>) dst(%arg18 : memref<80x128xf32, #tpu.memory_space<vmem>>)
    %dma_start3A_356 = arith.constant 0 : i32
    %dma_start3A_357 = arith.constant 0 : i32
    %dma_start3A_358 = tpu.memref_slice %arg7[%dma_start3A_356, %dma_start3A_357] : memref<10080x128xf32, #tpu.memory_space<vmem_shared>> -> memref<10080x128xf32, #tpu.memory_space<vmem_shared>>
    tpu.enqueue_indirect_dma source(%arg18 : memref<80x128xf32, #tpu.memory_space<vmem>>) target(%dma_start3A_358 : memref<10080x128xf32, #tpu.memory_space<vmem_shared>>) offsets(%arg12 : memref<80xi32, #tpu.memory_space<vmem>>) semaphore(%arg26 : memref<!tpu.dma_semaphore, #tpu.memory_space<semaphore_mem>>) {add = true}
    %dma_wait3A_359 = arith.constant 0 : i32
    %dma_wait3A_360 = arith.constant 0 : i32
    %dma_wait3A_361 = tpu.memref_slice %arg7[%dma_wait3A_359, %dma_wait3A_360] : memref<10080x128xf32, #tpu.memory_space<vmem_shared>> -> memref<10080x128xf32, #tpu.memory_space<vmem_shared>>
    tpu.wait_indirect_dma semaphore(%arg26 : memref<!tpu.dma_semaphore, #tpu.memory_space<semaphore_mem>>) src(%arg16 : memref<80x128xf32, #tpu.memory_space<vmem>>) dst(%dma_wait3A_361 : memref<10080x128xf32, #tpu.memory_space<vmem_shared>>)
    %add3A_362 = arith.constant 11 : i32
    %add3A_363 = arith.addi %mul3A_55, %add3A_362 : i32
    %mul3A_364 = arith.constant 80 : i32
    %mul3A_365 = arith.muli %add3A_363, %mul3A_364 : i32
    %add3A_366 = arith.constant 11 : i32
    %add3A_367 = arith.addi %mul3A_55, %add3A_366 : i32
    %mul3A_368 = arith.constant 80 : i32
    %mul3A_369 = arith.muli %add3A_367, %mul3A_368 : i32
    %dma_start3A_370 = tpu.memref_slice %arg3[%mul3A_365] : memref<327680xi32, #tpu.memory_space<hbm>> -> memref<80xi32, #tpu.memory_space<hbm>>
    %dma_start3A_371 = tpu.memref_slice %arg3[%mul3A_365] : memref<327680xi32, #tpu.memory_space<hbm>> -> memref<80xi32, #tpu.memory_space<hbm>>
    tpu.enqueue_dma source(%dma_start3A_371 : memref<80xi32, #tpu.memory_space<hbm>>) target(%arg11 : memref<80xi32, #tpu.memory_space<vmem>>) target_semaphore(%arg22 : memref<!tpu.dma_semaphore, #tpu.memory_space<semaphore_mem>>)
    %dma_start3A_372 = tpu.memref_slice %arg4[%mul3A_369] : memref<327680xi32, #tpu.memory_space<hbm>> -> memref<80xi32, #tpu.memory_space<hbm>>
    %dma_start3A_373 = tpu.memref_slice %arg4[%mul3A_369] : memref<327680xi32, #tpu.memory_space<hbm>> -> memref<80xi32, #tpu.memory_space<hbm>>
    tpu.enqueue_dma source(%dma_start3A_373 : memref<80xi32, #tpu.memory_space<hbm>>) target(%arg15 : memref<80xi32, #tpu.memory_space<vmem>>) target_semaphore(%arg22 : memref<!tpu.dma_semaphore, #tpu.memory_space<semaphore_mem>>)
    %add3A_374 = arith.constant 10 : i32
    %add3A_375 = arith.addi %mul3A_55, %add3A_374 : i32
    %mul3A_376 = arith.constant 80 : i32
    %mul3A_377 = arith.muli %add3A_375, %mul3A_376 : i32
    %dma_wait3A_378 = tpu.memref_slice %arg3[%mul3A_377] : memref<327680xi32, #tpu.memory_space<hbm>> -> memref<80xi32, #tpu.memory_space<hbm>>
    %dma_wait3A_379 = tpu.memref_slice %arg3[%mul3A_377] : memref<327680xi32, #tpu.memory_space<hbm>> -> memref<80xi32, #tpu.memory_space<hbm>>
    tpu.wait_dma2 semaphore(%arg21 : memref<!tpu.dma_semaphore, #tpu.memory_space<semaphore_mem>>) src(%dma_wait3A_379 : memref<80xi32, #tpu.memory_space<hbm>>) dst(%arg10 : memref<80xi32, #tpu.memory_space<vmem>>)
    %dma_wait3A_380 = tpu.memref_slice %arg4[%mul3A_377] : memref<327680xi32, #tpu.memory_space<hbm>> -> memref<80xi32, #tpu.memory_space<hbm>>
    %dma_wait3A_381 = tpu.memref_slice %arg4[%mul3A_377] : memref<327680xi32, #tpu.memory_space<hbm>> -> memref<80xi32, #tpu.memory_space<hbm>>
    tpu.wait_dma2 semaphore(%arg21 : memref<!tpu.dma_semaphore, #tpu.memory_space<semaphore_mem>>) src(%dma_wait3A_381 : memref<80xi32, #tpu.memory_space<hbm>>) dst(%arg14 : memref<80xi32, #tpu.memory_space<vmem>>)
    %dma_start3A_382 = arith.constant 0 : i32
    %dma_start3A_383 = arith.constant 0 : i32
    %dma_start3A_384 = tpu.memref_slice %arg2[%dma_start3A_382, %dma_start3A_383] : memref<10000x128xf32, #tpu.memory_space<hbm>> -> memref<10000x128xf32, #tpu.memory_space<hbm>>
    tpu.enqueue_indirect_dma source(%dma_start3A_384 : memref<10000x128xf32, #tpu.memory_space<hbm>>) target(%arg17 : memref<80x128xf32, #tpu.memory_space<vmem>>) offsets(%arg10 : memref<80xi32, #tpu.memory_space<vmem>>) semaphore(%arg24 : memref<!tpu.dma_semaphore, #tpu.memory_space<semaphore_mem>>)
    %dma_wait3A_385 = arith.constant 0 : i32
    %dma_wait3A_386 = arith.constant 0 : i32
    %dma_wait3A_387 = tpu.memref_slice %arg2[%dma_wait3A_385, %dma_wait3A_386] : memref<10000x128xf32, #tpu.memory_space<hbm>> -> memref<10000x128xf32, #tpu.memory_space<hbm>>
    tpu.wait_indirect_dma semaphore(%arg23 : memref<!tpu.dma_semaphore, #tpu.memory_space<semaphore_mem>>) src(%dma_wait3A_387 : memref<10000x128xf32, #tpu.memory_space<hbm>>) dst(%arg16 : memref<80x128xf32, #tpu.memory_space<vmem>>)
    %dma_start3A_388 = arith.constant 0 : i32
    %dma_start3A_389 = arith.constant 0 : i32
    %dma_start3A_390 = tpu.memref_slice %arg7[%dma_start3A_388, %dma_start3A_389] : memref<10080x128xf32, #tpu.memory_space<vmem_shared>> -> memref<10080x128xf32, #tpu.memory_space<vmem_shared>>
    tpu.enqueue_indirect_dma source(%arg16 : memref<80x128xf32, #tpu.memory_space<vmem>>) target(%dma_start3A_390 : memref<10080x128xf32, #tpu.memory_space<vmem_shared>>) offsets(%arg13 : memref<80xi32, #tpu.memory_space<vmem>>) semaphore(%arg26 : memref<!tpu.dma_semaphore, #tpu.memory_space<semaphore_mem>>) {add = true}
    %dma_wait3A_391 = arith.constant 0 : i32
    %dma_wait3A_392 = arith.constant 0 : i32
    %dma_wait3A_393 = tpu.memref_slice %arg7[%dma_wait3A_391, %dma_wait3A_392] : memref<10080x128xf32, #tpu.memory_space<vmem_shared>> -> memref<10080x128xf32, #tpu.memory_space<vmem_shared>>
    tpu.wait_indirect_dma semaphore(%arg26 : memref<!tpu.dma_semaphore, #tpu.memory_space<semaphore_mem>>) src(%arg16 : memref<80x128xf32, #tpu.memory_space<vmem>>) dst(%dma_wait3A_393 : memref<10080x128xf32, #tpu.memory_space<vmem_shared>>)
    %add3A_394 = arith.constant 12 : i32
    %add3A_395 = arith.addi %mul3A_55, %add3A_394 : i32
    %mul3A_396 = arith.constant 80 : i32
    %mul3A_397 = arith.muli %add3A_395, %mul3A_396 : i32
    %add3A_398 = arith.constant 12 : i32
    %add3A_399 = arith.addi %mul3A_55, %add3A_398 : i32
    %mul3A_400 = arith.constant 80 : i32
    %mul3A_401 = arith.muli %add3A_399, %mul3A_400 : i32
    %dma_start3A_402 = tpu.memref_slice %arg3[%mul3A_397] : memref<327680xi32, #tpu.memory_space<hbm>> -> memref<80xi32, #tpu.memory_space<hbm>>
    %dma_start3A_403 = tpu.memref_slice %arg3[%mul3A_397] : memref<327680xi32, #tpu.memory_space<hbm>> -> memref<80xi32, #tpu.memory_space<hbm>>
    tpu.enqueue_dma source(%dma_start3A_403 : memref<80xi32, #tpu.memory_space<hbm>>) target(%arg8 : memref<80xi32, #tpu.memory_space<vmem>>) target_semaphore(%arg19 : memref<!tpu.dma_semaphore, #tpu.memory_space<semaphore_mem>>)
    %dma_start3A_404 = tpu.memref_slice %arg4[%mul3A_401] : memref<327680xi32, #tpu.memory_space<hbm>> -> memref<80xi32, #tpu.memory_space<hbm>>
    %dma_start3A_405 = tpu.memref_slice %arg4[%mul3A_401] : memref<327680xi32, #tpu.memory_space<hbm>> -> memref<80xi32, #tpu.memory_space<hbm>>
    tpu.enqueue_dma source(%dma_start3A_405 : memref<80xi32, #tpu.memory_space<hbm>>) target(%arg12 : memref<80xi32, #tpu.memory_space<vmem>>) target_semaphore(%arg19 : memref<!tpu.dma_semaphore, #tpu.memory_space<semaphore_mem>>)
    %add3A_406 = arith.constant 11 : i32
    %add3A_407 = arith.addi %mul3A_55, %add3A_406 : i32
    %mul3A_408 = arith.constant 80 : i32
    %mul3A_409 = arith.muli %add3A_407, %mul3A_408 : i32
    %dma_wait3A_410 = tpu.memref_slice %arg3[%mul3A_409] : memref<327680xi32, #tpu.memory_space<hbm>> -> memref<80xi32, #tpu.memory_space<hbm>>
    %dma_wait3A_411 = tpu.memref_slice %arg3[%mul3A_409] : memref<327680xi32, #tpu.memory_space<hbm>> -> memref<80xi32, #tpu.memory_space<hbm>>
    tpu.wait_dma2 semaphore(%arg22 : memref<!tpu.dma_semaphore, #tpu.memory_space<semaphore_mem>>) src(%dma_wait3A_411 : memref<80xi32, #tpu.memory_space<hbm>>) dst(%arg11 : memref<80xi32, #tpu.memory_space<vmem>>)
    %dma_wait3A_412 = tpu.memref_slice %arg4[%mul3A_409] : memref<327680xi32, #tpu.memory_space<hbm>> -> memref<80xi32, #tpu.memory_space<hbm>>
    %dma_wait3A_413 = tpu.memref_slice %arg4[%mul3A_409] : memref<327680xi32, #tpu.memory_space<hbm>> -> memref<80xi32, #tpu.memory_space<hbm>>
    tpu.wait_dma2 semaphore(%arg22 : memref<!tpu.dma_semaphore, #tpu.memory_space<semaphore_mem>>) src(%dma_wait3A_413 : memref<80xi32, #tpu.memory_space<hbm>>) dst(%arg15 : memref<80xi32, #tpu.memory_space<vmem>>)
    %dma_start3A_414 = arith.constant 0 : i32
    %dma_start3A_415 = arith.constant 0 : i32
    %dma_start3A_416 = tpu.memref_slice %arg2[%dma_start3A_414, %dma_start3A_415] : memref<10000x128xf32, #tpu.memory_space<hbm>> -> memref<10000x128xf32, #tpu.memory_space<hbm>>
    tpu.enqueue_indirect_dma source(%dma_start3A_416 : memref<10000x128xf32, #tpu.memory_space<hbm>>) target(%arg18 : memref<80x128xf32, #tpu.memory_space<vmem>>) offsets(%arg11 : memref<80xi32, #tpu.memory_space<vmem>>) semaphore(%arg25 : memref<!tpu.dma_semaphore, #tpu.memory_space<semaphore_mem>>)
    %dma_wait3A_417 = arith.constant 0 : i32
    %dma_wait3A_418 = arith.constant 0 : i32
    %dma_wait3A_419 = tpu.memref_slice %arg2[%dma_wait3A_417, %dma_wait3A_418] : memref<10000x128xf32, #tpu.memory_space<hbm>> -> memref<10000x128xf32, #tpu.memory_space<hbm>>
    tpu.wait_indirect_dma semaphore(%arg24 : memref<!tpu.dma_semaphore, #tpu.memory_space<semaphore_mem>>) src(%dma_wait3A_419 : memref<10000x128xf32, #tpu.memory_space<hbm>>) dst(%arg17 : memref<80x128xf32, #tpu.memory_space<vmem>>)
    %dma_start3A_420 = arith.constant 0 : i32
    %dma_start3A_421 = arith.constant 0 : i32
    %dma_start3A_422 = tpu.memref_slice %arg7[%dma_start3A_420, %dma_start3A_421] : memref<10080x128xf32, #tpu.memory_space<vmem_shared>> -> memref<10080x128xf32, #tpu.memory_space<vmem_shared>>
    tpu.enqueue_indirect_dma source(%arg17 : memref<80x128xf32, #tpu.memory_space<vmem>>) target(%dma_start3A_422 : memref<10080x128xf32, #tpu.memory_space<vmem_shared>>) offsets(%arg14 : memref<80xi32, #tpu.memory_space<vmem>>) semaphore(%arg26 : memref<!tpu.dma_semaphore, #tpu.memory_space<semaphore_mem>>) {add = true}
    %dma_wait3A_423 = arith.constant 0 : i32
    %dma_wait3A_424 = arith.constant 0 : i32
    %dma_wait3A_425 = tpu.memref_slice %arg7[%dma_wait3A_423, %dma_wait3A_424] : memref<10080x128xf32, #tpu.memory_space<vmem_shared>> -> memref<10080x128xf32, #tpu.memory_space<vmem_shared>>
    tpu.wait_indirect_dma semaphore(%arg26 : memref<!tpu.dma_semaphore, #tpu.memory_space<semaphore_mem>>) src(%arg16 : memref<80x128xf32, #tpu.memory_space<vmem>>) dst(%dma_wait3A_425 : memref<10080x128xf32, #tpu.memory_space<vmem_shared>>)
    %add3A_426 = arith.constant 13 : i32
    %add3A_427 = arith.addi %mul3A_55, %add3A_426 : i32
    %mul3A_428 = arith.constant 80 : i32
    %mul3A_429 = arith.muli %add3A_427, %mul3A_428 : i32
    %add3A_430 = arith.constant 13 : i32
    %add3A_431 = arith.addi %mul3A_55, %add3A_430 : i32
    %mul3A_432 = arith.constant 80 : i32
    %mul3A_433 = arith.muli %add3A_431, %mul3A_432 : i32
    %dma_start3A_434 = tpu.memref_slice %arg3[%mul3A_429] : memref<327680xi32, #tpu.memory_space<hbm>> -> memref<80xi32, #tpu.memory_space<hbm>>
    %dma_start3A_435 = tpu.memref_slice %arg3[%mul3A_429] : memref<327680xi32, #tpu.memory_space<hbm>> -> memref<80xi32, #tpu.memory_space<hbm>>
    tpu.enqueue_dma source(%dma_start3A_435 : memref<80xi32, #tpu.memory_space<hbm>>) target(%arg9 : memref<80xi32, #tpu.memory_space<vmem>>) target_semaphore(%arg20 : memref<!tpu.dma_semaphore, #tpu.memory_space<semaphore_mem>>)
    %dma_start3A_436 = tpu.memref_slice %arg4[%mul3A_433] : memref<327680xi32, #tpu.memory_space<hbm>> -> memref<80xi32, #tpu.memory_space<hbm>>
    %dma_start3A_437 = tpu.memref_slice %arg4[%mul3A_433] : memref<327680xi32, #tpu.memory_space<hbm>> -> memref<80xi32, #tpu.memory_space<hbm>>
    tpu.enqueue_dma source(%dma_start3A_437 : memref<80xi32, #tpu.memory_space<hbm>>) target(%arg13 : memref<80xi32, #tpu.memory_space<vmem>>) target_semaphore(%arg20 : memref<!tpu.dma_semaphore, #tpu.memory_space<semaphore_mem>>)
    %add3A_438 = arith.constant 12 : i32
    %add3A_439 = arith.addi %mul3A_55, %add3A_438 : i32
    %mul3A_440 = arith.constant 80 : i32
    %mul3A_441 = arith.muli %add3A_439, %mul3A_440 : i32
    %dma_wait3A_442 = tpu.memref_slice %arg3[%mul3A_441] : memref<327680xi32, #tpu.memory_space<hbm>> -> memref<80xi32, #tpu.memory_space<hbm>>
    %dma_wait3A_443 = tpu.memref_slice %arg3[%mul3A_441] : memref<327680xi32, #tpu.memory_space<hbm>> -> memref<80xi32, #tpu.memory_space<hbm>>
    tpu.wait_dma2 semaphore(%arg19 : memref<!tpu.dma_semaphore, #tpu.memory_space<semaphore_mem>>) src(%dma_wait3A_443 : memref<80xi32, #tpu.memory_space<hbm>>) dst(%arg8 : memref<80xi32, #tpu.memory_space<vmem>>)
    %dma_wait3A_444 = tpu.memref_slice %arg4[%mul3A_441] : memref<327680xi32, #tpu.memory_space<hbm>> -> memref<80xi32, #tpu.memory_space<hbm>>
    %dma_wait3A_445 = tpu.memref_slice %arg4[%mul3A_441] : memref<327680xi32, #tpu.memory_space<hbm>> -> memref<80xi32, #tpu.memory_space<hbm>>
    tpu.wait_dma2 semaphore(%arg19 : memref<!tpu.dma_semaphore, #tpu.memory_space<semaphore_mem>>) src(%dma_wait3A_445 : memref<80xi32, #tpu.memory_space<hbm>>) dst(%arg12 : memref<80xi32, #tpu.memory_space<vmem>>)
    %dma_start3A_446 = arith.constant 0 : i32
    %dma_start3A_447 = arith.constant 0 : i32
    %dma_start3A_448 = tpu.memref_slice %arg2[%dma_start3A_446, %dma_start3A_447] : memref<10000x128xf32, #tpu.memory_space<hbm>> -> memref<10000x128xf32, #tpu.memory_space<hbm>>
    tpu.enqueue_indirect_dma source(%dma_start3A_448 : memref<10000x128xf32, #tpu.memory_space<hbm>>) target(%arg16 : memref<80x128xf32, #tpu.memory_space<vmem>>) offsets(%arg8 : memref<80xi32, #tpu.memory_space<vmem>>) semaphore(%arg23 : memref<!tpu.dma_semaphore, #tpu.memory_space<semaphore_mem>>)
    %dma_wait3A_449 = arith.constant 0 : i32
    %dma_wait3A_450 = arith.constant 0 : i32
    %dma_wait3A_451 = tpu.memref_slice %arg2[%dma_wait3A_449, %dma_wait3A_450] : memref<10000x128xf32, #tpu.memory_space<hbm>> -> memref<10000x128xf32, #tpu.memory_space<hbm>>
    tpu.wait_indirect_dma semaphore(%arg25 : memref<!tpu.dma_semaphore, #tpu.memory_space<semaphore_mem>>) src(%dma_wait3A_451 : memref<10000x128xf32, #tpu.memory_space<hbm>>) dst(%arg18 : memref<80x128xf32, #tpu.memory_space<vmem>>)
    %dma_start3A_452 = arith.constant 0 : i32
    %dma_start3A_453 = arith.constant 0 : i32
    %dma_start3A_454 = tpu.memref_slice %arg7[%dma_start3A_452, %dma_start3A_453] : memref<10080x128xf32, #tpu.memory_space<vmem_shared>> -> memref<10080x128xf32, #tpu.memory_space<vmem_shared>>
    tpu.enqueue_indirect_dma source(%arg18 : memref<80x128xf32, #tpu.memory_space<vmem>>) target(%dma_start3A_454 : memref<10080x128xf32, #tpu.memory_space<vmem_shared>>) offsets(%arg15 : memref<80xi32, #tpu.memory_space<vmem>>) semaphore(%arg26 : memref<!tpu.dma_semaphore, #tpu.memory_space<semaphore_mem>>) {add = true}
    %dma_wait3A_455 = arith.constant 0 : i32
    %dma_wait3A_456 = arith.constant 0 : i32
    %dma_wait3A_457 = tpu.memref_slice %arg7[%dma_wait3A_455, %dma_wait3A_456] : memref<10080x128xf32, #tpu.memory_space<vmem_shared>> -> memref<10080x128xf32, #tpu.memory_space<vmem_shared>>
    tpu.wait_indirect_dma semaphore(%arg26 : memref<!tpu.dma_semaphore, #tpu.memory_space<semaphore_mem>>) src(%arg16 : memref<80x128xf32, #tpu.memory_space<vmem>>) dst(%dma_wait3A_457 : memref<10080x128xf32, #tpu.memory_space<vmem_shared>>)
    %add3A_458 = arith.constant 14 : i32
    %add3A_459 = arith.addi %mul3A_55, %add3A_458 : i32
    %mul3A_460 = arith.constant 80 : i32
    %mul3A_461 = arith.muli %add3A_459, %mul3A_460 : i32
    %add3A_462 = arith.constant 14 : i32
    %add3A_463 = arith.addi %mul3A_55, %add3A_462 : i32
    %mul3A_464 = arith.constant 80 : i32
    %mul3A_465 = arith.muli %add3A_463, %mul3A_464 : i32
    %dma_start3A_466 = tpu.memref_slice %arg3[%mul3A_461] : memref<327680xi32, #tpu.memory_space<hbm>> -> memref<80xi32, #tpu.memory_space<hbm>>
    %dma_start3A_467 = tpu.memref_slice %arg3[%mul3A_461] : memref<327680xi32, #tpu.memory_space<hbm>> -> memref<80xi32, #tpu.memory_space<hbm>>
    tpu.enqueue_dma source(%dma_start3A_467 : memref<80xi32, #tpu.memory_space<hbm>>) target(%arg10 : memref<80xi32, #tpu.memory_space<vmem>>) target_semaphore(%arg21 : memref<!tpu.dma_semaphore, #tpu.memory_space<semaphore_mem>>)
    %dma_start3A_468 = tpu.memref_slice %arg4[%mul3A_465] : memref<327680xi32, #tpu.memory_space<hbm>> -> memref<80xi32, #tpu.memory_space<hbm>>
    %dma_start3A_469 = tpu.memref_slice %arg4[%mul3A_465] : memref<327680xi32, #tpu.memory_space<hbm>> -> memref<80xi32, #tpu.memory_space<hbm>>
    tpu.enqueue_dma source(%dma_start3A_469 : memref<80xi32, #tpu.memory_space<hbm>>) target(%arg14 : memref<80xi32, #tpu.memory_space<vmem>>) target_semaphore(%arg21 : memref<!tpu.dma_semaphore, #tpu.memory_space<semaphore_mem>>)
    %scan3A = arith.constant 1 : i32
    %scan3A_470 = arith.constant 9 : i32
    %scan3A_471 = arith.addi %scan3A, %scan3A_470 : i32
    %scan3A_472 = arith.constant 1 : i32
    scf.for %scan3A_743 = %scan3A to %scan3A_471 step %scan3A_472  : i32 {
      %mul3A_744 = arith.constant 12 : i32
      %mul3A_745 = arith.muli %mul3A_744, %scan3A_743 : i32
      %add3A_746 = arith.constant 0 : i32
      %add3A_747 = arith.addi %mul3A_745, %add3A_746 : i32
      %add3A_748 = arith.constant 1 : i32
      %add3A_749 = arith.addi %add3A_747, %add3A_748 : i32
      %lt3A_750 = arith.constant 128 : i32
      %lt3A_751 = arith.cmpi slt, %add3A_749, %lt3A_750 : i32
      %convert_element_type3A_752 = arith.extui %lt3A_751 : i1 to i32
      %cond3A_753 = arith.constant 0 : i32
      %cond3A_754 = arith.cmpi ne, %convert_element_type3A_752, %cond3A_753 : i32
      scf.if %cond3A_754 {
        %add3A_1046 = arith.constant 1 : i32
        %add3A_1047 = arith.addi %add3A_747, %add3A_1046 : i32
        %add3A_1048 = arith.addi %mul3A_55, %add3A_1047 : i32
        %mul3A_1049 = arith.constant 80 : i32
        %mul3A_1050 = arith.muli %add3A_1048, %mul3A_1049 : i32
        %dma_wait3A_1051 = tpu.memref_slice %arg3[%mul3A_1050] : memref<327680xi32, #tpu.memory_space<hbm>> -> memref<80xi32, #tpu.memory_space<hbm>>
        %dma_wait3A_1052 = tpu.memref_slice %arg3[%mul3A_1050] : memref<327680xi32, #tpu.memory_space<hbm>> -> memref<80xi32, #tpu.memory_space<hbm>>
        tpu.wait_dma2 semaphore(%arg20 : memref<!tpu.dma_semaphore, #tpu.memory_space<semaphore_mem>>) src(%dma_wait3A_1052 : memref<80xi32, #tpu.memory_space<hbm>>) dst(%arg9 : memref<80xi32, #tpu.memory_space<vmem>>)
        %dma_wait3A_1053 = tpu.memref_slice %arg4[%mul3A_1050] : memref<327680xi32, #tpu.memory_space<hbm>> -> memref<80xi32, #tpu.memory_space<hbm>>
        %dma_wait3A_1054 = tpu.memref_slice %arg4[%mul3A_1050] : memref<327680xi32, #tpu.memory_space<hbm>> -> memref<80xi32, #tpu.memory_space<hbm>>
        tpu.wait_dma2 semaphore(%arg20 : memref<!tpu.dma_semaphore, #tpu.memory_space<semaphore_mem>>) src(%dma_wait3A_1054 : memref<80xi32, #tpu.memory_space<hbm>>) dst(%arg13 : memref<80xi32, #tpu.memory_space<vmem>>)
        %dma_start3A_1055 = arith.constant 0 : i32
        %dma_start3A_1056 = arith.constant 0 : i32
        %dma_start3A_1057 = tpu.memref_slice %arg2[%dma_start3A_1055, %dma_start3A_1056] : memref<10000x128xf32, #tpu.memory_space<hbm>> -> memref<10000x128xf32, #tpu.memory_space<hbm>>
        tpu.enqueue_indirect_dma source(%dma_start3A_1057 : memref<10000x128xf32, #tpu.memory_space<hbm>>) target(%arg17 : memref<80x128xf32, #tpu.memory_space<vmem>>) offsets(%arg9 : memref<80xi32, #tpu.memory_space<vmem>>) semaphore(%arg24 : memref<!tpu.dma_semaphore, #tpu.memory_space<semaphore_mem>>)
      } else {
      }
      %dma_wait3A_755 = arith.constant 0 : i32
      %dma_wait3A_756 = arith.constant 0 : i32
      %dma_wait3A_757 = tpu.memref_slice %arg2[%dma_wait3A_755, %dma_wait3A_756] : memref<10000x128xf32, #tpu.memory_space<hbm>> -> memref<10000x128xf32, #tpu.memory_space<hbm>>
      tpu.wait_indirect_dma semaphore(%arg23 : memref<!tpu.dma_semaphore, #tpu.memory_space<semaphore_mem>>) src(%dma_wait3A_757 : memref<10000x128xf32, #tpu.memory_space<hbm>>) dst(%arg16 : memref<80x128xf32, #tpu.memory_space<vmem>>)
      %dma_start3A_758 = arith.constant 0 : i32
      %dma_start3A_759 = arith.constant 0 : i32
      %dma_start3A_760 = tpu.memref_slice %arg7[%dma_start3A_758, %dma_start3A_759] : memref<10080x128xf32, #tpu.memory_space<vmem_shared>> -> memref<10080x128xf32, #tpu.memory_space<vmem_shared>>
      tpu.enqueue_indirect_dma source(%arg16 : memref<80x128xf32, #tpu.memory_space<vmem>>) target(%dma_start3A_760 : memref<10080x128xf32, #tpu.memory_space<vmem_shared>>) offsets(%arg12 : memref<80xi32, #tpu.memory_space<vmem>>) semaphore(%arg26 : memref<!tpu.dma_semaphore, #tpu.memory_space<semaphore_mem>>) {add = true}
      %dma_wait3A_761 = arith.constant 0 : i32
      %dma_wait3A_762 = arith.constant 0 : i32
      %dma_wait3A_763 = tpu.memref_slice %arg7[%dma_wait3A_761, %dma_wait3A_762] : memref<10080x128xf32, #tpu.memory_space<vmem_shared>> -> memref<10080x128xf32, #tpu.memory_space<vmem_shared>>
      tpu.wait_indirect_dma semaphore(%arg26 : memref<!tpu.dma_semaphore, #tpu.memory_space<semaphore_mem>>) src(%arg16 : memref<80x128xf32, #tpu.memory_space<vmem>>) dst(%dma_wait3A_763 : memref<10080x128xf32, #tpu.memory_space<vmem_shared>>)
      %add3A_764 = arith.constant 3 : i32
      %add3A_765 = arith.addi %add3A_747, %add3A_764 : i32
      %lt3A_766 = arith.constant 128 : i32
      %lt3A_767 = arith.cmpi slt, %add3A_765, %lt3A_766 : i32
      %convert_element_type3A_768 = arith.extui %lt3A_767 : i1 to i32
      %cond3A_769 = arith.constant 0 : i32
      %cond3A_770 = arith.cmpi ne, %convert_element_type3A_768, %cond3A_769 : i32
      scf.if %cond3A_770 {
        %add3A_1046 = arith.constant 3 : i32
        %add3A_1047 = arith.addi %add3A_747, %add3A_1046 : i32
        %add3A_1048 = arith.addi %mul3A_55, %add3A_1047 : i32
        %mul3A_1049 = arith.constant 80 : i32
        %mul3A_1050 = arith.muli %add3A_1048, %mul3A_1049 : i32
        %add3A_1051 = arith.addi %mul3A_55, %add3A_1047 : i32
        %mul3A_1052 = arith.constant 80 : i32
        %mul3A_1053 = arith.muli %add3A_1051, %mul3A_1052 : i32
        %dma_start3A_1054 = tpu.memref_slice %arg3[%mul3A_1050] : memref<327680xi32, #tpu.memory_space<hbm>> -> memref<80xi32, #tpu.memory_space<hbm>>
        %dma_start3A_1055 = tpu.memref_slice %arg3[%mul3A_1050] : memref<327680xi32, #tpu.memory_space<hbm>> -> memref<80xi32, #tpu.memory_space<hbm>>
        tpu.enqueue_dma source(%dma_start3A_1055 : memref<80xi32, #tpu.memory_space<hbm>>) target(%arg11 : memref<80xi32, #tpu.memory_space<vmem>>) target_semaphore(%arg22 : memref<!tpu.dma_semaphore, #tpu.memory_space<semaphore_mem>>)
        %dma_start3A_1056 = tpu.memref_slice %arg4[%mul3A_1053] : memref<327680xi32, #tpu.memory_space<hbm>> -> memref<80xi32, #tpu.memory_space<hbm>>
        %dma_start3A_1057 = tpu.memref_slice %arg4[%mul3A_1053] : memref<327680xi32, #tpu.memory_space<hbm>> -> memref<80xi32, #tpu.memory_space<hbm>>
        tpu.enqueue_dma source(%dma_start3A_1057 : memref<80xi32, #tpu.memory_space<hbm>>) target(%arg15 : memref<80xi32, #tpu.memory_space<vmem>>) target_semaphore(%arg22 : memref<!tpu.dma_semaphore, #tpu.memory_space<semaphore_mem>>)
      } else {
      }
      %add3A_771 = arith.constant 1 : i32
      %add3A_772 = arith.addi %mul3A_745, %add3A_771 : i32
      %add3A_773 = arith.constant 1 : i32
      %add3A_774 = arith.addi %add3A_772, %add3A_773 : i32
      %lt3A_775 = arith.constant 128 : i32
      %lt3A_776 = arith.cmpi slt, %add3A_774, %lt3A_775 : i32
      %convert_element_type3A_777 = arith.extui %lt3A_776 : i1 to i32
      %cond3A_778 = arith.constant 0 : i32
      %cond3A_779 = arith.cmpi ne, %convert_element_type3A_777, %cond3A_778 : i32
      scf.if %cond3A_779 {
        %add3A_1046 = arith.constant 1 : i32
        %add3A_1047 = arith.addi %add3A_772, %add3A_1046 : i32
        %add3A_1048 = arith.addi %mul3A_55, %add3A_1047 : i32
        %mul3A_1049 = arith.constant 80 : i32
        %mul3A_1050 = arith.muli %add3A_1048, %mul3A_1049 : i32
        %dma_wait3A_1051 = tpu.memref_slice %arg3[%mul3A_1050] : memref<327680xi32, #tpu.memory_space<hbm>> -> memref<80xi32, #tpu.memory_space<hbm>>
        %dma_wait3A_1052 = tpu.memref_slice %arg3[%mul3A_1050] : memref<327680xi32, #tpu.memory_space<hbm>> -> memref<80xi32, #tpu.memory_space<hbm>>
        tpu.wait_dma2 semaphore(%arg21 : memref<!tpu.dma_semaphore, #tpu.memory_space<semaphore_mem>>) src(%dma_wait3A_1052 : memref<80xi32, #tpu.memory_space<hbm>>) dst(%arg10 : memref<80xi32, #tpu.memory_space<vmem>>)
        %dma_wait3A_1053 = tpu.memref_slice %arg4[%mul3A_1050] : memref<327680xi32, #tpu.memory_space<hbm>> -> memref<80xi32, #tpu.memory_space<hbm>>
        %dma_wait3A_1054 = tpu.memref_slice %arg4[%mul3A_1050] : memref<327680xi32, #tpu.memory_space<hbm>> -> memref<80xi32, #tpu.memory_space<hbm>>
        tpu.wait_dma2 semaphore(%arg21 : memref<!tpu.dma_semaphore, #tpu.memory_space<semaphore_mem>>) src(%dma_wait3A_1054 : memref<80xi32, #tpu.memory_space<hbm>>) dst(%arg14 : memref<80xi32, #tpu.memory_space<vmem>>)
        %dma_start3A_1055 = arith.constant 0 : i32
        %dma_start3A_1056 = arith.constant 0 : i32
        %dma_start3A_1057 = tpu.memref_slice %arg2[%dma_start3A_1055, %dma_start3A_1056] : memref<10000x128xf32, #tpu.memory_space<hbm>> -> memref<10000x128xf32, #tpu.memory_space<hbm>>
        tpu.enqueue_indirect_dma source(%dma_start3A_1057 : memref<10000x128xf32, #tpu.memory_space<hbm>>) target(%arg18 : memref<80x128xf32, #tpu.memory_space<vmem>>) offsets(%arg10 : memref<80xi32, #tpu.memory_space<vmem>>) semaphore(%arg25 : memref<!tpu.dma_semaphore, #tpu.memory_space<semaphore_mem>>)
      } else {
      }
      %dma_wait3A_780 = arith.constant 0 : i32
      %dma_wait3A_781 = arith.constant 0 : i32
      %dma_wait3A_782 = tpu.memref_slice %arg2[%dma_wait3A_780, %dma_wait3A_781] : memref<10000x128xf32, #tpu.memory_space<hbm>> -> memref<10000x128xf32, #tpu.memory_space<hbm>>
      tpu.wait_indirect_dma semaphore(%arg24 : memref<!tpu.dma_semaphore, #tpu.memory_space<semaphore_mem>>) src(%dma_wait3A_782 : memref<10000x128xf32, #tpu.memory_space<hbm>>) dst(%arg17 : memref<80x128xf32, #tpu.memory_space<vmem>>)
      %dma_start3A_783 = arith.constant 0 : i32
      %dma_start3A_784 = arith.constant 0 : i32
      %dma_start3A_785 = tpu.memref_slice %arg7[%dma_start3A_783, %dma_start3A_784] : memref<10080x128xf32, #tpu.memory_space<vmem_shared>> -> memref<10080x128xf32, #tpu.memory_space<vmem_shared>>
      tpu.enqueue_indirect_dma source(%arg17 : memref<80x128xf32, #tpu.memory_space<vmem>>) target(%dma_start3A_785 : memref<10080x128xf32, #tpu.memory_space<vmem_shared>>) offsets(%arg13 : memref<80xi32, #tpu.memory_space<vmem>>) semaphore(%arg26 : memref<!tpu.dma_semaphore, #tpu.memory_space<semaphore_mem>>) {add = true}
      %dma_wait3A_786 = arith.constant 0 : i32
      %dma_wait3A_787 = arith.constant 0 : i32
      %dma_wait3A_788 = tpu.memref_slice %arg7[%dma_wait3A_786, %dma_wait3A_787] : memref<10080x128xf32, #tpu.memory_space<vmem_shared>> -> memref<10080x128xf32, #tpu.memory_space<vmem_shared>>
      tpu.wait_indirect_dma semaphore(%arg26 : memref<!tpu.dma_semaphore, #tpu.memory_space<semaphore_mem>>) src(%arg16 : memref<80x128xf32, #tpu.memory_space<vmem>>) dst(%dma_wait3A_788 : memref<10080x128xf32, #tpu.memory_space<vmem_shared>>)
      %add3A_789 = arith.constant 3 : i32
      %add3A_790 = arith.addi %add3A_772, %add3A_789 : i32
      %lt3A_791 = arith.constant 128 : i32
      %lt3A_792 = arith.cmpi slt, %add3A_790, %lt3A_791 : i32
      %convert_element_type3A_793 = arith.extui %lt3A_792 : i1 to i32
      %cond3A_794 = arith.constant 0 : i32
      %cond3A_795 = arith.cmpi ne, %convert_element_type3A_793, %cond3A_794 : i32
      scf.if %cond3A_795 {
        %add3A_1046 = arith.constant 3 : i32
        %add3A_1047 = arith.addi %add3A_772, %add3A_1046 : i32
        %add3A_1048 = arith.addi %mul3A_55, %add3A_1047 : i32
        %mul3A_1049 = arith.constant 80 : i32
        %mul3A_1050 = arith.muli %add3A_1048, %mul3A_1049 : i32
        %add3A_1051 = arith.addi %mul3A_55, %add3A_1047 : i32
        %mul3A_1052 = arith.constant 80 : i32
        %mul3A_1053 = arith.muli %add3A_1051, %mul3A_1052 : i32
        %dma_start3A_1054 = tpu.memref_slice %arg3[%mul3A_1050] : memref<327680xi32, #tpu.memory_space<hbm>> -> memref<80xi32, #tpu.memory_space<hbm>>
        %dma_start3A_1055 = tpu.memref_slice %arg3[%mul3A_1050] : memref<327680xi32, #tpu.memory_space<hbm>> -> memref<80xi32, #tpu.memory_space<hbm>>
        tpu.enqueue_dma source(%dma_start3A_1055 : memref<80xi32, #tpu.memory_space<hbm>>) target(%arg8 : memref<80xi32, #tpu.memory_space<vmem>>) target_semaphore(%arg19 : memref<!tpu.dma_semaphore, #tpu.memory_space<semaphore_mem>>)
        %dma_start3A_1056 = tpu.memref_slice %arg4[%mul3A_1053] : memref<327680xi32, #tpu.memory_space<hbm>> -> memref<80xi32, #tpu.memory_space<hbm>>
        %dma_start3A_1057 = tpu.memref_slice %arg4[%mul3A_1053] : memref<327680xi32, #tpu.memory_space<hbm>> -> memref<80xi32, #tpu.memory_space<hbm>>
        tpu.enqueue_dma source(%dma_start3A_1057 : memref<80xi32, #tpu.memory_space<hbm>>) target(%arg12 : memref<80xi32, #tpu.memory_space<vmem>>) target_semaphore(%arg19 : memref<!tpu.dma_semaphore, #tpu.memory_space<semaphore_mem>>)
      } else {
      }
      %add3A_796 = arith.constant 2 : i32
      %add3A_797 = arith.addi %mul3A_745, %add3A_796 : i32
      %add3A_798 = arith.constant 1 : i32
      %add3A_799 = arith.addi %add3A_797, %add3A_798 : i32
      %lt3A_800 = arith.constant 128 : i32
      %lt3A_801 = arith.cmpi slt, %add3A_799, %lt3A_800 : i32
      %convert_element_type3A_802 = arith.extui %lt3A_801 : i1 to i32
      %cond3A_803 = arith.constant 0 : i32
      %cond3A_804 = arith.cmpi ne, %convert_element_type3A_802, %cond3A_803 : i32
      scf.if %cond3A_804 {
        %add3A_1046 = arith.constant 1 : i32
        %add3A_1047 = arith.addi %add3A_797, %add3A_1046 : i32
        %add3A_1048 = arith.addi %mul3A_55, %add3A_1047 : i32
        %mul3A_1049 = arith.constant 80 : i32
        %mul3A_1050 = arith.muli %add3A_1048, %mul3A_1049 : i32
        %dma_wait3A_1051 = tpu.memref_slice %arg3[%mul3A_1050] : memref<327680xi32, #tpu.memory_space<hbm>> -> memref<80xi32, #tpu.memory_space<hbm>>
        %dma_wait3A_1052 = tpu.memref_slice %arg3[%mul3A_1050] : memref<327680xi32, #tpu.memory_space<hbm>> -> memref<80xi32, #tpu.memory_space<hbm>>
        tpu.wait_dma2 semaphore(%arg22 : memref<!tpu.dma_semaphore, #tpu.memory_space<semaphore_mem>>) src(%dma_wait3A_1052 : memref<80xi32, #tpu.memory_space<hbm>>) dst(%arg11 : memref<80xi32, #tpu.memory_space<vmem>>)
        %dma_wait3A_1053 = tpu.memref_slice %arg4[%mul3A_1050] : memref<327680xi32, #tpu.memory_space<hbm>> -> memref<80xi32, #tpu.memory_space<hbm>>
        %dma_wait3A_1054 = tpu.memref_slice %arg4[%mul3A_1050] : memref<327680xi32, #tpu.memory_space<hbm>> -> memref<80xi32, #tpu.memory_space<hbm>>
        tpu.wait_dma2 semaphore(%arg22 : memref<!tpu.dma_semaphore, #tpu.memory_space<semaphore_mem>>) src(%dma_wait3A_1054 : memref<80xi32, #tpu.memory_space<hbm>>) dst(%arg15 : memref<80xi32, #tpu.memory_space<vmem>>)
        %dma_start3A_1055 = arith.constant 0 : i32
        %dma_start3A_1056 = arith.constant 0 : i32
        %dma_start3A_1057 = tpu.memref_slice %arg2[%dma_start3A_1055, %dma_start3A_1056] : memref<10000x128xf32, #tpu.memory_space<hbm>> -> memref<10000x128xf32, #tpu.memory_space<hbm>>
        tpu.enqueue_indirect_dma source(%dma_start3A_1057 : memref<10000x128xf32, #tpu.memory_space<hbm>>) target(%arg16 : memref<80x128xf32, #tpu.memory_space<vmem>>) offsets(%arg11 : memref<80xi32, #tpu.memory_space<vmem>>) semaphore(%arg23 : memref<!tpu.dma_semaphore, #tpu.memory_space<semaphore_mem>>)
      } else {
      }
      %dma_wait3A_805 = arith.constant 0 : i32
      %dma_wait3A_806 = arith.constant 0 : i32
      %dma_wait3A_807 = tpu.memref_slice %arg2[%dma_wait3A_805, %dma_wait3A_806] : memref<10000x128xf32, #tpu.memory_space<hbm>> -> memref<10000x128xf32, #tpu.memory_space<hbm>>
      tpu.wait_indirect_dma semaphore(%arg25 : memref<!tpu.dma_semaphore, #tpu.memory_space<semaphore_mem>>) src(%dma_wait3A_807 : memref<10000x128xf32, #tpu.memory_space<hbm>>) dst(%arg18 : memref<80x128xf32, #tpu.memory_space<vmem>>)
      %dma_start3A_808 = arith.constant 0 : i32
      %dma_start3A_809 = arith.constant 0 : i32
      %dma_start3A_810 = tpu.memref_slice %arg7[%dma_start3A_808, %dma_start3A_809] : memref<10080x128xf32, #tpu.memory_space<vmem_shared>> -> memref<10080x128xf32, #tpu.memory_space<vmem_shared>>
      tpu.enqueue_indirect_dma source(%arg18 : memref<80x128xf32, #tpu.memory_space<vmem>>) target(%dma_start3A_810 : memref<10080x128xf32, #tpu.memory_space<vmem_shared>>) offsets(%arg14 : memref<80xi32, #tpu.memory_space<vmem>>) semaphore(%arg26 : memref<!tpu.dma_semaphore, #tpu.memory_space<semaphore_mem>>) {add = true}
      %dma_wait3A_811 = arith.constant 0 : i32
      %dma_wait3A_812 = arith.constant 0 : i32
      %dma_wait3A_813 = tpu.memref_slice %arg7[%dma_wait3A_811, %dma_wait3A_812] : memref<10080x128xf32, #tpu.memory_space<vmem_shared>> -> memref<10080x128xf32, #tpu.memory_space<vmem_shared>>
      tpu.wait_indirect_dma semaphore(%arg26 : memref<!tpu.dma_semaphore, #tpu.memory_space<semaphore_mem>>) src(%arg16 : memref<80x128xf32, #tpu.memory_space<vmem>>) dst(%dma_wait3A_813 : memref<10080x128xf32, #tpu.memory_space<vmem_shared>>)
      %add3A_814 = arith.constant 3 : i32
      %add3A_815 = arith.addi %add3A_797, %add3A_814 : i32
      %lt3A_816 = arith.constant 128 : i32
      %lt3A_817 = arith.cmpi slt, %add3A_815, %lt3A_816 : i32
      %convert_element_type3A_818 = arith.extui %lt3A_817 : i1 to i32
      %cond3A_819 = arith.constant 0 : i32
      %cond3A_820 = arith.cmpi ne, %convert_element_type3A_818, %cond3A_819 : i32
      scf.if %cond3A_820 {
        %add3A_1046 = arith.constant 3 : i32
        %add3A_1047 = arith.addi %add3A_797, %add3A_1046 : i32
        %add3A_1048 = arith.addi %mul3A_55, %add3A_1047 : i32
        %mul3A_1049 = arith.constant 80 : i32
        %mul3A_1050 = arith.muli %add3A_1048, %mul3A_1049 : i32
        %add3A_1051 = arith.addi %mul3A_55, %add3A_1047 : i32
        %mul3A_1052 = arith.constant 80 : i32
        %mul3A_1053 = arith.muli %add3A_1051, %mul3A_1052 : i32
        %dma_start3A_1054 = tpu.memref_slice %arg3[%mul3A_1050] : memref<327680xi32, #tpu.memory_space<hbm>> -> memref<80xi32, #tpu.memory_space<hbm>>
        %dma_start3A_1055 = tpu.memref_slice %arg3[%mul3A_1050] : memref<327680xi32, #tpu.memory_space<hbm>> -> memref<80xi32, #tpu.memory_space<hbm>>
        tpu.enqueue_dma source(%dma_start3A_1055 : memref<80xi32, #tpu.memory_space<hbm>>) target(%arg9 : memref<80xi32, #tpu.memory_space<vmem>>) target_semaphore(%arg20 : memref<!tpu.dma_semaphore, #tpu.memory_space<semaphore_mem>>)
        %dma_start3A_1056 = tpu.memref_slice %arg4[%mul3A_1053] : memref<327680xi32, #tpu.memory_space<hbm>> -> memref<80xi32, #tpu.memory_space<hbm>>
        %dma_start3A_1057 = tpu.memref_slice %arg4[%mul3A_1053] : memref<327680xi32, #tpu.memory_space<hbm>> -> memref<80xi32, #tpu.memory_space<hbm>>
        tpu.enqueue_dma source(%dma_start3A_1057 : memref<80xi32, #tpu.memory_space<hbm>>) target(%arg13 : memref<80xi32, #tpu.memory_space<vmem>>) target_semaphore(%arg20 : memref<!tpu.dma_semaphore, #tpu.memory_space<semaphore_mem>>)
      } else {
      }
      %add3A_821 = arith.constant 3 : i32
      %add3A_822 = arith.addi %mul3A_745, %add3A_821 : i32
      %add3A_823 = arith.constant 1 : i32
      %add3A_824 = arith.addi %add3A_822, %add3A_823 : i32
      %lt3A_825 = arith.constant 128 : i32
      %lt3A_826 = arith.cmpi slt, %add3A_824, %lt3A_825 : i32
      %convert_element_type3A_827 = arith.extui %lt3A_826 : i1 to i32
      %cond3A_828 = arith.constant 0 : i32
      %cond3A_829 = arith.cmpi ne, %convert_element_type3A_827, %cond3A_828 : i32
      scf.if %cond3A_829 {
        %add3A_1046 = arith.constant 1 : i32
        %add3A_1047 = arith.addi %add3A_822, %add3A_1046 : i32
        %add3A_1048 = arith.addi %mul3A_55, %add3A_1047 : i32
        %mul3A_1049 = arith.constant 80 : i32
        %mul3A_1050 = arith.muli %add3A_1048, %mul3A_1049 : i32
        %dma_wait3A_1051 = tpu.memref_slice %arg3[%mul3A_1050] : memref<327680xi32, #tpu.memory_space<hbm>> -> memref<80xi32, #tpu.memory_space<hbm>>
        %dma_wait3A_1052 = tpu.memref_slice %arg3[%mul3A_1050] : memref<327680xi32, #tpu.memory_space<hbm>> -> memref<80xi32, #tpu.memory_space<hbm>>
        tpu.wait_dma2 semaphore(%arg19 : memref<!tpu.dma_semaphore, #tpu.memory_space<semaphore_mem>>) src(%dma_wait3A_1052 : memref<80xi32, #tpu.memory_space<hbm>>) dst(%arg8 : memref<80xi32, #tpu.memory_space<vmem>>)
        %dma_wait3A_1053 = tpu.memref_slice %arg4[%mul3A_1050] : memref<327680xi32, #tpu.memory_space<hbm>> -> memref<80xi32, #tpu.memory_space<hbm>>
        %dma_wait3A_1054 = tpu.memref_slice %arg4[%mul3A_1050] : memref<327680xi32, #tpu.memory_space<hbm>> -> memref<80xi32, #tpu.memory_space<hbm>>
        tpu.wait_dma2 semaphore(%arg19 : memref<!tpu.dma_semaphore, #tpu.memory_space<semaphore_mem>>) src(%dma_wait3A_1054 : memref<80xi32, #tpu.memory_space<hbm>>) dst(%arg12 : memref<80xi32, #tpu.memory_space<vmem>>)
        %dma_start3A_1055 = arith.constant 0 : i32
        %dma_start3A_1056 = arith.constant 0 : i32
        %dma_start3A_1057 = tpu.memref_slice %arg2[%dma_start3A_1055, %dma_start3A_1056] : memref<10000x128xf32, #tpu.memory_space<hbm>> -> memref<10000x128xf32, #tpu.memory_space<hbm>>
        tpu.enqueue_indirect_dma source(%dma_start3A_1057 : memref<10000x128xf32, #tpu.memory_space<hbm>>) target(%arg17 : memref<80x128xf32, #tpu.memory_space<vmem>>) offsets(%arg8 : memref<80xi32, #tpu.memory_space<vmem>>) semaphore(%arg24 : memref<!tpu.dma_semaphore, #tpu.memory_space<semaphore_mem>>)
      } else {
      }
      %dma_wait3A_830 = arith.constant 0 : i32
      %dma_wait3A_831 = arith.constant 0 : i32
      %dma_wait3A_832 = tpu.memref_slice %arg2[%dma_wait3A_830, %dma_wait3A_831] : memref<10000x128xf32, #tpu.memory_space<hbm>> -> memref<10000x128xf32, #tpu.memory_space<hbm>>
      tpu.wait_indirect_dma semaphore(%arg23 : memref<!tpu.dma_semaphore, #tpu.memory_space<semaphore_mem>>) src(%dma_wait3A_832 : memref<10000x128xf32, #tpu.memory_space<hbm>>) dst(%arg16 : memref<80x128xf32, #tpu.memory_space<vmem>>)
      %dma_start3A_833 = arith.constant 0 : i32
      %dma_start3A_834 = arith.constant 0 : i32
      %dma_start3A_835 = tpu.memref_slice %arg7[%dma_start3A_833, %dma_start3A_834] : memref<10080x128xf32, #tpu.memory_space<vmem_shared>> -> memref<10080x128xf32, #tpu.memory_space<vmem_shared>>
      tpu.enqueue_indirect_dma source(%arg16 : memref<80x128xf32, #tpu.memory_space<vmem>>) target(%dma_start3A_835 : memref<10080x128xf32, #tpu.memory_space<vmem_shared>>) offsets(%arg15 : memref<80xi32, #tpu.memory_space<vmem>>) semaphore(%arg26 : memref<!tpu.dma_semaphore, #tpu.memory_space<semaphore_mem>>) {add = true}
      %dma_wait3A_836 = arith.constant 0 : i32
      %dma_wait3A_837 = arith.constant 0 : i32
      %dma_wait3A_838 = tpu.memref_slice %arg7[%dma_wait3A_836, %dma_wait3A_837] : memref<10080x128xf32, #tpu.memory_space<vmem_shared>> -> memref<10080x128xf32, #tpu.memory_space<vmem_shared>>
      tpu.wait_indirect_dma semaphore(%arg26 : memref<!tpu.dma_semaphore, #tpu.memory_space<semaphore_mem>>) src(%arg16 : memref<80x128xf32, #tpu.memory_space<vmem>>) dst(%dma_wait3A_838 : memref<10080x128xf32, #tpu.memory_space<vmem_shared>>)
      %add3A_839 = arith.constant 3 : i32
      %add3A_840 = arith.addi %add3A_822, %add3A_839 : i32
      %lt3A_841 = arith.constant 128 : i32
      %lt3A_842 = arith.cmpi slt, %add3A_840, %lt3A_841 : i32
      %convert_element_type3A_843 = arith.extui %lt3A_842 : i1 to i32
      %cond3A_844 = arith.constant 0 : i32
      %cond3A_845 = arith.cmpi ne, %convert_element_type3A_843, %cond3A_844 : i32
      scf.if %cond3A_845 {
        %add3A_1046 = arith.constant 3 : i32
        %add3A_1047 = arith.addi %add3A_822, %add3A_1046 : i32
        %add3A_1048 = arith.addi %mul3A_55, %add3A_1047 : i32
        %mul3A_1049 = arith.constant 80 : i32
        %mul3A_1050 = arith.muli %add3A_1048, %mul3A_1049 : i32
        %add3A_1051 = arith.addi %mul3A_55, %add3A_1047 : i32
        %mul3A_1052 = arith.constant 80 : i32
        %mul3A_1053 = arith.muli %add3A_1051, %mul3A_1052 : i32
        %dma_start3A_1054 = tpu.memref_slice %arg3[%mul3A_1050] : memref<327680xi32, #tpu.memory_space<hbm>> -> memref<80xi32, #tpu.memory_space<hbm>>
        %dma_start3A_1055 = tpu.memref_slice %arg3[%mul3A_1050] : memref<327680xi32, #tpu.memory_space<hbm>> -> memref<80xi32, #tpu.memory_space<hbm>>
        tpu.enqueue_dma source(%dma_start3A_1055 : memref<80xi32, #tpu.memory_space<hbm>>) target(%arg10 : memref<80xi32, #tpu.memory_space<vmem>>) target_semaphore(%arg21 : memref<!tpu.dma_semaphore, #tpu.memory_space<semaphore_mem>>)
        %dma_start3A_1056 = tpu.memref_slice %arg4[%mul3A_1053] : memref<327680xi32, #tpu.memory_space<hbm>> -> memref<80xi32, #tpu.memory_space<hbm>>
        %dma_start3A_1057 = tpu.memref_slice %arg4[%mul3A_1053] : memref<327680xi32, #tpu.memory_space<hbm>> -> memref<80xi32, #tpu.memory_space<hbm>>
        tpu.enqueue_dma source(%dma_start3A_1057 : memref<80xi32, #tpu.memory_space<hbm>>) target(%arg14 : memref<80xi32, #tpu.memory_space<vmem>>) target_semaphore(%arg21 : memref<!tpu.dma_semaphore, #tpu.memory_space<semaphore_mem>>)
      } else {
      }
      %add3A_846 = arith.constant 4 : i32
      %add3A_847 = arith.addi %mul3A_745, %add3A_846 : i32
      %add3A_848 = arith.constant 1 : i32
      %add3A_849 = arith.addi %add3A_847, %add3A_848 : i32
      %lt3A_850 = arith.constant 128 : i32
      %lt3A_851 = arith.cmpi slt, %add3A_849, %lt3A_850 : i32
      %convert_element_type3A_852 = arith.extui %lt3A_851 : i1 to i32
      %cond3A_853 = arith.constant 0 : i32
      %cond3A_854 = arith.cmpi ne, %convert_element_type3A_852, %cond3A_853 : i32
      scf.if %cond3A_854 {
        %add3A_1046 = arith.constant 1 : i32
        %add3A_1047 = arith.addi %add3A_847, %add3A_1046 : i32
        %add3A_1048 = arith.addi %mul3A_55, %add3A_1047 : i32
        %mul3A_1049 = arith.constant 80 : i32
        %mul3A_1050 = arith.muli %add3A_1048, %mul3A_1049 : i32
        %dma_wait3A_1051 = tpu.memref_slice %arg3[%mul3A_1050] : memref<327680xi32, #tpu.memory_space<hbm>> -> memref<80xi32, #tpu.memory_space<hbm>>
        %dma_wait3A_1052 = tpu.memref_slice %arg3[%mul3A_1050] : memref<327680xi32, #tpu.memory_space<hbm>> -> memref<80xi32, #tpu.memory_space<hbm>>
        tpu.wait_dma2 semaphore(%arg20 : memref<!tpu.dma_semaphore, #tpu.memory_space<semaphore_mem>>) src(%dma_wait3A_1052 : memref<80xi32, #tpu.memory_space<hbm>>) dst(%arg9 : memref<80xi32, #tpu.memory_space<vmem>>)
        %dma_wait3A_1053 = tpu.memref_slice %arg4[%mul3A_1050] : memref<327680xi32, #tpu.memory_space<hbm>> -> memref<80xi32, #tpu.memory_space<hbm>>
        %dma_wait3A_1054 = tpu.memref_slice %arg4[%mul3A_1050] : memref<327680xi32, #tpu.memory_space<hbm>> -> memref<80xi32, #tpu.memory_space<hbm>>
        tpu.wait_dma2 semaphore(%arg20 : memref<!tpu.dma_semaphore, #tpu.memory_space<semaphore_mem>>) src(%dma_wait3A_1054 : memref<80xi32, #tpu.memory_space<hbm>>) dst(%arg13 : memref<80xi32, #tpu.memory_space<vmem>>)
        %dma_start3A_1055 = arith.constant 0 : i32
        %dma_start3A_1056 = arith.constant 0 : i32
        %dma_start3A_1057 = tpu.memref_slice %arg2[%dma_start3A_1055, %dma_start3A_1056] : memref<10000x128xf32, #tpu.memory_space<hbm>> -> memref<10000x128xf32, #tpu.memory_space<hbm>>
        tpu.enqueue_indirect_dma source(%dma_start3A_1057 : memref<10000x128xf32, #tpu.memory_space<hbm>>) target(%arg18 : memref<80x128xf32, #tpu.memory_space<vmem>>) offsets(%arg9 : memref<80xi32, #tpu.memory_space<vmem>>) semaphore(%arg25 : memref<!tpu.dma_semaphore, #tpu.memory_space<semaphore_mem>>)
      } else {
      }
      %dma_wait3A_855 = arith.constant 0 : i32
      %dma_wait3A_856 = arith.constant 0 : i32
      %dma_wait3A_857 = tpu.memref_slice %arg2[%dma_wait3A_855, %dma_wait3A_856] : memref<10000x128xf32, #tpu.memory_space<hbm>> -> memref<10000x128xf32, #tpu.memory_space<hbm>>
      tpu.wait_indirect_dma semaphore(%arg24 : memref<!tpu.dma_semaphore, #tpu.memory_space<semaphore_mem>>) src(%dma_wait3A_857 : memref<10000x128xf32, #tpu.memory_space<hbm>>) dst(%arg17 : memref<80x128xf32, #tpu.memory_space<vmem>>)
      %dma_start3A_858 = arith.constant 0 : i32
      %dma_start3A_859 = arith.constant 0 : i32
      %dma_start3A_860 = tpu.memref_slice %arg7[%dma_start3A_858, %dma_start3A_859] : memref<10080x128xf32, #tpu.memory_space<vmem_shared>> -> memref<10080x128xf32, #tpu.memory_space<vmem_shared>>
      tpu.enqueue_indirect_dma source(%arg17 : memref<80x128xf32, #tpu.memory_space<vmem>>) target(%dma_start3A_860 : memref<10080x128xf32, #tpu.memory_space<vmem_shared>>) offsets(%arg12 : memref<80xi32, #tpu.memory_space<vmem>>) semaphore(%arg26 : memref<!tpu.dma_semaphore, #tpu.memory_space<semaphore_mem>>) {add = true}
      %dma_wait3A_861 = arith.constant 0 : i32
      %dma_wait3A_862 = arith.constant 0 : i32
      %dma_wait3A_863 = tpu.memref_slice %arg7[%dma_wait3A_861, %dma_wait3A_862] : memref<10080x128xf32, #tpu.memory_space<vmem_shared>> -> memref<10080x128xf32, #tpu.memory_space<vmem_shared>>
      tpu.wait_indirect_dma semaphore(%arg26 : memref<!tpu.dma_semaphore, #tpu.memory_space<semaphore_mem>>) src(%arg16 : memref<80x128xf32, #tpu.memory_space<vmem>>) dst(%dma_wait3A_863 : memref<10080x128xf32, #tpu.memory_space<vmem_shared>>)
      %add3A_864 = arith.constant 3 : i32
      %add3A_865 = arith.addi %add3A_847, %add3A_864 : i32
      %lt3A_866 = arith.constant 128 : i32
      %lt3A_867 = arith.cmpi slt, %add3A_865, %lt3A_866 : i32
      %convert_element_type3A_868 = arith.extui %lt3A_867 : i1 to i32
      %cond3A_869 = arith.constant 0 : i32
      %cond3A_870 = arith.cmpi ne, %convert_element_type3A_868, %cond3A_869 : i32
      scf.if %cond3A_870 {
        %add3A_1046 = arith.constant 3 : i32
        %add3A_1047 = arith.addi %add3A_847, %add3A_1046 : i32
        %add3A_1048 = arith.addi %mul3A_55, %add3A_1047 : i32
        %mul3A_1049 = arith.constant 80 : i32
        %mul3A_1050 = arith.muli %add3A_1048, %mul3A_1049 : i32
        %add3A_1051 = arith.addi %mul3A_55, %add3A_1047 : i32
        %mul3A_1052 = arith.constant 80 : i32
        %mul3A_1053 = arith.muli %add3A_1051, %mul3A_1052 : i32
        %dma_start3A_1054 = tpu.memref_slice %arg3[%mul3A_1050] : memref<327680xi32, #tpu.memory_space<hbm>> -> memref<80xi32, #tpu.memory_space<hbm>>
        %dma_start3A_1055 = tpu.memref_slice %arg3[%mul3A_1050] : memref<327680xi32, #tpu.memory_space<hbm>> -> memref<80xi32, #tpu.memory_space<hbm>>
        tpu.enqueue_dma source(%dma_start3A_1055 : memref<80xi32, #tpu.memory_space<hbm>>) target(%arg11 : memref<80xi32, #tpu.memory_space<vmem>>) target_semaphore(%arg22 : memref<!tpu.dma_semaphore, #tpu.memory_space<semaphore_mem>>)
        %dma_start3A_1056 = tpu.memref_slice %arg4[%mul3A_1053] : memref<327680xi32, #tpu.memory_space<hbm>> -> memref<80xi32, #tpu.memory_space<hbm>>
        %dma_start3A_1057 = tpu.memref_slice %arg4[%mul3A_1053] : memref<327680xi32, #tpu.memory_space<hbm>> -> memref<80xi32, #tpu.memory_space<hbm>>
        tpu.enqueue_dma source(%dma_start3A_1057 : memref<80xi32, #tpu.memory_space<hbm>>) target(%arg15 : memref<80xi32, #tpu.memory_space<vmem>>) target_semaphore(%arg22 : memref<!tpu.dma_semaphore, #tpu.memory_space<semaphore_mem>>)
      } else {
      }
      %add3A_871 = arith.constant 5 : i32
      %add3A_872 = arith.addi %mul3A_745, %add3A_871 : i32
      %add3A_873 = arith.constant 1 : i32
      %add3A_874 = arith.addi %add3A_872, %add3A_873 : i32
      %lt3A_875 = arith.constant 128 : i32
      %lt3A_876 = arith.cmpi slt, %add3A_874, %lt3A_875 : i32
      %convert_element_type3A_877 = arith.extui %lt3A_876 : i1 to i32
      %cond3A_878 = arith.constant 0 : i32
      %cond3A_879 = arith.cmpi ne, %convert_element_type3A_877, %cond3A_878 : i32
      scf.if %cond3A_879 {
        %add3A_1046 = arith.constant 1 : i32
        %add3A_1047 = arith.addi %add3A_872, %add3A_1046 : i32
        %add3A_1048 = arith.addi %mul3A_55, %add3A_1047 : i32
        %mul3A_1049 = arith.constant 80 : i32
        %mul3A_1050 = arith.muli %add3A_1048, %mul3A_1049 : i32
        %dma_wait3A_1051 = tpu.memref_slice %arg3[%mul3A_1050] : memref<327680xi32, #tpu.memory_space<hbm>> -> memref<80xi32, #tpu.memory_space<hbm>>
        %dma_wait3A_1052 = tpu.memref_slice %arg3[%mul3A_1050] : memref<327680xi32, #tpu.memory_space<hbm>> -> memref<80xi32, #tpu.memory_space<hbm>>
        tpu.wait_dma2 semaphore(%arg21 : memref<!tpu.dma_semaphore, #tpu.memory_space<semaphore_mem>>) src(%dma_wait3A_1052 : memref<80xi32, #tpu.memory_space<hbm>>) dst(%arg10 : memref<80xi32, #tpu.memory_space<vmem>>)
        %dma_wait3A_1053 = tpu.memref_slice %arg4[%mul3A_1050] : memref<327680xi32, #tpu.memory_space<hbm>> -> memref<80xi32, #tpu.memory_space<hbm>>
        %dma_wait3A_1054 = tpu.memref_slice %arg4[%mul3A_1050] : memref<327680xi32, #tpu.memory_space<hbm>> -> memref<80xi32, #tpu.memory_space<hbm>>
        tpu.wait_dma2 semaphore(%arg21 : memref<!tpu.dma_semaphore, #tpu.memory_space<semaphore_mem>>) src(%dma_wait3A_1054 : memref<80xi32, #tpu.memory_space<hbm>>) dst(%arg14 : memref<80xi32, #tpu.memory_space<vmem>>)
        %dma_start3A_1055 = arith.constant 0 : i32
        %dma_start3A_1056 = arith.constant 0 : i32
        %dma_start3A_1057 = tpu.memref_slice %arg2[%dma_start3A_1055, %dma_start3A_1056] : memref<10000x128xf32, #tpu.memory_space<hbm>> -> memref<10000x128xf32, #tpu.memory_space<hbm>>
        tpu.enqueue_indirect_dma source(%dma_start3A_1057 : memref<10000x128xf32, #tpu.memory_space<hbm>>) target(%arg16 : memref<80x128xf32, #tpu.memory_space<vmem>>) offsets(%arg10 : memref<80xi32, #tpu.memory_space<vmem>>) semaphore(%arg23 : memref<!tpu.dma_semaphore, #tpu.memory_space<semaphore_mem>>)
      } else {
      }
      %dma_wait3A_880 = arith.constant 0 : i32
      %dma_wait3A_881 = arith.constant 0 : i32
      %dma_wait3A_882 = tpu.memref_slice %arg2[%dma_wait3A_880, %dma_wait3A_881] : memref<10000x128xf32, #tpu.memory_space<hbm>> -> memref<10000x128xf32, #tpu.memory_space<hbm>>
      tpu.wait_indirect_dma semaphore(%arg25 : memref<!tpu.dma_semaphore, #tpu.memory_space<semaphore_mem>>) src(%dma_wait3A_882 : memref<10000x128xf32, #tpu.memory_space<hbm>>) dst(%arg18 : memref<80x128xf32, #tpu.memory_space<vmem>>)
      %dma_start3A_883 = arith.constant 0 : i32
      %dma_start3A_884 = arith.constant 0 : i32
      %dma_start3A_885 = tpu.memref_slice %arg7[%dma_start3A_883, %dma_start3A_884] : memref<10080x128xf32, #tpu.memory_space<vmem_shared>> -> memref<10080x128xf32, #tpu.memory_space<vmem_shared>>
      tpu.enqueue_indirect_dma source(%arg18 : memref<80x128xf32, #tpu.memory_space<vmem>>) target(%dma_start3A_885 : memref<10080x128xf32, #tpu.memory_space<vmem_shared>>) offsets(%arg13 : memref<80xi32, #tpu.memory_space<vmem>>) semaphore(%arg26 : memref<!tpu.dma_semaphore, #tpu.memory_space<semaphore_mem>>) {add = true}
      %dma_wait3A_886 = arith.constant 0 : i32
      %dma_wait3A_887 = arith.constant 0 : i32
      %dma_wait3A_888 = tpu.memref_slice %arg7[%dma_wait3A_886, %dma_wait3A_887] : memref<10080x128xf32, #tpu.memory_space<vmem_shared>> -> memref<10080x128xf32, #tpu.memory_space<vmem_shared>>
      tpu.wait_indirect_dma semaphore(%arg26 : memref<!tpu.dma_semaphore, #tpu.memory_space<semaphore_mem>>) src(%arg16 : memref<80x128xf32, #tpu.memory_space<vmem>>) dst(%dma_wait3A_888 : memref<10080x128xf32, #tpu.memory_space<vmem_shared>>)
      %add3A_889 = arith.constant 3 : i32
      %add3A_890 = arith.addi %add3A_872, %add3A_889 : i32
      %lt3A_891 = arith.constant 128 : i32
      %lt3A_892 = arith.cmpi slt, %add3A_890, %lt3A_891 : i32
      %convert_element_type3A_893 = arith.extui %lt3A_892 : i1 to i32
      %cond3A_894 = arith.constant 0 : i32
      %cond3A_895 = arith.cmpi ne, %convert_element_type3A_893, %cond3A_894 : i32
      scf.if %cond3A_895 {
        %add3A_1046 = arith.constant 3 : i32
        %add3A_1047 = arith.addi %add3A_872, %add3A_1046 : i32
        %add3A_1048 = arith.addi %mul3A_55, %add3A_1047 : i32
        %mul3A_1049 = arith.constant 80 : i32
        %mul3A_1050 = arith.muli %add3A_1048, %mul3A_1049 : i32
        %add3A_1051 = arith.addi %mul3A_55, %add3A_1047 : i32
        %mul3A_1052 = arith.constant 80 : i32
        %mul3A_1053 = arith.muli %add3A_1051, %mul3A_1052 : i32
        %dma_start3A_1054 = tpu.memref_slice %arg3[%mul3A_1050] : memref<327680xi32, #tpu.memory_space<hbm>> -> memref<80xi32, #tpu.memory_space<hbm>>
        %dma_start3A_1055 = tpu.memref_slice %arg3[%mul3A_1050] : memref<327680xi32, #tpu.memory_space<hbm>> -> memref<80xi32, #tpu.memory_space<hbm>>
        tpu.enqueue_dma source(%dma_start3A_1055 : memref<80xi32, #tpu.memory_space<hbm>>) target(%arg8 : memref<80xi32, #tpu.memory_space<vmem>>) target_semaphore(%arg19 : memref<!tpu.dma_semaphore, #tpu.memory_space<semaphore_mem>>)
        %dma_start3A_1056 = tpu.memref_slice %arg4[%mul3A_1053] : memref<327680xi32, #tpu.memory_space<hbm>> -> memref<80xi32, #tpu.memory_space<hbm>>
        %dma_start3A_1057 = tpu.memref_slice %arg4[%mul3A_1053] : memref<327680xi32, #tpu.memory_space<hbm>> -> memref<80xi32, #tpu.memory_space<hbm>>
        tpu.enqueue_dma source(%dma_start3A_1057 : memref<80xi32, #tpu.memory_space<hbm>>) target(%arg12 : memref<80xi32, #tpu.memory_space<vmem>>) target_semaphore(%arg19 : memref<!tpu.dma_semaphore, #tpu.memory_space<semaphore_mem>>)
      } else {
      }
      %add3A_896 = arith.constant 6 : i32
      %add3A_897 = arith.addi %mul3A_745, %add3A_896 : i32
      %add3A_898 = arith.constant 1 : i32
      %add3A_899 = arith.addi %add3A_897, %add3A_898 : i32
      %lt3A_900 = arith.constant 128 : i32
      %lt3A_901 = arith.cmpi slt, %add3A_899, %lt3A_900 : i32
      %convert_element_type3A_902 = arith.extui %lt3A_901 : i1 to i32
      %cond3A_903 = arith.constant 0 : i32
      %cond3A_904 = arith.cmpi ne, %convert_element_type3A_902, %cond3A_903 : i32
      scf.if %cond3A_904 {
        %add3A_1046 = arith.constant 1 : i32
        %add3A_1047 = arith.addi %add3A_897, %add3A_1046 : i32
        %add3A_1048 = arith.addi %mul3A_55, %add3A_1047 : i32
        %mul3A_1049 = arith.constant 80 : i32
        %mul3A_1050 = arith.muli %add3A_1048, %mul3A_1049 : i32
        %dma_wait3A_1051 = tpu.memref_slice %arg3[%mul3A_1050] : memref<327680xi32, #tpu.memory_space<hbm>> -> memref<80xi32, #tpu.memory_space<hbm>>
        %dma_wait3A_1052 = tpu.memref_slice %arg3[%mul3A_1050] : memref<327680xi32, #tpu.memory_space<hbm>> -> memref<80xi32, #tpu.memory_space<hbm>>
        tpu.wait_dma2 semaphore(%arg22 : memref<!tpu.dma_semaphore, #tpu.memory_space<semaphore_mem>>) src(%dma_wait3A_1052 : memref<80xi32, #tpu.memory_space<hbm>>) dst(%arg11 : memref<80xi32, #tpu.memory_space<vmem>>)
        %dma_wait3A_1053 = tpu.memref_slice %arg4[%mul3A_1050] : memref<327680xi32, #tpu.memory_space<hbm>> -> memref<80xi32, #tpu.memory_space<hbm>>
        %dma_wait3A_1054 = tpu.memref_slice %arg4[%mul3A_1050] : memref<327680xi32, #tpu.memory_space<hbm>> -> memref<80xi32, #tpu.memory_space<hbm>>
        tpu.wait_dma2 semaphore(%arg22 : memref<!tpu.dma_semaphore, #tpu.memory_space<semaphore_mem>>) src(%dma_wait3A_1054 : memref<80xi32, #tpu.memory_space<hbm>>) dst(%arg15 : memref<80xi32, #tpu.memory_space<vmem>>)
        %dma_start3A_1055 = arith.constant 0 : i32
        %dma_start3A_1056 = arith.constant 0 : i32
        %dma_start3A_1057 = tpu.memref_slice %arg2[%dma_start3A_1055, %dma_start3A_1056] : memref<10000x128xf32, #tpu.memory_space<hbm>> -> memref<10000x128xf32, #tpu.memory_space<hbm>>
        tpu.enqueue_indirect_dma source(%dma_start3A_1057 : memref<10000x128xf32, #tpu.memory_space<hbm>>) target(%arg17 : memref<80x128xf32, #tpu.memory_space<vmem>>) offsets(%arg11 : memref<80xi32, #tpu.memory_space<vmem>>) semaphore(%arg24 : memref<!tpu.dma_semaphore, #tpu.memory_space<semaphore_mem>>)
      } else {
      }
      %dma_wait3A_905 = arith.constant 0 : i32
      %dma_wait3A_906 = arith.constant 0 : i32
      %dma_wait3A_907 = tpu.memref_slice %arg2[%dma_wait3A_905, %dma_wait3A_906] : memref<10000x128xf32, #tpu.memory_space<hbm>> -> memref<10000x128xf32, #tpu.memory_space<hbm>>
      tpu.wait_indirect_dma semaphore(%arg23 : memref<!tpu.dma_semaphore, #tpu.memory_space<semaphore_mem>>) src(%dma_wait3A_907 : memref<10000x128xf32, #tpu.memory_space<hbm>>) dst(%arg16 : memref<80x128xf32, #tpu.memory_space<vmem>>)
      %dma_start3A_908 = arith.constant 0 : i32
      %dma_start3A_909 = arith.constant 0 : i32
      %dma_start3A_910 = tpu.memref_slice %arg7[%dma_start3A_908, %dma_start3A_909] : memref<10080x128xf32, #tpu.memory_space<vmem_shared>> -> memref<10080x128xf32, #tpu.memory_space<vmem_shared>>
      tpu.enqueue_indirect_dma source(%arg16 : memref<80x128xf32, #tpu.memory_space<vmem>>) target(%dma_start3A_910 : memref<10080x128xf32, #tpu.memory_space<vmem_shared>>) offsets(%arg14 : memref<80xi32, #tpu.memory_space<vmem>>) semaphore(%arg26 : memref<!tpu.dma_semaphore, #tpu.memory_space<semaphore_mem>>) {add = true}
      %dma_wait3A_911 = arith.constant 0 : i32
      %dma_wait3A_912 = arith.constant 0 : i32
      %dma_wait3A_913 = tpu.memref_slice %arg7[%dma_wait3A_911, %dma_wait3A_912] : memref<10080x128xf32, #tpu.memory_space<vmem_shared>> -> memref<10080x128xf32, #tpu.memory_space<vmem_shared>>
      tpu.wait_indirect_dma semaphore(%arg26 : memref<!tpu.dma_semaphore, #tpu.memory_space<semaphore_mem>>) src(%arg16 : memref<80x128xf32, #tpu.memory_space<vmem>>) dst(%dma_wait3A_913 : memref<10080x128xf32, #tpu.memory_space<vmem_shared>>)
      %add3A_914 = arith.constant 3 : i32
      %add3A_915 = arith.addi %add3A_897, %add3A_914 : i32
      %lt3A_916 = arith.constant 128 : i32
      %lt3A_917 = arith.cmpi slt, %add3A_915, %lt3A_916 : i32
      %convert_element_type3A_918 = arith.extui %lt3A_917 : i1 to i32
      %cond3A_919 = arith.constant 0 : i32
      %cond3A_920 = arith.cmpi ne, %convert_element_type3A_918, %cond3A_919 : i32
      scf.if %cond3A_920 {
        %add3A_1046 = arith.constant 3 : i32
        %add3A_1047 = arith.addi %add3A_897, %add3A_1046 : i32
        %add3A_1048 = arith.addi %mul3A_55, %add3A_1047 : i32
        %mul3A_1049 = arith.constant 80 : i32
        %mul3A_1050 = arith.muli %add3A_1048, %mul3A_1049 : i32
        %add3A_1051 = arith.addi %mul3A_55, %add3A_1047 : i32
        %mul3A_1052 = arith.constant 80 : i32
        %mul3A_1053 = arith.muli %add3A_1051, %mul3A_1052 : i32
        %dma_start3A_1054 = tpu.memref_slice %arg3[%mul3A_1050] : memref<327680xi32, #tpu.memory_space<hbm>> -> memref<80xi32, #tpu.memory_space<hbm>>
        %dma_start3A_1055 = tpu.memref_slice %arg3[%mul3A_1050] : memref<327680xi32, #tpu.memory_space<hbm>> -> memref<80xi32, #tpu.memory_space<hbm>>
        tpu.enqueue_dma source(%dma_start3A_1055 : memref<80xi32, #tpu.memory_space<hbm>>) target(%arg9 : memref<80xi32, #tpu.memory_space<vmem>>) target_semaphore(%arg20 : memref<!tpu.dma_semaphore, #tpu.memory_space<semaphore_mem>>)
        %dma_start3A_1056 = tpu.memref_slice %arg4[%mul3A_1053] : memref<327680xi32, #tpu.memory_space<hbm>> -> memref<80xi32, #tpu.memory_space<hbm>>
        %dma_start3A_1057 = tpu.memref_slice %arg4[%mul3A_1053] : memref<327680xi32, #tpu.memory_space<hbm>> -> memref<80xi32, #tpu.memory_space<hbm>>
        tpu.enqueue_dma source(%dma_start3A_1057 : memref<80xi32, #tpu.memory_space<hbm>>) target(%arg13 : memref<80xi32, #tpu.memory_space<vmem>>) target_semaphore(%arg20 : memref<!tpu.dma_semaphore, #tpu.memory_space<semaphore_mem>>)
      } else {
      }
      %add3A_921 = arith.constant 7 : i32
      %add3A_922 = arith.addi %mul3A_745, %add3A_921 : i32
      %add3A_923 = arith.constant 1 : i32
      %add3A_924 = arith.addi %add3A_922, %add3A_923 : i32
      %lt3A_925 = arith.constant 128 : i32
      %lt3A_926 = arith.cmpi slt, %add3A_924, %lt3A_925 : i32
      %convert_element_type3A_927 = arith.extui %lt3A_926 : i1 to i32
      %cond3A_928 = arith.constant 0 : i32
      %cond3A_929 = arith.cmpi ne, %convert_element_type3A_927, %cond3A_928 : i32
      scf.if %cond3A_929 {
        %add3A_1046 = arith.constant 1 : i32
        %add3A_1047 = arith.addi %add3A_922, %add3A_1046 : i32
        %add3A_1048 = arith.addi %mul3A_55, %add3A_1047 : i32
        %mul3A_1049 = arith.constant 80 : i32
        %mul3A_1050 = arith.muli %add3A_1048, %mul3A_1049 : i32
        %dma_wait3A_1051 = tpu.memref_slice %arg3[%mul3A_1050] : memref<327680xi32, #tpu.memory_space<hbm>> -> memref<80xi32, #tpu.memory_space<hbm>>
        %dma_wait3A_1052 = tpu.memref_slice %arg3[%mul3A_1050] : memref<327680xi32, #tpu.memory_space<hbm>> -> memref<80xi32, #tpu.memory_space<hbm>>
        tpu.wait_dma2 semaphore(%arg19 : memref<!tpu.dma_semaphore, #tpu.memory_space<semaphore_mem>>) src(%dma_wait3A_1052 : memref<80xi32, #tpu.memory_space<hbm>>) dst(%arg8 : memref<80xi32, #tpu.memory_space<vmem>>)
        %dma_wait3A_1053 = tpu.memref_slice %arg4[%mul3A_1050] : memref<327680xi32, #tpu.memory_space<hbm>> -> memref<80xi32, #tpu.memory_space<hbm>>
        %dma_wait3A_1054 = tpu.memref_slice %arg4[%mul3A_1050] : memref<327680xi32, #tpu.memory_space<hbm>> -> memref<80xi32, #tpu.memory_space<hbm>>
        tpu.wait_dma2 semaphore(%arg19 : memref<!tpu.dma_semaphore, #tpu.memory_space<semaphore_mem>>) src(%dma_wait3A_1054 : memref<80xi32, #tpu.memory_space<hbm>>) dst(%arg12 : memref<80xi32, #tpu.memory_space<vmem>>)
        %dma_start3A_1055 = arith.constant 0 : i32
        %dma_start3A_1056 = arith.constant 0 : i32
        %dma_start3A_1057 = tpu.memref_slice %arg2[%dma_start3A_1055, %dma_start3A_1056] : memref<10000x128xf32, #tpu.memory_space<hbm>> -> memref<10000x128xf32, #tpu.memory_space<hbm>>
        tpu.enqueue_indirect_dma source(%dma_start3A_1057 : memref<10000x128xf32, #tpu.memory_space<hbm>>) target(%arg18 : memref<80x128xf32, #tpu.memory_space<vmem>>) offsets(%arg8 : memref<80xi32, #tpu.memory_space<vmem>>) semaphore(%arg25 : memref<!tpu.dma_semaphore, #tpu.memory_space<semaphore_mem>>)
      } else {
      }
      %dma_wait3A_930 = arith.constant 0 : i32
      %dma_wait3A_931 = arith.constant 0 : i32
      %dma_wait3A_932 = tpu.memref_slice %arg2[%dma_wait3A_930, %dma_wait3A_931] : memref<10000x128xf32, #tpu.memory_space<hbm>> -> memref<10000x128xf32, #tpu.memory_space<hbm>>
      tpu.wait_indirect_dma semaphore(%arg24 : memref<!tpu.dma_semaphore, #tpu.memory_space<semaphore_mem>>) src(%dma_wait3A_932 : memref<10000x128xf32, #tpu.memory_space<hbm>>) dst(%arg17 : memref<80x128xf32, #tpu.memory_space<vmem>>)
      %dma_start3A_933 = arith.constant 0 : i32
      %dma_start3A_934 = arith.constant 0 : i32
      %dma_start3A_935 = tpu.memref_slice %arg7[%dma_start3A_933, %dma_start3A_934] : memref<10080x128xf32, #tpu.memory_space<vmem_shared>> -> memref<10080x128xf32, #tpu.memory_space<vmem_shared>>
      tpu.enqueue_indirect_dma source(%arg17 : memref<80x128xf32, #tpu.memory_space<vmem>>) target(%dma_start3A_935 : memref<10080x128xf32, #tpu.memory_space<vmem_shared>>) offsets(%arg15 : memref<80xi32, #tpu.memory_space<vmem>>) semaphore(%arg26 : memref<!tpu.dma_semaphore, #tpu.memory_space<semaphore_mem>>) {add = true}
      %dma_wait3A_936 = arith.constant 0 : i32
      %dma_wait3A_937 = arith.constant 0 : i32
      %dma_wait3A_938 = tpu.memref_slice %arg7[%dma_wait3A_936, %dma_wait3A_937] : memref<10080x128xf32, #tpu.memory_space<vmem_shared>> -> memref<10080x128xf32, #tpu.memory_space<vmem_shared>>
      tpu.wait_indirect_dma semaphore(%arg26 : memref<!tpu.dma_semaphore, #tpu.memory_space<semaphore_mem>>) src(%arg16 : memref<80x128xf32, #tpu.memory_space<vmem>>) dst(%dma_wait3A_938 : memref<10080x128xf32, #tpu.memory_space<vmem_shared>>)
      %add3A_939 = arith.constant 3 : i32
      %add3A_940 = arith.addi %add3A_922, %add3A_939 : i32
      %lt3A_941 = arith.constant 128 : i32
      %lt3A_942 = arith.cmpi slt, %add3A_940, %lt3A_941 : i32
      %convert_element_type3A_943 = arith.extui %lt3A_942 : i1 to i32
      %cond3A_944 = arith.constant 0 : i32
      %cond3A_945 = arith.cmpi ne, %convert_element_type3A_943, %cond3A_944 : i32
      scf.if %cond3A_945 {
        %add3A_1046 = arith.constant 3 : i32
        %add3A_1047 = arith.addi %add3A_922, %add3A_1046 : i32
        %add3A_1048 = arith.addi %mul3A_55, %add3A_1047 : i32
        %mul3A_1049 = arith.constant 80 : i32
        %mul3A_1050 = arith.muli %add3A_1048, %mul3A_1049 : i32
        %add3A_1051 = arith.addi %mul3A_55, %add3A_1047 : i32
        %mul3A_1052 = arith.constant 80 : i32
        %mul3A_1053 = arith.muli %add3A_1051, %mul3A_1052 : i32
        %dma_start3A_1054 = tpu.memref_slice %arg3[%mul3A_1050] : memref<327680xi32, #tpu.memory_space<hbm>> -> memref<80xi32, #tpu.memory_space<hbm>>
        %dma_start3A_1055 = tpu.memref_slice %arg3[%mul3A_1050] : memref<327680xi32, #tpu.memory_space<hbm>> -> memref<80xi32, #tpu.memory_space<hbm>>
        tpu.enqueue_dma source(%dma_start3A_1055 : memref<80xi32, #tpu.memory_space<hbm>>) target(%arg10 : memref<80xi32, #tpu.memory_space<vmem>>) target_semaphore(%arg21 : memref<!tpu.dma_semaphore, #tpu.memory_space<semaphore_mem>>)
        %dma_start3A_1056 = tpu.memref_slice %arg4[%mul3A_1053] : memref<327680xi32, #tpu.memory_space<hbm>> -> memref<80xi32, #tpu.memory_space<hbm>>
        %dma_start3A_1057 = tpu.memref_slice %arg4[%mul3A_1053] : memref<327680xi32, #tpu.memory_space<hbm>> -> memref<80xi32, #tpu.memory_space<hbm>>
        tpu.enqueue_dma source(%dma_start3A_1057 : memref<80xi32, #tpu.memory_space<hbm>>) target(%arg14 : memref<80xi32, #tpu.memory_space<vmem>>) target_semaphore(%arg21 : memref<!tpu.dma_semaphore, #tpu.memory_space<semaphore_mem>>)
      } else {
      }
      %add3A_946 = arith.constant 8 : i32
      %add3A_947 = arith.addi %mul3A_745, %add3A_946 : i32
      %add3A_948 = arith.constant 1 : i32
      %add3A_949 = arith.addi %add3A_947, %add3A_948 : i32
      %lt3A_950 = arith.constant 128 : i32
      %lt3A_951 = arith.cmpi slt, %add3A_949, %lt3A_950 : i32
      %convert_element_type3A_952 = arith.extui %lt3A_951 : i1 to i32
      %cond3A_953 = arith.constant 0 : i32
      %cond3A_954 = arith.cmpi ne, %convert_element_type3A_952, %cond3A_953 : i32
      scf.if %cond3A_954 {
        %add3A_1046 = arith.constant 1 : i32
        %add3A_1047 = arith.addi %add3A_947, %add3A_1046 : i32
        %add3A_1048 = arith.addi %mul3A_55, %add3A_1047 : i32
        %mul3A_1049 = arith.constant 80 : i32
        %mul3A_1050 = arith.muli %add3A_1048, %mul3A_1049 : i32
        %dma_wait3A_1051 = tpu.memref_slice %arg3[%mul3A_1050] : memref<327680xi32, #tpu.memory_space<hbm>> -> memref<80xi32, #tpu.memory_space<hbm>>
        %dma_wait3A_1052 = tpu.memref_slice %arg3[%mul3A_1050] : memref<327680xi32, #tpu.memory_space<hbm>> -> memref<80xi32, #tpu.memory_space<hbm>>
        tpu.wait_dma2 semaphore(%arg20 : memref<!tpu.dma_semaphore, #tpu.memory_space<semaphore_mem>>) src(%dma_wait3A_1052 : memref<80xi32, #tpu.memory_space<hbm>>) dst(%arg9 : memref<80xi32, #tpu.memory_space<vmem>>)
        %dma_wait3A_1053 = tpu.memref_slice %arg4[%mul3A_1050] : memref<327680xi32, #tpu.memory_space<hbm>> -> memref<80xi32, #tpu.memory_space<hbm>>
        %dma_wait3A_1054 = tpu.memref_slice %arg4[%mul3A_1050] : memref<327680xi32, #tpu.memory_space<hbm>> -> memref<80xi32, #tpu.memory_space<hbm>>
        tpu.wait_dma2 semaphore(%arg20 : memref<!tpu.dma_semaphore, #tpu.memory_space<semaphore_mem>>) src(%dma_wait3A_1054 : memref<80xi32, #tpu.memory_space<hbm>>) dst(%arg13 : memref<80xi32, #tpu.memory_space<vmem>>)
        %dma_start3A_1055 = arith.constant 0 : i32
        %dma_start3A_1056 = arith.constant 0 : i32
        %dma_start3A_1057 = tpu.memref_slice %arg2[%dma_start3A_1055, %dma_start3A_1056] : memref<10000x128xf32, #tpu.memory_space<hbm>> -> memref<10000x128xf32, #tpu.memory_space<hbm>>
        tpu.enqueue_indirect_dma source(%dma_start3A_1057 : memref<10000x128xf32, #tpu.memory_space<hbm>>) target(%arg16 : memref<80x128xf32, #tpu.memory_space<vmem>>) offsets(%arg9 : memref<80xi32, #tpu.memory_space<vmem>>) semaphore(%arg23 : memref<!tpu.dma_semaphore, #tpu.memory_space<semaphore_mem>>)
      } else {
      }
      %dma_wait3A_955 = arith.constant 0 : i32
      %dma_wait3A_956 = arith.constant 0 : i32
      %dma_wait3A_957 = tpu.memref_slice %arg2[%dma_wait3A_955, %dma_wait3A_956] : memref<10000x128xf32, #tpu.memory_space<hbm>> -> memref<10000x128xf32, #tpu.memory_space<hbm>>
      tpu.wait_indirect_dma semaphore(%arg25 : memref<!tpu.dma_semaphore, #tpu.memory_space<semaphore_mem>>) src(%dma_wait3A_957 : memref<10000x128xf32, #tpu.memory_space<hbm>>) dst(%arg18 : memref<80x128xf32, #tpu.memory_space<vmem>>)
      %dma_start3A_958 = arith.constant 0 : i32
      %dma_start3A_959 = arith.constant 0 : i32
      %dma_start3A_960 = tpu.memref_slice %arg7[%dma_start3A_958, %dma_start3A_959] : memref<10080x128xf32, #tpu.memory_space<vmem_shared>> -> memref<10080x128xf32, #tpu.memory_space<vmem_shared>>
      tpu.enqueue_indirect_dma source(%arg18 : memref<80x128xf32, #tpu.memory_space<vmem>>) target(%dma_start3A_960 : memref<10080x128xf32, #tpu.memory_space<vmem_shared>>) offsets(%arg12 : memref<80xi32, #tpu.memory_space<vmem>>) semaphore(%arg26 : memref<!tpu.dma_semaphore, #tpu.memory_space<semaphore_mem>>) {add = true}
      %dma_wait3A_961 = arith.constant 0 : i32
      %dma_wait3A_962 = arith.constant 0 : i32
      %dma_wait3A_963 = tpu.memref_slice %arg7[%dma_wait3A_961, %dma_wait3A_962] : memref<10080x128xf32, #tpu.memory_space<vmem_shared>> -> memref<10080x128xf32, #tpu.memory_space<vmem_shared>>
      tpu.wait_indirect_dma semaphore(%arg26 : memref<!tpu.dma_semaphore, #tpu.memory_space<semaphore_mem>>) src(%arg16 : memref<80x128xf32, #tpu.memory_space<vmem>>) dst(%dma_wait3A_963 : memref<10080x128xf32, #tpu.memory_space<vmem_shared>>)
      %add3A_964 = arith.constant 3 : i32
      %add3A_965 = arith.addi %add3A_947, %add3A_964 : i32
      %lt3A_966 = arith.constant 128 : i32
      %lt3A_967 = arith.cmpi slt, %add3A_965, %lt3A_966 : i32
      %convert_element_type3A_968 = arith.extui %lt3A_967 : i1 to i32
      %cond3A_969 = arith.constant 0 : i32
      %cond3A_970 = arith.cmpi ne, %convert_element_type3A_968, %cond3A_969 : i32
      scf.if %cond3A_970 {
        %add3A_1046 = arith.constant 3 : i32
        %add3A_1047 = arith.addi %add3A_947, %add3A_1046 : i32
        %add3A_1048 = arith.addi %mul3A_55, %add3A_1047 : i32
        %mul3A_1049 = arith.constant 80 : i32
        %mul3A_1050 = arith.muli %add3A_1048, %mul3A_1049 : i32
        %add3A_1051 = arith.addi %mul3A_55, %add3A_1047 : i32
        %mul3A_1052 = arith.constant 80 : i32
        %mul3A_1053 = arith.muli %add3A_1051, %mul3A_1052 : i32
        %dma_start3A_1054 = tpu.memref_slice %arg3[%mul3A_1050] : memref<327680xi32, #tpu.memory_space<hbm>> -> memref<80xi32, #tpu.memory_space<hbm>>
        %dma_start3A_1055 = tpu.memref_slice %arg3[%mul3A_1050] : memref<327680xi32, #tpu.memory_space<hbm>> -> memref<80xi32, #tpu.memory_space<hbm>>
        tpu.enqueue_dma source(%dma_start3A_1055 : memref<80xi32, #tpu.memory_space<hbm>>) target(%arg11 : memref<80xi32, #tpu.memory_space<vmem>>) target_semaphore(%arg22 : memref<!tpu.dma_semaphore, #tpu.memory_space<semaphore_mem>>)
        %dma_start3A_1056 = tpu.memref_slice %arg4[%mul3A_1053] : memref<327680xi32, #tpu.memory_space<hbm>> -> memref<80xi32, #tpu.memory_space<hbm>>
        %dma_start3A_1057 = tpu.memref_slice %arg4[%mul3A_1053] : memref<327680xi32, #tpu.memory_space<hbm>> -> memref<80xi32, #tpu.memory_space<hbm>>
        tpu.enqueue_dma source(%dma_start3A_1057 : memref<80xi32, #tpu.memory_space<hbm>>) target(%arg15 : memref<80xi32, #tpu.memory_space<vmem>>) target_semaphore(%arg22 : memref<!tpu.dma_semaphore, #tpu.memory_space<semaphore_mem>>)
      } else {
      }
      %add3A_971 = arith.constant 9 : i32
      %add3A_972 = arith.addi %mul3A_745, %add3A_971 : i32
      %add3A_973 = arith.constant 1 : i32
      %add3A_974 = arith.addi %add3A_972, %add3A_973 : i32
      %lt3A_975 = arith.constant 128 : i32
      %lt3A_976 = arith.cmpi slt, %add3A_974, %lt3A_975 : i32
      %convert_element_type3A_977 = arith.extui %lt3A_976 : i1 to i32
      %cond3A_978 = arith.constant 0 : i32
      %cond3A_979 = arith.cmpi ne, %convert_element_type3A_977, %cond3A_978 : i32
      scf.if %cond3A_979 {
        %add3A_1046 = arith.constant 1 : i32
        %add3A_1047 = arith.addi %add3A_972, %add3A_1046 : i32
        %add3A_1048 = arith.addi %mul3A_55, %add3A_1047 : i32
        %mul3A_1049 = arith.constant 80 : i32
        %mul3A_1050 = arith.muli %add3A_1048, %mul3A_1049 : i32
        %dma_wait3A_1051 = tpu.memref_slice %arg3[%mul3A_1050] : memref<327680xi32, #tpu.memory_space<hbm>> -> memref<80xi32, #tpu.memory_space<hbm>>
        %dma_wait3A_1052 = tpu.memref_slice %arg3[%mul3A_1050] : memref<327680xi32, #tpu.memory_space<hbm>> -> memref<80xi32, #tpu.memory_space<hbm>>
        tpu.wait_dma2 semaphore(%arg21 : memref<!tpu.dma_semaphore, #tpu.memory_space<semaphore_mem>>) src(%dma_wait3A_1052 : memref<80xi32, #tpu.memory_space<hbm>>) dst(%arg10 : memref<80xi32, #tpu.memory_space<vmem>>)
        %dma_wait3A_1053 = tpu.memref_slice %arg4[%mul3A_1050] : memref<327680xi32, #tpu.memory_space<hbm>> -> memref<80xi32, #tpu.memory_space<hbm>>
        %dma_wait3A_1054 = tpu.memref_slice %arg4[%mul3A_1050] : memref<327680xi32, #tpu.memory_space<hbm>> -> memref<80xi32, #tpu.memory_space<hbm>>
        tpu.wait_dma2 semaphore(%arg21 : memref<!tpu.dma_semaphore, #tpu.memory_space<semaphore_mem>>) src(%dma_wait3A_1054 : memref<80xi32, #tpu.memory_space<hbm>>) dst(%arg14 : memref<80xi32, #tpu.memory_space<vmem>>)
        %dma_start3A_1055 = arith.constant 0 : i32
        %dma_start3A_1056 = arith.constant 0 : i32
        %dma_start3A_1057 = tpu.memref_slice %arg2[%dma_start3A_1055, %dma_start3A_1056] : memref<10000x128xf32, #tpu.memory_space<hbm>> -> memref<10000x128xf32, #tpu.memory_space<hbm>>
        tpu.enqueue_indirect_dma source(%dma_start3A_1057 : memref<10000x128xf32, #tpu.memory_space<hbm>>) target(%arg17 : memref<80x128xf32, #tpu.memory_space<vmem>>) offsets(%arg10 : memref<80xi32, #tpu.memory_space<vmem>>) semaphore(%arg24 : memref<!tpu.dma_semaphore, #tpu.memory_space<semaphore_mem>>)
      } else {
      }
      %dma_wait3A_980 = arith.constant 0 : i32
      %dma_wait3A_981 = arith.constant 0 : i32
      %dma_wait3A_982 = tpu.memref_slice %arg2[%dma_wait3A_980, %dma_wait3A_981] : memref<10000x128xf32, #tpu.memory_space<hbm>> -> memref<10000x128xf32, #tpu.memory_space<hbm>>
      tpu.wait_indirect_dma semaphore(%arg23 : memref<!tpu.dma_semaphore, #tpu.memory_space<semaphore_mem>>) src(%dma_wait3A_982 : memref<10000x128xf32, #tpu.memory_space<hbm>>) dst(%arg16 : memref<80x128xf32, #tpu.memory_space<vmem>>)
      %dma_start3A_983 = arith.constant 0 : i32
      %dma_start3A_984 = arith.constant 0 : i32
      %dma_start3A_985 = tpu.memref_slice %arg7[%dma_start3A_983, %dma_start3A_984] : memref<10080x128xf32, #tpu.memory_space<vmem_shared>> -> memref<10080x128xf32, #tpu.memory_space<vmem_shared>>
      tpu.enqueue_indirect_dma source(%arg16 : memref<80x128xf32, #tpu.memory_space<vmem>>) target(%dma_start3A_985 : memref<10080x128xf32, #tpu.memory_space<vmem_shared>>) offsets(%arg13 : memref<80xi32, #tpu.memory_space<vmem>>) semaphore(%arg26 : memref<!tpu.dma_semaphore, #tpu.memory_space<semaphore_mem>>) {add = true}
      %dma_wait3A_986 = arith.constant 0 : i32
      %dma_wait3A_987 = arith.constant 0 : i32
      %dma_wait3A_988 = tpu.memref_slice %arg7[%dma_wait3A_986, %dma_wait3A_987] : memref<10080x128xf32, #tpu.memory_space<vmem_shared>> -> memref<10080x128xf32, #tpu.memory_space<vmem_shared>>
      tpu.wait_indirect_dma semaphore(%arg26 : memref<!tpu.dma_semaphore, #tpu.memory_space<semaphore_mem>>) src(%arg16 : memref<80x128xf32, #tpu.memory_space<vmem>>) dst(%dma_wait3A_988 : memref<10080x128xf32, #tpu.memory_space<vmem_shared>>)
      %add3A_989 = arith.constant 3 : i32
      %add3A_990 = arith.addi %add3A_972, %add3A_989 : i32
      %lt3A_991 = arith.constant 128 : i32
      %lt3A_992 = arith.cmpi slt, %add3A_990, %lt3A_991 : i32
      %convert_element_type3A_993 = arith.extui %lt3A_992 : i1 to i32
      %cond3A_994 = arith.constant 0 : i32
      %cond3A_995 = arith.cmpi ne, %convert_element_type3A_993, %cond3A_994 : i32
      scf.if %cond3A_995 {
        %add3A_1046 = arith.constant 3 : i32
        %add3A_1047 = arith.addi %add3A_972, %add3A_1046 : i32
        %add3A_1048 = arith.addi %mul3A_55, %add3A_1047 : i32
        %mul3A_1049 = arith.constant 80 : i32
        %mul3A_1050 = arith.muli %add3A_1048, %mul3A_1049 : i32
        %add3A_1051 = arith.addi %mul3A_55, %add3A_1047 : i32
        %mul3A_1052 = arith.constant 80 : i32
        %mul3A_1053 = arith.muli %add3A_1051, %mul3A_1052 : i32
        %dma_start3A_1054 = tpu.memref_slice %arg3[%mul3A_1050] : memref<327680xi32, #tpu.memory_space<hbm>> -> memref<80xi32, #tpu.memory_space<hbm>>
        %dma_start3A_1055 = tpu.memref_slice %arg3[%mul3A_1050] : memref<327680xi32, #tpu.memory_space<hbm>> -> memref<80xi32, #tpu.memory_space<hbm>>
        tpu.enqueue_dma source(%dma_start3A_1055 : memref<80xi32, #tpu.memory_space<hbm>>) target(%arg8 : memref<80xi32, #tpu.memory_space<vmem>>) target_semaphore(%arg19 : memref<!tpu.dma_semaphore, #tpu.memory_space<semaphore_mem>>)
        %dma_start3A_1056 = tpu.memref_slice %arg4[%mul3A_1053] : memref<327680xi32, #tpu.memory_space<hbm>> -> memref<80xi32, #tpu.memory_space<hbm>>
        %dma_start3A_1057 = tpu.memref_slice %arg4[%mul3A_1053] : memref<327680xi32, #tpu.memory_space<hbm>> -> memref<80xi32, #tpu.memory_space<hbm>>
        tpu.enqueue_dma source(%dma_start3A_1057 : memref<80xi32, #tpu.memory_space<hbm>>) target(%arg12 : memref<80xi32, #tpu.memory_space<vmem>>) target_semaphore(%arg19 : memref<!tpu.dma_semaphore, #tpu.memory_space<semaphore_mem>>)
      } else {
      }
      %add3A_996 = arith.constant 10 : i32
      %add3A_997 = arith.addi %mul3A_745, %add3A_996 : i32
      %add3A_998 = arith.constant 1 : i32
      %add3A_999 = arith.addi %add3A_997, %add3A_998 : i32
      %lt3A_1000 = arith.constant 128 : i32
      %lt3A_1001 = arith.cmpi slt, %add3A_999, %lt3A_1000 : i32
      %convert_element_type3A_1002 = arith.extui %lt3A_1001 : i1 to i32
      %cond3A_1003 = arith.constant 0 : i32
      %cond3A_1004 = arith.cmpi ne, %convert_element_type3A_1002, %cond3A_1003 : i32
      scf.if %cond3A_1004 {
        %add3A_1046 = arith.constant 1 : i32
        %add3A_1047 = arith.addi %add3A_997, %add3A_1046 : i32
        %add3A_1048 = arith.addi %mul3A_55, %add3A_1047 : i32
        %mul3A_1049 = arith.constant 80 : i32
        %mul3A_1050 = arith.muli %add3A_1048, %mul3A_1049 : i32
        %dma_wait3A_1051 = tpu.memref_slice %arg3[%mul3A_1050] : memref<327680xi32, #tpu.memory_space<hbm>> -> memref<80xi32, #tpu.memory_space<hbm>>
        %dma_wait3A_1052 = tpu.memref_slice %arg3[%mul3A_1050] : memref<327680xi32, #tpu.memory_space<hbm>> -> memref<80xi32, #tpu.memory_space<hbm>>
        tpu.wait_dma2 semaphore(%arg22 : memref<!tpu.dma_semaphore, #tpu.memory_space<semaphore_mem>>) src(%dma_wait3A_1052 : memref<80xi32, #tpu.memory_space<hbm>>) dst(%arg11 : memref<80xi32, #tpu.memory_space<vmem>>)
        %dma_wait3A_1053 = tpu.memref_slice %arg4[%mul3A_1050] : memref<327680xi32, #tpu.memory_space<hbm>> -> memref<80xi32, #tpu.memory_space<hbm>>
        %dma_wait3A_1054 = tpu.memref_slice %arg4[%mul3A_1050] : memref<327680xi32, #tpu.memory_space<hbm>> -> memref<80xi32, #tpu.memory_space<hbm>>
        tpu.wait_dma2 semaphore(%arg22 : memref<!tpu.dma_semaphore, #tpu.memory_space<semaphore_mem>>) src(%dma_wait3A_1054 : memref<80xi32, #tpu.memory_space<hbm>>) dst(%arg15 : memref<80xi32, #tpu.memory_space<vmem>>)
        %dma_start3A_1055 = arith.constant 0 : i32
        %dma_start3A_1056 = arith.constant 0 : i32
        %dma_start3A_1057 = tpu.memref_slice %arg2[%dma_start3A_1055, %dma_start3A_1056] : memref<10000x128xf32, #tpu.memory_space<hbm>> -> memref<10000x128xf32, #tpu.memory_space<hbm>>
        tpu.enqueue_indirect_dma source(%dma_start3A_1057 : memref<10000x128xf32, #tpu.memory_space<hbm>>) target(%arg18 : memref<80x128xf32, #tpu.memory_space<vmem>>) offsets(%arg11 : memref<80xi32, #tpu.memory_space<vmem>>) semaphore(%arg25 : memref<!tpu.dma_semaphore, #tpu.memory_space<semaphore_mem>>)
      } else {
      }
      %dma_wait3A_1005 = arith.constant 0 : i32
      %dma_wait3A_1006 = arith.constant 0 : i32
      %dma_wait3A_1007 = tpu.memref_slice %arg2[%dma_wait3A_1005, %dma_wait3A_1006] : memref<10000x128xf32, #tpu.memory_space<hbm>> -> memref<10000x128xf32, #tpu.memory_space<hbm>>
      tpu.wait_indirect_dma semaphore(%arg24 : memref<!tpu.dma_semaphore, #tpu.memory_space<semaphore_mem>>) src(%dma_wait3A_1007 : memref<10000x128xf32, #tpu.memory_space<hbm>>) dst(%arg17 : memref<80x128xf32, #tpu.memory_space<vmem>>)
      %dma_start3A_1008 = arith.constant 0 : i32
      %dma_start3A_1009 = arith.constant 0 : i32
      %dma_start3A_1010 = tpu.memref_slice %arg7[%dma_start3A_1008, %dma_start3A_1009] : memref<10080x128xf32, #tpu.memory_space<vmem_shared>> -> memref<10080x128xf32, #tpu.memory_space<vmem_shared>>
      tpu.enqueue_indirect_dma source(%arg17 : memref<80x128xf32, #tpu.memory_space<vmem>>) target(%dma_start3A_1010 : memref<10080x128xf32, #tpu.memory_space<vmem_shared>>) offsets(%arg14 : memref<80xi32, #tpu.memory_space<vmem>>) semaphore(%arg26 : memref<!tpu.dma_semaphore, #tpu.memory_space<semaphore_mem>>) {add = true}
      %dma_wait3A_1011 = arith.constant 0 : i32
      %dma_wait3A_1012 = arith.constant 0 : i32
      %dma_wait3A_1013 = tpu.memref_slice %arg7[%dma_wait3A_1011, %dma_wait3A_1012] : memref<10080x128xf32, #tpu.memory_space<vmem_shared>> -> memref<10080x128xf32, #tpu.memory_space<vmem_shared>>
      tpu.wait_indirect_dma semaphore(%arg26 : memref<!tpu.dma_semaphore, #tpu.memory_space<semaphore_mem>>) src(%arg16 : memref<80x128xf32, #tpu.memory_space<vmem>>) dst(%dma_wait3A_1013 : memref<10080x128xf32, #tpu.memory_space<vmem_shared>>)
      %add3A_1014 = arith.constant 3 : i32
      %add3A_1015 = arith.addi %add3A_997, %add3A_1014 : i32
      %lt3A_1016 = arith.constant 128 : i32
      %lt3A_1017 = arith.cmpi slt, %add3A_1015, %lt3A_1016 : i32
      %convert_element_type3A_1018 = arith.extui %lt3A_1017 : i1 to i32
      %cond3A_1019 = arith.constant 0 : i32
      %cond3A_1020 = arith.cmpi ne, %convert_element_type3A_1018, %cond3A_1019 : i32
      scf.if %cond3A_1020 {
        %add3A_1046 = arith.constant 3 : i32
        %add3A_1047 = arith.addi %add3A_997, %add3A_1046 : i32
        %add3A_1048 = arith.addi %mul3A_55, %add3A_1047 : i32
        %mul3A_1049 = arith.constant 80 : i32
        %mul3A_1050 = arith.muli %add3A_1048, %mul3A_1049 : i32
        %add3A_1051 = arith.addi %mul3A_55, %add3A_1047 : i32
        %mul3A_1052 = arith.constant 80 : i32
        %mul3A_1053 = arith.muli %add3A_1051, %mul3A_1052 : i32
        %dma_start3A_1054 = tpu.memref_slice %arg3[%mul3A_1050] : memref<327680xi32, #tpu.memory_space<hbm>> -> memref<80xi32, #tpu.memory_space<hbm>>
        %dma_start3A_1055 = tpu.memref_slice %arg3[%mul3A_1050] : memref<327680xi32, #tpu.memory_space<hbm>> -> memref<80xi32, #tpu.memory_space<hbm>>
        tpu.enqueue_dma source(%dma_start3A_1055 : memref<80xi32, #tpu.memory_space<hbm>>) target(%arg9 : memref<80xi32, #tpu.memory_space<vmem>>) target_semaphore(%arg20 : memref<!tpu.dma_semaphore, #tpu.memory_space<semaphore_mem>>)
        %dma_start3A_1056 = tpu.memref_slice %arg4[%mul3A_1053] : memref<327680xi32, #tpu.memory_space<hbm>> -> memref<80xi32, #tpu.memory_space<hbm>>
        %dma_start3A_1057 = tpu.memref_slice %arg4[%mul3A_1053] : memref<327680xi32, #tpu.memory_space<hbm>> -> memref<80xi32, #tpu.memory_space<hbm>>
        tpu.enqueue_dma source(%dma_start3A_1057 : memref<80xi32, #tpu.memory_space<hbm>>) target(%arg13 : memref<80xi32, #tpu.memory_space<vmem>>) target_semaphore(%arg20 : memref<!tpu.dma_semaphore, #tpu.memory_space<semaphore_mem>>)
      } else {
      }
      %add3A_1021 = arith.constant 11 : i32
      %add3A_1022 = arith.addi %mul3A_745, %add3A_1021 : i32
      %add3A_1023 = arith.constant 1 : i32
      %add3A_1024 = arith.addi %add3A_1022, %add3A_1023 : i32
      %lt3A_1025 = arith.constant 128 : i32
      %lt3A_1026 = arith.cmpi slt, %add3A_1024, %lt3A_1025 : i32
      %convert_element_type3A_1027 = arith.extui %lt3A_1026 : i1 to i32
      %cond3A_1028 = arith.constant 0 : i32
      %cond3A_1029 = arith.cmpi ne, %convert_element_type3A_1027, %cond3A_1028 : i32
      scf.if %cond3A_1029 {
        %add3A_1046 = arith.constant 1 : i32
        %add3A_1047 = arith.addi %add3A_1022, %add3A_1046 : i32
        %add3A_1048 = arith.addi %mul3A_55, %add3A_1047 : i32
        %mul3A_1049 = arith.constant 80 : i32
        %mul3A_1050 = arith.muli %add3A_1048, %mul3A_1049 : i32
        %dma_wait3A_1051 = tpu.memref_slice %arg3[%mul3A_1050] : memref<327680xi32, #tpu.memory_space<hbm>> -> memref<80xi32, #tpu.memory_space<hbm>>
        %dma_wait3A_1052 = tpu.memref_slice %arg3[%mul3A_1050] : memref<327680xi32, #tpu.memory_space<hbm>> -> memref<80xi32, #tpu.memory_space<hbm>>
        tpu.wait_dma2 semaphore(%arg19 : memref<!tpu.dma_semaphore, #tpu.memory_space<semaphore_mem>>) src(%dma_wait3A_1052 : memref<80xi32, #tpu.memory_space<hbm>>) dst(%arg8 : memref<80xi32, #tpu.memory_space<vmem>>)
        %dma_wait3A_1053 = tpu.memref_slice %arg4[%mul3A_1050] : memref<327680xi32, #tpu.memory_space<hbm>> -> memref<80xi32, #tpu.memory_space<hbm>>
        %dma_wait3A_1054 = tpu.memref_slice %arg4[%mul3A_1050] : memref<327680xi32, #tpu.memory_space<hbm>> -> memref<80xi32, #tpu.memory_space<hbm>>
        tpu.wait_dma2 semaphore(%arg19 : memref<!tpu.dma_semaphore, #tpu.memory_space<semaphore_mem>>) src(%dma_wait3A_1054 : memref<80xi32, #tpu.memory_space<hbm>>) dst(%arg12 : memref<80xi32, #tpu.memory_space<vmem>>)
        %dma_start3A_1055 = arith.constant 0 : i32
        %dma_start3A_1056 = arith.constant 0 : i32
        %dma_start3A_1057 = tpu.memref_slice %arg2[%dma_start3A_1055, %dma_start3A_1056] : memref<10000x128xf32, #tpu.memory_space<hbm>> -> memref<10000x128xf32, #tpu.memory_space<hbm>>
        tpu.enqueue_indirect_dma source(%dma_start3A_1057 : memref<10000x128xf32, #tpu.memory_space<hbm>>) target(%arg16 : memref<80x128xf32, #tpu.memory_space<vmem>>) offsets(%arg8 : memref<80xi32, #tpu.memory_space<vmem>>) semaphore(%arg23 : memref<!tpu.dma_semaphore, #tpu.memory_space<semaphore_mem>>)
      } else {
      }
      %dma_wait3A_1030 = arith.constant 0 : i32
      %dma_wait3A_1031 = arith.constant 0 : i32
      %dma_wait3A_1032 = tpu.memref_slice %arg2[%dma_wait3A_1030, %dma_wait3A_1031] : memref<10000x128xf32, #tpu.memory_space<hbm>> -> memref<10000x128xf32, #tpu.memory_space<hbm>>
      tpu.wait_indirect_dma semaphore(%arg25 : memref<!tpu.dma_semaphore, #tpu.memory_space<semaphore_mem>>) src(%dma_wait3A_1032 : memref<10000x128xf32, #tpu.memory_space<hbm>>) dst(%arg18 : memref<80x128xf32, #tpu.memory_space<vmem>>)
      %dma_start3A_1033 = arith.constant 0 : i32
      %dma_start3A_1034 = arith.constant 0 : i32
      %dma_start3A_1035 = tpu.memref_slice %arg7[%dma_start3A_1033, %dma_start3A_1034] : memref<10080x128xf32, #tpu.memory_space<vmem_shared>> -> memref<10080x128xf32, #tpu.memory_space<vmem_shared>>
      tpu.enqueue_indirect_dma source(%arg18 : memref<80x128xf32, #tpu.memory_space<vmem>>) target(%dma_start3A_1035 : memref<10080x128xf32, #tpu.memory_space<vmem_shared>>) offsets(%arg15 : memref<80xi32, #tpu.memory_space<vmem>>) semaphore(%arg26 : memref<!tpu.dma_semaphore, #tpu.memory_space<semaphore_mem>>) {add = true}
      %dma_wait3A_1036 = arith.constant 0 : i32
      %dma_wait3A_1037 = arith.constant 0 : i32
      %dma_wait3A_1038 = tpu.memref_slice %arg7[%dma_wait3A_1036, %dma_wait3A_1037] : memref<10080x128xf32, #tpu.memory_space<vmem_shared>> -> memref<10080x128xf32, #tpu.memory_space<vmem_shared>>
      tpu.wait_indirect_dma semaphore(%arg26 : memref<!tpu.dma_semaphore, #tpu.memory_space<semaphore_mem>>) src(%arg16 : memref<80x128xf32, #tpu.memory_space<vmem>>) dst(%dma_wait3A_1038 : memref<10080x128xf32, #tpu.memory_space<vmem_shared>>)
      %add3A_1039 = arith.constant 3 : i32
      %add3A_1040 = arith.addi %add3A_1022, %add3A_1039 : i32
      %lt3A_1041 = arith.constant 128 : i32
      %lt3A_1042 = arith.cmpi slt, %add3A_1040, %lt3A_1041 : i32
      %convert_element_type3A_1043 = arith.extui %lt3A_1042 : i1 to i32
      %cond3A_1044 = arith.constant 0 : i32
      %cond3A_1045 = arith.cmpi ne, %convert_element_type3A_1043, %cond3A_1044 : i32
      scf.if %cond3A_1045 {
        %add3A_1046 = arith.constant 3 : i32
        %add3A_1047 = arith.addi %add3A_1022, %add3A_1046 : i32
        %add3A_1048 = arith.addi %mul3A_55, %add3A_1047 : i32
        %mul3A_1049 = arith.constant 80 : i32
        %mul3A_1050 = arith.muli %add3A_1048, %mul3A_1049 : i32
        %add3A_1051 = arith.addi %mul3A_55, %add3A_1047 : i32
        %mul3A_1052 = arith.constant 80 : i32
        %mul3A_1053 = arith.muli %add3A_1051, %mul3A_1052 : i32
        %dma_start3A_1054 = tpu.memref_slice %arg3[%mul3A_1050] : memref<327680xi32, #tpu.memory_space<hbm>> -> memref<80xi32, #tpu.memory_space<hbm>>
        %dma_start3A_1055 = tpu.memref_slice %arg3[%mul3A_1050] : memref<327680xi32, #tpu.memory_space<hbm>> -> memref<80xi32, #tpu.memory_space<hbm>>
        tpu.enqueue_dma source(%dma_start3A_1055 : memref<80xi32, #tpu.memory_space<hbm>>) target(%arg10 : memref<80xi32, #tpu.memory_space<vmem>>) target_semaphore(%arg21 : memref<!tpu.dma_semaphore, #tpu.memory_space<semaphore_mem>>)
        %dma_start3A_1056 = tpu.memref_slice %arg4[%mul3A_1053] : memref<327680xi32, #tpu.memory_space<hbm>> -> memref<80xi32, #tpu.memory_space<hbm>>
        %dma_start3A_1057 = tpu.memref_slice %arg4[%mul3A_1053] : memref<327680xi32, #tpu.memory_space<hbm>> -> memref<80xi32, #tpu.memory_space<hbm>>
        tpu.enqueue_dma source(%dma_start3A_1057 : memref<80xi32, #tpu.memory_space<hbm>>) target(%arg14 : memref<80xi32, #tpu.memory_space<vmem>>) target_semaphore(%arg21 : memref<!tpu.dma_semaphore, #tpu.memory_space<semaphore_mem>>)
      } else {
      }
    }
    %scan3A_473 = arith.constant 9 : i32
    %add3A_474 = arith.constant 121 : i32
    %add3A_475 = arith.addi %mul3A_55, %add3A_474 : i32
    %mul3A_476 = arith.constant 80 : i32
    %mul3A_477 = arith.muli %add3A_475, %mul3A_476 : i32
    %dma_wait3A_478 = tpu.memref_slice %arg3[%mul3A_477] : memref<327680xi32, #tpu.memory_space<hbm>> -> memref<80xi32, #tpu.memory_space<hbm>>
    %dma_wait3A_479 = tpu.memref_slice %arg3[%mul3A_477] : memref<327680xi32, #tpu.memory_space<hbm>> -> memref<80xi32, #tpu.memory_space<hbm>>
    tpu.wait_dma2 semaphore(%arg20 : memref<!tpu.dma_semaphore, #tpu.memory_space<semaphore_mem>>) src(%dma_wait3A_479 : memref<80xi32, #tpu.memory_space<hbm>>) dst(%arg9 : memref<80xi32, #tpu.memory_space<vmem>>)
    %dma_wait3A_480 = tpu.memref_slice %arg4[%mul3A_477] : memref<327680xi32, #tpu.memory_space<hbm>> -> memref<80xi32, #tpu.memory_space<hbm>>
    %dma_wait3A_481 = tpu.memref_slice %arg4[%mul3A_477] : memref<327680xi32, #tpu.memory_space<hbm>> -> memref<80xi32, #tpu.memory_space<hbm>>
    tpu.wait_dma2 semaphore(%arg20 : memref<!tpu.dma_semaphore, #tpu.memory_space<semaphore_mem>>) src(%dma_wait3A_481 : memref<80xi32, #tpu.memory_space<hbm>>) dst(%arg13 : memref<80xi32, #tpu.memory_space<vmem>>)
    %dma_start3A_482 = arith.constant 0 : i32
    %dma_start3A_483 = arith.constant 0 : i32
    %dma_start3A_484 = tpu.memref_slice %arg2[%dma_start3A_482, %dma_start3A_483] : memref<10000x128xf32, #tpu.memory_space<hbm>> -> memref<10000x128xf32, #tpu.memory_space<hbm>>
    tpu.enqueue_indirect_dma source(%dma_start3A_484 : memref<10000x128xf32, #tpu.memory_space<hbm>>) target(%arg17 : memref<80x128xf32, #tpu.memory_space<vmem>>) offsets(%arg9 : memref<80xi32, #tpu.memory_space<vmem>>) semaphore(%arg24 : memref<!tpu.dma_semaphore, #tpu.memory_space<semaphore_mem>>)
    %dma_wait3A_485 = arith.constant 0 : i32
    %dma_wait3A_486 = arith.constant 0 : i32
    %dma_wait3A_487 = tpu.memref_slice %arg2[%dma_wait3A_485, %dma_wait3A_486] : memref<10000x128xf32, #tpu.memory_space<hbm>> -> memref<10000x128xf32, #tpu.memory_space<hbm>>
    tpu.wait_indirect_dma semaphore(%arg23 : memref<!tpu.dma_semaphore, #tpu.memory_space<semaphore_mem>>) src(%dma_wait3A_487 : memref<10000x128xf32, #tpu.memory_space<hbm>>) dst(%arg16 : memref<80x128xf32, #tpu.memory_space<vmem>>)
    %dma_start3A_488 = arith.constant 0 : i32
    %dma_start3A_489 = arith.constant 0 : i32
    %dma_start3A_490 = tpu.memref_slice %arg7[%dma_start3A_488, %dma_start3A_489] : memref<10080x128xf32, #tpu.memory_space<vmem_shared>> -> memref<10080x128xf32, #tpu.memory_space<vmem_shared>>
    tpu.enqueue_indirect_dma source(%arg16 : memref<80x128xf32, #tpu.memory_space<vmem>>) target(%dma_start3A_490 : memref<10080x128xf32, #tpu.memory_space<vmem_shared>>) offsets(%arg12 : memref<80xi32, #tpu.memory_space<vmem>>) semaphore(%arg26 : memref<!tpu.dma_semaphore, #tpu.memory_space<semaphore_mem>>) {add = true}
    %dma_wait3A_491 = arith.constant 0 : i32
    %dma_wait3A_492 = arith.constant 0 : i32
    %dma_wait3A_493 = tpu.memref_slice %arg7[%dma_wait3A_491, %dma_wait3A_492] : memref<10080x128xf32, #tpu.memory_space<vmem_shared>> -> memref<10080x128xf32, #tpu.memory_space<vmem_shared>>
    tpu.wait_indirect_dma semaphore(%arg26 : memref<!tpu.dma_semaphore, #tpu.memory_space<semaphore_mem>>) src(%arg16 : memref<80x128xf32, #tpu.memory_space<vmem>>) dst(%dma_wait3A_493 : memref<10080x128xf32, #tpu.memory_space<vmem_shared>>)
    %add3A_494 = arith.constant 123 : i32
    %add3A_495 = arith.addi %mul3A_55, %add3A_494 : i32
    %mul3A_496 = arith.constant 80 : i32
    %mul3A_497 = arith.muli %add3A_495, %mul3A_496 : i32
    %add3A_498 = arith.constant 123 : i32
    %add3A_499 = arith.addi %mul3A_55, %add3A_498 : i32
    %mul3A_500 = arith.constant 80 : i32
    %mul3A_501 = arith.muli %add3A_499, %mul3A_500 : i32
    %dma_start3A_502 = tpu.memref_slice %arg3[%mul3A_497] : memref<327680xi32, #tpu.memory_space<hbm>> -> memref<80xi32, #tpu.memory_space<hbm>>
    %dma_start3A_503 = tpu.memref_slice %arg3[%mul3A_497] : memref<327680xi32, #tpu.memory_space<hbm>> -> memref<80xi32, #tpu.memory_space<hbm>>
    tpu.enqueue_dma source(%dma_start3A_503 : memref<80xi32, #tpu.memory_space<hbm>>) target(%arg11 : memref<80xi32, #tpu.memory_space<vmem>>) target_semaphore(%arg22 : memref<!tpu.dma_semaphore, #tpu.memory_space<semaphore_mem>>)
    %dma_start3A_504 = tpu.memref_slice %arg4[%mul3A_501] : memref<327680xi32, #tpu.memory_space<hbm>> -> memref<80xi32, #tpu.memory_space<hbm>>
    %dma_start3A_505 = tpu.memref_slice %arg4[%mul3A_501] : memref<327680xi32, #tpu.memory_space<hbm>> -> memref<80xi32, #tpu.memory_space<hbm>>
    tpu.enqueue_dma source(%dma_start3A_505 : memref<80xi32, #tpu.memory_space<hbm>>) target(%arg15 : memref<80xi32, #tpu.memory_space<vmem>>) target_semaphore(%arg22 : memref<!tpu.dma_semaphore, #tpu.memory_space<semaphore_mem>>)
    %add3A_506 = arith.constant 122 : i32
    %add3A_507 = arith.addi %mul3A_55, %add3A_506 : i32
    %mul3A_508 = arith.constant 80 : i32
    %mul3A_509 = arith.muli %add3A_507, %mul3A_508 : i32
    %dma_wait3A_510 = tpu.memref_slice %arg3[%mul3A_509] : memref<327680xi32, #tpu.memory_space<hbm>> -> memref<80xi32, #tpu.memory_space<hbm>>
    %dma_wait3A_511 = tpu.memref_slice %arg3[%mul3A_509] : memref<327680xi32, #tpu.memory_space<hbm>> -> memref<80xi32, #tpu.memory_space<hbm>>
    tpu.wait_dma2 semaphore(%arg21 : memref<!tpu.dma_semaphore, #tpu.memory_space<semaphore_mem>>) src(%dma_wait3A_511 : memref<80xi32, #tpu.memory_space<hbm>>) dst(%arg10 : memref<80xi32, #tpu.memory_space<vmem>>)
    %dma_wait3A_512 = tpu.memref_slice %arg4[%mul3A_509] : memref<327680xi32, #tpu.memory_space<hbm>> -> memref<80xi32, #tpu.memory_space<hbm>>
    %dma_wait3A_513 = tpu.memref_slice %arg4[%mul3A_509] : memref<327680xi32, #tpu.memory_space<hbm>> -> memref<80xi32, #tpu.memory_space<hbm>>
    tpu.wait_dma2 semaphore(%arg21 : memref<!tpu.dma_semaphore, #tpu.memory_space<semaphore_mem>>) src(%dma_wait3A_513 : memref<80xi32, #tpu.memory_space<hbm>>) dst(%arg14 : memref<80xi32, #tpu.memory_space<vmem>>)
    %dma_start3A_514 = arith.constant 0 : i32
    %dma_start3A_515 = arith.constant 0 : i32
    %dma_start3A_516 = tpu.memref_slice %arg2[%dma_start3A_514, %dma_start3A_515] : memref<10000x128xf32, #tpu.memory_space<hbm>> -> memref<10000x128xf32, #tpu.memory_space<hbm>>
    tpu.enqueue_indirect_dma source(%dma_start3A_516 : memref<10000x128xf32, #tpu.memory_space<hbm>>) target(%arg18 : memref<80x128xf32, #tpu.memory_space<vmem>>) offsets(%arg10 : memref<80xi32, #tpu.memory_space<vmem>>) semaphore(%arg25 : memref<!tpu.dma_semaphore, #tpu.memory_space<semaphore_mem>>)
    %dma_wait3A_517 = arith.constant 0 : i32
    %dma_wait3A_518 = arith.constant 0 : i32
    %dma_wait3A_519 = tpu.memref_slice %arg2[%dma_wait3A_517, %dma_wait3A_518] : memref<10000x128xf32, #tpu.memory_space<hbm>> -> memref<10000x128xf32, #tpu.memory_space<hbm>>
    tpu.wait_indirect_dma semaphore(%arg24 : memref<!tpu.dma_semaphore, #tpu.memory_space<semaphore_mem>>) src(%dma_wait3A_519 : memref<10000x128xf32, #tpu.memory_space<hbm>>) dst(%arg17 : memref<80x128xf32, #tpu.memory_space<vmem>>)
    %dma_start3A_520 = arith.constant 0 : i32
    %dma_start3A_521 = arith.constant 0 : i32
    %dma_start3A_522 = tpu.memref_slice %arg7[%dma_start3A_520, %dma_start3A_521] : memref<10080x128xf32, #tpu.memory_space<vmem_shared>> -> memref<10080x128xf32, #tpu.memory_space<vmem_shared>>
    tpu.enqueue_indirect_dma source(%arg17 : memref<80x128xf32, #tpu.memory_space<vmem>>) target(%dma_start3A_522 : memref<10080x128xf32, #tpu.memory_space<vmem_shared>>) offsets(%arg13 : memref<80xi32, #tpu.memory_space<vmem>>) semaphore(%arg26 : memref<!tpu.dma_semaphore, #tpu.memory_space<semaphore_mem>>) {add = true}
    %dma_wait3A_523 = arith.constant 0 : i32
    %dma_wait3A_524 = arith.constant 0 : i32
    %dma_wait3A_525 = tpu.memref_slice %arg7[%dma_wait3A_523, %dma_wait3A_524] : memref<10080x128xf32, #tpu.memory_space<vmem_shared>> -> memref<10080x128xf32, #tpu.memory_space<vmem_shared>>
    tpu.wait_indirect_dma semaphore(%arg26 : memref<!tpu.dma_semaphore, #tpu.memory_space<semaphore_mem>>) src(%arg16 : memref<80x128xf32, #tpu.memory_space<vmem>>) dst(%dma_wait3A_525 : memref<10080x128xf32, #tpu.memory_space<vmem_shared>>)
    %add3A_526 = arith.constant 124 : i32
    %add3A_527 = arith.addi %mul3A_55, %add3A_526 : i32
    %mul3A_528 = arith.constant 80 : i32
    %mul3A_529 = arith.muli %add3A_527, %mul3A_528 : i32
    %add3A_530 = arith.constant 124 : i32
    %add3A_531 = arith.addi %mul3A_55, %add3A_530 : i32
    %mul3A_532 = arith.constant 80 : i32
    %mul3A_533 = arith.muli %add3A_531, %mul3A_532 : i32
    %dma_start3A_534 = tpu.memref_slice %arg3[%mul3A_529] : memref<327680xi32, #tpu.memory_space<hbm>> -> memref<80xi32, #tpu.memory_space<hbm>>
    %dma_start3A_535 = tpu.memref_slice %arg3[%mul3A_529] : memref<327680xi32, #tpu.memory_space<hbm>> -> memref<80xi32, #tpu.memory_space<hbm>>
    tpu.enqueue_dma source(%dma_start3A_535 : memref<80xi32, #tpu.memory_space<hbm>>) target(%arg8 : memref<80xi32, #tpu.memory_space<vmem>>) target_semaphore(%arg19 : memref<!tpu.dma_semaphore, #tpu.memory_space<semaphore_mem>>)
    %dma_start3A_536 = tpu.memref_slice %arg4[%mul3A_533] : memref<327680xi32, #tpu.memory_space<hbm>> -> memref<80xi32, #tpu.memory_space<hbm>>
    %dma_start3A_537 = tpu.memref_slice %arg4[%mul3A_533] : memref<327680xi32, #tpu.memory_space<hbm>> -> memref<80xi32, #tpu.memory_space<hbm>>
    tpu.enqueue_dma source(%dma_start3A_537 : memref<80xi32, #tpu.memory_space<hbm>>) target(%arg12 : memref<80xi32, #tpu.memory_space<vmem>>) target_semaphore(%arg19 : memref<!tpu.dma_semaphore, #tpu.memory_space<semaphore_mem>>)
    %add3A_538 = arith.constant 123 : i32
    %add3A_539 = arith.addi %mul3A_55, %add3A_538 : i32
    %mul3A_540 = arith.constant 80 : i32
    %mul3A_541 = arith.muli %add3A_539, %mul3A_540 : i32
    %dma_wait3A_542 = tpu.memref_slice %arg3[%mul3A_541] : memref<327680xi32, #tpu.memory_space<hbm>> -> memref<80xi32, #tpu.memory_space<hbm>>
    %dma_wait3A_543 = tpu.memref_slice %arg3[%mul3A_541] : memref<327680xi32, #tpu.memory_space<hbm>> -> memref<80xi32, #tpu.memory_space<hbm>>
    tpu.wait_dma2 semaphore(%arg22 : memref<!tpu.dma_semaphore, #tpu.memory_space<semaphore_mem>>) src(%dma_wait3A_543 : memref<80xi32, #tpu.memory_space<hbm>>) dst(%arg11 : memref<80xi32, #tpu.memory_space<vmem>>)
    %dma_wait3A_544 = tpu.memref_slice %arg4[%mul3A_541] : memref<327680xi32, #tpu.memory_space<hbm>> -> memref<80xi32, #tpu.memory_space<hbm>>
    %dma_wait3A_545 = tpu.memref_slice %arg4[%mul3A_541] : memref<327680xi32, #tpu.memory_space<hbm>> -> memref<80xi32, #tpu.memory_space<hbm>>
    tpu.wait_dma2 semaphore(%arg22 : memref<!tpu.dma_semaphore, #tpu.memory_space<semaphore_mem>>) src(%dma_wait3A_545 : memref<80xi32, #tpu.memory_space<hbm>>) dst(%arg15 : memref<80xi32, #tpu.memory_space<vmem>>)
    %dma_start3A_546 = arith.constant 0 : i32
    %dma_start3A_547 = arith.constant 0 : i32
    %dma_start3A_548 = tpu.memref_slice %arg2[%dma_start3A_546, %dma_start3A_547] : memref<10000x128xf32, #tpu.memory_space<hbm>> -> memref<10000x128xf32, #tpu.memory_space<hbm>>
    tpu.enqueue_indirect_dma source(%dma_start3A_548 : memref<10000x128xf32, #tpu.memory_space<hbm>>) target(%arg16 : memref<80x128xf32, #tpu.memory_space<vmem>>) offsets(%arg11 : memref<80xi32, #tpu.memory_space<vmem>>) semaphore(%arg23 : memref<!tpu.dma_semaphore, #tpu.memory_space<semaphore_mem>>)
    %dma_wait3A_549 = arith.constant 0 : i32
    %dma_wait3A_550 = arith.constant 0 : i32
    %dma_wait3A_551 = tpu.memref_slice %arg2[%dma_wait3A_549, %dma_wait3A_550] : memref<10000x128xf32, #tpu.memory_space<hbm>> -> memref<10000x128xf32, #tpu.memory_space<hbm>>
    tpu.wait_indirect_dma semaphore(%arg25 : memref<!tpu.dma_semaphore, #tpu.memory_space<semaphore_mem>>) src(%dma_wait3A_551 : memref<10000x128xf32, #tpu.memory_space<hbm>>) dst(%arg18 : memref<80x128xf32, #tpu.memory_space<vmem>>)
    %dma_start3A_552 = arith.constant 0 : i32
    %dma_start3A_553 = arith.constant 0 : i32
    %dma_start3A_554 = tpu.memref_slice %arg7[%dma_start3A_552, %dma_start3A_553] : memref<10080x128xf32, #tpu.memory_space<vmem_shared>> -> memref<10080x128xf32, #tpu.memory_space<vmem_shared>>
    tpu.enqueue_indirect_dma source(%arg18 : memref<80x128xf32, #tpu.memory_space<vmem>>) target(%dma_start3A_554 : memref<10080x128xf32, #tpu.memory_space<vmem_shared>>) offsets(%arg14 : memref<80xi32, #tpu.memory_space<vmem>>) semaphore(%arg26 : memref<!tpu.dma_semaphore, #tpu.memory_space<semaphore_mem>>) {add = true}
    %dma_wait3A_555 = arith.constant 0 : i32
    %dma_wait3A_556 = arith.constant 0 : i32
    %dma_wait3A_557 = tpu.memref_slice %arg7[%dma_wait3A_555, %dma_wait3A_556] : memref<10080x128xf32, #tpu.memory_space<vmem_shared>> -> memref<10080x128xf32, #tpu.memory_space<vmem_shared>>
    tpu.wait_indirect_dma semaphore(%arg26 : memref<!tpu.dma_semaphore, #tpu.memory_space<semaphore_mem>>) src(%arg16 : memref<80x128xf32, #tpu.memory_space<vmem>>) dst(%dma_wait3A_557 : memref<10080x128xf32, #tpu.memory_space<vmem_shared>>)
    %add3A_558 = arith.constant 125 : i32
    %add3A_559 = arith.addi %mul3A_55, %add3A_558 : i32
    %mul3A_560 = arith.constant 80 : i32
    %mul3A_561 = arith.muli %add3A_559, %mul3A_560 : i32
    %add3A_562 = arith.constant 125 : i32
    %add3A_563 = arith.addi %mul3A_55, %add3A_562 : i32
    %mul3A_564 = arith.constant 80 : i32
    %mul3A_565 = arith.muli %add3A_563, %mul3A_564 : i32
    %dma_start3A_566 = tpu.memref_slice %arg3[%mul3A_561] : memref<327680xi32, #tpu.memory_space<hbm>> -> memref<80xi32, #tpu.memory_space<hbm>>
    %dma_start3A_567 = tpu.memref_slice %arg3[%mul3A_561] : memref<327680xi32, #tpu.memory_space<hbm>> -> memref<80xi32, #tpu.memory_space<hbm>>
    tpu.enqueue_dma source(%dma_start3A_567 : memref<80xi32, #tpu.memory_space<hbm>>) target(%arg9 : memref<80xi32, #tpu.memory_space<vmem>>) target_semaphore(%arg20 : memref<!tpu.dma_semaphore, #tpu.memory_space<semaphore_mem>>)
    %dma_start3A_568 = tpu.memref_slice %arg4[%mul3A_565] : memref<327680xi32, #tpu.memory_space<hbm>> -> memref<80xi32, #tpu.memory_space<hbm>>
    %dma_start3A_569 = tpu.memref_slice %arg4[%mul3A_565] : memref<327680xi32, #tpu.memory_space<hbm>> -> memref<80xi32, #tpu.memory_space<hbm>>
    tpu.enqueue_dma source(%dma_start3A_569 : memref<80xi32, #tpu.memory_space<hbm>>) target(%arg13 : memref<80xi32, #tpu.memory_space<vmem>>) target_semaphore(%arg20 : memref<!tpu.dma_semaphore, #tpu.memory_space<semaphore_mem>>)
    %add3A_570 = arith.constant 124 : i32
    %add3A_571 = arith.addi %mul3A_55, %add3A_570 : i32
    %mul3A_572 = arith.constant 80 : i32
    %mul3A_573 = arith.muli %add3A_571, %mul3A_572 : i32
    %dma_wait3A_574 = tpu.memref_slice %arg3[%mul3A_573] : memref<327680xi32, #tpu.memory_space<hbm>> -> memref<80xi32, #tpu.memory_space<hbm>>
    %dma_wait3A_575 = tpu.memref_slice %arg3[%mul3A_573] : memref<327680xi32, #tpu.memory_space<hbm>> -> memref<80xi32, #tpu.memory_space<hbm>>
    tpu.wait_dma2 semaphore(%arg19 : memref<!tpu.dma_semaphore, #tpu.memory_space<semaphore_mem>>) src(%dma_wait3A_575 : memref<80xi32, #tpu.memory_space<hbm>>) dst(%arg8 : memref<80xi32, #tpu.memory_space<vmem>>)
    %dma_wait3A_576 = tpu.memref_slice %arg4[%mul3A_573] : memref<327680xi32, #tpu.memory_space<hbm>> -> memref<80xi32, #tpu.memory_space<hbm>>
    %dma_wait3A_577 = tpu.memref_slice %arg4[%mul3A_573] : memref<327680xi32, #tpu.memory_space<hbm>> -> memref<80xi32, #tpu.memory_space<hbm>>
    tpu.wait_dma2 semaphore(%arg19 : memref<!tpu.dma_semaphore, #tpu.memory_space<semaphore_mem>>) src(%dma_wait3A_577 : memref<80xi32, #tpu.memory_space<hbm>>) dst(%arg12 : memref<80xi32, #tpu.memory_space<vmem>>)
    %dma_start3A_578 = arith.constant 0 : i32
    %dma_start3A_579 = arith.constant 0 : i32
    %dma_start3A_580 = tpu.memref_slice %arg2[%dma_start3A_578, %dma_start3A_579] : memref<10000x128xf32, #tpu.memory_space<hbm>> -> memref<10000x128xf32, #tpu.memory_space<hbm>>
    tpu.enqueue_indirect_dma source(%dma_start3A_580 : memref<10000x128xf32, #tpu.memory_space<hbm>>) target(%arg17 : memref<80x128xf32, #tpu.memory_space<vmem>>) offsets(%arg8 : memref<80xi32, #tpu.memory_space<vmem>>) semaphore(%arg24 : memref<!tpu.dma_semaphore, #tpu.memory_space<semaphore_mem>>)
    %dma_wait3A_581 = arith.constant 0 : i32
    %dma_wait3A_582 = arith.constant 0 : i32
    %dma_wait3A_583 = tpu.memref_slice %arg2[%dma_wait3A_581, %dma_wait3A_582] : memref<10000x128xf32, #tpu.memory_space<hbm>> -> memref<10000x128xf32, #tpu.memory_space<hbm>>
    tpu.wait_indirect_dma semaphore(%arg23 : memref<!tpu.dma_semaphore, #tpu.memory_space<semaphore_mem>>) src(%dma_wait3A_583 : memref<10000x128xf32, #tpu.memory_space<hbm>>) dst(%arg16 : memref<80x128xf32, #tpu.memory_space<vmem>>)
    %dma_start3A_584 = arith.constant 0 : i32
    %dma_start3A_585 = arith.constant 0 : i32
    %dma_start3A_586 = tpu.memref_slice %arg7[%dma_start3A_584, %dma_start3A_585] : memref<10080x128xf32, #tpu.memory_space<vmem_shared>> -> memref<10080x128xf32, #tpu.memory_space<vmem_shared>>
    tpu.enqueue_indirect_dma source(%arg16 : memref<80x128xf32, #tpu.memory_space<vmem>>) target(%dma_start3A_586 : memref<10080x128xf32, #tpu.memory_space<vmem_shared>>) offsets(%arg15 : memref<80xi32, #tpu.memory_space<vmem>>) semaphore(%arg26 : memref<!tpu.dma_semaphore, #tpu.memory_space<semaphore_mem>>) {add = true}
    %dma_wait3A_587 = arith.constant 0 : i32
    %dma_wait3A_588 = arith.constant 0 : i32
    %dma_wait3A_589 = tpu.memref_slice %arg7[%dma_wait3A_587, %dma_wait3A_588] : memref<10080x128xf32, #tpu.memory_space<vmem_shared>> -> memref<10080x128xf32, #tpu.memory_space<vmem_shared>>
    tpu.wait_indirect_dma semaphore(%arg26 : memref<!tpu.dma_semaphore, #tpu.memory_space<semaphore_mem>>) src(%arg16 : memref<80x128xf32, #tpu.memory_space<vmem>>) dst(%dma_wait3A_589 : memref<10080x128xf32, #tpu.memory_space<vmem_shared>>)
    %add3A_590 = arith.constant 126 : i32
    %add3A_591 = arith.addi %mul3A_55, %add3A_590 : i32
    %mul3A_592 = arith.constant 80 : i32
    %mul3A_593 = arith.muli %add3A_591, %mul3A_592 : i32
    %add3A_594 = arith.constant 126 : i32
    %add3A_595 = arith.addi %mul3A_55, %add3A_594 : i32
    %mul3A_596 = arith.constant 80 : i32
    %mul3A_597 = arith.muli %add3A_595, %mul3A_596 : i32
    %dma_start3A_598 = tpu.memref_slice %arg3[%mul3A_593] : memref<327680xi32, #tpu.memory_space<hbm>> -> memref<80xi32, #tpu.memory_space<hbm>>
    %dma_start3A_599 = tpu.memref_slice %arg3[%mul3A_593] : memref<327680xi32, #tpu.memory_space<hbm>> -> memref<80xi32, #tpu.memory_space<hbm>>
    tpu.enqueue_dma source(%dma_start3A_599 : memref<80xi32, #tpu.memory_space<hbm>>) target(%arg10 : memref<80xi32, #tpu.memory_space<vmem>>) target_semaphore(%arg21 : memref<!tpu.dma_semaphore, #tpu.memory_space<semaphore_mem>>)
    %dma_start3A_600 = tpu.memref_slice %arg4[%mul3A_597] : memref<327680xi32, #tpu.memory_space<hbm>> -> memref<80xi32, #tpu.memory_space<hbm>>
    %dma_start3A_601 = tpu.memref_slice %arg4[%mul3A_597] : memref<327680xi32, #tpu.memory_space<hbm>> -> memref<80xi32, #tpu.memory_space<hbm>>
    tpu.enqueue_dma source(%dma_start3A_601 : memref<80xi32, #tpu.memory_space<hbm>>) target(%arg14 : memref<80xi32, #tpu.memory_space<vmem>>) target_semaphore(%arg21 : memref<!tpu.dma_semaphore, #tpu.memory_space<semaphore_mem>>)
    %add3A_602 = arith.constant 125 : i32
    %add3A_603 = arith.addi %mul3A_55, %add3A_602 : i32
    %mul3A_604 = arith.constant 80 : i32
    %mul3A_605 = arith.muli %add3A_603, %mul3A_604 : i32
    %dma_wait3A_606 = tpu.memref_slice %arg3[%mul3A_605] : memref<327680xi32, #tpu.memory_space<hbm>> -> memref<80xi32, #tpu.memory_space<hbm>>
    %dma_wait3A_607 = tpu.memref_slice %arg3[%mul3A_605] : memref<327680xi32, #tpu.memory_space<hbm>> -> memref<80xi32, #tpu.memory_space<hbm>>
    tpu.wait_dma2 semaphore(%arg20 : memref<!tpu.dma_semaphore, #tpu.memory_space<semaphore_mem>>) src(%dma_wait3A_607 : memref<80xi32, #tpu.memory_space<hbm>>) dst(%arg9 : memref<80xi32, #tpu.memory_space<vmem>>)
    %dma_wait3A_608 = tpu.memref_slice %arg4[%mul3A_605] : memref<327680xi32, #tpu.memory_space<hbm>> -> memref<80xi32, #tpu.memory_space<hbm>>
    %dma_wait3A_609 = tpu.memref_slice %arg4[%mul3A_605] : memref<327680xi32, #tpu.memory_space<hbm>> -> memref<80xi32, #tpu.memory_space<hbm>>
    tpu.wait_dma2 semaphore(%arg20 : memref<!tpu.dma_semaphore, #tpu.memory_space<semaphore_mem>>) src(%dma_wait3A_609 : memref<80xi32, #tpu.memory_space<hbm>>) dst(%arg13 : memref<80xi32, #tpu.memory_space<vmem>>)
    %dma_start3A_610 = arith.constant 0 : i32
    %dma_start3A_611 = arith.constant 0 : i32
    %dma_start3A_612 = tpu.memref_slice %arg2[%dma_start3A_610, %dma_start3A_611] : memref<10000x128xf32, #tpu.memory_space<hbm>> -> memref<10000x128xf32, #tpu.memory_space<hbm>>
    tpu.enqueue_indirect_dma source(%dma_start3A_612 : memref<10000x128xf32, #tpu.memory_space<hbm>>) target(%arg18 : memref<80x128xf32, #tpu.memory_space<vmem>>) offsets(%arg9 : memref<80xi32, #tpu.memory_space<vmem>>) semaphore(%arg25 : memref<!tpu.dma_semaphore, #tpu.memory_space<semaphore_mem>>)
    %dma_wait3A_613 = arith.constant 0 : i32
    %dma_wait3A_614 = arith.constant 0 : i32
    %dma_wait3A_615 = tpu.memref_slice %arg2[%dma_wait3A_613, %dma_wait3A_614] : memref<10000x128xf32, #tpu.memory_space<hbm>> -> memref<10000x128xf32, #tpu.memory_space<hbm>>
    tpu.wait_indirect_dma semaphore(%arg24 : memref<!tpu.dma_semaphore, #tpu.memory_space<semaphore_mem>>) src(%dma_wait3A_615 : memref<10000x128xf32, #tpu.memory_space<hbm>>) dst(%arg17 : memref<80x128xf32, #tpu.memory_space<vmem>>)
    %dma_start3A_616 = arith.constant 0 : i32
    %dma_start3A_617 = arith.constant 0 : i32
    %dma_start3A_618 = tpu.memref_slice %arg7[%dma_start3A_616, %dma_start3A_617] : memref<10080x128xf32, #tpu.memory_space<vmem_shared>> -> memref<10080x128xf32, #tpu.memory_space<vmem_shared>>
    tpu.enqueue_indirect_dma source(%arg17 : memref<80x128xf32, #tpu.memory_space<vmem>>) target(%dma_start3A_618 : memref<10080x128xf32, #tpu.memory_space<vmem_shared>>) offsets(%arg12 : memref<80xi32, #tpu.memory_space<vmem>>) semaphore(%arg26 : memref<!tpu.dma_semaphore, #tpu.memory_space<semaphore_mem>>) {add = true}
    %dma_wait3A_619 = arith.constant 0 : i32
    %dma_wait3A_620 = arith.constant 0 : i32
    %dma_wait3A_621 = tpu.memref_slice %arg7[%dma_wait3A_619, %dma_wait3A_620] : memref<10080x128xf32, #tpu.memory_space<vmem_shared>> -> memref<10080x128xf32, #tpu.memory_space<vmem_shared>>
    tpu.wait_indirect_dma semaphore(%arg26 : memref<!tpu.dma_semaphore, #tpu.memory_space<semaphore_mem>>) src(%arg16 : memref<80x128xf32, #tpu.memory_space<vmem>>) dst(%dma_wait3A_621 : memref<10080x128xf32, #tpu.memory_space<vmem_shared>>)
    %add3A_622 = arith.constant 127 : i32
    %add3A_623 = arith.addi %mul3A_55, %add3A_622 : i32
    %mul3A_624 = arith.constant 80 : i32
    %mul3A_625 = arith.muli %add3A_623, %mul3A_624 : i32
    %add3A_626 = arith.constant 127 : i32
    %add3A_627 = arith.addi %mul3A_55, %add3A_626 : i32
    %mul3A_628 = arith.constant 80 : i32
    %mul3A_629 = arith.muli %add3A_627, %mul3A_628 : i32
    %dma_start3A_630 = tpu.memref_slice %arg3[%mul3A_625] : memref<327680xi32, #tpu.memory_space<hbm>> -> memref<80xi32, #tpu.memory_space<hbm>>
    %dma_start3A_631 = tpu.memref_slice %arg3[%mul3A_625] : memref<327680xi32, #tpu.memory_space<hbm>> -> memref<80xi32, #tpu.memory_space<hbm>>
    tpu.enqueue_dma source(%dma_start3A_631 : memref<80xi32, #tpu.memory_space<hbm>>) target(%arg11 : memref<80xi32, #tpu.memory_space<vmem>>) target_semaphore(%arg22 : memref<!tpu.dma_semaphore, #tpu.memory_space<semaphore_mem>>)
    %dma_start3A_632 = tpu.memref_slice %arg4[%mul3A_629] : memref<327680xi32, #tpu.memory_space<hbm>> -> memref<80xi32, #tpu.memory_space<hbm>>
    %dma_start3A_633 = tpu.memref_slice %arg4[%mul3A_629] : memref<327680xi32, #tpu.memory_space<hbm>> -> memref<80xi32, #tpu.memory_space<hbm>>
    tpu.enqueue_dma source(%dma_start3A_633 : memref<80xi32, #tpu.memory_space<hbm>>) target(%arg15 : memref<80xi32, #tpu.memory_space<vmem>>) target_semaphore(%arg22 : memref<!tpu.dma_semaphore, #tpu.memory_space<semaphore_mem>>)
    %add3A_634 = arith.constant 126 : i32
    %add3A_635 = arith.addi %mul3A_55, %add3A_634 : i32
    %mul3A_636 = arith.constant 80 : i32
    %mul3A_637 = arith.muli %add3A_635, %mul3A_636 : i32
    %dma_wait3A_638 = tpu.memref_slice %arg3[%mul3A_637] : memref<327680xi32, #tpu.memory_space<hbm>> -> memref<80xi32, #tpu.memory_space<hbm>>
    %dma_wait3A_639 = tpu.memref_slice %arg3[%mul3A_637] : memref<327680xi32, #tpu.memory_space<hbm>> -> memref<80xi32, #tpu.memory_space<hbm>>
    tpu.wait_dma2 semaphore(%arg21 : memref<!tpu.dma_semaphore, #tpu.memory_space<semaphore_mem>>) src(%dma_wait3A_639 : memref<80xi32, #tpu.memory_space<hbm>>) dst(%arg10 : memref<80xi32, #tpu.memory_space<vmem>>)
    %dma_wait3A_640 = tpu.memref_slice %arg4[%mul3A_637] : memref<327680xi32, #tpu.memory_space<hbm>> -> memref<80xi32, #tpu.memory_space<hbm>>
    %dma_wait3A_641 = tpu.memref_slice %arg4[%mul3A_637] : memref<327680xi32, #tpu.memory_space<hbm>> -> memref<80xi32, #tpu.memory_space<hbm>>
    tpu.wait_dma2 semaphore(%arg21 : memref<!tpu.dma_semaphore, #tpu.memory_space<semaphore_mem>>) src(%dma_wait3A_641 : memref<80xi32, #tpu.memory_space<hbm>>) dst(%arg14 : memref<80xi32, #tpu.memory_space<vmem>>)
    %dma_start3A_642 = arith.constant 0 : i32
    %dma_start3A_643 = arith.constant 0 : i32
    %dma_start3A_644 = tpu.memref_slice %arg2[%dma_start3A_642, %dma_start3A_643] : memref<10000x128xf32, #tpu.memory_space<hbm>> -> memref<10000x128xf32, #tpu.memory_space<hbm>>
    tpu.enqueue_indirect_dma source(%dma_start3A_644 : memref<10000x128xf32, #tpu.memory_space<hbm>>) target(%arg16 : memref<80x128xf32, #tpu.memory_space<vmem>>) offsets(%arg10 : memref<80xi32, #tpu.memory_space<vmem>>) semaphore(%arg23 : memref<!tpu.dma_semaphore, #tpu.memory_space<semaphore_mem>>)
    %dma_wait3A_645 = arith.constant 0 : i32
    %dma_wait3A_646 = arith.constant 0 : i32
    %dma_wait3A_647 = tpu.memref_slice %arg2[%dma_wait3A_645, %dma_wait3A_646] : memref<10000x128xf32, #tpu.memory_space<hbm>> -> memref<10000x128xf32, #tpu.memory_space<hbm>>
    tpu.wait_indirect_dma semaphore(%arg25 : memref<!tpu.dma_semaphore, #tpu.memory_space<semaphore_mem>>) src(%dma_wait3A_647 : memref<10000x128xf32, #tpu.memory_space<hbm>>) dst(%arg18 : memref<80x128xf32, #tpu.memory_space<vmem>>)
    %dma_start3A_648 = arith.constant 0 : i32
    %dma_start3A_649 = arith.constant 0 : i32
    %dma_start3A_650 = tpu.memref_slice %arg7[%dma_start3A_648, %dma_start3A_649] : memref<10080x128xf32, #tpu.memory_space<vmem_shared>> -> memref<10080x128xf32, #tpu.memory_space<vmem_shared>>
    tpu.enqueue_indirect_dma source(%arg18 : memref<80x128xf32, #tpu.memory_space<vmem>>) target(%dma_start3A_650 : memref<10080x128xf32, #tpu.memory_space<vmem_shared>>) offsets(%arg13 : memref<80xi32, #tpu.memory_space<vmem>>) semaphore(%arg26 : memref<!tpu.dma_semaphore, #tpu.memory_space<semaphore_mem>>) {add = true}
    %dma_wait3A_651 = arith.constant 0 : i32
    %dma_wait3A_652 = arith.constant 0 : i32
    %dma_wait3A_653 = tpu.memref_slice %arg7[%dma_wait3A_651, %dma_wait3A_652] : memref<10080x128xf32, #tpu.memory_space<vmem_shared>> -> memref<10080x128xf32, #tpu.memory_space<vmem_shared>>
    tpu.wait_indirect_dma semaphore(%arg26 : memref<!tpu.dma_semaphore, #tpu.memory_space<semaphore_mem>>) src(%arg16 : memref<80x128xf32, #tpu.memory_space<vmem>>) dst(%dma_wait3A_653 : memref<10080x128xf32, #tpu.memory_space<vmem_shared>>)
    %add3A_654 = arith.constant 127 : i32
    %add3A_655 = arith.addi %mul3A_55, %add3A_654 : i32
    %mul3A_656 = arith.constant 80 : i32
    %mul3A_657 = arith.muli %add3A_655, %mul3A_656 : i32
    %dma_wait3A_658 = tpu.memref_slice %arg3[%mul3A_657] : memref<327680xi32, #tpu.memory_space<hbm>> -> memref<80xi32, #tpu.memory_space<hbm>>
    %dma_wait3A_659 = tpu.memref_slice %arg3[%mul3A_657] : memref<327680xi32, #tpu.memory_space<hbm>> -> memref<80xi32, #tpu.memory_space<hbm>>
    tpu.wait_dma2 semaphore(%arg22 : memref<!tpu.dma_semaphore, #tpu.memory_space<semaphore_mem>>) src(%dma_wait3A_659 : memref<80xi32, #tpu.memory_space<hbm>>) dst(%arg11 : memref<80xi32, #tpu.memory_space<vmem>>)
    %dma_wait3A_660 = tpu.memref_slice %arg4[%mul3A_657] : memref<327680xi32, #tpu.memory_space<hbm>> -> memref<80xi32, #tpu.memory_space<hbm>>
    %dma_wait3A_661 = tpu.memref_slice %arg4[%mul3A_657] : memref<327680xi32, #tpu.memory_space<hbm>> -> memref<80xi32, #tpu.memory_space<hbm>>
    tpu.wait_dma2 semaphore(%arg22 : memref<!tpu.dma_semaphore, #tpu.memory_space<semaphore_mem>>) src(%dma_wait3A_661 : memref<80xi32, #tpu.memory_space<hbm>>) dst(%arg15 : memref<80xi32, #tpu.memory_space<vmem>>)
    %dma_start3A_662 = arith.constant 0 : i32
    %dma_start3A_663 = arith.constant 0 : i32
    %dma_start3A_664 = tpu.memref_slice %arg2[%dma_start3A_662, %dma_start3A_663] : memref<10000x128xf32, #tpu.memory_space<hbm>> -> memref<10000x128xf32, #tpu.memory_space<hbm>>
    tpu.enqueue_indirect_dma source(%dma_start3A_664 : memref<10000x128xf32, #tpu.memory_space<hbm>>) target(%arg17 : memref<80x128xf32, #tpu.memory_space<vmem>>) offsets(%arg11 : memref<80xi32, #tpu.memory_space<vmem>>) semaphore(%arg24 : memref<!tpu.dma_semaphore, #tpu.memory_space<semaphore_mem>>)
    %dma_wait3A_665 = arith.constant 0 : i32
    %dma_wait3A_666 = arith.constant 0 : i32
    %dma_wait3A_667 = tpu.memref_slice %arg2[%dma_wait3A_665, %dma_wait3A_666] : memref<10000x128xf32, #tpu.memory_space<hbm>> -> memref<10000x128xf32, #tpu.memory_space<hbm>>
    tpu.wait_indirect_dma semaphore(%arg23 : memref<!tpu.dma_semaphore, #tpu.memory_space<semaphore_mem>>) src(%dma_wait3A_667 : memref<10000x128xf32, #tpu.memory_space<hbm>>) dst(%arg16 : memref<80x128xf32, #tpu.memory_space<vmem>>)
    %dma_start3A_668 = arith.constant 0 : i32
    %dma_start3A_669 = arith.constant 0 : i32
    %dma_start3A_670 = tpu.memref_slice %arg7[%dma_start3A_668, %dma_start3A_669] : memref<10080x128xf32, #tpu.memory_space<vmem_shared>> -> memref<10080x128xf32, #tpu.memory_space<vmem_shared>>
    tpu.enqueue_indirect_dma source(%arg16 : memref<80x128xf32, #tpu.memory_space<vmem>>) target(%dma_start3A_670 : memref<10080x128xf32, #tpu.memory_space<vmem_shared>>) offsets(%arg14 : memref<80xi32, #tpu.memory_space<vmem>>) semaphore(%arg26 : memref<!tpu.dma_semaphore, #tpu.memory_space<semaphore_mem>>) {add = true}
    %dma_wait3A_671 = arith.constant 0 : i32
    %dma_wait3A_672 = arith.constant 0 : i32
    %dma_wait3A_673 = tpu.memref_slice %arg7[%dma_wait3A_671, %dma_wait3A_672] : memref<10080x128xf32, #tpu.memory_space<vmem_shared>> -> memref<10080x128xf32, #tpu.memory_space<vmem_shared>>
    tpu.wait_indirect_dma semaphore(%arg26 : memref<!tpu.dma_semaphore, #tpu.memory_space<semaphore_mem>>) src(%arg16 : memref<80x128xf32, #tpu.memory_space<vmem>>) dst(%dma_wait3A_673 : memref<10080x128xf32, #tpu.memory_space<vmem_shared>>)
    %dma_wait3A_674 = arith.constant 0 : i32
    %dma_wait3A_675 = arith.constant 0 : i32
    %dma_wait3A_676 = tpu.memref_slice %arg2[%dma_wait3A_674, %dma_wait3A_675] : memref<10000x128xf32, #tpu.memory_space<hbm>> -> memref<10000x128xf32, #tpu.memory_space<hbm>>
    tpu.wait_indirect_dma semaphore(%arg24 : memref<!tpu.dma_semaphore, #tpu.memory_space<semaphore_mem>>) src(%dma_wait3A_676 : memref<10000x128xf32, #tpu.memory_space<hbm>>) dst(%arg17 : memref<80x128xf32, #tpu.memory_space<vmem>>)
    %dma_start3A_677 = arith.constant 0 : i32
    %dma_start3A_678 = arith.constant 0 : i32
    %dma_start3A_679 = tpu.memref_slice %arg7[%dma_start3A_677, %dma_start3A_678] : memref<10080x128xf32, #tpu.memory_space<vmem_shared>> -> memref<10080x128xf32, #tpu.memory_space<vmem_shared>>
    tpu.enqueue_indirect_dma source(%arg17 : memref<80x128xf32, #tpu.memory_space<vmem>>) target(%dma_start3A_679 : memref<10080x128xf32, #tpu.memory_space<vmem_shared>>) offsets(%arg15 : memref<80xi32, #tpu.memory_space<vmem>>) semaphore(%arg26 : memref<!tpu.dma_semaphore, #tpu.memory_space<semaphore_mem>>) {add = true}
    %dma_wait3A_680 = arith.constant 0 : i32
    %dma_wait3A_681 = arith.constant 0 : i32
    %dma_wait3A_682 = tpu.memref_slice %arg7[%dma_wait3A_680, %dma_wait3A_681] : memref<10080x128xf32, #tpu.memory_space<vmem_shared>> -> memref<10080x128xf32, #tpu.memory_space<vmem_shared>>
    tpu.wait_indirect_dma semaphore(%arg26 : memref<!tpu.dma_semaphore, #tpu.memory_space<semaphore_mem>>) src(%arg16 : memref<80x128xf32, #tpu.memory_space<vmem>>) dst(%dma_wait3A_682 : memref<10080x128xf32, #tpu.memory_space<vmem_shared>>)
    %dma_wait3A_683 = arith.constant 0 : i32
    %dma_wait3A_684 = arith.constant 0 : i32
    %dma_wait3A_685 = tpu.memref_slice %arg7[%dma_wait3A_683, %dma_wait3A_684] : memref<10080x128xf32, #tpu.memory_space<vmem_shared>> -> memref<10080x128xf32, #tpu.memory_space<vmem_shared>>
    tpu.wait_indirect_dma semaphore(%arg26 : memref<!tpu.dma_semaphore, #tpu.memory_space<semaphore_mem>>) src(%arg16 : memref<80x128xf32, #tpu.memory_space<vmem>>) dst(%dma_wait3A_685 : memref<10080x128xf32, #tpu.memory_space<vmem_shared>>)
    %barrier3A_686 = arith.constant 0 : index
    tpu.barrier barrier_id(%barrier3A_686)
    %add3A_687 = arith.constant 0 : i32
    %add3A_688 = arith.addi %add3A_687, %arg1 : i32
    %lt3A_689 = arith.constant 125 : i32
    %lt3A_690 = arith.cmpi slt, %add3A_688, %lt3A_689 : i32
    %convert_element_type3A_691 = arith.extui %lt3A_690 : i1 to i32
    %cond3A_692 = arith.constant 0 : i32
    %cond3A_693 = arith.cmpi ne, %convert_element_type3A_691, %cond3A_692 : i32
    scf.if %cond3A_693 {
      %mul3A_743 = arith.constant 80 : i32
      %mul3A_744 = arith.muli %add3A_688, %mul3A_743 : i32
      %mul3A_745 = arith.constant 80 : i32
      %mul3A_746 = arith.muli %add3A_688, %mul3A_745 : i32
      "tpu.region"() ({
        %run_scoped3A = tpu.sem_alloc : memref<!tpu.dma_semaphore, #tpu.memory_space<semaphore_mem>>
        %dma_start3A_747 = arith.constant 0 : i32
        %dma_start3A_748 = tpu.memref_slice %arg6[%arg0, %mul3A_746, %dma_start3A_747] : memref<2x10000x128xf32, #tpu.memory_space<hbm>> -> memref<1x80x128xf32, #tpu.memory_space<hbm>>
        %dma_start3A_749 = tpu.memref_squeeze %dma_start3A_748 : memref<1x80x128xf32, #tpu.memory_space<hbm>> -> memref<80x128xf32, #tpu.memory_space<hbm>>
        %dma_start3A_750 = arith.constant 0 : i32
        %dma_start3A_751 = tpu.memref_slice %arg7[%mul3A_744, %dma_start3A_750] : memref<10080x128xf32, #tpu.memory_space<vmem_shared>> -> memref<80x128xf32, #tpu.memory_space<vmem_shared>>
        tpu.enqueue_dma source(%dma_start3A_751 : memref<80x128xf32, #tpu.memory_space<vmem_shared>>) target(%dma_start3A_749 : memref<80x128xf32, #tpu.memory_space<hbm>>) target_semaphore(%run_scoped3A : memref<!tpu.dma_semaphore, #tpu.memory_space<semaphore_mem>>)
        %dma_wait3A_752 = arith.constant 0 : i32
        %dma_wait3A_753 = tpu.memref_slice %arg6[%arg0, %mul3A_746, %dma_wait3A_752] : memref<2x10000x128xf32, #tpu.memory_space<hbm>> -> memref<1x80x128xf32, #tpu.memory_space<hbm>>
        %dma_wait3A_754 = tpu.memref_squeeze %dma_wait3A_753 : memref<1x80x128xf32, #tpu.memory_space<hbm>> -> memref<80x128xf32, #tpu.memory_space<hbm>>
        %dma_wait3A_755 = arith.constant 0 : i32
        %dma_wait3A_756 = tpu.memref_slice %arg7[%mul3A_744, %dma_wait3A_755] : memref<10080x128xf32, #tpu.memory_space<vmem_shared>> -> memref<80x128xf32, #tpu.memory_space<vmem_shared>>
        tpu.wait_dma2 semaphore(%run_scoped3A : memref<!tpu.dma_semaphore, #tpu.memory_space<semaphore_mem>>) src(%dma_wait3A_756 : memref<80x128xf32, #tpu.memory_space<vmem_shared>>) dst(%dma_wait3A_754 : memref<80x128xf32, #tpu.memory_space<hbm>>)
        tpu.yield
      }) : () -> ()
    } else {
    }
    %add3A_694 = arith.constant 16 : i32
    %add3A_695 = arith.addi %add3A_694, %arg1 : i32
    %lt3A_696 = arith.constant 125 : i32
    %lt3A_697 = arith.cmpi slt, %add3A_695, %lt3A_696 : i32
    %convert_element_type3A_698 = arith.extui %lt3A_697 : i1 to i32
    %cond3A_699 = arith.constant 0 : i32
    %cond3A_700 = arith.cmpi ne, %convert_element_type3A_698, %cond3A_699 : i32
    scf.if %cond3A_700 {
      %mul3A_743 = arith.constant 80 : i32
      %mul3A_744 = arith.muli %add3A_695, %mul3A_743 : i32
      %mul3A_745 = arith.constant 80 : i32
      %mul3A_746 = arith.muli %add3A_695, %mul3A_745 : i32
      "tpu.region"() ({
        %run_scoped3A = tpu.sem_alloc : memref<!tpu.dma_semaphore, #tpu.memory_space<semaphore_mem>>
        %dma_start3A_747 = arith.constant 0 : i32
        %dma_start3A_748 = tpu.memref_slice %arg6[%arg0, %mul3A_746, %dma_start3A_747] : memref<2x10000x128xf32, #tpu.memory_space<hbm>> -> memref<1x80x128xf32, #tpu.memory_space<hbm>>
        %dma_start3A_749 = tpu.memref_squeeze %dma_start3A_748 : memref<1x80x128xf32, #tpu.memory_space<hbm>> -> memref<80x128xf32, #tpu.memory_space<hbm>>
        %dma_start3A_750 = arith.constant 0 : i32
        %dma_start3A_751 = tpu.memref_slice %arg7[%mul3A_744, %dma_start3A_750] : memref<10080x128xf32, #tpu.memory_space<vmem_shared>> -> memref<80x128xf32, #tpu.memory_space<vmem_shared>>
        tpu.enqueue_dma source(%dma_start3A_751 : memref<80x128xf32, #tpu.memory_space<vmem_shared>>) target(%dma_start3A_749 : memref<80x128xf32, #tpu.memory_space<hbm>>) target_semaphore(%run_scoped3A : memref<!tpu.dma_semaphore, #tpu.memory_space<semaphore_mem>>)
        %dma_wait3A_752 = arith.constant 0 : i32
        %dma_wait3A_753 = tpu.memref_slice %arg6[%arg0, %mul3A_746, %dma_wait3A_752] : memref<2x10000x128xf32, #tpu.memory_space<hbm>> -> memref<1x80x128xf32, #tpu.memory_space<hbm>>
        %dma_wait3A_754 = tpu.memref_squeeze %dma_wait3A_753 : memref<1x80x128xf32, #tpu.memory_space<hbm>> -> memref<80x128xf32, #tpu.memory_space<hbm>>
        %dma_wait3A_755 = arith.constant 0 : i32
        %dma_wait3A_756 = tpu.memref_slice %arg7[%mul3A_744, %dma_wait3A_755] : memref<10080x128xf32, #tpu.memory_space<vmem_shared>> -> memref<80x128xf32, #tpu.memory_space<vmem_shared>>
        tpu.wait_dma2 semaphore(%run_scoped3A : memref<!tpu.dma_semaphore, #tpu.memory_space<semaphore_mem>>) src(%dma_wait3A_756 : memref<80x128xf32, #tpu.memory_space<vmem_shared>>) dst(%dma_wait3A_754 : memref<80x128xf32, #tpu.memory_space<hbm>>)
        tpu.yield
      }) : () -> ()
    } else {
    }
    %add3A_701 = arith.constant 32 : i32
    %add3A_702 = arith.addi %add3A_701, %arg1 : i32
    %lt3A_703 = arith.constant 125 : i32
    %lt3A_704 = arith.cmpi slt, %add3A_702, %lt3A_703 : i32
    %convert_element_type3A_705 = arith.extui %lt3A_704 : i1 to i32
    %cond3A_706 = arith.constant 0 : i32
    %cond3A_707 = arith.cmpi ne, %convert_element_type3A_705, %cond3A_706 : i32
    scf.if %cond3A_707 {
      %mul3A_743 = arith.constant 80 : i32
      %mul3A_744 = arith.muli %add3A_702, %mul3A_743 : i32
      %mul3A_745 = arith.constant 80 : i32
      %mul3A_746 = arith.muli %add3A_702, %mul3A_745 : i32
      "tpu.region"() ({
        %run_scoped3A = tpu.sem_alloc : memref<!tpu.dma_semaphore, #tpu.memory_space<semaphore_mem>>
        %dma_start3A_747 = arith.constant 0 : i32
        %dma_start3A_748 = tpu.memref_slice %arg6[%arg0, %mul3A_746, %dma_start3A_747] : memref<2x10000x128xf32, #tpu.memory_space<hbm>> -> memref<1x80x128xf32, #tpu.memory_space<hbm>>
        %dma_start3A_749 = tpu.memref_squeeze %dma_start3A_748 : memref<1x80x128xf32, #tpu.memory_space<hbm>> -> memref<80x128xf32, #tpu.memory_space<hbm>>
        %dma_start3A_750 = arith.constant 0 : i32
        %dma_start3A_751 = tpu.memref_slice %arg7[%mul3A_744, %dma_start3A_750] : memref<10080x128xf32, #tpu.memory_space<vmem_shared>> -> memref<80x128xf32, #tpu.memory_space<vmem_shared>>
        tpu.enqueue_dma source(%dma_start3A_751 : memref<80x128xf32, #tpu.memory_space<vmem_shared>>) target(%dma_start3A_749 : memref<80x128xf32, #tpu.memory_space<hbm>>) target_semaphore(%run_scoped3A : memref<!tpu.dma_semaphore, #tpu.memory_space<semaphore_mem>>)
        %dma_wait3A_752 = arith.constant 0 : i32
        %dma_wait3A_753 = tpu.memref_slice %arg6[%arg0, %mul3A_746, %dma_wait3A_752] : memref<2x10000x128xf32, #tpu.memory_space<hbm>> -> memref<1x80x128xf32, #tpu.memory_space<hbm>>
        %dma_wait3A_754 = tpu.memref_squeeze %dma_wait3A_753 : memref<1x80x128xf32, #tpu.memory_space<hbm>> -> memref<80x128xf32, #tpu.memory_space<hbm>>
        %dma_wait3A_755 = arith.constant 0 : i32
        %dma_wait3A_756 = tpu.memref_slice %arg7[%mul3A_744, %dma_wait3A_755] : memref<10080x128xf32, #tpu.memory_space<vmem_shared>> -> memref<80x128xf32, #tpu.memory_space<vmem_shared>>
        tpu.wait_dma2 semaphore(%run_scoped3A : memref<!tpu.dma_semaphore, #tpu.memory_space<semaphore_mem>>) src(%dma_wait3A_756 : memref<80x128xf32, #tpu.memory_space<vmem_shared>>) dst(%dma_wait3A_754 : memref<80x128xf32, #tpu.memory_space<hbm>>)
        tpu.yield
      }) : () -> ()
    } else {
    }
    %add3A_708 = arith.constant 48 : i32
    %add3A_709 = arith.addi %add3A_708, %arg1 : i32
    %lt3A_710 = arith.constant 125 : i32
    %lt3A_711 = arith.cmpi slt, %add3A_709, %lt3A_710 : i32
    %convert_element_type3A_712 = arith.extui %lt3A_711 : i1 to i32
    %cond3A_713 = arith.constant 0 : i32
    %cond3A_714 = arith.cmpi ne, %convert_element_type3A_712, %cond3A_713 : i32
    scf.if %cond3A_714 {
      %mul3A_743 = arith.constant 80 : i32
      %mul3A_744 = arith.muli %add3A_709, %mul3A_743 : i32
      %mul3A_745 = arith.constant 80 : i32
      %mul3A_746 = arith.muli %add3A_709, %mul3A_745 : i32
      "tpu.region"() ({
        %run_scoped3A = tpu.sem_alloc : memref<!tpu.dma_semaphore, #tpu.memory_space<semaphore_mem>>
        %dma_start3A_747 = arith.constant 0 : i32
        %dma_start3A_748 = tpu.memref_slice %arg6[%arg0, %mul3A_746, %dma_start3A_747] : memref<2x10000x128xf32, #tpu.memory_space<hbm>> -> memref<1x80x128xf32, #tpu.memory_space<hbm>>
        %dma_start3A_749 = tpu.memref_squeeze %dma_start3A_748 : memref<1x80x128xf32, #tpu.memory_space<hbm>> -> memref<80x128xf32, #tpu.memory_space<hbm>>
        %dma_start3A_750 = arith.constant 0 : i32
        %dma_start3A_751 = tpu.memref_slice %arg7[%mul3A_744, %dma_start3A_750] : memref<10080x128xf32, #tpu.memory_space<vmem_shared>> -> memref<80x128xf32, #tpu.memory_space<vmem_shared>>
        tpu.enqueue_dma source(%dma_start3A_751 : memref<80x128xf32, #tpu.memory_space<vmem_shared>>) target(%dma_start3A_749 : memref<80x128xf32, #tpu.memory_space<hbm>>) target_semaphore(%run_scoped3A : memref<!tpu.dma_semaphore, #tpu.memory_space<semaphore_mem>>)
        %dma_wait3A_752 = arith.constant 0 : i32
        %dma_wait3A_753 = tpu.memref_slice %arg6[%arg0, %mul3A_746, %dma_wait3A_752] : memref<2x10000x128xf32, #tpu.memory_space<hbm>> -> memref<1x80x128xf32, #tpu.memory_space<hbm>>
        %dma_wait3A_754 = tpu.memref_squeeze %dma_wait3A_753 : memref<1x80x128xf32, #tpu.memory_space<hbm>> -> memref<80x128xf32, #tpu.memory_space<hbm>>
        %dma_wait3A_755 = arith.constant 0 : i32
        %dma_wait3A_756 = tpu.memref_slice %arg7[%mul3A_744, %dma_wait3A_755] : memref<10080x128xf32, #tpu.memory_space<vmem_shared>> -> memref<80x128xf32, #tpu.memory_space<vmem_shared>>
        tpu.wait_dma2 semaphore(%run_scoped3A : memref<!tpu.dma_semaphore, #tpu.memory_space<semaphore_mem>>) src(%dma_wait3A_756 : memref<80x128xf32, #tpu.memory_space<vmem_shared>>) dst(%dma_wait3A_754 : memref<80x128xf32, #tpu.memory_space<hbm>>)
        tpu.yield
      }) : () -> ()
    } else {
    }
    %add3A_715 = arith.constant 64 : i32
    %add3A_716 = arith.addi %add3A_715, %arg1 : i32
    %lt3A_717 = arith.constant 125 : i32
    %lt3A_718 = arith.cmpi slt, %add3A_716, %lt3A_717 : i32
    %convert_element_type3A_719 = arith.extui %lt3A_718 : i1 to i32
    %cond3A_720 = arith.constant 0 : i32
    %cond3A_721 = arith.cmpi ne, %convert_element_type3A_719, %cond3A_720 : i32
    scf.if %cond3A_721 {
      %mul3A_743 = arith.constant 80 : i32
      %mul3A_744 = arith.muli %add3A_716, %mul3A_743 : i32
      %mul3A_745 = arith.constant 80 : i32
      %mul3A_746 = arith.muli %add3A_716, %mul3A_745 : i32
      "tpu.region"() ({
        %run_scoped3A = tpu.sem_alloc : memref<!tpu.dma_semaphore, #tpu.memory_space<semaphore_mem>>
        %dma_start3A_747 = arith.constant 0 : i32
        %dma_start3A_748 = tpu.memref_slice %arg6[%arg0, %mul3A_746, %dma_start3A_747] : memref<2x10000x128xf32, #tpu.memory_space<hbm>> -> memref<1x80x128xf32, #tpu.memory_space<hbm>>
        %dma_start3A_749 = tpu.memref_squeeze %dma_start3A_748 : memref<1x80x128xf32, #tpu.memory_space<hbm>> -> memref<80x128xf32, #tpu.memory_space<hbm>>
        %dma_start3A_750 = arith.constant 0 : i32
        %dma_start3A_751 = tpu.memref_slice %arg7[%mul3A_744, %dma_start3A_750] : memref<10080x128xf32, #tpu.memory_space<vmem_shared>> -> memref<80x128xf32, #tpu.memory_space<vmem_shared>>
        tpu.enqueue_dma source(%dma_start3A_751 : memref<80x128xf32, #tpu.memory_space<vmem_shared>>) target(%dma_start3A_749 : memref<80x128xf32, #tpu.memory_space<hbm>>) target_semaphore(%run_scoped3A : memref<!tpu.dma_semaphore, #tpu.memory_space<semaphore_mem>>)
        %dma_wait3A_752 = arith.constant 0 : i32
        %dma_wait3A_753 = tpu.memref_slice %arg6[%arg0, %mul3A_746, %dma_wait3A_752] : memref<2x10000x128xf32, #tpu.memory_space<hbm>> -> memref<1x80x128xf32, #tpu.memory_space<hbm>>
        %dma_wait3A_754 = tpu.memref_squeeze %dma_wait3A_753 : memref<1x80x128xf32, #tpu.memory_space<hbm>> -> memref<80x128xf32, #tpu.memory_space<hbm>>
        %dma_wait3A_755 = arith.constant 0 : i32
        %dma_wait3A_756 = tpu.memref_slice %arg7[%mul3A_744, %dma_wait3A_755] : memref<10080x128xf32, #tpu.memory_space<vmem_shared>> -> memref<80x128xf32, #tpu.memory_space<vmem_shared>>
        tpu.wait_dma2 semaphore(%run_scoped3A : memref<!tpu.dma_semaphore, #tpu.memory_space<semaphore_mem>>) src(%dma_wait3A_756 : memref<80x128xf32, #tpu.memory_space<vmem_shared>>) dst(%dma_wait3A_754 : memref<80x128xf32, #tpu.memory_space<hbm>>)
        tpu.yield
      }) : () -> ()
    } else {
    }
    %add3A_722 = arith.constant 80 : i32
    %add3A_723 = arith.addi %add3A_722, %arg1 : i32
    %lt3A_724 = arith.constant 125 : i32
    %lt3A_725 = arith.cmpi slt, %add3A_723, %lt3A_724 : i32
    %convert_element_type3A_726 = arith.extui %lt3A_725 : i1 to i32
    %cond3A_727 = arith.constant 0 : i32
    %cond3A_728 = arith.cmpi ne, %convert_element_type3A_726, %cond3A_727 : i32
    scf.if %cond3A_728 {
      %mul3A_743 = arith.constant 80 : i32
      %mul3A_744 = arith.muli %add3A_723, %mul3A_743 : i32
      %mul3A_745 = arith.constant 80 : i32
      %mul3A_746 = arith.muli %add3A_723, %mul3A_745 : i32
      "tpu.region"() ({
        %run_scoped3A = tpu.sem_alloc : memref<!tpu.dma_semaphore, #tpu.memory_space<semaphore_mem>>
        %dma_start3A_747 = arith.constant 0 : i32
        %dma_start3A_748 = tpu.memref_slice %arg6[%arg0, %mul3A_746, %dma_start3A_747] : memref<2x10000x128xf32, #tpu.memory_space<hbm>> -> memref<1x80x128xf32, #tpu.memory_space<hbm>>
        %dma_start3A_749 = tpu.memref_squeeze %dma_start3A_748 : memref<1x80x128xf32, #tpu.memory_space<hbm>> -> memref<80x128xf32, #tpu.memory_space<hbm>>
        %dma_start3A_750 = arith.constant 0 : i32
        %dma_start3A_751 = tpu.memref_slice %arg7[%mul3A_744, %dma_start3A_750] : memref<10080x128xf32, #tpu.memory_space<vmem_shared>> -> memref<80x128xf32, #tpu.memory_space<vmem_shared>>
        tpu.enqueue_dma source(%dma_start3A_751 : memref<80x128xf32, #tpu.memory_space<vmem_shared>>) target(%dma_start3A_749 : memref<80x128xf32, #tpu.memory_space<hbm>>) target_semaphore(%run_scoped3A : memref<!tpu.dma_semaphore, #tpu.memory_space<semaphore_mem>>)
        %dma_wait3A_752 = arith.constant 0 : i32
        %dma_wait3A_753 = tpu.memref_slice %arg6[%arg0, %mul3A_746, %dma_wait3A_752] : memref<2x10000x128xf32, #tpu.memory_space<hbm>> -> memref<1x80x128xf32, #tpu.memory_space<hbm>>
        %dma_wait3A_754 = tpu.memref_squeeze %dma_wait3A_753 : memref<1x80x128xf32, #tpu.memory_space<hbm>> -> memref<80x128xf32, #tpu.memory_space<hbm>>
        %dma_wait3A_755 = arith.constant 0 : i32
        %dma_wait3A_756 = tpu.memref_slice %arg7[%mul3A_744, %dma_wait3A_755] : memref<10080x128xf32, #tpu.memory_space<vmem_shared>> -> memref<80x128xf32, #tpu.memory_space<vmem_shared>>
        tpu.wait_dma2 semaphore(%run_scoped3A : memref<!tpu.dma_semaphore, #tpu.memory_space<semaphore_mem>>) src(%dma_wait3A_756 : memref<80x128xf32, #tpu.memory_space<vmem_shared>>) dst(%dma_wait3A_754 : memref<80x128xf32, #tpu.memory_space<hbm>>)
        tpu.yield
      }) : () -> ()
    } else {
    }
    %add3A_729 = arith.constant 96 : i32
    %add3A_730 = arith.addi %add3A_729, %arg1 : i32
    %lt3A_731 = arith.constant 125 : i32
    %lt3A_732 = arith.cmpi slt, %add3A_730, %lt3A_731 : i32
    %convert_element_type3A_733 = arith.extui %lt3A_732 : i1 to i32
    %cond3A_734 = arith.constant 0 : i32
    %cond3A_735 = arith.cmpi ne, %convert_element_type3A_733, %cond3A_734 : i32
    scf.if %cond3A_735 {
      %mul3A_743 = arith.constant 80 : i32
      %mul3A_744 = arith.muli %add3A_730, %mul3A_743 : i32
      %mul3A_745 = arith.constant 80 : i32
      %mul3A_746 = arith.muli %add3A_730, %mul3A_745 : i32
      "tpu.region"() ({
        %run_scoped3A = tpu.sem_alloc : memref<!tpu.dma_semaphore, #tpu.memory_space<semaphore_mem>>
        %dma_start3A_747 = arith.constant 0 : i32
        %dma_start3A_748 = tpu.memref_slice %arg6[%arg0, %mul3A_746, %dma_start3A_747] : memref<2x10000x128xf32, #tpu.memory_space<hbm>> -> memref<1x80x128xf32, #tpu.memory_space<hbm>>
        %dma_start3A_749 = tpu.memref_squeeze %dma_start3A_748 : memref<1x80x128xf32, #tpu.memory_space<hbm>> -> memref<80x128xf32, #tpu.memory_space<hbm>>
        %dma_start3A_750 = arith.constant 0 : i32
        %dma_start3A_751 = tpu.memref_slice %arg7[%mul3A_744, %dma_start3A_750] : memref<10080x128xf32, #tpu.memory_space<vmem_shared>> -> memref<80x128xf32, #tpu.memory_space<vmem_shared>>
        tpu.enqueue_dma source(%dma_start3A_751 : memref<80x128xf32, #tpu.memory_space<vmem_shared>>) target(%dma_start3A_749 : memref<80x128xf32, #tpu.memory_space<hbm>>) target_semaphore(%run_scoped3A : memref<!tpu.dma_semaphore, #tpu.memory_space<semaphore_mem>>)
        %dma_wait3A_752 = arith.constant 0 : i32
        %dma_wait3A_753 = tpu.memref_slice %arg6[%arg0, %mul3A_746, %dma_wait3A_752] : memref<2x10000x128xf32, #tpu.memory_space<hbm>> -> memref<1x80x128xf32, #tpu.memory_space<hbm>>
        %dma_wait3A_754 = tpu.memref_squeeze %dma_wait3A_753 : memref<1x80x128xf32, #tpu.memory_space<hbm>> -> memref<80x128xf32, #tpu.memory_space<hbm>>
        %dma_wait3A_755 = arith.constant 0 : i32
        %dma_wait3A_756 = tpu.memref_slice %arg7[%mul3A_744, %dma_wait3A_755] : memref<10080x128xf32, #tpu.memory_space<vmem_shared>> -> memref<80x128xf32, #tpu.memory_space<vmem_shared>>
        tpu.wait_dma2 semaphore(%run_scoped3A : memref<!tpu.dma_semaphore, #tpu.memory_space<semaphore_mem>>) src(%dma_wait3A_756 : memref<80x128xf32, #tpu.memory_space<vmem_shared>>) dst(%dma_wait3A_754 : memref<80x128xf32, #tpu.memory_space<hbm>>)
        tpu.yield
      }) : () -> ()
    } else {
    }
    %add3A_736 = arith.constant 112 : i32
    %add3A_737 = arith.addi %add3A_736, %arg1 : i32
    %lt3A_738 = arith.constant 125 : i32
    %lt3A_739 = arith.cmpi slt, %add3A_737, %lt3A_738 : i32
    %convert_element_type3A_740 = arith.extui %lt3A_739 : i1 to i32
    %cond3A_741 = arith.constant 0 : i32
    %cond3A_742 = arith.cmpi ne, %convert_element_type3A_740, %cond3A_741 : i32
    scf.if %cond3A_742 {
      %mul3A_743 = arith.constant 80 : i32
      %mul3A_744 = arith.muli %add3A_737, %mul3A_743 : i32
      %mul3A_745 = arith.constant 80 : i32
      %mul3A_746 = arith.muli %add3A_737, %mul3A_745 : i32
      "tpu.region"() ({
        %run_scoped3A = tpu.sem_alloc : memref<!tpu.dma_semaphore, #tpu.memory_space<semaphore_mem>>
        %dma_start3A_747 = arith.constant 0 : i32
        %dma_start3A_748 = tpu.memref_slice %arg6[%arg0, %mul3A_746, %dma_start3A_747] : memref<2x10000x128xf32, #tpu.memory_space<hbm>> -> memref<1x80x128xf32, #tpu.memory_space<hbm>>
        %dma_start3A_749 = tpu.memref_squeeze %dma_start3A_748 : memref<1x80x128xf32, #tpu.memory_space<hbm>> -> memref<80x128xf32, #tpu.memory_space<hbm>>
        %dma_start3A_750 = arith.constant 0 : i32
        %dma_start3A_751 = tpu.memref_slice %arg7[%mul3A_744, %dma_start3A_750] : memref<10080x128xf32, #tpu.memory_space<vmem_shared>> -> memref<80x128xf32, #tpu.memory_space<vmem_shared>>
        tpu.enqueue_dma source(%dma_start3A_751 : memref<80x128xf32, #tpu.memory_space<vmem_shared>>) target(%dma_start3A_749 : memref<80x128xf32, #tpu.memory_space<hbm>>) target_semaphore(%run_scoped3A : memref<!tpu.dma_semaphore, #tpu.memory_space<semaphore_mem>>)
        %dma_wait3A_752 = arith.constant 0 : i32
        %dma_wait3A_753 = tpu.memref_slice %arg6[%arg0, %mul3A_746, %dma_wait3A_752] : memref<2x10000x128xf32, #tpu.memory_space<hbm>> -> memref<1x80x128xf32, #tpu.memory_space<hbm>>
        %dma_wait3A_754 = tpu.memref_squeeze %dma_wait3A_753 : memref<1x80x128xf32, #tpu.memory_space<hbm>> -> memref<80x128xf32, #tpu.memory_space<hbm>>
        %dma_wait3A_755 = arith.constant 0 : i32
        %dma_wait3A_756 = tpu.memref_slice %arg7[%mul3A_744, %dma_wait3A_755] : memref<10080x128xf32, #tpu.memory_space<vmem_shared>> -> memref<80x128xf32, #tpu.memory_space<vmem_shared>>
        tpu.wait_dma2 semaphore(%run_scoped3A : memref<!tpu.dma_semaphore, #tpu.memory_space<semaphore_mem>>) src(%dma_wait3A_756 : memref<80x128xf32, #tpu.memory_space<vmem_shared>>) dst(%dma_wait3A_754 : memref<80x128xf32, #tpu.memory_space<hbm>>)
        tpu.yield
      }) : () -> ()
    } else {
    }
    return
  }
}

module attributes {stable_mosaic.version = 14 : i64} {
  func.func @_xw_body(%arg0: i32, %arg1: memref<2000x128xf32, #tpu.memory_space<vmem>>, %arg2: memref<128x128xf32, #tpu.memory_space<vmem>>, %arg3: memref<2000x128xf32, #tpu.memory_space<vmem>>) attributes {dimension_semantics = [#tpu.dimension_semantics<arbitrary>], iteration_bounds = array<i64: 5>, scalar_prefetch = 0 : i64, scratch_operands = 0 : i64, tpu.core_type = #tpu.core_type<tc>, window_params = [{transform_indices = @transform_0, window_bounds = array<i64: 2000, 128>}, {pipeline_mode = #tpu.pipeline_mode<synchronous>, transform_indices = @transform_1, window_bounds = array<i64: 128, 128>}, {transform_indices = @transform_2, window_bounds = array<i64: 2000, 128>}]} {
    %get3A = arith.constant 0 : index
    %get3A_0 = arith.constant 0 : index
    %get3A_1 = vector.load %arg1[%get3A, %get3A_0] : memref<2000x128xf32, #tpu.memory_space<vmem>>, vector<2000x128xf32>
    %get3A_2 = arith.constant 0 : index
    %get3A_3 = arith.constant 0 : index
    %get3A_4 = vector.load %arg2[%get3A_2, %get3A_3] : memref<128x128xf32, #tpu.memory_space<vmem>>, vector<128x128xf32>
    %dot_general3A = arith.constant dense<0.000000e+00> : vector<2000x128xf32>
    %dot_general3A_5 = tpu.matmul %get3A_1, %get3A_4, %dot_general3A {dimension_numbers = #tpu.dot_dimension_numbers<[1], [0], [0], [1], [0, 0, 1, 1], [], []>, transpose_lhs_hint = false} : vector<2000x128xf32>, vector<128x128xf32>, vector<2000x128xf32> -> vector<2000x128xf32>
    %swap3A = arith.constant 0 : index
    %swap3A_6 = arith.constant 0 : index
    %swap3A_7 = vector.load %arg3[%swap3A, %swap3A_6] : memref<2000x128xf32, #tpu.memory_space<vmem>>, vector<2000x128xf32>
    tpu.vector_store %arg3[%swap3A, %swap3A_6], %dot_general3A_5 {strides = array<i32>} : memref<2000x128xf32, #tpu.memory_space<vmem>>, vector<2000x128xf32>,
    return
  }
  func.func @transform_0(%arg0: i32) -> (i32, i32) {
    %c0_i32 = arith.constant 0 : i32
    %c0_i32_0 = arith.constant 0 : i32
    return %arg0, %c0_i32 : i32, i32
  }
  func.func @transform_1(%arg0: i32) -> (i32, i32) {
    %c0_i32 = arith.constant 0 : i32
    %c0_i32_0 = arith.constant 0 : i32
    %c0_i32_1 = arith.constant 0 : i32
    return %c0_i32, %c0_i32_0 : i32, i32
  }
  func.func @transform_2(%arg0: i32) -> (i32, i32) {
    %c0_i32 = arith.constant 0 : i32
    %c0_i32_0 = arith.constant 0 : i32
    return %arg0, %c0_i32 : i32, i32
  }
}

module attributes {stable_mosaic.version = 14 : i64} {
  func.func @_scale_body(%arg0: i32, %arg1: memref<2x2000x128xf32, #tpu.memory_space<vmem>>, %arg2: memref<2000x128xf32, #tpu.memory_space<vmem>>, %arg3: memref<2000x128xf32, #tpu.memory_space<vmem>>, %arg4: memref<2000x1xf32, #tpu.memory_space<vmem>>) attributes {dimension_semantics = [#tpu.dimension_semantics<arbitrary>], iteration_bounds = array<i64: 5>, scalar_prefetch = 0 : i64, scratch_operands = 0 : i64, tpu.core_type = #tpu.core_type<tc>, window_params = [{transform_indices = @transform_0, window_bounds = array<i64: 2, 2000, 128>}, {transform_indices = @transform_1, window_bounds = array<i64: 2000, 128>}, {transform_indices = @transform_2, window_bounds = array<i64: 2000, 128>}, {transform_indices = @transform_3, window_bounds = array<i64: 2000, 1>}]} {
    %get3A = arith.constant 0 : index
    %get3A_0 = arith.constant 0 : index
    %get3A_1 = arith.constant 0 : index
    %get3A_2 = vector.load %arg1[%get3A, %get3A_0, %get3A_1] : memref<2x2000x128xf32, #tpu.memory_space<vmem>>, vector<1x2000x1xf32>
    %get3A_3 = vector.shape_cast %get3A_2 : vector<1x2000x1xf32> to vector<2000x1xf32>
    %get3A_4 = arith.constant 1 : index
    %get3A_5 = arith.constant 0 : index
    %get3A_6 = arith.constant 0 : index
    %get3A_7 = vector.load %arg1[%get3A_4, %get3A_5, %get3A_6] : memref<2x2000x128xf32, #tpu.memory_space<vmem>>, vector<1x2000x1xf32>
    %get3A_8 = vector.shape_cast %get3A_7 : vector<1x2000x1xf32> to vector<2000x1xf32>
    %add3A = arith.addf %get3A_3, %get3A_8 : vector<2000x1xf32>
    %add3A_9 = arith.constant 1.000000e+00 : f32
    %add3A_10 = vector.broadcast %add3A_9 : f32 to vector<2000x1xf32>
    %add3A_11 = arith.addf %add3A, %add3A_10 : vector<2000x1xf32>
    %rsqrt3A = math.rsqrt %add3A_11 : vector<2000x1xf32>
    %swap3A = arith.constant 0 : index
    %swap3A_12 = arith.constant 0 : index
    %swap3A_13 = vector.load %arg4[%swap3A, %swap3A_12] : memref<2000x1xf32, #tpu.memory_space<vmem>>, vector<2000x1xf32>
    tpu.vector_store %arg4[%swap3A, %swap3A_12], %rsqrt3A {strides = array<i32>} : memref<2000x1xf32, #tpu.memory_space<vmem>>, vector<2000x1xf32>,
    %get3A_14 = arith.constant 0 : index
    %get3A_15 = arith.constant 0 : index
    %get3A_16 = vector.load %arg2[%get3A_14, %get3A_15] : memref<2000x128xf32, #tpu.memory_space<vmem>>, vector<2000x128xf32>
    %mul3A = vector.broadcast %rsqrt3A : vector<2000x1xf32> to vector<2000x128xf32>
    %mul3A_17 = arith.mulf %mul3A, %get3A_16 : vector<2000x128xf32>
    %swap3A_18 = arith.constant 0 : index
    %swap3A_19 = arith.constant 0 : index
    %swap3A_20 = vector.load %arg3[%swap3A_18, %swap3A_19] : memref<2000x128xf32, #tpu.memory_space<vmem>>, vector<2000x128xf32>
    tpu.vector_store %arg3[%swap3A_18, %swap3A_19], %mul3A_17 {strides = array<i32>} : memref<2000x128xf32, #tpu.memory_space<vmem>>, vector<2000x128xf32>,
    return
  }
  func.func @transform_0(%arg0: i32) -> (i32, i32, i32) {
    %c0_i32 = arith.constant 0 : i32
    %c0_i32_0 = arith.constant 0 : i32
    %c0_i32_1 = arith.constant 0 : i32
    return %c0_i32, %arg0, %c0_i32_0 : i32, i32, i32
  }
  func.func @transform_1(%arg0: i32) -> (i32, i32) {
    %c0_i32 = arith.constant 0 : i32
    %c0_i32_0 = arith.constant 0 : i32
    return %arg0, %c0_i32 : i32, i32
  }
  func.func @transform_2(%arg0: i32) -> (i32, i32) {
    %c0_i32 = arith.constant 0 : i32
    %c0_i32_0 = arith.constant 0 : i32
    return %arg0, %c0_i32 : i32, i32
  }
  func.func @transform_3(%arg0: i32) -> (i32, i32) {
    %c0_i32 = arith.constant 0 : i32
    %c0_i32_0 = arith.constant 0 : i32
    return %arg0, %c0_i32 : i32, i32
  }
}

module attributes {stable_mosaic.version = 14 : i64} {
  func.func @_final_body(%arg0: i32, %arg1: memref<2x2000x128xf32, #tpu.memory_space<vmem>>, %arg2: memref<2000x128xf32, #tpu.memory_space<vmem>>, %arg3: memref<2000x1xf32, #tpu.memory_space<vmem>>, %arg4: memref<1x128xf32, #tpu.memory_space<vmem>>, %arg5: memref<2000x128xf32, #tpu.memory_space<vmem>>) attributes {dimension_semantics = [#tpu.dimension_semantics<arbitrary>], iteration_bounds = array<i64: 5>, scalar_prefetch = 0 : i64, scratch_operands = 0 : i64, tpu.core_type = #tpu.core_type<tc>, window_params = [{transform_indices = @transform_0, window_bounds = array<i64: 2, 2000, 128>}, {transform_indices = @transform_1, window_bounds = array<i64: 2000, 128>}, {transform_indices = @transform_2, window_bounds = array<i64: 2000, 1>}, {pipeline_mode = #tpu.pipeline_mode<synchronous>, transform_indices = @transform_3, window_bounds = array<i64: 1, 128>}, {transform_indices = @transform_4, window_bounds = array<i64: 2000, 128>}]} {
    %get3A = arith.constant 0 : index
    %get3A_0 = arith.constant 0 : index
    %get3A_1 = vector.load %arg3[%get3A, %get3A_0] : memref<2000x1xf32, #tpu.memory_space<vmem>>, vector<2000x1xf32>
    %get3A_2 = arith.constant 0 : index
    %get3A_3 = arith.constant 0 : index
    %get3A_4 = arith.constant 0 : index
    %get3A_5 = vector.load %arg1[%get3A_2, %get3A_3, %get3A_4] : memref<2x2000x128xf32, #tpu.memory_space<vmem>>, vector<1x2000x128xf32>
    %get3A_6 = vector.shape_cast %get3A_5 : vector<1x2000x128xf32> to vector<2000x128xf32>
    %get3A_7 = arith.constant 1 : index
    %get3A_8 = arith.constant 0 : index
    %get3A_9 = arith.constant 0 : index
    %get3A_10 = vector.load %arg1[%get3A_7, %get3A_8, %get3A_9] : memref<2x2000x128xf32, #tpu.memory_space<vmem>>, vector<1x2000x128xf32>
    %get3A_11 = vector.shape_cast %get3A_10 : vector<1x2000x128xf32> to vector<2000x128xf32>
    %add3A = arith.addf %get3A_6, %get3A_11 : vector<2000x128xf32>
    %get3A_12 = arith.constant 0 : index
    %get3A_13 = arith.constant 0 : index
    %get3A_14 = vector.load %arg2[%get3A_12, %get3A_13] : memref<2000x128xf32, #tpu.memory_space<vmem>>, vector<2000x128xf32>
    %add3A_15 = arith.addf %add3A, %get3A_14 : vector<2000x128xf32>
    %mul3A = vector.broadcast %get3A_1 : vector<2000x1xf32> to vector<2000x128xf32>
    %mul3A_16 = arith.mulf %mul3A, %add3A_15 : vector<2000x128xf32>
    %get3A_17 = arith.constant 0 : index
    %get3A_18 = arith.constant 0 : index
    %get3A_19 = vector.load %arg4[%get3A_17, %get3A_18] : memref<1x128xf32, #tpu.memory_space<vmem>>, vector<1x128xf32>
    %add3A_20 = vector.broadcast %get3A_19 : vector<1x128xf32> to vector<2000x128xf32>
    %add3A_21 = arith.addf %mul3A_16, %add3A_20 : vector<2000x128xf32>
    %swap3A = arith.constant 0 : index
    %swap3A_22 = arith.constant 0 : index
    %swap3A_23 = vector.load %arg5[%swap3A, %swap3A_22] : memref<2000x128xf32, #tpu.memory_space<vmem>>, vector<2000x128xf32>
    tpu.vector_store %arg5[%swap3A, %swap3A_22], %add3A_21 {strides = array<i32>} : memref<2000x128xf32, #tpu.memory_space<vmem>>, vector<2000x128xf32>,
    return
  }
  func.func @transform_0(%arg0: i32) -> (i32, i32, i32) {
    %c0_i32 = arith.constant 0 : i32
    %c0_i32_0 = arith.constant 0 : i32
    %c0_i32_1 = arith.constant 0 : i32
    return %c0_i32, %arg0, %c0_i32_0 : i32, i32, i32
  }
  func.func @transform_1(%arg0: i32) -> (i32, i32) {
    %c0_i32 = arith.constant 0 : i32
    %c0_i32_0 = arith.constant 0 : i32
    return %arg0, %c0_i32 : i32, i32
  }
  func.func @transform_2(%arg0: i32) -> (i32, i32) {
    %c0_i32 = arith.constant 0 : i32
    %c0_i32_0 = arith.constant 0 : i32
    return %arg0, %c0_i32 : i32, i32
  }
  func.func @transform_3(%arg0: i32) -> (i32, i32) {
    %c0_i32 = arith.constant 0 : i32
    %c0_i32_0 = arith.constant 0 : i32
    %c0_i32_1 = arith.constant 0 : i32
    return %c0_i32, %c0_i32_0 : i32, i32
  }
  func.func @transform_4(%arg0: i32) -> (i32, i32) {
    %c0_i32 = arith.constant 0 : i32
    %c0_i32_0 = arith.constant 0 : i32
    return %arg0, %c0_i32 : i32, i32
  }
}

</mosaic_0001>

<sc_bundles>
// kernel: kernel.10.cloned.1.call-start
scs
__scs_entry_jumppad:
0x0: {  	(pc) =	sbr.rel $0x88, $3  }
0x1: {  	(tag) =	ssettag $0x0;
	lr =	simm.s32 $0x1  }
0x2: {  	[smem:$0x3F9D] =	sst lr;
	_ =	strace $0xD0000000  }
0x3: {  	_ = 	snop  }
0x4: {  	_ = 	snop  }
0x5: {  	_ = 	snop  }
0x6: {  	_ = 	snop  }
0x7: {  	_ = 	snop  }
__scs_overlays_trampoline_lowered:
0x8: {  	[smem:$0x3FAC] =	sst s0  }
0x9: {  	[smem:$0x3FAD] =	sst s1  }
0xa: {  	[smem:$0x3FAE] =	sst s2  }
0xb: {  	[smem:$0x3FAF] =	sst s3  }
0xc: {  	[smem:$0x3FB0] =	sst s4  }
0xd: {  	[smem:$0x3FB1] =	sst s5  }
0xe: {  	[smem:$0x3FB2] =	sst s6  }
0xf: {  	[smem:$0x3FB3] =	sst s7  }
0x10: {  	[smem:$0x3FB4] =	sst s8  }
0x11: {  	[smem:$0x3FB5] =	sst s9;
	s0 =	simm.s32 @!p0 $0x0  }
0x12: {  	s1 =	sld [smem:$0x3F9B];
	s0 =	simm.s32 @p0 $0x1  }
0x13: {  	[smem:$0x3FB6] =	sst s0;
	s0 =	simm.s32 @!p1 $0x0  }
0x14: {  	s2 =	sld [smem:$0x3F9A];
	s0 =	simm.s32 @p1 $0x1  }
0x15: {  	[smem:$0x3FB7] =	sst s0;
	s0 =	simm.s32 @!p2 $0x0  }
0x16: {  	s3 =	sld [smem:$0x3FDB];
	s0 =	simm.s32 @p2 $0x1  }
0x17: {  	s4 =	simm.s32 $0x1BF5;
	[smem:$0x3FB9] =	sst s0  }
0x18: {  	s0 =	sld [smem:$0x3F9C];
	_ =	swait.ge [sflag:s4], $0x0  }
0x19: {  	s7 =	sld [smem:$0x3F9D]  }
0x1a: {  	s8 =	sadd.s32 $0xFFFFE003, lr  }
0x1b: {  	s9 =	sadd.s32 $0xFFFFFEF7, lr;
	s5 =	simm.s32 $0xFFFFFFFF;
	p2 =	slt.u32 s8, $0xFFFFF086  }
0x1c: {  	p1 =	slt.u32 s9, $0xF7A;
	s5 =	simm.s32 @!p2 $0x0  }
0x1d: {  	s5 =	simm.s32 @p1 $0x1;
	p0 =	seq.s32 s7, s2  }
0x1e: {  	s7 =	smul.u32 @!p0 $0xF7A, s2;
	p2 =	seq.s32 @!p0 s5, $0x0  }
0x1f: {  	s9 =	smul.u32 $0xF7A, s1;
	s8 =	simm.s32 @!p0 $0x1BF5;
	p2 =	por !p2, p0  }
0x20: {  	[sflag:s8] =	ssyncset.s32 @!p0 $0xFFFFF086;
	s6 =	sadd.s32 @!p0 s3, s7;
	s7 =	simm.s32 @!p0 $0x108  }
0x21: {  	s3 =	sadd.s32 s3, s9;
	s6 =	sadd.s32 @!p0 $0x88, s6;
	s7 =	simm.s32 @p2 $0x1082  }
0x22: {  	[simem:s7], [sflag:s8] =	dma.local @!p0 [hbm:s6], $0xF7A  }
0x23: {  	s9 =	sor.u32 $0xD0000000, s2;
	s6 =	simm.s32 $0x108;
	_ =	swait.ge @!p0 [sflag:s8], $0x0  }
0x24: {  	s3 =	sadd.s32 $0x88, s3;
	s6 =	simm.s32 @!p1 $0x1082;
	[sflag:s4] =	ssyncset.s32 $0xFFFFF086  }
0x25: {  	[simem:s6], [sflag:s4] =	dma.local [hbm:s3], $0xF7A  }
0x26: {  	[smem:$0x3F9D] =	sst s1;
	(tag) =	ssettag s2;
	_ =	strace s9  }
0x27: {  	s1 =	sld [smem:$0x3FAD]  }
0x28: {  	s2 =	sld [smem:$0x3FAE]  }
0x29: {  	s4 =	sld [smem:$0x3FB0]  }
0x2a: {  	p0 =	seq.s32 s5, $0x0;
	s5 =	sld [smem:$0x3FB1]  }
0x2b: {  	s6 =	sld [smem:$0x3FB2]  }
0x2c: {  	s7 =	sld [smem:$0x3FB3]  }
0x2d: {  	s3 =	simm.s32 $0x108;
	s8 =	sld [smem:$0x3FB4]  }
0x2e: {  	s3 =	simm.s32 @!p0 $0x1082;
	s9 =	sld [smem:$0x3FB5]  }
0x2f: {  	lr =	sadd.s32 s0, s3;
	s0 =	sld [smem:$0x3FAC]  }
0x30: {  	s3 =	sld [smem:$0x3FAF]  }
0x31: {  	[smem:$0x3FB8] =	sst s10  }
0x32: {  	s10 =	sld [smem:$0x3FB6];
	_ =	sdelay $0x3  }
0x33: {  	p0 =	seq.s32 s10, $0x1;
	s10 =	sld [smem:$0x3FB8];
	_ =	sdelay $0x3  }
0x34: {  	[smem:$0x3FB8] =	sst s10  }
0x35: {  	s10 =	sld [smem:$0x3FB7];
	_ =	sdelay $0x3  }
0x36: {  	p1 =	seq.s32 s10, $0x1;
	s10 =	sld [smem:$0x3FB8];
	_ =	sdelay $0x3  }
0x37: {  	[smem:$0x3FB8] =	sst s10  }
0x38: {  	s10 =	sld [smem:$0x3FB9]  }
0x39: {  	_ = 	snop;
	(pc) =	sbr.ind lr, $3  }
0x3a: {  	_ = 	snop  }
0x3b: {  	_ = 	snop  }
0x3c: {  	p2 =	seq.s32 s10, $0x1;
	s10 =	sld [smem:$0x3FB8]  }
0x3d: {  	_ =	shalt  }
0x3e: {  	_ =	shalt  }
0x3f: {  	_ =	shalt  }
0x40: {  	_ =	shalt  }
0x41: {  	_ =	shalt  }
0x42: {  	_ =	shalt  }
0x43: {  	_ =	shalt  }
0x44: {  	_ =	shalt  }
0x45: {  	_ =	shalt  }
0x46: {  	_ =	shalt  }
0x47: {  	_ =	shalt  }
0x48: {  	_ =	shalt  }
0x49: {  	_ =	shalt  }
0x4a: {  	_ =	shalt  }
0x4b: {  	_ =	shalt  }
0x4c: {  	_ =	shalt  }
0x4d: {  	_ =	shalt  }
0x4e: {  	_ =	shalt  }
0x4f: {  	_ =	shalt  }
0x50: {  	_ =	shalt  }
0x51: {  	_ =	shalt  }
0x52: {  	_ =	shalt  }
0x53: {  	_ =	shalt  }
0x54: {  	_ =	shalt  }
0x55: {  	_ =	shalt  }
0x56: {  	_ =	shalt  }
0x57: {  	_ =	shalt  }
0x58: {  	_ =	shalt  }
0x59: {  	_ =	shalt  }
0x5a: {  	_ =	shalt  }
0x5b: {  	_ =	shalt  }
0x5c: {  	_ =	shalt  }
0x5d: {  	_ =	shalt  }
0x5e: {  	_ =	shalt  }
0x5f: {  	_ =	shalt  }
0x60: {  	_ =	shalt  }
0x61: {  	_ =	shalt  }
0x62: {  	_ =	shalt  }
0x63: {  	_ =	shalt  }
0x64: {  	_ =	shalt  }
0x65: {  	_ =	shalt  }
0x66: {  	_ =	shalt  }
0x67: {  	_ =	shalt  }
0x68: {  	_ =	shalt  }
0x69: {  	_ =	shalt  }
0x6a: {  	_ =	shalt  }
0x6b: {  	_ =	shalt  }
0x6c: {  	_ =	shalt  }
0x6d: {  	_ =	shalt  }
0x6e: {  	_ =	shalt  }
0x6f: {  	_ =	shalt  }
0x70: {  	_ =	shalt  }
0x71: {  	_ =	shalt  }
0x72: {  	_ =	shalt  }
0x73: {  	_ =	shalt  }
0x74: {  	_ =	shalt  }
0x75: {  	_ =	shalt  }
0x76: {  	_ =	shalt  }
0x77: {  	_ =	shalt  }
0x78: {  	_ =	shalt  }
0x79: {  	_ =	shalt  }
0x7a: {  	_ =	shalt  }
0x7b: {  	_ =	shalt  }
0x7c: {  	_ =	shalt  }
0x7d: {  	_ =	shalt  }
0x7e: {  	_ =	shalt  }
0x7f: {  	_ =	shalt  }
0x80: {  	_ =	shalt  }
0x81: {  	_ =	shalt  }
0x82: {  	_ =	shalt  }
0x83: {  	_ =	shalt  }
0x84: {  	_ =	shalt  }
0x85: {  	_ =	shalt  }
0x86: {  	_ =	shalt  }
0x87: {  	_ =	shalt  }
.Lfunc_end0:
.L_simem_size_0:
called_computation.1_lowered:
.L_overlay_start_0:
0x88: {  	s2 =	sld [smem:$0x3FD9]  }
0x89: {  	s3 =	sld [smem:$0x3FFE];
	_ =	sdelay $0x1  }
0x8a: {  	s1 =	srdreg.scid  }
0x8b: {  	s0 =	sand.u32 $0x1, s1  }
0x8c: {  	s17 =	sshll.u32 s0, $0xA;
	s2 =	sadd.s32 s3, s2  }
0x8d: {  	s2 =	sadd.s32 s2, s17  }
0x8e: {  	[smem:$0x3FC4] =	sst s2  }
0x8f: {  	_ = 	snop  }
0x90: {  	s2 =	sld [smem:$0x3FD0];
	(tm) =	ssettm $0x1  }
0x91: {  	s18 =	sld [smem:$0x3FFB];
	_ =	sdelay $0x3  }
0x92: {  	_ =	strace s18  }
0x93: {  	s3 =	sld [smem:$0x3FFC];
	_ =	sdelay $0x3  }
0x94: {  	_ =	strace s3  }
0x95: {  	s3 =	sld [smem:$0x3FFD];
	_ =	sdelay $0x3  }
0x96: {  	_ =	strace s3  }
0x97: {  	_ =	strace $0x8FFFFFFF  }
0x98: {  	s19 =	sld [smem:$0x3FDB];
	_ =	sdelay $0x1  }
0x99: {  	s4 =	simm.s32 $_scs_section_size  }
0x9a: {  	s5 =	simm.s32 $_size__tile_overlayer_lowered;
	s6 =	simm.s32 $_tile_overlayer_lowered  }
0x9b: {  	s22 =	simm.s32 $0x1BFF;
	s21 =	sshll.u32 s6, $0x1;
	s3 =	sadd.s32 s4, s19  }
0x9c: {  	s7 =	simm.s32 $0x0;
	s20 =	sshll.u32 s5, $0x1;
	s5 =	sadd.s32 s21, s3  }
0x9d: {  	[timem:s7], [sflag:s22] =	dma.local [hbm:s5], s20  }
0x9e: {  	_ =	swait.ge [sflag:s22], s20  }
0x9f: {  	s4 =	ssub.s32 $0x0, s20;
	[sflag:s22] =	ssyncset.done $0x0  }
0xa0: {  	[sflag:s22] =	ssyncadd.s32 s4;
	_ =	sdelay $0x1  }
0xa1: {  	s23 =	simm.s32 $0x1B8B  }
0xa2: {  	_ =	swait.ge [sflag:s23], $0x1  }
0xa3: {  	[sflag:s23] =	ssyncset.done $0x0  }
0xa4: {  	s25 =	simm.s32 $0x1B8E;
	s24 =	sld [smem:$0x3FFE];
	[sflag:s23] =	ssyncadd.s32 $0xFFFFFFFF  }
0xa5: {  	s26 =	simm.s32 $execute0_lowered;
	[smem:$0x3FD2] =	sst s25  }
0xa6: {  	s5 =	sshll.u32 s26, $0x1;
	_ =	strace $0x80000049;
	[dreg:$0x1] =	wrdreg $0xFFFFFFFF  }
0xa7: {  	s28 =	simm.s32 $_size_execute0_lowered;
	s3 =	sadd.s32 s3, s5;
	[dreg:$0x0] =	wrdreg $0x0  }
0xa8: {  	s5 =	sshll.u32 s28, $0x1;
	[dreg:$0x2] =	wrdreg s3  }
0xa9: {  	[dreg:$0x3] =	wrdreg s5  }
0xaa: {  	[dreg:$0x4] =	wrdreg $0xC0  }
0xab: {  	_ =	task [dreg:s7], $0x5FFFF  }
0xac: {  	[dreg:$0x1] =	wrdreg $0xFFFFFFFF  }
0xad: {  	[dreg:$0x0] =	wrdreg $0x60  }
0xae: {  	[dreg:$0x2] =	wrdreg s2  }
0xaf: {  	[dreg:$0x3] =	wrdreg s24  }
0xb0: {  	[dreg:$0x4] =	wrdreg $0x0  }
0xb1: {  	[dreg:$0x5] =	wrdreg $0x9  }
0xb2: {  	_ =	task.clear_ibuf [dreg:s7], $0x6FFFF;
	_ =	strace $0x90000049  }
0xb3: {  	s29 =	simm.s32 $0x9;
	_ =	strace $0x8000004B  }
0xb4: {  	_ =	swait.ge [sflag:s29], $0x1  }
0xb5: {  	[sflag:s29] =	ssyncadd.s32 $0xFFFFFFFF  }
0xb6: {  	_ =	strace $0x9000004B  }
0xb7: {  	_ =	sfence  }
0xb8: {  	s30 =	sld [smem:$0x0];
	_ =	sdelay $0x2  }
0xb9: {  	s31 =	sshll.u32 s1, $0xD;
	s1 =	sshrl.u32 s1, $0x2  }
0xba: {  	s3 =	sand.u32 $0x4000, s31;
	s1 =	sadd.s32 s1, s30  }
0xbb: {  	s0 =	sor.u32 s3, s0;
	s1 =	sshll.u32 s1, $0x11  }
0xbc: {  	s0 =	sor.u32 s1, s0  }
0xbd: {  	s0 =	sadd.s32 $0x8F2B, s0  }
0xbe: {  	[sflag:s0] =	ssyncadd.remote.s32 $0x1  }
0xbf: {  	_ =	sfence.sel $0xFFFF  }
0xc0: {  	[dreg:$0x0] =	wrdreg $0xFFFFFFFF;
	(pc) =	sbr.abs _section_cstart, $3  }
0xc1: {  	[dreg:$0x1] =	wrdreg $0xFFFFFFFF  }
0xc2: {  	_ =	task.clear_ibuf [dreg:s7], $0x2FFFF;
	_ =	strace $0x9FFFFFFF  }
0xc3: {  	(tm) =	ssettm $0x7FFFFFFF  }
tec
execute0_lowered:
.L_overlay_start_1:
0x0: {  	(tag) =	ssettag $0x1  }
0x1: {  	s0 =	srdreg.scid  }
0x2: {  	s2 =	sand.u32 $0x1, s0  }
0x3: {  	s24 =	stileid.u32;
	s0 =	sshll.u32 s2, $0x4  }
0x4: {  	s5 =	sor.u32 s24, s0  }
0x5: {  	s6 =	smul.u32 $0x500, s5  }
0x6: {  	s1 =	rddreg [dreg:$0x1];
	s21 =	ssub.s32 $0x2, s2  }
0x7: {  	s3 =	sadd.s32 $0x2600, s1;
	s7 =	sshrl.u32 s21, $0x1;
	s22 =	sor.u32 $0xA, s6  }
0x8: {  	s4 =	sadd.s32 $0xC600, s1;
	s0 =	ssub.s32 s21, s7;
	s9 =	sadd.s32 s3, s22  }
0x9: {  	s8 =	sor.u32 $0x14, s6;
	s7 =	sadd.s32 s4, s22;
	[dreg:$0x6] =	wrdreg s9  }
0xa: {  	s23 =	sadd.s32 s3, s8;
	[dreg:$0x7] =	wrdreg s7  }
0xb: {  	s26 =	sor.u32 $0x1E, s6;
	s25 =	sadd.s32 s4, s8;
	[dreg:$0x8] =	wrdreg s23  }
0xc: {  	s28 =	sor.u32 $0x28, s6;
	s30 =	sadd.s32 s3, s26;
	[dreg:$0x9] =	wrdreg s25  }
0xd: {  	s10 =	sor.u32 $0x32, s6;
	s31 =	sadd.s32 s3, s28;
	[dreg:$0xa] =	wrdreg s30  }
0xe: {  	s11 =	sor.u32 $0x3C, s6;
	s12 =	sadd.s32 s3, s10;
	[dreg:$0xc] =	wrdreg s31  }
0xf: {  	s13 =	sadd.s32 s3, s11;
	[dreg:$0xe] =	wrdreg s12  }
0x10: {  	s15 =	sor.u32 $0x46, s6;
	s14 =	sadd.s32 s4, s11;
	[dreg:$0x10] =	wrdreg s13  }
0x11: {  	s16 =	sor.u32 $0x50, s6;
	s17 =	sadd.s32 s3, s15;
	[dreg:$0x11] =	wrdreg s14  }
0x12: {  	s18 =	sadd.s32 s3, s16;
	[dreg:$0x12] =	wrdreg s17  }
0x13: {  	s20 =	sor.u32 $0x5A, s6;
	s19 =	sadd.s32 s4, s16;
	[dreg:$0x14] =	wrdreg s18  }
0x14: {  	s22 =	sadd.s32 s3, s20;
	[dreg:$0x15] =	wrdreg s19  }
0x15: {  	s29 =	simm.s32 $0x0;
	s7 =	sadd.s32 s4, s26;
	[dreg:$0x16] =	wrdreg s22  }
0x16: {  	s21 =	sor.u32 $0x64, s6;
	s9 =	sadd.s32 s4, s28;
	[dreg:$0xb] =	wrdreg s7  }
0x17: {  	p0 =	sgt.u32 s24, $0xC;
	s23 =	sadd.s32 s3, s21;
	[dreg:$0xd] =	wrdreg s9  }
0x18: {  	s5 =	smul.u32 $0x2800, s5;
	s25 =	sadd.s32 s4, s21;
	[dreg:$0x18] =	wrdreg s23  }
0x19: {  	s0 =	smax.u32 s0, $0x1;
	s12 =	sadd.s32 s3, s6;
	[dreg:$0x19] =	wrdreg s25  }
0x1a: {  	s5 =	sshrl.u32 s5, $0x3;
	s13 =	sadd.s32 s4, s6;
	[smem:$0x7DF] =	sst s12  }
0x1b: {  	s26 =	sor.u32 $0x6E, s6;
	s28 =	sor.u32 $0x78, s6;
	[smem:$0x7E0] =	sst s13  }
0x1c: {  	s17 =	sadd.s32 $0x4D8, s5;
	s7 =	sadd.s32 s4, s10;
	s12 =	rddreg [dreg:$0x2]  }
0x1d: {  	s19 =	sadd.s32 $0x4E2, s5;
	s30 =	sadd.s32 s3, s26;
	[dreg:$0xf] =	wrdreg s7  }
0x1e: {  	s21 =	sadd.s32 $0x4EC, s5;
	s31 =	sadd.s32 s3, s28;
	[dreg:$0x1a] =	wrdreg s30  }
0x1f: {  	s9 =	sadd.s32 s4, s28;
	s10 =	sor.u32 $0x82, s6;
	[dreg:$0x1c] =	wrdreg s31  }
0x20: {  	s6 =	sor.u32 $0x8C, s6;
	s18 =	sadd.s32 s3, s17;
	[dreg:$0x1d] =	wrdreg s9  }
0x21: {  	s22 =	sadd.s32 s3, s21;
	s23 =	smul.u32 $0x5000, s2;
	[smem:$0x7E5] =	sst s18  }
0x22: {  	s2 =	smul.u32 $0x138800, s2;
	s7 =	sadd.s32 s4, s15;
	[smem:$0x7E9] =	sst s22  }
0x23: {  	s28 =	smul.u32 $0x2800, s24;
	s11 =	sadd.s32 s3, s10;
	[dreg:$0x13] =	wrdreg s7  }
0x24: {  	s14 =	sadd.s32 s3, s6;
	s6 =	sadd.s32 s4, s6;
	[dreg:$0x1e] =	wrdreg s11  }
0x25: {  	s15 =	sadd.s32 $0x4CE, s5;
	s5 =	sadd.s32 $0x4F6, s5;
	[smem:$0x7E1] =	sst s14  }
0x26: {  	s9 =	sor.u32 $0x30, s24;
	s18 =	sor.u32 $0x60, s24;
	[smem:$0x7E2] =	sst s6  }
0x27: {  	s22 =	sor.u32 $0x70, s24;
	s7 =	sadd.s32 s4, s20;
	s11 =	rddreg [dreg:$0x0]  }
0x28: {  	s16 =	sadd.s32 s3, s15;
	s6 =	sadd.s32 s4, s15;
	[dreg:$0x17] =	wrdreg s7  }
0x29: {  	s20 =	sadd.s32 s3, s19;
	s25 =	sadd.s32 s3, s5;
	[smem:$0x7E3] =	sst s16  }
0x2a: {  	s5 =	sadd.s32 s4, s5;
	s3 =	sadd.s32 s23, s3;
	[smem:$0x7E4] =	sst s6  }
0x2b: {  	s14 =	sor.u32 $0x40, s24;
	s15 =	smul.u32 $0x2800, s9;
	[smem:$0x7E7] =	sst s20  }
0x2c: {  	s7 =	sadd.s32 s4, s26;
	s6 =	sadd.s32 s4, s17;
	[smem:$0x7EB] =	sst s25  }
0x2d: {  	[smem:$0x7EC] =	sst s5;
	s26 =	sor.u32 $0x10, s24;
	s17 =	smul.u32 $0x2800, s14  }
0x2e: {  	s16 =	sor.u32 $0x50, s24;
	s20 =	smul.u32 $0x2800, s18;
	[dreg:$0x1b] =	wrdreg s7  }
0x2f: {  	s14 =	smul.u32 $0xA000, s14;
	s7 =	sadd.s32 s4, s10;
	[smem:$0x7E6] =	sst s6  }
0x30: {  	s6 =	sadd.s32 s4, s19;
	s10 =	simm.s32 $0x0;
	s30 =	smul.u32 $0x2800, s26  }
0x31: {  	s19 =	smul.u32 $0x2800, s16;
	s15 =	sadd.s32 s2, s15;
	[dreg:$0x1f] =	wrdreg s7  }
0x32: {  	[smem:$0x7E8] =	sst s6;
	s6 =	sadd.s32 s4, s21;
	s4 =	sadd.s32 s23, s4  }
0x33: {  	[smem:$0x7FF] =	sst s10;
	s7 =	sor.u32 $0x20, s24;
	s21 =	smul.u32 $0x500, s24  }
0x34: {  	s17 =	sadd.s32 s2, s17;
	s23 =	smul.u32 $0x2800, s22;
	s20 =	sadd.s32 s2, s20  }
0x35: {  	[smem:$0x7EA] =	sst s6;
	s13 =	smul.u32 $0x2800, s7;
	s6 =	sadd.s32 s28, s2  }
0x36: {  	s8 =	sadd.s32 s2, s30;
	s19 =	sadd.s32 s2, s19;
	s7 =	smul.u32 $0xA000, s7  }
0x37: {  	s25 =	sshrl.u32 s17, $0x3;
	s30 =	sshrl.u32 s20, $0x3;
	s17 =	smul.u32 $0xA000, s16  }
0x38: {  	s20 =	smul.u32 $0xA000, s22;
	s16 =	simm.s32 $0x13C80;
	_ =	strace $0x8000004A  }
0x39: {  	s3 =	sadd.s32 s21, s3;
	s31 =	sshrl.u32 s6, $0x3;
	s6 =	sadd.s32 $0x16C00, s1  }
0x3a: {  	s8 =	sshrl.u32 s8, $0x3;
	[smem:$0x7FD] =	sst s0;
	s13 =	sadd.s32 s2, s13  }
0x3b: {  	s2 =	sadd.s32 s2, s23;
	[dreg:$0x4] =	wrdreg s3;
	s3 =	sadd.s32 s21, s4  }
0x3c: {  	s4 =	smul.u32 $0xA000, s26;
	s5 =	sadd.s32 s6, s31;
	s23 =	sshrl.u32 s15, $0x3  }
0x3d: {  	s26 =	sshrl.u32 s19, $0x3;
	s31 =	smul.u32 $0xA000, s24;
	s15 =	sshll.u32 s24, $0x6  }
0x3e: {  	s19 =	smul.u32 $0xA000, s18;
	s18 =	simm.s32 $0x3;
	s24 =	simm.s32 $0x4  }
0x3f: {  	[smem:$0x7ED] =	sst s5;
	s13 =	sshrl.u32 s13, $0x3;
	s5 =	sadd.s32 s6, s8  }
0x40: {  	s28 =	sadd.s32 s6, s26;
	s2 =	sshrl.u32 s2, $0x3;
	[dreg:$0x5] =	wrdreg s3  }
0x41: {  	[smem:$0x7EE] =	sst s5;
	s21 =	sadd.s32 s6, s13;
	s5 =	sadd.s32 s6, s23  }
0x42: {  	[smem:$0x7F2] =	sst s28;
	s2 =	sadd.s32 s6, s2;
	s8 =	sshrl.u32 s31, $0x2  }
0x43: {  	s13 =	smul.u32 $0xA000, s9;
	s23 =	sor.u32 $0x1C09, s15;
	s4 =	sshrl.u32 s4, $0x2  }
0x44: {  	s26 =	sshrl.u32 s19, $0x2;
	s28 =	sshrl.u32 s20, $0x2;
	s9 =	simm.s32 $0x13E00  }
0x45: {  	s15 =	simm.s32 $0x5;
	s19 =	simm.s32 $0x18F00;
	[smem:$0x7EF] =	sst s21  }
0x46: {  	s20 =	simm.s32 $0x6;
	[smem:$0x7F0] =	sst s5;
	s5 =	sadd.s32 s6, s25  }
0x47: {  	[smem:$0x7F4] =	sst s2;
	s21 =	sadd.s32 $0x16600, s1;
	s1 =	sadd.s32 s8, s12  }
0x48: {  	s4 =	sadd.s32 s4, s12;
	s2 =	sshrl.u32 s7, $0x2;
	s25 =	sshrl.u32 s17, $0x2  }
0x49: {  	s31 =	sadd.s32 s28, s12;
	s7 =	simm.s32 $0x13D80;
	[smem:$0x7F1] =	sst s5  }
0x4a: {  	s8 =	simm.s32 $0x13C00;
	s17 =	simm.s32 $0x13E80;
	[smem:$0x7F5] =	sst s1  }
0x4b: {  	s5 =	sadd.s32 s6, s30;
	[smem:$0x7F6] =	sst s4;
	s3 =	sshrl.u32 s13, $0x2  }
0x4c: {  	s1 =	sshrl.u32 s14, $0x2;
	s2 =	sadd.s32 s2, s12;
	s30 =	sadd.s32 s26, s12  }
0x4d: {  	[smem:$0x7FC] =	sst s31;
	s4 =	simm.s32 $0x50;
	s6 =	simm.s32 $0x13B80  }
0x4e: {  	s13 =	simm.s32 $0x2;
	s14 =	simm.s32 $0x16700;
	[smem:$0x7F3] =	sst s5  }
0x4f: {  	s26 =	simm.s32 $0x1;
	[smem:$0x7F7] =	sst s2;
	s22 =	sadd.s32 s3, s12  }
0x50: {  	s1 =	sadd.s32 s1, s12;
	[smem:$0x7FB] =	sst s30;
	s2 =	simm.s32 $0x13B00  }
0x51: {  	s3 =	simm.s32 $0x13D00;
	s5 =	simm.s32 $0x13F00;
	[smem:$0x7F8] =	sst s22  }
0x52: {  	[smem:$0x7F9] =	sst s1;
	s1 =	sadd.s32 s25, s12;
	s22 =	simm.s32 $0x8  }
0x53: {  	s25 =	simm.s32 $0x7;
	[smem:$0x7FA] =	sst s1;
	s1 =	simm.s32 $0x9  }
.LBB2_1:
0x54: {  	s0 =	sld [smem:$0x7F5];
	_ =	sdelay $0x2  }
0x55: {  	[smem:$0x7D6] =	sst s29;
	s0 =	sshrl.u32 s0, $0x3  }
0x56: {  	[smem:$0x7D7] =	sst s0  }
0x57: {  	[spmem:s0], [sflag:s23] =	dma.local [hbm:s21], $0x500  }
0x58: {  	_ =	swait.ge [sflag:s1], $0x500  }
0x59: {  	s28 =	sld [smem:$0x7F6];
	_ =	sdelay $0x2  }
0x5a: {  	[sflag:s1] =	ssyncset.done $0x0;
	s0 =	sshrl.u32 s28, $0x3  }
0x5b: {  	[sflag:s1] =	ssyncadd.s32 $0xFFFFFB00;
	[smem:$0x7D8] =	sst s0  }
0x5c: {  	[spmem:s0], [sflag:s23] =	dma.local [hbm:s21], $0x500  }
0x5d: {  	_ =	swait.ge [sflag:s1], $0x500  }
0x5e: {  	s31 =	sld [smem:$0x7F7];
	_ =	sdelay $0x2  }
0x5f: {  	[sflag:s1] =	ssyncset.done $0x0;
	s0 =	sshrl.u32 s31, $0x3  }
0x60: {  	[sflag:s1] =	ssyncadd.s32 $0xFFFFFB00;
	[smem:$0x7D9] =	sst s0  }
0x61: {  	[spmem:s0], [sflag:s23] =	dma.local [hbm:s21], $0x500  }
0x62: {  	_ =	swait.ge [sflag:s1], $0x500  }
0x63: {  	s28 =	sld [smem:$0x7F8];
	_ =	sdelay $0x2  }
0x64: {  	[sflag:s1] =	ssyncset.done $0x0;
	s0 =	sshrl.u32 s28, $0x3  }
0x65: {  	[sflag:s1] =	ssyncadd.s32 $0xFFFFFB00;
	[smem:$0x7DA] =	sst s0  }
0x66: {  	[spmem:s0], [sflag:s23] =	dma.local [hbm:s21], $0x500  }
0x67: {  	_ =	swait.ge [sflag:s1], $0x500  }
0x68: {  	s31 =	sld [smem:$0x7F9];
	_ =	sdelay $0x2  }
0x69: {  	[sflag:s1] =	ssyncset.done $0x0;
	s0 =	sshrl.u32 s31, $0x3  }
0x6a: {  	[sflag:s1] =	ssyncadd.s32 $0xFFFFFB00;
	[smem:$0x7DB] =	sst s0  }
0x6b: {  	[spmem:s0], [sflag:s23] =	dma.local [hbm:s21], $0x500  }
0x6c: {  	_ =	swait.ge [sflag:s1], $0x500  }
0x6d: {  	s28 =	sld [smem:$0x7FA];
	_ =	sdelay $0x2  }
0x6e: {  	[sflag:s1] =	ssyncset.done $0x0;
	s0 =	sshrl.u32 s28, $0x3  }
0x6f: {  	[sflag:s1] =	ssyncadd.s32 $0xFFFFFB00;
	[smem:$0x7DC] =	sst s0  }
0x70: {  	[spmem:s0], [sflag:s23] =	dma.local [hbm:s21], $0x500  }
0x71: {  	_ =	swait.ge [sflag:s1], $0x500  }
0x72: {  	s31 =	sld [smem:$0x7FB];
	_ =	sdelay $0x2  }
0x73: {  	[sflag:s1] =	ssyncset.done $0x0;
	s0 =	sshrl.u32 s31, $0x3  }
0x74: {  	[sflag:s1] =	ssyncadd.s32 $0xFFFFFB00;
	[smem:$0x7DD] =	sst s0  }
0x75: {  	[spmem:s0], [sflag:s23] =	dma.local [hbm:s21], $0x500  }
0x76: {  	_ =	swait.ge [sflag:s1], $0x500  }
0x77: {  	s0 =	sld [smem:$0x7FC];
	_ =	sdelay $0x2  }
0x78: {  	[sflag:s1] =	ssyncset.done $0x0;
	s0 =	sshrl.u32 @!p0 s0, $0x3  }
0x79: {  	s29 =	simm.s32 @!p0 $0x9;
	[sflag:s1] =	ssyncadd.s32 $0xFFFFFB00;
	[smem:$0x7DE] =	sst s0  }
0x7a: {  	[spmem:s0], [sflag:s23] =	dma.local @!p0 [hbm:s21], $0x500  }
0x7b: {  	_ =	swait.ge @!p0 [sflag:s29], $0x500  }
0x7c: {  	[sflag:s29] =	ssyncset.done @!p0 $0x0  }
0x7d: {  	[sflag:s29] =	ssyncadd.s32 @!p0 $0xFFFFFB00  }
0x7e: {  	[bflag:$0x0] =	sbarrier.arrive $0xFFFF  }
0x7f: {  	s28 =	sld [smem:$0x7DF];
	_ =	sdelay $0x2  }
0x80: {  	[tilespmem:s2], [sflag:$0x9] =	stream.linear.gather [hbm4b:s28+s10], $0x50, $0x38;
	[tilespmem:$0x1B700] =	vst v63  }
0x81: {  	_ =	swait.ge [sflag:s1], $0x50  }
0x82: {  	s31 =	sld [smem:$0x7E0]  }
0x83: {  	[sflag:s1] =	ssyncset.done $0x0  }
0x84: {  	[sflag:s1] =	ssyncadd.s32 $0xFFFFFFB0  }
0x85: {  	[tilespmem:s3], [sflag:$0x9] =	stream.linear.gather [hbm4b:s31+s10], $0x50, $0x38;
	[tilespmem:$0x1B700] =	vst v63  }
0x86: {  	_ =	swait.ge [sflag:s1], $0x50  }
0x87: {  	[sflag:s1] =	ssyncset.done $0x0  }
0x88: {  	[sflag:s1] =	ssyncadd.s32 $0xFFFFFFB0  }
0x89: {  	[tilespmem:s5], [sflag:$0x5] =	stream.indirect.gather [hbm4b:s11+s4], $0x80, s2, s4, $0xb8;
	[tilespmem:$0x1B700] =	vst v63  }
0x8a: {  	s28 =	rddreg [dreg:$0x6]  }
0x8b: {  	[tilespmem:s6], [sflag:$0x2] =	stream.linear.gather [hbm4b:s28+s10], $0x50, $0x38;
	[tilespmem:$0x1B700] =	vst v63  }
0x8c: {  	s31 =	rddreg [dreg:$0x7]  }
0x8d: {  	[tilespmem:s7], [sflag:$0x2] =	stream.linear.gather [hbm4b:s31+s10], $0x50, $0x38;
	[tilespmem:$0x1B700] =	vst v63  }
0x8e: {  	s28 =	rddreg [dreg:$0x8]  }
0x8f: {  	[tilespmem:s8], [sflag:$0x3] =	stream.linear.gather [hbm4b:s28+s10], $0x50, $0x38;
	[tilespmem:$0x1B700] =	vst v63  }
0x90: {  	s31 =	rddreg [dreg:$0x9]  }
0x91: {  	[tilespmem:s9], [sflag:$0x3] =	stream.linear.gather [hbm4b:s31+s10], $0x50, $0x38;
	[tilespmem:$0x1B700] =	vst v63  }
0x92: {  	_ =	swait.ge [sflag:s13], $0x50  }
0x93: {  	[sflag:s13] =	ssyncset.done $0x0  }
0x94: {  	[sflag:s13] =	ssyncadd.s32 $0xFFFFFFB0  }
0x95: {  	_ =	swait.ge [sflag:s13], $0x50  }
0x96: {  	[sflag:s13] =	ssyncset.done $0x0  }
0x97: {  	[sflag:s13] =	ssyncadd.s32 $0xFFFFFFB0  }
0x98: {  	[tilespmem:s14], [sflag:$0x6] =	stream.indirect.gather [hbm4b:s11+s4], $0x80, s6, s4, $0xb8;
	[tilespmem:$0x1B700] =	vst v63  }
0x99: {  	_ =	swait.ge [sflag:s15], $0x2800  }
0x9a: {  	[sflag:s15] =	ssyncset.done $0x0  }
0x9b: {  	[sflag:s15] =	ssyncadd.s32 $0xFFFFD800  }
0x9c: {  	[spmem:s12] =	stream.indirect.scatter.add.f32 [tilespmem:s5], [sflag:$0x8], $0x80, s3, s4, $0xb8;
	[tilespmem:$0x1B700] =	vst v63  }
0x9d: {  	s28 =	rddreg [dreg:$0xa]  }
0x9e: {  	[tilespmem:s16], [sflag:$0x4] =	stream.linear.gather [hbm4b:s28+s10], $0x50, $0x38;
	[tilespmem:$0x1B700] =	vst v63  }
0x9f: {  	s31 =	rddreg [dreg:$0xb]  }
0xa0: {  	[tilespmem:s17], [sflag:$0x4] =	stream.linear.gather [hbm4b:s31+s10], $0x50, $0x38;
	[tilespmem:$0x1B700] =	vst v63  }
0xa1: {  	_ =	swait.ge [sflag:s18], $0x50  }
0xa2: {  	[sflag:s18] =	ssyncset.done $0x0  }
0xa3: {  	[sflag:s18] =	ssyncadd.s32 $0xFFFFFFB0  }
0xa4: {  	_ =	swait.ge [sflag:s18], $0x50  }
0xa5: {  	[sflag:s18] =	ssyncset.done $0x0  }
0xa6: {  	[sflag:s18] =	ssyncadd.s32 $0xFFFFFFB0  }
0xa7: {  	[tilespmem:s19], [sflag:$0x7] =	stream.indirect.gather [hbm4b:s11+s4], $0x80, s8, s4, $0xb8;
	[tilespmem:$0x1B700] =	vst v63  }
0xa8: {  	_ =	swait.ge [sflag:s20], $0x2800  }
0xa9: {  	[sflag:s20] =	ssyncset.done $0x0  }
0xaa: {  	[sflag:s20] =	ssyncadd.s32 $0xFFFFD800  }
0xab: {  	[spmem:s12] =	stream.indirect.scatter.add.f32 [tilespmem:s14], [sflag:$0x8], $0x80, s7, s4, $0xb8;
	[tilespmem:$0x1B700] =	vst v63  }
0xac: {  	_ =	swait.ge [sflag:s22], $0x2800  }
0xad: {  	[sflag:s22] =	ssyncset.done $0x0  }
0xae: {  	s28 =	rddreg [dreg:$0xc];
	[sflag:s22] =	ssyncadd.s32 $0xFFFFD800  }
0xaf: {  	[tilespmem:s2], [sflag:$0x1] =	stream.linear.gather [hbm4b:s28+s10], $0x50, $0x38;
	[tilespmem:$0x1B700] =	vst v63  }
0xb0: {  	s31 =	rddreg [dreg:$0xd]  }
0xb1: {  	[tilespmem:s3], [sflag:$0x1] =	stream.linear.gather [hbm4b:s31+s10], $0x50, $0x38;
	[tilespmem:$0x1B700] =	vst v63  }
0xb2: {  	_ =	swait.ge [sflag:s24], $0x50  }
0xb3: {  	[sflag:s24] =	ssyncset.done $0x0  }
0xb4: {  	[sflag:s24] =	ssyncadd.s32 $0xFFFFFFB0  }
0xb5: {  	_ =	swait.ge [sflag:s24], $0x50  }
0xb6: {  	[sflag:s24] =	ssyncset.done $0x0  }
0xb7: {  	[sflag:s24] =	ssyncadd.s32 $0xFFFFFFB0  }
0xb8: {  	[tilespmem:s5], [sflag:$0x5] =	stream.indirect.gather [hbm4b:s11+s4], $0x80, s16, s4, $0xb8;
	[tilespmem:$0x1B700] =	vst v63  }
0xb9: {  	_ =	swait.ge [sflag:s25], $0x2800  }
0xba: {  	[sflag:s25] =	ssyncset.done $0x0  }
0xbb: {  	[sflag:s25] =	ssyncadd.s32 $0xFFFFD800  }
0xbc: {  	[spmem:s12] =	stream.indirect.scatter.add.f32 [tilespmem:s19], [sflag:$0x8], $0x80, s9, s4, $0xb8;
	[tilespmem:$0x1B700] =	vst v63  }
0xbd: {  	_ =	swait.ge [sflag:s22], $0x2800  }
0xbe: {  	[sflag:s22] =	ssyncset.done $0x0  }
0xbf: {  	s28 =	rddreg [dreg:$0xe];
	[sflag:s22] =	ssyncadd.s32 $0xFFFFD800  }
0xc0: {  	[tilespmem:s6], [sflag:$0x2] =	stream.linear.gather [hbm4b:s28+s10], $0x50, $0x38;
	[tilespmem:$0x1B700] =	vst v63  }
0xc1: {  	s31 =	rddreg [dreg:$0xf]  }
0xc2: {  	[tilespmem:s7], [sflag:$0x2] =	stream.linear.gather [hbm4b:s31+s10], $0x50, $0x38;
	[tilespmem:$0x1B700] =	vst v63  }
0xc3: {  	_ =	swait.ge [sflag:s26], $0x50  }
0xc4: {  	[sflag:s26] =	ssyncset.done $0x0  }
0xc5: {  	[sflag:s26] =	ssyncadd.s32 $0xFFFFFFB0  }
0xc6: {  	_ =	swait.ge [sflag:s26], $0x50  }
0xc7: {  	[sflag:s26] =	ssyncset.done $0x0  }
0xc8: {  	[sflag:s26] =	ssyncadd.s32 $0xFFFFFFB0  }
0xc9: {  	[tilespmem:s14], [sflag:$0x6] =	stream.indirect.gather [hbm4b:s11+s4], $0x80, s2, s4, $0xb8;
	[tilespmem:$0x1B700] =	vst v63  }
0xca: {  	_ =	swait.ge [sflag:s15], $0x2800  }
0xcb: {  	[sflag:s15] =	ssyncset.done $0x0  }
0xcc: {  	[sflag:s15] =	ssyncadd.s32 $0xFFFFD800  }
0xcd: {  	[spmem:s12] =	stream.indirect.scatter.add.f32 [tilespmem:s5], [sflag:$0x8], $0x80, s17, s4, $0xb8;
	[tilespmem:$0x1B700] =	vst v63  }
0xce: {  	_ =	swait.ge [sflag:s22], $0x2800  }
0xcf: {  	[sflag:s22] =	ssyncset.done $0x0  }
0xd0: {  	s28 =	rddreg [dreg:$0x10];
	[sflag:s22] =	ssyncadd.s32 $0xFFFFD800  }
0xd1: {  	[tilespmem:s8], [sflag:$0x3] =	stream.linear.gather [hbm4b:s28+s10], $0x50, $0x38;
	[tilespmem:$0x1B700] =	vst v63  }
0xd2: {  	s31 =	rddreg [dreg:$0x11]  }
0xd3: {  	[tilespmem:s9], [sflag:$0x3] =	stream.linear.gather [hbm4b:s31+s10], $0x50, $0x38;
	[tilespmem:$0x1B700] =	vst v63  }
0xd4: {  	_ =	swait.ge [sflag:s13], $0x50  }
0xd5: {  	[sflag:s13] =	ssyncset.done $0x0  }
0xd6: {  	[sflag:s13] =	ssyncadd.s32 $0xFFFFFFB0  }
0xd7: {  	_ =	swait.ge [sflag:s13], $0x50  }
0xd8: {  	[sflag:s13] =	ssyncset.done $0x0  }
0xd9: {  	[sflag:s13] =	ssyncadd.s32 $0xFFFFFFB0  }
0xda: {  	[tilespmem:s19], [sflag:$0x7] =	stream.indirect.gather [hbm4b:s11+s4], $0x80, s6, s4, $0xb8;
	[tilespmem:$0x1B700] =	vst v63  }
0xdb: {  	_ =	swait.ge [sflag:s20], $0x2800  }
0xdc: {  	[sflag:s20] =	ssyncset.done $0x0  }
0xdd: {  	[sflag:s20] =	ssyncadd.s32 $0xFFFFD800  }
0xde: {  	[spmem:s12] =	stream.indirect.scatter.add.f32 [tilespmem:s14], [sflag:$0x8], $0x80, s3, s4, $0xb8;
	[tilespmem:$0x1B700] =	vst v63  }
0xdf: {  	_ =	swait.ge [sflag:s22], $0x2800  }
0xe0: {  	[sflag:s22] =	ssyncset.done $0x0  }
0xe1: {  	s28 =	rddreg [dreg:$0x12];
	[sflag:s22] =	ssyncadd.s32 $0xFFFFD800  }
0xe2: {  	[tilespmem:s16], [sflag:$0x4] =	stream.linear.gather [hbm4b:s28+s10], $0x50, $0x38;
	[tilespmem:$0x1B700] =	vst v63  }
0xe3: {  	s31 =	rddreg [dreg:$0x13]  }
0xe4: {  	[tilespmem:s17], [sflag:$0x4] =	stream.linear.gather [hbm4b:s31+s10], $0x50, $0x38;
	[tilespmem:$0x1B700] =	vst v63  }
0xe5: {  	_ =	swait.ge [sflag:s18], $0x50  }
0xe6: {  	[sflag:s18] =	ssyncset.done $0x0  }
0xe7: {  	[sflag:s18] =	ssyncadd.s32 $0xFFFFFFB0  }
0xe8: {  	_ =	swait.ge [sflag:s18], $0x50  }
0xe9: {  	[sflag:s18] =	ssyncset.done $0x0  }
0xea: {  	[sflag:s18] =	ssyncadd.s32 $0xFFFFFFB0  }
0xeb: {  	[tilespmem:s5], [sflag:$0x5] =	stream.indirect.gather [hbm4b:s11+s4], $0x80, s8, s4, $0xb8;
	[tilespmem:$0x1B700] =	vst v63  }
0xec: {  	_ =	swait.ge [sflag:s25], $0x2800  }
0xed: {  	[sflag:s25] =	ssyncset.done $0x0  }
0xee: {  	[sflag:s25] =	ssyncadd.s32 $0xFFFFD800  }
0xef: {  	[spmem:s12] =	stream.indirect.scatter.add.f32 [tilespmem:s19], [sflag:$0x8], $0x80, s7, s4, $0xb8;
	[tilespmem:$0x1B700] =	vst v63  }
0xf0: {  	_ =	swait.ge [sflag:s22], $0x2800  }
0xf1: {  	[sflag:s22] =	ssyncset.done $0x0  }
0xf2: {  	s28 =	rddreg [dreg:$0x14];
	[sflag:s22] =	ssyncadd.s32 $0xFFFFD800  }
0xf3: {  	[tilespmem:s2], [sflag:$0x1] =	stream.linear.gather [hbm4b:s28+s10], $0x50, $0x38;
	[tilespmem:$0x1B700] =	vst v63  }
0xf4: {  	s31 =	rddreg [dreg:$0x15]  }
0xf5: {  	[tilespmem:s3], [sflag:$0x1] =	stream.linear.gather [hbm4b:s31+s10], $0x50, $0x38;
	[tilespmem:$0x1B700] =	vst v63  }
0xf6: {  	_ =	swait.ge [sflag:s24], $0x50  }
0xf7: {  	[sflag:s24] =	ssyncset.done $0x0  }
0xf8: {  	[sflag:s24] =	ssyncadd.s32 $0xFFFFFFB0  }
0xf9: {  	_ =	swait.ge [sflag:s24], $0x50  }
0xfa: {  	[sflag:s24] =	ssyncset.done $0x0  }
0xfb: {  	[sflag:s24] =	ssyncadd.s32 $0xFFFFFFB0  }
0xfc: {  	[tilespmem:s14], [sflag:$0x6] =	stream.indirect.gather [hbm4b:s11+s4], $0x80, s16, s4, $0xb8;
	[tilespmem:$0x1B700] =	vst v63  }
0xfd: {  	_ =	swait.ge [sflag:s15], $0x2800  }
0xfe: {  	[sflag:s15] =	ssyncset.done $0x0  }
0xff: {  	[sflag:s15] =	ssyncadd.s32 $0xFFFFD800  }
0x100: {  	[spmem:s12] =	stream.indirect.scatter.add.f32 [tilespmem:s5], [sflag:$0x8], $0x80, s9, s4, $0xb8;
	[tilespmem:$0x1B700] =	vst v63  }
0x101: {  	_ =	swait.ge [sflag:s22], $0x2800  }
0x102: {  	[sflag:s22] =	ssyncset.done $0x0  }
0x103: {  	s28 =	rddreg [dreg:$0x16];
	[sflag:s22] =	ssyncadd.s32 $0xFFFFD800  }
0x104: {  	[tilespmem:s6], [sflag:$0x2] =	stream.linear.gather [hbm4b:s28+s10], $0x50, $0x38;
	[tilespmem:$0x1B700] =	vst v63  }
0x105: {  	s31 =	rddreg [dreg:$0x17]  }
0x106: {  	[tilespmem:s7], [sflag:$0x2] =	stream.linear.gather [hbm4b:s31+s10], $0x50, $0x38;
	[tilespmem:$0x1B700] =	vst v63  }
0x107: {  	_ =	swait.ge [sflag:s26], $0x50  }
0x108: {  	[sflag:s26] =	ssyncset.done $0x0  }
0x109: {  	[sflag:s26] =	ssyncadd.s32 $0xFFFFFFB0  }
0x10a: {  	_ =	swait.ge [sflag:s26], $0x50  }
0x10b: {  	[sflag:s26] =	ssyncset.done $0x0  }
0x10c: {  	[sflag:s26] =	ssyncadd.s32 $0xFFFFFFB0  }
0x10d: {  	[tilespmem:s19], [sflag:$0x7] =	stream.indirect.gather [hbm4b:s11+s4], $0x80, s2, s4, $0xb8;
	[tilespmem:$0x1B700] =	vst v63  }
0x10e: {  	_ =	swait.ge [sflag:s20], $0x2800  }
0x10f: {  	[sflag:s20] =	ssyncset.done $0x0  }
0x110: {  	[sflag:s20] =	ssyncadd.s32 $0xFFFFD800  }
0x111: {  	[spmem:s12] =	stream.indirect.scatter.add.f32 [tilespmem:s14], [sflag:$0x8], $0x80, s17, s4, $0xb8;
	[tilespmem:$0x1B700] =	vst v63  }
0x112: {  	_ =	swait.ge [sflag:s22], $0x2800  }
0x113: {  	[sflag:s22] =	ssyncset.done $0x0  }
0x114: {  	s28 =	rddreg [dreg:$0x18];
	[sflag:s22] =	ssyncadd.s32 $0xFFFFD800  }
0x115: {  	[tilespmem:s8], [sflag:$0x3] =	stream.linear.gather [hbm4b:s28+s10], $0x50, $0x38;
	[tilespmem:$0x1B700] =	vst v63  }
0x116: {  	s31 =	rddreg [dreg:$0x19]  }
0x117: {  	[tilespmem:s9], [sflag:$0x3] =	stream.linear.gather [hbm4b:s31+s10], $0x50, $0x38;
	[tilespmem:$0x1B700] =	vst v63  }
0x118: {  	_ =	swait.ge [sflag:s13], $0x50  }
0x119: {  	[sflag:s13] =	ssyncset.done $0x0  }
0x11a: {  	[sflag:s13] =	ssyncadd.s32 $0xFFFFFFB0  }
0x11b: {  	_ =	swait.ge [sflag:s13], $0x50  }
0x11c: {  	[sflag:s13] =	ssyncset.done $0x0  }
0x11d: {  	[sflag:s13] =	ssyncadd.s32 $0xFFFFFFB0  }
0x11e: {  	[tilespmem:s5], [sflag:$0x5] =	stream.indirect.gather [hbm4b:s11+s4], $0x80, s6, s4, $0xb8;
	[tilespmem:$0x1B700] =	vst v63  }
0x11f: {  	_ =	swait.ge [sflag:s25], $0x2800  }
0x120: {  	[sflag:s25] =	ssyncset.done $0x0  }
0x121: {  	[sflag:s25] =	ssyncadd.s32 $0xFFFFD800  }
0x122: {  	[spmem:s12] =	stream.indirect.scatter.add.f32 [tilespmem:s19], [sflag:$0x8], $0x80, s3, s4, $0xb8;
	[tilespmem:$0x1B700] =	vst v63  }
0x123: {  	_ =	swait.ge [sflag:s22], $0x2800  }
0x124: {  	[sflag:s22] =	ssyncset.done $0x0  }
0x125: {  	s28 =	rddreg [dreg:$0x1a];
	[sflag:s22] =	ssyncadd.s32 $0xFFFFD800  }
0x126: {  	[tilespmem:s16], [sflag:$0x4] =	stream.linear.gather [hbm4b:s28+s10], $0x50, $0x38;
	[tilespmem:$0x1B700] =	vst v63  }
0x127: {  	s31 =	rddreg [dreg:$0x1b]  }
0x128: {  	[tilespmem:s17], [sflag:$0x4] =	stream.linear.gather [hbm4b:s31+s10], $0x50, $0x38;
	[tilespmem:$0x1B700] =	vst v63  }
0x129: {  	_ =	swait.ge [sflag:s18], $0x50  }
0x12a: {  	[sflag:s18] =	ssyncset.done $0x0  }
0x12b: {  	[sflag:s18] =	ssyncadd.s32 $0xFFFFFFB0  }
0x12c: {  	_ =	swait.ge [sflag:s18], $0x50  }
0x12d: {  	[sflag:s18] =	ssyncset.done $0x0  }
0x12e: {  	[sflag:s18] =	ssyncadd.s32 $0xFFFFFFB0  }
0x12f: {  	[tilespmem:s14], [sflag:$0x6] =	stream.indirect.gather [hbm4b:s11+s4], $0x80, s8, s4, $0xb8;
	[tilespmem:$0x1B700] =	vst v63  }
0x130: {  	_ =	swait.ge [sflag:s15], $0x2800  }
0x131: {  	[sflag:s15] =	ssyncset.done $0x0  }
0x132: {  	[sflag:s15] =	ssyncadd.s32 $0xFFFFD800  }
0x133: {  	[spmem:s12] =	stream.indirect.scatter.add.f32 [tilespmem:s5], [sflag:$0x8], $0x80, s7, s4, $0xb8;
	[tilespmem:$0x1B700] =	vst v63  }
0x134: {  	_ =	swait.ge [sflag:s22], $0x2800  }
0x135: {  	[sflag:s22] =	ssyncset.done $0x0  }
0x136: {  	s28 =	rddreg [dreg:$0x1c];
	[sflag:s22] =	ssyncadd.s32 $0xFFFFD800  }
0x137: {  	[tilespmem:s2], [sflag:$0x1] =	stream.linear.gather [hbm4b:s28+s10], $0x50, $0x38;
	[tilespmem:$0x1B700] =	vst v63  }
0x138: {  	s31 =	rddreg [dreg:$0x1d]  }
0x139: {  	[tilespmem:s3], [sflag:$0x1] =	stream.linear.gather [hbm4b:s31+s10], $0x50, $0x38;
	[tilespmem:$0x1B700] =	vst v63  }
0x13a: {  	_ =	swait.ge [sflag:s24], $0x50  }
0x13b: {  	[sflag:s24] =	ssyncset.done $0x0  }
0x13c: {  	[sflag:s24] =	ssyncadd.s32 $0xFFFFFFB0  }
0x13d: {  	_ =	swait.ge [sflag:s24], $0x50  }
0x13e: {  	[sflag:s24] =	ssyncset.done $0x0  }
0x13f: {  	[sflag:s24] =	ssyncadd.s32 $0xFFFFFFB0  }
0x140: {  	[tilespmem:s19], [sflag:$0x7] =	stream.indirect.gather [hbm4b:s11+s4], $0x80, s16, s4, $0xb8;
	[tilespmem:$0x1B700] =	vst v63  }
0x141: {  	_ =	swait.ge [sflag:s20], $0x2800  }
0x142: {  	[sflag:s20] =	ssyncset.done $0x0  }
0x143: {  	[sflag:s20] =	ssyncadd.s32 $0xFFFFD800  }
0x144: {  	[spmem:s12] =	stream.indirect.scatter.add.f32 [tilespmem:s14], [sflag:$0x8], $0x80, s9, s4, $0xb8;
	[tilespmem:$0x1B700] =	vst v63  }
0x145: {  	_ =	swait.ge [sflag:s22], $0x2800  }
0x146: {  	[sflag:s22] =	ssyncset.done $0x0  }
0x147: {  	s28 =	rddreg [dreg:$0x1e];
	[sflag:s22] =	ssyncadd.s32 $0xFFFFD800  }
0x148: {  	[tilespmem:s6], [sflag:$0x2] =	stream.linear.gather [hbm4b:s28+s10], $0x50, $0x38;
	[tilespmem:$0x1B700] =	vst v63  }
0x149: {  	s31 =	rddreg [dreg:$0x1f]  }
0x14a: {  	[tilespmem:s7], [sflag:$0x2] =	stream.linear.gather [hbm4b:s31+s10], $0x50, $0x38;
	[tilespmem:$0x1B700] =	vst v63  }
0x14b: {  	_ =	swait.ge [sflag:s26], $0x50  }
0x14c: {  	[sflag:s26] =	ssyncset.done $0x0  }
0x14d: {  	[sflag:s26] =	ssyncadd.s32 $0xFFFFFFB0  }
0x14e: {  	_ =	swait.ge [sflag:s26], $0x50  }
0x14f: {  	[sflag:s26] =	ssyncset.done $0x0  }
0x150: {  	[sflag:s26] =	ssyncadd.s32 $0xFFFFFFB0  }
0x151: {  	[tilespmem:s5], [sflag:$0x5] =	stream.indirect.gather [hbm4b:s11+s4], $0x80, s2, s4, $0xb8;
	[tilespmem:$0x1B700] =	vst v63  }
0x152: {  	_ =	swait.ge [sflag:s25], $0x2800  }
0x153: {  	[sflag:s25] =	ssyncset.done $0x0  }
0x154: {  	[sflag:s25] =	ssyncadd.s32 $0xFFFFD800  }
0x155: {  	[spmem:s12] =	stream.indirect.scatter.add.f32 [tilespmem:s19], [sflag:$0x8], $0x80, s17, s4, $0xb8;
	[tilespmem:$0x1B700] =	vst v63  }
0x156: {  	_ =	swait.ge [sflag:s22], $0x2800  }
0x157: {  	s28 =	sld [smem:$0x7E1]  }
0x158: {  	[sflag:s22] =	ssyncset.done $0x0  }
0x159: {  	s31 =	sld [smem:$0x7E2];
	[sflag:s22] =	ssyncadd.s32 $0xFFFFD800  }
0x15a: {  	[tilespmem:s8], [sflag:$0x3] =	stream.linear.gather [hbm4b:s28+s10], $0x50, $0x38;
	[tilespmem:$0x1B700] =	vst v63  }
0x15b: {  	_ = 	snop  }
0x15c: {  	[tilespmem:s9], [sflag:$0x3] =	stream.linear.gather [hbm4b:s31+s10], $0x50, $0x38;
	[tilespmem:$0x1B700] =	vst v63  }
0x15d: {  	_ =	swait.ge [sflag:s13], $0x50  }
0x15e: {  	[sflag:s13] =	ssyncset.done $0x0  }
0x15f: {  	[sflag:s13] =	ssyncadd.s32 $0xFFFFFFB0  }
0x160: {  	_ =	swait.ge [sflag:s13], $0x50  }
0x161: {  	[sflag:s13] =	ssyncset.done $0x0  }
0x162: {  	[sflag:s13] =	ssyncadd.s32 $0xFFFFFFB0  }
0x163: {  	[tilespmem:s14], [sflag:$0x6] =	stream.indirect.gather [hbm4b:s11+s4], $0x80, s6, s4, $0xb8;
	[tilespmem:$0x1B700] =	vst v63  }
0x164: {  	_ =	swait.ge [sflag:s15], $0x2800  }
0x165: {  	[sflag:s15] =	ssyncset.done $0x0  }
0x166: {  	[sflag:s15] =	ssyncadd.s32 $0xFFFFD800  }
0x167: {  	[spmem:s12] =	stream.indirect.scatter.add.f32 [tilespmem:s5], [sflag:$0x8], $0x80, s3, s4, $0xb8;
	[tilespmem:$0x1B700] =	vst v63  }
0x168: {  	_ =	swait.ge [sflag:s22], $0x2800  }
0x169: {  	s29 =	rddreg [dreg:$0x4]  }
0x16a: {  	s30 =	rddreg [dreg:$0x5];
	[sflag:s22] =	ssyncset.done $0x0;
	s29 =	sadd.s32 $0x0, s29  }
0x16b: {  	[sflag:s22] =	ssyncadd.s32 $0xFFFFD800;
	s30 =	sadd.s32 $0x0, s30;
	s31 =	sadd.s32 $0x96, s29  }
0x16c: {  	[tilespmem:s16], [sflag:$0x4] =	stream.linear.gather [hbm4b:s31+s10], $0x50, $0x38;
	[tilespmem:$0x1B700] =	vst v63  }
0x16d: {  	s28 =	sadd.s32 $0x96, s30  }
0x16e: {  	[tilespmem:s17], [sflag:$0x4] =	stream.linear.gather [hbm4b:s28+s10], $0x50, $0x38;
	[tilespmem:$0x1B700] =	vst v63  }
0x16f: {  	_ =	swait.ge [sflag:s18], $0x50  }
0x170: {  	[sflag:s18] =	ssyncset.done $0x0  }
0x171: {  	[sflag:s18] =	ssyncadd.s32 $0xFFFFFFB0  }
0x172: {  	_ =	swait.ge [sflag:s18], $0x50  }
0x173: {  	[sflag:s18] =	ssyncset.done $0x0  }
0x174: {  	[sflag:s18] =	ssyncadd.s32 $0xFFFFFFB0  }
0x175: {  	[tilespmem:s19], [sflag:$0x7] =	stream.indirect.gather [hbm4b:s11+s4], $0x80, s8, s4, $0xb8;
	[tilespmem:$0x1B700] =	vst v63  }
0x176: {  	_ =	swait.ge [sflag:s20], $0x2800  }
0x177: {  	[sflag:s20] =	ssyncset.done $0x0  }
0x178: {  	[sflag:s20] =	ssyncadd.s32 $0xFFFFD800  }
0x179: {  	[spmem:s12] =	stream.indirect.scatter.add.f32 [tilespmem:s14], [sflag:$0x8], $0x80, s7, s4, $0xb8;
	[tilespmem:$0x1B700] =	vst v63  }
0x17a: {  	_ =	swait.ge [sflag:s22], $0x2800  }
0x17b: {  	[sflag:s22] =	ssyncset.done $0x0  }
0x17c: {  	s0 =	sadd.s32 $0xA0, s29;
	[sflag:s22] =	ssyncadd.s32 $0xFFFFD800  }
0x17d: {  	[tilespmem:s2], [sflag:$0x1] =	stream.linear.gather [hbm4b:s0+s10], $0x50, $0x38;
	[tilespmem:$0x1B700] =	vst v63  }
0x17e: {  	s28 =	sadd.s32 $0xA0, s30  }
0x17f: {  	[tilespmem:s3], [sflag:$0x1] =	stream.linear.gather [hbm4b:s28+s10], $0x50, $0x38;
	[tilespmem:$0x1B700] =	vst v63  }
0x180: {  	_ =	swait.ge [sflag:s24], $0x50  }
0x181: {  	[sflag:s24] =	ssyncset.done $0x0  }
0x182: {  	[sflag:s24] =	ssyncadd.s32 $0xFFFFFFB0  }
0x183: {  	_ =	swait.ge [sflag:s24], $0x50  }
0x184: {  	[sflag:s24] =	ssyncset.done $0x0  }
0x185: {  	[sflag:s24] =	ssyncadd.s32 $0xFFFFFFB0  }
0x186: {  	[tilespmem:s5], [sflag:$0x5] =	stream.indirect.gather [hbm4b:s11+s4], $0x80, s16, s4, $0xb8;
	[tilespmem:$0x1B700] =	vst v63  }
0x187: {  	_ =	swait.ge [sflag:s25], $0x2800  }
0x188: {  	[sflag:s25] =	ssyncset.done $0x0  }
0x189: {  	[sflag:s25] =	ssyncadd.s32 $0xFFFFD800  }
0x18a: {  	[spmem:s12] =	stream.indirect.scatter.add.f32 [tilespmem:s19], [sflag:$0x8], $0x80, s9, s4, $0xb8;
	[tilespmem:$0x1B700] =	vst v63  }
0x18b: {  	_ =	swait.ge [sflag:s22], $0x2800  }
0x18c: {  	[sflag:s22] =	ssyncset.done $0x0  }
0x18d: {  	s0 =	sadd.s32 $0xAA, s29;
	[sflag:s22] =	ssyncadd.s32 $0xFFFFD800  }
0x18e: {  	[tilespmem:s6], [sflag:$0x2] =	stream.linear.gather [hbm4b:s0+s10], $0x50, $0x38;
	[tilespmem:$0x1B700] =	vst v63  }
0x18f: {  	s28 =	sadd.s32 $0xAA, s30  }
0x190: {  	[tilespmem:s7], [sflag:$0x2] =	stream.linear.gather [hbm4b:s28+s10], $0x50, $0x38;
	[tilespmem:$0x1B700] =	vst v63  }
0x191: {  	_ =	swait.ge [sflag:s26], $0x50  }
0x192: {  	[sflag:s26] =	ssyncset.done $0x0  }
0x193: {  	[sflag:s26] =	ssyncadd.s32 $0xFFFFFFB0  }
0x194: {  	_ =	swait.ge [sflag:s26], $0x50  }
0x195: {  	[sflag:s26] =	ssyncset.done $0x0  }
0x196: {  	[sflag:s26] =	ssyncadd.s32 $0xFFFFFFB0  }
0x197: {  	[tilespmem:s14], [sflag:$0x6] =	stream.indirect.gather [hbm4b:s11+s4], $0x80, s2, s4, $0xb8;
	[tilespmem:$0x1B700] =	vst v63  }
0x198: {  	_ =	swait.ge [sflag:s15], $0x2800  }
0x199: {  	[sflag:s15] =	ssyncset.done $0x0  }
0x19a: {  	[sflag:s15] =	ssyncadd.s32 $0xFFFFD800  }
0x19b: {  	[spmem:s12] =	stream.indirect.scatter.add.f32 [tilespmem:s5], [sflag:$0x8], $0x80, s17, s4, $0xb8;
	[tilespmem:$0x1B700] =	vst v63  }
0x19c: {  	_ =	swait.ge [sflag:s22], $0x2800  }
0x19d: {  	[sflag:s22] =	ssyncset.done $0x0  }
0x19e: {  	s0 =	sadd.s32 $0xB4, s29;
	[sflag:s22] =	ssyncadd.s32 $0xFFFFD800  }
0x19f: {  	[tilespmem:s8], [sflag:$0x3] =	stream.linear.gather [hbm4b:s0+s10], $0x50, $0x38;
	[tilespmem:$0x1B700] =	vst v63  }
0x1a0: {  	s28 =	sadd.s32 $0xB4, s30  }
0x1a1: {  	[tilespmem:s9], [sflag:$0x3] =	stream.linear.gather [hbm4b:s28+s10], $0x50, $0x38;
	[tilespmem:$0x1B700] =	vst v63  }
0x1a2: {  	_ =	swait.ge [sflag:s13], $0x50  }
0x1a3: {  	[sflag:s13] =	ssyncset.done $0x0  }
0x1a4: {  	[sflag:s13] =	ssyncadd.s32 $0xFFFFFFB0  }
0x1a5: {  	_ =	swait.ge [sflag:s13], $0x50  }
0x1a6: {  	[sflag:s13] =	ssyncset.done $0x0  }
0x1a7: {  	[sflag:s13] =	ssyncadd.s32 $0xFFFFFFB0  }
0x1a8: {  	[tilespmem:s19], [sflag:$0x7] =	stream.indirect.gather [hbm4b:s11+s4], $0x80, s6, s4, $0xb8;
	[tilespmem:$0x1B700] =	vst v63  }
0x1a9: {  	_ =	swait.ge [sflag:s20], $0x2800  }
0x1aa: {  	[sflag:s20] =	ssyncset.done $0x0  }
0x1ab: {  	[sflag:s20] =	ssyncadd.s32 $0xFFFFD800  }
0x1ac: {  	[spmem:s12] =	stream.indirect.scatter.add.f32 [tilespmem:s14], [sflag:$0x8], $0x80, s3, s4, $0xb8;
	[tilespmem:$0x1B700] =	vst v63  }
0x1ad: {  	_ =	swait.ge [sflag:s22], $0x2800  }
0x1ae: {  	[sflag:s22] =	ssyncset.done $0x0  }
0x1af: {  	s0 =	sadd.s32 $0xBE, s29;
	[sflag:s22] =	ssyncadd.s32 $0xFFFFD800  }
0x1b0: {  	[tilespmem:s16], [sflag:$0x4] =	stream.linear.gather [hbm4b:s0+s10], $0x50, $0x38;
	[tilespmem:$0x1B700] =	vst v63  }
0x1b1: {  	s28 =	sadd.s32 $0xBE, s30  }
0x1b2: {  	[tilespmem:s17], [sflag:$0x4] =	stream.linear.gather [hbm4b:s28+s10], $0x50, $0x38;
	[tilespmem:$0x1B700] =	vst v63  }
0x1b3: {  	_ =	swait.ge [sflag:s18], $0x50  }
0x1b4: {  	[sflag:s18] =	ssyncset.done $0x0  }
0x1b5: {  	[sflag:s18] =	ssyncadd.s32 $0xFFFFFFB0  }
0x1b6: {  	_ =	swait.ge [sflag:s18], $0x50  }
0x1b7: {  	[sflag:s18] =	ssyncset.done $0x0  }
0x1b8: {  	[sflag:s18] =	ssyncadd.s32 $0xFFFFFFB0  }
0x1b9: {  	[tilespmem:s5], [sflag:$0x5] =	stream.indirect.gather [hbm4b:s11+s4], $0x80, s8, s4, $0xb8;
	[tilespmem:$0x1B700] =	vst v63  }
0x1ba: {  	_ =	swait.ge [sflag:s25], $0x2800  }
0x1bb: {  	[sflag:s25] =	ssyncset.done $0x0  }
0x1bc: {  	[sflag:s25] =	ssyncadd.s32 $0xFFFFD800  }
0x1bd: {  	[spmem:s12] =	stream.indirect.scatter.add.f32 [tilespmem:s19], [sflag:$0x8], $0x80, s7, s4, $0xb8;
	[tilespmem:$0x1B700] =	vst v63  }
0x1be: {  	_ =	swait.ge [sflag:s22], $0x2800  }
0x1bf: {  	[sflag:s22] =	ssyncset.done $0x0  }
0x1c0: {  	s0 =	sadd.s32 $0xC8, s29;
	[sflag:s22] =	ssyncadd.s32 $0xFFFFD800  }
0x1c1: {  	[tilespmem:s2], [sflag:$0x1] =	stream.linear.gather [hbm4b:s0+s10], $0x50, $0x38;
	[tilespmem:$0x1B700] =	vst v63  }
0x1c2: {  	s28 =	sadd.s32 $0xC8, s30  }
0x1c3: {  	[tilespmem:s3], [sflag:$0x1] =	stream.linear.gather [hbm4b:s28+s10], $0x50, $0x38;
	[tilespmem:$0x1B700] =	vst v63  }
0x1c4: {  	_ =	swait.ge [sflag:s24], $0x50  }
0x1c5: {  	[sflag:s24] =	ssyncset.done $0x0  }
0x1c6: {  	[sflag:s24] =	ssyncadd.s32 $0xFFFFFFB0  }
0x1c7: {  	_ =	swait.ge [sflag:s24], $0x50  }
0x1c8: {  	[sflag:s24] =	ssyncset.done $0x0  }
0x1c9: {  	[sflag:s24] =	ssyncadd.s32 $0xFFFFFFB0  }
0x1ca: {  	[tilespmem:s14], [sflag:$0x6] =	stream.indirect.gather [hbm4b:s11+s4], $0x80, s16, s4, $0xb8;
	[tilespmem:$0x1B700] =	vst v63  }
0x1cb: {  	_ =	swait.ge [sflag:s15], $0x2800  }
0x1cc: {  	[sflag:s15] =	ssyncset.done $0x0  }
0x1cd: {  	[sflag:s15] =	ssyncadd.s32 $0xFFFFD800  }
0x1ce: {  	[spmem:s12] =	stream.indirect.scatter.add.f32 [tilespmem:s5], [sflag:$0x8], $0x80, s9, s4, $0xb8;
	[tilespmem:$0x1B700] =	vst v63  }
0x1cf: {  	_ =	swait.ge [sflag:s22], $0x2800  }
0x1d0: {  	[sflag:s22] =	ssyncset.done $0x0  }
0x1d1: {  	s0 =	sadd.s32 $0xD2, s29;
	[sflag:s22] =	ssyncadd.s32 $0xFFFFD800  }
0x1d2: {  	[tilespmem:s6], [sflag:$0x2] =	stream.linear.gather [hbm4b:s0+s10], $0x50, $0x38;
	[tilespmem:$0x1B700] =	vst v63  }
0x1d3: {  	s28 =	sadd.s32 $0xD2, s30  }
0x1d4: {  	[tilespmem:s7], [sflag:$0x2] =	stream.linear.gather [hbm4b:s28+s10], $0x50, $0x38;
	[tilespmem:$0x1B700] =	vst v63  }
0x1d5: {  	_ =	swait.ge [sflag:s26], $0x50  }
0x1d6: {  	[sflag:s26] =	ssyncset.done $0x0  }
0x1d7: {  	[sflag:s26] =	ssyncadd.s32 $0xFFFFFFB0  }
0x1d8: {  	_ =	swait.ge [sflag:s26], $0x50  }
0x1d9: {  	[sflag:s26] =	ssyncset.done $0x0  }
0x1da: {  	[sflag:s26] =	ssyncadd.s32 $0xFFFFFFB0  }
0x1db: {  	[tilespmem:s19], [sflag:$0x7] =	stream.indirect.gather [hbm4b:s11+s4], $0x80, s2, s4, $0xb8;
	[tilespmem:$0x1B700] =	vst v63  }
0x1dc: {  	_ =	swait.ge [sflag:s20], $0x2800  }
0x1dd: {  	[sflag:s20] =	ssyncset.done $0x0  }
0x1de: {  	[sflag:s20] =	ssyncadd.s32 $0xFFFFD800  }
0x1df: {  	[spmem:s12] =	stream.indirect.scatter.add.f32 [tilespmem:s14], [sflag:$0x8], $0x80, s17, s4, $0xb8;
	[tilespmem:$0x1B700] =	vst v63  }
0x1e0: {  	_ =	swait.ge [sflag:s22], $0x2800  }
0x1e1: {  	[sflag:s22] =	ssyncset.done $0x0  }
0x1e2: {  	s0 =	sadd.s32 $0xDC, s29;
	[sflag:s22] =	ssyncadd.s32 $0xFFFFD800  }
0x1e3: {  	[tilespmem:s8], [sflag:$0x3] =	stream.linear.gather [hbm4b:s0+s10], $0x50, $0x38;
	[tilespmem:$0x1B700] =	vst v63  }
0x1e4: {  	s28 =	sadd.s32 $0xDC, s30  }
0x1e5: {  	[tilespmem:s9], [sflag:$0x3] =	stream.linear.gather [hbm4b:s28+s10], $0x50, $0x38;
	[tilespmem:$0x1B700] =	vst v63  }
0x1e6: {  	_ =	swait.ge [sflag:s13], $0x50  }
0x1e7: {  	[sflag:s13] =	ssyncset.done $0x0  }
0x1e8: {  	[sflag:s13] =	ssyncadd.s32 $0xFFFFFFB0  }
0x1e9: {  	_ =	swait.ge [sflag:s13], $0x50  }
0x1ea: {  	[sflag:s13] =	ssyncset.done $0x0  }
0x1eb: {  	[sflag:s13] =	ssyncadd.s32 $0xFFFFFFB0  }
0x1ec: {  	[tilespmem:s5], [sflag:$0x5] =	stream.indirect.gather [hbm4b:s11+s4], $0x80, s6, s4, $0xb8;
	[tilespmem:$0x1B700] =	vst v63  }
0x1ed: {  	_ =	swait.ge [sflag:s25], $0x2800  }
0x1ee: {  	[sflag:s25] =	ssyncset.done $0x0  }
0x1ef: {  	[sflag:s25] =	ssyncadd.s32 $0xFFFFD800  }
0x1f0: {  	[spmem:s12] =	stream.indirect.scatter.add.f32 [tilespmem:s19], [sflag:$0x8], $0x80, s3, s4, $0xb8;
	[tilespmem:$0x1B700] =	vst v63  }
0x1f1: {  	_ =	swait.ge [sflag:s22], $0x2800  }
0x1f2: {  	[sflag:s22] =	ssyncset.done $0x0  }
0x1f3: {  	s0 =	sadd.s32 $0xE6, s29;
	[sflag:s22] =	ssyncadd.s32 $0xFFFFD800  }
0x1f4: {  	[tilespmem:s16], [sflag:$0x4] =	stream.linear.gather [hbm4b:s0+s10], $0x50, $0x38;
	[tilespmem:$0x1B700] =	vst v63  }
0x1f5: {  	s28 =	sadd.s32 $0xE6, s30  }
0x1f6: {  	[tilespmem:s17], [sflag:$0x4] =	stream.linear.gather [hbm4b:s28+s10], $0x50, $0x38;
	[tilespmem:$0x1B700] =	vst v63  }
0x1f7: {  	_ =	swait.ge [sflag:s18], $0x50  }
0x1f8: {  	[sflag:s18] =	ssyncset.done $0x0  }
0x1f9: {  	[sflag:s18] =	ssyncadd.s32 $0xFFFFFFB0  }
0x1fa: {  	_ =	swait.ge [sflag:s18], $0x50  }
0x1fb: {  	[sflag:s18] =	ssyncset.done $0x0  }
0x1fc: {  	[sflag:s18] =	ssyncadd.s32 $0xFFFFFFB0  }
0x1fd: {  	[tilespmem:s14], [sflag:$0x6] =	stream.indirect.gather [hbm4b:s11+s4], $0x80, s8, s4, $0xb8;
	[tilespmem:$0x1B700] =	vst v63  }
0x1fe: {  	_ =	swait.ge [sflag:s15], $0x2800  }
0x1ff: {  	[sflag:s15] =	ssyncset.done $0x0  }
0x200: {  	[sflag:s15] =	ssyncadd.s32 $0xFFFFD800  }
0x201: {  	[spmem:s12] =	stream.indirect.scatter.add.f32 [tilespmem:s5], [sflag:$0x8], $0x80, s7, s4, $0xb8;
	[tilespmem:$0x1B700] =	vst v63  }
0x202: {  	_ =	swait.ge [sflag:s22], $0x2800  }
0x203: {  	[sflag:s22] =	ssyncset.done $0x0  }
0x204: {  	s0 =	sadd.s32 $0xF0, s29;
	[sflag:s22] =	ssyncadd.s32 $0xFFFFD800  }
0x205: {  	[tilespmem:s2], [sflag:$0x1] =	stream.linear.gather [hbm4b:s0+s10], $0x50, $0x38;
	[tilespmem:$0x1B700] =	vst v63  }
0x206: {  	s28 =	sadd.s32 $0xF0, s30  }
0x207: {  	[tilespmem:s3], [sflag:$0x1] =	stream.linear.gather [hbm4b:s28+s10], $0x50, $0x38;
	[tilespmem:$0x1B700] =	vst v63  }
0x208: {  	_ =	swait.ge [sflag:s24], $0x50  }
0x209: {  	[sflag:s24] =	ssyncset.done $0x0  }
0x20a: {  	[sflag:s24] =	ssyncadd.s32 $0xFFFFFFB0  }
0x20b: {  	_ =	swait.ge [sflag:s24], $0x50  }
0x20c: {  	[sflag:s24] =	ssyncset.done $0x0  }
0x20d: {  	[sflag:s24] =	ssyncadd.s32 $0xFFFFFFB0  }
0x20e: {  	[tilespmem:s19], [sflag:$0x7] =	stream.indirect.gather [hbm4b:s11+s4], $0x80, s16, s4, $0xb8;
	[tilespmem:$0x1B700] =	vst v63  }
0x20f: {  	_ =	swait.ge [sflag:s20], $0x2800  }
0x210: {  	[sflag:s20] =	ssyncset.done $0x0  }
0x211: {  	[sflag:s20] =	ssyncadd.s32 $0xFFFFD800  }
0x212: {  	[spmem:s12] =	stream.indirect.scatter.add.f32 [tilespmem:s14], [sflag:$0x8], $0x80, s9, s4, $0xb8;
	[tilespmem:$0x1B700] =	vst v63  }
0x213: {  	_ =	swait.ge [sflag:s22], $0x2800  }
0x214: {  	[sflag:s22] =	ssyncset.done $0x0  }
0x215: {  	s0 =	sadd.s32 $0xFA, s29;
	[sflag:s22] =	ssyncadd.s32 $0xFFFFD800  }
0x216: {  	[tilespmem:s6], [sflag:$0x2] =	stream.linear.gather [hbm4b:s0+s10], $0x50, $0x38;
	[tilespmem:$0x1B700] =	vst v63  }
0x217: {  	s28 =	sadd.s32 $0xFA, s30  }
0x218: {  	[tilespmem:s7], [sflag:$0x2] =	stream.linear.gather [hbm4b:s28+s10], $0x50, $0x38;
	[tilespmem:$0x1B700] =	vst v63  }
0x219: {  	_ =	swait.ge [sflag:s26], $0x50  }
0x21a: {  	[sflag:s26] =	ssyncset.done $0x0  }
0x21b: {  	[sflag:s26] =	ssyncadd.s32 $0xFFFFFFB0  }
0x21c: {  	_ =	swait.ge [sflag:s26], $0x50  }
0x21d: {  	[sflag:s26] =	ssyncset.done $0x0  }
0x21e: {  	[sflag:s26] =	ssyncadd.s32 $0xFFFFFFB0  }
0x21f: {  	[tilespmem:s5], [sflag:$0x5] =	stream.indirect.gather [hbm4b:s11+s4], $0x80, s2, s4, $0xb8;
	[tilespmem:$0x1B700] =	vst v63  }
0x220: {  	_ =	swait.ge [sflag:s25], $0x2800  }
0x221: {  	[sflag:s25] =	ssyncset.done $0x0  }
0x222: {  	[sflag:s25] =	ssyncadd.s32 $0xFFFFD800  }
0x223: {  	[spmem:s12] =	stream.indirect.scatter.add.f32 [tilespmem:s19], [sflag:$0x8], $0x80, s17, s4, $0xb8;
	[tilespmem:$0x1B700] =	vst v63  }
0x224: {  	_ =	swait.ge [sflag:s22], $0x2800  }
0x225: {  	[sflag:s22] =	ssyncset.done $0x0  }
0x226: {  	s29 =	sadd.s32 $0x104, s29;
	[sflag:s22] =	ssyncadd.s32 $0xFFFFD800  }
0x227: {  	[tilespmem:s8], [sflag:$0x3] =	stream.linear.gather [hbm4b:s29+s10], $0x50, $0x38;
	[tilespmem:$0x1B700] =	vst v63  }
0x228: {  	s30 =	sadd.s32 $0x104, s30;
	s29 =	simm.s32 $0x78  }
.LBB2_2:
0x229: {  	[tilespmem:s9], [sflag:$0x3] =	stream.linear.gather [hbm4b:s30+s10], $0x50, $0x38;
	[tilespmem:$0x1B700] =	vst v63  }
0x22a: {  	_ =	swait.ge [sflag:s13], $0x50  }
0x22b: {  	[sflag:s13] =	ssyncset.done $0x0  }
0x22c: {  	[sflag:s13] =	ssyncadd.s32 $0xFFFFFFB0  }
0x22d: {  	_ =	swait.ge [sflag:s13], $0x50  }
0x22e: {  	[sflag:s13] =	ssyncset.done $0x0  }
0x22f: {  	[sflag:s13] =	ssyncadd.s32 $0xFFFFFFB0  }
0x230: {  	[tilespmem:s14], [sflag:$0x6] =	stream.indirect.gather [hbm4b:s11+s4], $0x80, s6, s4, $0xb8;
	[tilespmem:$0x1B700] =	vst v63  }
0x231: {  	_ =	swait.ge [sflag:s15], $0x2800  }
0x232: {  	[sflag:s15] =	ssyncset.done $0x0  }
0x233: {  	[sflag:s15] =	ssyncadd.s32 $0xFFFFD800  }
0x234: {  	[spmem:s12] =	stream.indirect.scatter.add.f32 [tilespmem:s5], [sflag:$0x8], $0x80, s3, s4, $0xb8;
	[tilespmem:$0x1B700] =	vst v63  }
0x235: {  	_ =	swait.ge [sflag:s22], $0x2800  }
0x236: {  	s31 =	smov.u32 s29;
	s30 =	rddreg [dreg:$0x4]  }
0x237: {  	s0 =	rddreg [dreg:$0x5];
	[sflag:s22] =	ssyncset.done $0x0;
	s30 =	sadd.s32 s31, s30  }
0x238: {  	[sflag:s22] =	ssyncadd.s32 $0xFFFFD800;
	s31 =	sadd.s32 s31, s0;
	s28 =	sadd.s32 $0x96, s30  }
0x239: {  	[tilespmem:s16], [sflag:$0x4] =	stream.linear.gather [hbm4b:s28+s10], $0x50, $0x38;
	[tilespmem:$0x1B700] =	vst v63  }
0x23a: {  	s0 =	sadd.s32 $0x96, s31  }
0x23b: {  	[tilespmem:s17], [sflag:$0x4] =	stream.linear.gather [hbm4b:s0+s10], $0x50, $0x38;
	[tilespmem:$0x1B700] =	vst v63  }
0x23c: {  	_ =	swait.ge [sflag:s18], $0x50  }
0x23d: {  	[sflag:s18] =	ssyncset.done $0x0  }
0x23e: {  	[sflag:s18] =	ssyncadd.s32 $0xFFFFFFB0  }
0x23f: {  	_ =	swait.ge [sflag:s18], $0x50  }
0x240: {  	[sflag:s18] =	ssyncset.done $0x0  }
0x241: {  	[sflag:s18] =	ssyncadd.s32 $0xFFFFFFB0  }
0x242: {  	[tilespmem:s19], [sflag:$0x7] =	stream.indirect.gather [hbm4b:s11+s4], $0x80, s8, s4, $0xb8;
	[tilespmem:$0x1B700] =	vst v63  }
0x243: {  	_ =	swait.ge [sflag:s20], $0x2800  }
0x244: {  	[sflag:s20] =	ssyncset.done $0x0  }
0x245: {  	[sflag:s20] =	ssyncadd.s32 $0xFFFFD800  }
0x246: {  	[spmem:s12] =	stream.indirect.scatter.add.f32 [tilespmem:s14], [sflag:$0x8], $0x80, s7, s4, $0xb8;
	[tilespmem:$0x1B700] =	vst v63  }
0x247: {  	_ =	swait.ge [sflag:s22], $0x2800  }
0x248: {  	[sflag:s22] =	ssyncset.done $0x0  }
0x249: {  	s28 =	sadd.s32 $0xA0, s30;
	[sflag:s22] =	ssyncadd.s32 $0xFFFFD800  }
0x24a: {  	[tilespmem:s2], [sflag:$0x1] =	stream.linear.gather [hbm4b:s28+s10], $0x50, $0x38;
	[tilespmem:$0x1B700] =	vst v63  }
0x24b: {  	s28 =	sadd.s32 $0xA0, s31  }
0x24c: {  	[tilespmem:s3], [sflag:$0x1] =	stream.linear.gather [hbm4b:s28+s10], $0x50, $0x38;
	[tilespmem:$0x1B700] =	vst v63  }
0x24d: {  	_ =	swait.ge [sflag:s24], $0x50  }
0x24e: {  	[sflag:s24] =	ssyncset.done $0x0  }
0x24f: {  	[sflag:s24] =	ssyncadd.s32 $0xFFFFFFB0  }
0x250: {  	_ =	swait.ge [sflag:s24], $0x50  }
0x251: {  	[sflag:s24] =	ssyncset.done $0x0  }
0x252: {  	[sflag:s24] =	ssyncadd.s32 $0xFFFFFFB0  }
0x253: {  	[tilespmem:s5], [sflag:$0x5] =	stream.indirect.gather [hbm4b:s11+s4], $0x80, s16, s4, $0xb8;
	[tilespmem:$0x1B700] =	vst v63  }
0x254: {  	_ =	swait.ge [sflag:s25], $0x2800  }
0x255: {  	[sflag:s25] =	ssyncset.done $0x0  }
0x256: {  	[sflag:s25] =	ssyncadd.s32 $0xFFFFD800  }
0x257: {  	[spmem:s12] =	stream.indirect.scatter.add.f32 [tilespmem:s19], [sflag:$0x8], $0x80, s9, s4, $0xb8;
	[tilespmem:$0x1B700] =	vst v63  }
0x258: {  	_ =	swait.ge [sflag:s22], $0x2800  }
0x259: {  	[sflag:s22] =	ssyncset.done $0x0  }
0x25a: {  	s28 =	sadd.s32 $0xAA, s30;
	[sflag:s22] =	ssyncadd.s32 $0xFFFFD800  }
0x25b: {  	[tilespmem:s6], [sflag:$0x2] =	stream.linear.gather [hbm4b:s28+s10], $0x50, $0x38;
	[tilespmem:$0x1B700] =	vst v63  }
0x25c: {  	s28 =	sadd.s32 $0xAA, s31  }
0x25d: {  	[tilespmem:s7], [sflag:$0x2] =	stream.linear.gather [hbm4b:s28+s10], $0x50, $0x38;
	[tilespmem:$0x1B700] =	vst v63  }
0x25e: {  	_ =	swait.ge [sflag:s26], $0x50  }
0x25f: {  	[sflag:s26] =	ssyncset.done $0x0  }
0x260: {  	[sflag:s26] =	ssyncadd.s32 $0xFFFFFFB0  }
0x261: {  	_ =	swait.ge [sflag:s26], $0x50  }
0x262: {  	[sflag:s26] =	ssyncset.done $0x0  }
0x263: {  	[sflag:s26] =	ssyncadd.s32 $0xFFFFFFB0  }
0x264: {  	[tilespmem:s14], [sflag:$0x6] =	stream.indirect.gather [hbm4b:s11+s4], $0x80, s2, s4, $0xb8;
	[tilespmem:$0x1B700] =	vst v63  }
0x265: {  	_ =	swait.ge [sflag:s15], $0x2800  }
0x266: {  	[sflag:s15] =	ssyncset.done $0x0  }
0x267: {  	[sflag:s15] =	ssyncadd.s32 $0xFFFFD800  }
0x268: {  	[spmem:s12] =	stream.indirect.scatter.add.f32 [tilespmem:s5], [sflag:$0x8], $0x80, s17, s4, $0xb8;
	[tilespmem:$0x1B700] =	vst v63  }
0x269: {  	_ =	swait.ge [sflag:s22], $0x2800  }
0x26a: {  	[sflag:s22] =	ssyncset.done $0x0  }
0x26b: {  	s28 =	sadd.s32 $0xB4, s30;
	[sflag:s22] =	ssyncadd.s32 $0xFFFFD800  }
0x26c: {  	[tilespmem:s8], [sflag:$0x3] =	stream.linear.gather [hbm4b:s28+s10], $0x50, $0x38;
	[tilespmem:$0x1B700] =	vst v63  }
0x26d: {  	s28 =	sadd.s32 $0xB4, s31  }
0x26e: {  	[tilespmem:s9], [sflag:$0x3] =	stream.linear.gather [hbm4b:s28+s10], $0x50, $0x38;
	[tilespmem:$0x1B700] =	vst v63  }
0x26f: {  	_ =	swait.ge [sflag:s13], $0x50  }
0x270: {  	[sflag:s13] =	ssyncset.done $0x0  }
0x271: {  	[sflag:s13] =	ssyncadd.s32 $0xFFFFFFB0  }
0x272: {  	_ =	swait.ge [sflag:s13], $0x50  }
0x273: {  	[sflag:s13] =	ssyncset.done $0x0  }
0x274: {  	[sflag:s13] =	ssyncadd.s32 $0xFFFFFFB0  }
0x275: {  	[tilespmem:s19], [sflag:$0x7] =	stream.indirect.gather [hbm4b:s11+s4], $0x80, s6, s4, $0xb8;
	[tilespmem:$0x1B700] =	vst v63  }
0x276: {  	_ =	swait.ge [sflag:s20], $0x2800  }
0x277: {  	[sflag:s20] =	ssyncset.done $0x0  }
0x278: {  	[sflag:s20] =	ssyncadd.s32 $0xFFFFD800  }
0x279: {  	[spmem:s12] =	stream.indirect.scatter.add.f32 [tilespmem:s14], [sflag:$0x8], $0x80, s3, s4, $0xb8;
	[tilespmem:$0x1B700] =	vst v63  }
0x27a: {  	_ =	swait.ge [sflag:s22], $0x2800  }
0x27b: {  	[sflag:s22] =	ssyncset.done $0x0  }
0x27c: {  	s28 =	sadd.s32 $0xBE, s30;
	[sflag:s22] =	ssyncadd.s32 $0xFFFFD800  }
0x27d: {  	[tilespmem:s16], [sflag:$0x4] =	stream.linear.gather [hbm4b:s28+s10], $0x50, $0x38;
	[tilespmem:$0x1B700] =	vst v63  }
0x27e: {  	s28 =	sadd.s32 $0xBE, s31  }
0x27f: {  	[tilespmem:s17], [sflag:$0x4] =	stream.linear.gather [hbm4b:s28+s10], $0x50, $0x38;
	[tilespmem:$0x1B700] =	vst v63  }
0x280: {  	_ =	swait.ge [sflag:s18], $0x50  }
0x281: {  	[sflag:s18] =	ssyncset.done $0x0  }
0x282: {  	[sflag:s18] =	ssyncadd.s32 $0xFFFFFFB0  }
0x283: {  	_ =	swait.ge [sflag:s18], $0x50  }
0x284: {  	[sflag:s18] =	ssyncset.done $0x0  }
0x285: {  	[sflag:s18] =	ssyncadd.s32 $0xFFFFFFB0  }
0x286: {  	[tilespmem:s5], [sflag:$0x5] =	stream.indirect.gather [hbm4b:s11+s4], $0x80, s8, s4, $0xb8;
	[tilespmem:$0x1B700] =	vst v63  }
0x287: {  	_ =	swait.ge [sflag:s25], $0x2800  }
0x288: {  	[sflag:s25] =	ssyncset.done $0x0  }
0x289: {  	[sflag:s25] =	ssyncadd.s32 $0xFFFFD800  }
0x28a: {  	[spmem:s12] =	stream.indirect.scatter.add.f32 [tilespmem:s19], [sflag:$0x8], $0x80, s7, s4, $0xb8;
	[tilespmem:$0x1B700] =	vst v63  }
0x28b: {  	_ =	swait.ge [sflag:s22], $0x2800  }
0x28c: {  	[sflag:s22] =	ssyncset.done $0x0  }
0x28d: {  	s28 =	sadd.s32 $0xC8, s30;
	[sflag:s22] =	ssyncadd.s32 $0xFFFFD800  }
0x28e: {  	[tilespmem:s2], [sflag:$0x1] =	stream.linear.gather [hbm4b:s28+s10], $0x50, $0x38;
	[tilespmem:$0x1B700] =	vst v63  }
0x28f: {  	s28 =	sadd.s32 $0xC8, s31  }
0x290: {  	[tilespmem:s3], [sflag:$0x1] =	stream.linear.gather [hbm4b:s28+s10], $0x50, $0x38;
	[tilespmem:$0x1B700] =	vst v63  }
0x291: {  	_ =	swait.ge [sflag:s24], $0x50  }
0x292: {  	[sflag:s24] =	ssyncset.done $0x0  }
0x293: {  	[sflag:s24] =	ssyncadd.s32 $0xFFFFFFB0  }
0x294: {  	_ =	swait.ge [sflag:s24], $0x50  }
0x295: {  	[sflag:s24] =	ssyncset.done $0x0  }
0x296: {  	[sflag:s24] =	ssyncadd.s32 $0xFFFFFFB0  }
0x297: {  	[tilespmem:s14], [sflag:$0x6] =	stream.indirect.gather [hbm4b:s11+s4], $0x80, s16, s4, $0xb8;
	[tilespmem:$0x1B700] =	vst v63  }
0x298: {  	_ =	swait.ge [sflag:s15], $0x2800  }
0x299: {  	[sflag:s15] =	ssyncset.done $0x0  }
0x29a: {  	[sflag:s15] =	ssyncadd.s32 $0xFFFFD800  }
0x29b: {  	[spmem:s12] =	stream.indirect.scatter.add.f32 [tilespmem:s5], [sflag:$0x8], $0x80, s9, s4, $0xb8;
	[tilespmem:$0x1B700] =	vst v63  }
0x29c: {  	_ =	swait.ge [sflag:s22], $0x2800  }
0x29d: {  	[sflag:s22] =	ssyncset.done $0x0  }
0x29e: {  	s28 =	sadd.s32 $0xD2, s30;
	[sflag:s22] =	ssyncadd.s32 $0xFFFFD800  }
0x29f: {  	[tilespmem:s6], [sflag:$0x2] =	stream.linear.gather [hbm4b:s28+s10], $0x50, $0x38;
	[tilespmem:$0x1B700] =	vst v63  }
0x2a0: {  	s28 =	sadd.s32 $0xD2, s31  }
0x2a1: {  	[tilespmem:s7], [sflag:$0x2] =	stream.linear.gather [hbm4b:s28+s10], $0x50, $0x38;
	[tilespmem:$0x1B700] =	vst v63  }
0x2a2: {  	_ =	swait.ge [sflag:s26], $0x50  }
0x2a3: {  	[sflag:s26] =	ssyncset.done $0x0  }
0x2a4: {  	[sflag:s26] =	ssyncadd.s32 $0xFFFFFFB0  }
0x2a5: {  	_ =	swait.ge [sflag:s26], $0x50  }
0x2a6: {  	[sflag:s26] =	ssyncset.done $0x0  }
0x2a7: {  	[sflag:s26] =	ssyncadd.s32 $0xFFFFFFB0  }
0x2a8: {  	[tilespmem:s19], [sflag:$0x7] =	stream.indirect.gather [hbm4b:s11+s4], $0x80, s2, s4, $0xb8;
	[tilespmem:$0x1B700] =	vst v63  }
0x2a9: {  	_ =	swait.ge [sflag:s20], $0x2800  }
0x2aa: {  	[sflag:s20] =	ssyncset.done $0x0  }
0x2ab: {  	[sflag:s20] =	ssyncadd.s32 $0xFFFFD800  }
0x2ac: {  	[spmem:s12] =	stream.indirect.scatter.add.f32 [tilespmem:s14], [sflag:$0x8], $0x80, s17, s4, $0xb8;
	[tilespmem:$0x1B700] =	vst v63  }
0x2ad: {  	_ =	swait.ge [sflag:s22], $0x2800  }
0x2ae: {  	[sflag:s22] =	ssyncset.done $0x0  }
0x2af: {  	s28 =	sadd.s32 $0xDC, s30;
	[sflag:s22] =	ssyncadd.s32 $0xFFFFD800  }
0x2b0: {  	[tilespmem:s8], [sflag:$0x3] =	stream.linear.gather [hbm4b:s28+s10], $0x50, $0x38;
	[tilespmem:$0x1B700] =	vst v63  }
0x2b1: {  	s28 =	sadd.s32 $0xDC, s31  }
0x2b2: {  	[tilespmem:s9], [sflag:$0x3] =	stream.linear.gather [hbm4b:s28+s10], $0x50, $0x38;
	[tilespmem:$0x1B700] =	vst v63  }
0x2b3: {  	_ =	swait.ge [sflag:s13], $0x50  }
0x2b4: {  	[sflag:s13] =	ssyncset.done $0x0  }
0x2b5: {  	[sflag:s13] =	ssyncadd.s32 $0xFFFFFFB0  }
0x2b6: {  	_ =	swait.ge [sflag:s13], $0x50  }
0x2b7: {  	[sflag:s13] =	ssyncset.done $0x0  }
0x2b8: {  	[sflag:s13] =	ssyncadd.s32 $0xFFFFFFB0  }
0x2b9: {  	[tilespmem:s5], [sflag:$0x5] =	stream.indirect.gather [hbm4b:s11+s4], $0x80, s6, s4, $0xb8;
	[tilespmem:$0x1B700] =	vst v63  }
0x2ba: {  	_ =	swait.ge [sflag:s25], $0x2800  }
0x2bb: {  	[sflag:s25] =	ssyncset.done $0x0  }
0x2bc: {  	[sflag:s25] =	ssyncadd.s32 $0xFFFFD800  }
0x2bd: {  	[spmem:s12] =	stream.indirect.scatter.add.f32 [tilespmem:s19], [sflag:$0x8], $0x80, s3, s4, $0xb8;
	[tilespmem:$0x1B700] =	vst v63  }
0x2be: {  	_ =	swait.ge [sflag:s22], $0x2800  }
0x2bf: {  	[sflag:s22] =	ssyncset.done $0x0  }
0x2c0: {  	s28 =	sadd.s32 $0xE6, s30;
	[sflag:s22] =	ssyncadd.s32 $0xFFFFD800  }
0x2c1: {  	[tilespmem:s16], [sflag:$0x4] =	stream.linear.gather [hbm4b:s28+s10], $0x50, $0x38;
	[tilespmem:$0x1B700] =	vst v63  }
0x2c2: {  	s28 =	sadd.s32 $0xE6, s31  }
0x2c3: {  	[tilespmem:s17], [sflag:$0x4] =	stream.linear.gather [hbm4b:s28+s10], $0x50, $0x38;
	[tilespmem:$0x1B700] =	vst v63  }
0x2c4: {  	_ =	swait.ge [sflag:s18], $0x50  }
0x2c5: {  	[sflag:s18] =	ssyncset.done $0x0  }
0x2c6: {  	[sflag:s18] =	ssyncadd.s32 $0xFFFFFFB0  }
0x2c7: {  	_ =	swait.ge [sflag:s18], $0x50  }
0x2c8: {  	[sflag:s18] =	ssyncset.done $0x0  }
0x2c9: {  	[sflag:s18] =	ssyncadd.s32 $0xFFFFFFB0  }
0x2ca: {  	[tilespmem:s14], [sflag:$0x6] =	stream.indirect.gather [hbm4b:s11+s4], $0x80, s8, s4, $0xb8;
	[tilespmem:$0x1B700] =	vst v63  }
0x2cb: {  	_ =	swait.ge [sflag:s15], $0x2800  }
0x2cc: {  	[sflag:s15] =	ssyncset.done $0x0  }
0x2cd: {  	[sflag:s15] =	ssyncadd.s32 $0xFFFFD800  }
0x2ce: {  	[spmem:s12] =	stream.indirect.scatter.add.f32 [tilespmem:s5], [sflag:$0x8], $0x80, s7, s4, $0xb8;
	[tilespmem:$0x1B700] =	vst v63  }
0x2cf: {  	_ =	swait.ge [sflag:s22], $0x2800  }
0x2d0: {  	[sflag:s22] =	ssyncset.done $0x0  }
0x2d1: {  	s28 =	sadd.s32 $0xF0, s30;
	[sflag:s22] =	ssyncadd.s32 $0xFFFFD800  }
0x2d2: {  	[tilespmem:s2], [sflag:$0x1] =	stream.linear.gather [hbm4b:s28+s10], $0x50, $0x38;
	[tilespmem:$0x1B700] =	vst v63  }
0x2d3: {  	s28 =	sadd.s32 $0xF0, s31  }
0x2d4: {  	[tilespmem:s3], [sflag:$0x1] =	stream.linear.gather [hbm4b:s28+s10], $0x50, $0x38;
	[tilespmem:$0x1B700] =	vst v63  }
0x2d5: {  	_ =	swait.ge [sflag:s24], $0x50  }
0x2d6: {  	[sflag:s24] =	ssyncset.done $0x0  }
0x2d7: {  	[sflag:s24] =	ssyncadd.s32 $0xFFFFFFB0  }
0x2d8: {  	_ =	swait.ge [sflag:s24], $0x50  }
0x2d9: {  	[sflag:s24] =	ssyncset.done $0x0  }
0x2da: {  	[sflag:s24] =	ssyncadd.s32 $0xFFFFFFB0  }
0x2db: {  	[tilespmem:s19], [sflag:$0x7] =	stream.indirect.gather [hbm4b:s11+s4], $0x80, s16, s4, $0xb8;
	[tilespmem:$0x1B700] =	vst v63  }
0x2dc: {  	_ =	swait.ge [sflag:s20], $0x2800  }
0x2dd: {  	[sflag:s20] =	ssyncset.done $0x0  }
0x2de: {  	[sflag:s20] =	ssyncadd.s32 $0xFFFFD800  }
0x2df: {  	[spmem:s12] =	stream.indirect.scatter.add.f32 [tilespmem:s14], [sflag:$0x8], $0x80, s9, s4, $0xb8;
	[tilespmem:$0x1B700] =	vst v63  }
0x2e0: {  	_ =	swait.ge [sflag:s22], $0x2800  }
0x2e1: {  	[sflag:s22] =	ssyncset.done $0x0  }
0x2e2: {  	s28 =	sadd.s32 $0xFA, s30;
	[sflag:s22] =	ssyncadd.s32 $0xFFFFD800  }
0x2e3: {  	[tilespmem:s6], [sflag:$0x2] =	stream.linear.gather [hbm4b:s28+s10], $0x50, $0x38;
	[tilespmem:$0x1B700] =	vst v63  }
0x2e4: {  	s28 =	sadd.s32 $0xFA, s31  }
0x2e5: {  	[tilespmem:s7], [sflag:$0x2] =	stream.linear.gather [hbm4b:s28+s10], $0x50, $0x38;
	[tilespmem:$0x1B700] =	vst v63  }
0x2e6: {  	_ =	swait.ge [sflag:s26], $0x50  }
0x2e7: {  	[sflag:s26] =	ssyncset.done $0x0  }
0x2e8: {  	[sflag:s26] =	ssyncadd.s32 $0xFFFFFFB0  }
0x2e9: {  	_ =	swait.ge [sflag:s26], $0x50  }
0x2ea: {  	[sflag:s26] =	ssyncset.done $0x0  }
0x2eb: {  	[sflag:s26] =	ssyncadd.s32 $0xFFFFFFB0  }
0x2ec: {  	[tilespmem:s5], [sflag:$0x5] =	stream.indirect.gather [hbm4b:s11+s4], $0x80, s2, s4, $0xb8;
	[tilespmem:$0x1B700] =	vst v63  }
0x2ed: {  	_ =	swait.ge [sflag:s25], $0x2800  }
0x2ee: {  	[sflag:s25] =	ssyncset.done $0x0  }
0x2ef: {  	p1 =	sne.s32 s29, $0x3C0;
	[sflag:s25] =	ssyncadd.s32 $0xFFFFD800  }
0x2f0: {  	[spmem:s12] =	stream.indirect.scatter.add.f32 [tilespmem:s19], [sflag:$0x8], $0x80, s17, s4, $0xb8;
	[tilespmem:$0x1B700] =	vst v63  }
.Ltmp0:
0x2f1: {  	_ = 	snop;
	(pc) =	sbr.rel @p1 .LBB2_2-.Ltmp0, $4  }
0x2f2: {  	_ =	swait.ge [sflag:s22], $0x2800  }
0x2f3: {  	s29 =	sadd.s32 $0x78, s29;
	[sflag:s22] =	ssyncset.done $0x0  }
0x2f4: {  	s28 =	sadd.s32 $0x104, s30;
	s30 =	sadd.s32 $0x104, s31;
	[sflag:s22] =	ssyncadd.s32 $0xFFFFD800  }
0x2f5: {  	[tilespmem:s8], [sflag:$0x3] =	stream.linear.gather [hbm4b:s28+s10], $0x50, $0x38;
	[tilespmem:$0x1B700] =	vst v63  }
0x2f6: {  	[tilespmem:s9], [sflag:$0x3] =	stream.linear.gather [hbm4b:s30+s10], $0x50, $0x38;
	[tilespmem:$0x1B700] =	vst v63  }
0x2f7: {  	_ =	swait.ge [sflag:s13], $0x50  }
0x2f8: {  	[sflag:s13] =	ssyncset.done $0x0  }
0x2f9: {  	[sflag:s13] =	ssyncadd.s32 $0xFFFFFFB0  }
0x2fa: {  	_ =	swait.ge [sflag:s13], $0x50  }
0x2fb: {  	[sflag:s13] =	ssyncset.done $0x0  }
0x2fc: {  	[sflag:s13] =	ssyncadd.s32 $0xFFFFFFB0  }
0x2fd: {  	[tilespmem:s14], [sflag:$0x6] =	stream.indirect.gather [hbm4b:s11+s4], $0x80, s6, s4, $0xb8;
	[tilespmem:$0x1B700] =	vst v63  }
0x2fe: {  	_ =	swait.ge [sflag:s15], $0x2800  }
0x2ff: {  	[sflag:s15] =	ssyncset.done $0x0  }
0x300: {  	[sflag:s15] =	ssyncadd.s32 $0xFFFFD800  }
0x301: {  	[spmem:s12] =	stream.indirect.scatter.add.f32 [tilespmem:s5], [sflag:$0x8], $0x80, s3, s4, $0xb8;
	[tilespmem:$0x1B700] =	vst v63  }
0x302: {  	_ =	swait.ge [sflag:s22], $0x2800  }
0x303: {  	s0 =	sld [smem:$0x7E3]  }
0x304: {  	[sflag:s22] =	ssyncset.done $0x0  }
0x305: {  	s30 =	sld [smem:$0x7E4];
	[sflag:s22] =	ssyncadd.s32 $0xFFFFD800  }
0x306: {  	[tilespmem:s16], [sflag:$0x4] =	stream.linear.gather [hbm4b:s0+s10], $0x50, $0x38;
	[tilespmem:$0x1B700] =	vst v63  }
0x307: {  	_ = 	snop  }
0x308: {  	[tilespmem:s17], [sflag:$0x4] =	stream.linear.gather [hbm4b:s30+s10], $0x50, $0x38;
	[tilespmem:$0x1B700] =	vst v63  }
0x309: {  	_ =	swait.ge [sflag:s18], $0x50  }
0x30a: {  	[sflag:s18] =	ssyncset.done $0x0  }
0x30b: {  	[sflag:s18] =	ssyncadd.s32 $0xFFFFFFB0  }
0x30c: {  	_ =	swait.ge [sflag:s18], $0x50  }
0x30d: {  	[sflag:s18] =	ssyncset.done $0x0  }
0x30e: {  	[sflag:s18] =	ssyncadd.s32 $0xFFFFFFB0  }
0x30f: {  	[tilespmem:s19], [sflag:$0x7] =	stream.indirect.gather [hbm4b:s11+s4], $0x80, s8, s4, $0xb8;
	[tilespmem:$0x1B700] =	vst v63  }
0x310: {  	_ =	swait.ge [sflag:s20], $0x2800  }
0x311: {  	[sflag:s20] =	ssyncset.done $0x0  }
0x312: {  	[sflag:s20] =	ssyncadd.s32 $0xFFFFD800  }
0x313: {  	[spmem:s12] =	stream.indirect.scatter.add.f32 [tilespmem:s14], [sflag:$0x8], $0x80, s7, s4, $0xb8;
	[tilespmem:$0x1B700] =	vst v63  }
0x314: {  	_ =	swait.ge [sflag:s22], $0x2800  }
0x315: {  	s31 =	sld [smem:$0x7E5]  }
0x316: {  	[sflag:s22] =	ssyncset.done $0x0  }
0x317: {  	s28 =	sld [smem:$0x7E6];
	[sflag:s22] =	ssyncadd.s32 $0xFFFFD800  }
0x318: {  	[tilespmem:s2], [sflag:$0x1] =	stream.linear.gather [hbm4b:s31+s10], $0x50, $0x38;
	[tilespmem:$0x1B700] =	vst v63  }
0x319: {  	_ = 	snop  }
0x31a: {  	[tilespmem:s3], [sflag:$0x1] =	stream.linear.gather [hbm4b:s28+s10], $0x50, $0x38;
	[tilespmem:$0x1B700] =	vst v63  }
0x31b: {  	_ =	swait.ge [sflag:s24], $0x50  }
0x31c: {  	[sflag:s24] =	ssyncset.done $0x0  }
0x31d: {  	[sflag:s24] =	ssyncadd.s32 $0xFFFFFFB0  }
0x31e: {  	_ =	swait.ge [sflag:s24], $0x50  }
0x31f: {  	[sflag:s24] =	ssyncset.done $0x0  }
0x320: {  	[sflag:s24] =	ssyncadd.s32 $0xFFFFFFB0  }
0x321: {  	[tilespmem:s5], [sflag:$0x5] =	stream.indirect.gather [hbm4b:s11+s4], $0x80, s16, s4, $0xb8;
	[tilespmem:$0x1B700] =	vst v63  }
0x322: {  	_ =	swait.ge [sflag:s25], $0x2800  }
0x323: {  	[sflag:s25] =	ssyncset.done $0x0  }
0x324: {  	[sflag:s25] =	ssyncadd.s32 $0xFFFFD800  }
0x325: {  	[spmem:s12] =	stream.indirect.scatter.add.f32 [tilespmem:s19], [sflag:$0x8], $0x80, s9, s4, $0xb8;
	[tilespmem:$0x1B700] =	vst v63  }
0x326: {  	_ =	swait.ge [sflag:s22], $0x2800  }
0x327: {  	s30 =	sld [smem:$0x7E7]  }
0x328: {  	[sflag:s22] =	ssyncset.done $0x0  }
0x329: {  	s31 =	sld [smem:$0x7E8];
	[sflag:s22] =	ssyncadd.s32 $0xFFFFD800  }
0x32a: {  	[tilespmem:s6], [sflag:$0x2] =	stream.linear.gather [hbm4b:s30+s10], $0x50, $0x38;
	[tilespmem:$0x1B700] =	vst v63  }
0x32b: {  	_ = 	snop  }
0x32c: {  	[tilespmem:s7], [sflag:$0x2] =	stream.linear.gather [hbm4b:s31+s10], $0x50, $0x38;
	[tilespmem:$0x1B700] =	vst v63  }
0x32d: {  	_ =	swait.ge [sflag:s26], $0x50  }
0x32e: {  	[sflag:s26] =	ssyncset.done $0x0  }
0x32f: {  	[sflag:s26] =	ssyncadd.s32 $0xFFFFFFB0  }
0x330: {  	_ =	swait.ge [sflag:s26], $0x50  }
0x331: {  	[sflag:s26] =	ssyncset.done $0x0  }
0x332: {  	[sflag:s26] =	ssyncadd.s32 $0xFFFFFFB0  }
0x333: {  	[tilespmem:s14], [sflag:$0x6] =	stream.indirect.gather [hbm4b:s11+s4], $0x80, s2, s4, $0xb8;
	[tilespmem:$0x1B700] =	vst v63  }
0x334: {  	_ =	swait.ge [sflag:s15], $0x2800  }
0x335: {  	[sflag:s15] =	ssyncset.done $0x0  }
0x336: {  	[sflag:s15] =	ssyncadd.s32 $0xFFFFD800  }
0x337: {  	[spmem:s12] =	stream.indirect.scatter.add.f32 [tilespmem:s5], [sflag:$0x8], $0x80, s17, s4, $0xb8;
	[tilespmem:$0x1B700] =	vst v63  }
0x338: {  	_ =	swait.ge [sflag:s22], $0x2800  }
0x339: {  	s28 =	sld [smem:$0x7E9]  }
0x33a: {  	[sflag:s22] =	ssyncset.done $0x0  }
0x33b: {  	s30 =	sld [smem:$0x7EA];
	[sflag:s22] =	ssyncadd.s32 $0xFFFFD800  }
0x33c: {  	[tilespmem:s8], [sflag:$0x3] =	stream.linear.gather [hbm4b:s28+s10], $0x50, $0x38;
	[tilespmem:$0x1B700] =	vst v63  }
0x33d: {  	_ = 	snop  }
0x33e: {  	[tilespmem:s9], [sflag:$0x3] =	stream.linear.gather [hbm4b:s30+s10], $0x50, $0x38;
	[tilespmem:$0x1B700] =	vst v63  }
0x33f: {  	_ =	swait.ge [sflag:s13], $0x50  }
0x340: {  	[sflag:s13] =	ssyncset.done $0x0  }
0x341: {  	[sflag:s13] =	ssyncadd.s32 $0xFFFFFFB0  }
0x342: {  	_ =	swait.ge [sflag:s13], $0x50  }
0x343: {  	[sflag:s13] =	ssyncset.done $0x0  }
0x344: {  	[sflag:s13] =	ssyncadd.s32 $0xFFFFFFB0  }
0x345: {  	[tilespmem:s19], [sflag:$0x7] =	stream.indirect.gather [hbm4b:s11+s4], $0x80, s6, s4, $0xb8;
	[tilespmem:$0x1B700] =	vst v63  }
0x346: {  	_ =	swait.ge [sflag:s20], $0x2800  }
0x347: {  	[sflag:s20] =	ssyncset.done $0x0  }
0x348: {  	[sflag:s20] =	ssyncadd.s32 $0xFFFFD800  }
0x349: {  	[spmem:s12] =	stream.indirect.scatter.add.f32 [tilespmem:s14], [sflag:$0x8], $0x80, s3, s4, $0xb8;
	[tilespmem:$0x1B700] =	vst v63  }
0x34a: {  	_ =	swait.ge [sflag:s22], $0x2800  }
0x34b: {  	s31 =	sld [smem:$0x7EB]  }
0x34c: {  	[sflag:s22] =	ssyncset.done $0x0  }
0x34d: {  	s28 =	sld [smem:$0x7EC];
	[sflag:s22] =	ssyncadd.s32 $0xFFFFD800  }
0x34e: {  	[tilespmem:s16], [sflag:$0x4] =	stream.linear.gather [hbm4b:s31+s10], $0x50, $0x38;
	[tilespmem:$0x1B700] =	vst v63  }
0x34f: {  	_ = 	snop  }
0x350: {  	[tilespmem:s17], [sflag:$0x4] =	stream.linear.gather [hbm4b:s28+s10], $0x50, $0x38;
	[tilespmem:$0x1B700] =	vst v63  }
0x351: {  	_ =	swait.ge [sflag:s18], $0x50  }
0x352: {  	[sflag:s18] =	ssyncset.done $0x0  }
0x353: {  	[sflag:s18] =	ssyncadd.s32 $0xFFFFFFB0  }
0x354: {  	_ =	swait.ge [sflag:s18], $0x50  }
0x355: {  	[sflag:s18] =	ssyncset.done $0x0  }
0x356: {  	[sflag:s18] =	ssyncadd.s32 $0xFFFFFFB0  }
0x357: {  	[tilespmem:s5], [sflag:$0x5] =	stream.indirect.gather [hbm4b:s11+s4], $0x80, s8, s4, $0xb8;
	[tilespmem:$0x1B700] =	vst v63  }
0x358: {  	_ =	swait.ge [sflag:s25], $0x2800  }
0x359: {  	[sflag:s25] =	ssyncset.done $0x0  }
0x35a: {  	[sflag:s25] =	ssyncadd.s32 $0xFFFFD800  }
0x35b: {  	[spmem:s12] =	stream.indirect.scatter.add.f32 [tilespmem:s19], [sflag:$0x8], $0x80, s7, s4, $0xb8;
	[tilespmem:$0x1B700] =	vst v63  }
0x35c: {  	_ =	swait.ge [sflag:s22], $0x2800  }
0x35d: {  	[sflag:s22] =	ssyncset.done $0x0  }
0x35e: {  	[sflag:s22] =	ssyncadd.s32 $0xFFFFD800  }
0x35f: {  	_ =	swait.ge [sflag:s24], $0x50  }
0x360: {  	[sflag:s24] =	ssyncset.done $0x0  }
0x361: {  	[sflag:s24] =	ssyncadd.s32 $0xFFFFFFB0  }
0x362: {  	_ =	swait.ge [sflag:s24], $0x50  }
0x363: {  	[sflag:s24] =	ssyncset.done $0x0  }
0x364: {  	[sflag:s24] =	ssyncadd.s32 $0xFFFFFFB0  }
0x365: {  	[tilespmem:s14], [sflag:$0x6] =	stream.indirect.gather [hbm4b:s11+s4], $0x80, s16, s4, $0xb8;
	[tilespmem:$0x1B700] =	vst v63  }
0x366: {  	_ =	swait.ge [sflag:s15], $0x2800  }
0x367: {  	[sflag:s15] =	ssyncset.done $0x0  }
0x368: {  	[sflag:s15] =	ssyncadd.s32 $0xFFFFD800  }
0x369: {  	[spmem:s12] =	stream.indirect.scatter.add.f32 [tilespmem:s5], [sflag:$0x8], $0x80, s9, s4, $0xb8;
	[tilespmem:$0x1B700] =	vst v63  }
0x36a: {  	_ =	swait.ge [sflag:s22], $0x2800  }
0x36b: {  	[sflag:s22] =	ssyncset.done $0x0  }
0x36c: {  	[sflag:s22] =	ssyncadd.s32 $0xFFFFD800  }
0x36d: {  	_ =	swait.ge [sflag:s20], $0x2800  }
0x36e: {  	[sflag:s20] =	ssyncset.done $0x0  }
0x36f: {  	[sflag:s20] =	ssyncadd.s32 $0xFFFFD800  }
0x370: {  	[spmem:s12] =	stream.indirect.scatter.add.f32 [tilespmem:s14], [sflag:$0x8], $0x80, s17, s4, $0xb8;
	[tilespmem:$0x1B700] =	vst v63  }
0x371: {  	_ =	swait.ge [sflag:s22], $0x2800  }
0x372: {  	[sflag:s22] =	ssyncset.done $0x0  }
0x373: {  	[sflag:s22] =	ssyncadd.s32 $0xFFFFD800  }
0x374: {  	_ =	swait.ge [sflag:s22], $0x2800  }
0x375: {  	[sflag:s22] =	ssyncset.done $0x0  }
0x376: {  	[sflag:s22] =	ssyncadd.s32 $0xFFFFD800  }
0x377: {  	[bflag:$0x0] =	sbarrier.arrive $0xFFFF  }
0x378: {  	s30 =	sld [smem:$0x7ED]  }
0x379: {  	s28 =	sld [smem:$0x7D7];
	_ =	sdelay $0x2  }
0x37a: {  	[hbm:s30], [sflag:s23] =	dma.local [spmem:s28], $0x500  }
0x37b: {  	_ =	swait.ge [sflag:s1], $0x500  }
0x37c: {  	s31 =	sld [smem:$0x7EE]  }
0x37d: {  	s30 =	sld [smem:$0x7D8]  }
0x37e: {  	[sflag:s1] =	ssyncset.done $0x0  }
0x37f: {  	[sflag:s1] =	ssyncadd.s32 $0xFFFFFB00  }
0x380: {  	[hbm:s31], [sflag:s23] =	dma.local [spmem:s30], $0x500  }
0x381: {  	_ =	swait.ge [sflag:s1], $0x500  }
0x382: {  	s31 =	sld [smem:$0x7EF]  }
0x383: {  	s30 =	sld [smem:$0x7D9]  }
0x384: {  	[sflag:s1] =	ssyncset.done $0x0  }
0x385: {  	[sflag:s1] =	ssyncadd.s32 $0xFFFFFB00  }
0x386: {  	[hbm:s31], [sflag:s23] =	dma.local [spmem:s30], $0x500  }
0x387: {  	_ =	swait.ge [sflag:s1], $0x500  }
0x388: {  	s31 =	sld [smem:$0x7F0]  }
0x389: {  	s30 =	sld [smem:$0x7DA]  }
0x38a: {  	[sflag:s1] =	ssyncset.done $0x0  }
0x38b: {  	[sflag:s1] =	ssyncadd.s32 $0xFFFFFB00  }
0x38c: {  	[hbm:s31], [sflag:s23] =	dma.local [spmem:s30], $0x500  }
0x38d: {  	_ =	swait.ge [sflag:s1], $0x500  }
0x38e: {  	s31 =	sld [smem:$0x7F1]  }
0x38f: {  	s30 =	sld [smem:$0x7DB]  }
0x390: {  	[sflag:s1] =	ssyncset.done $0x0  }
0x391: {  	[sflag:s1] =	ssyncadd.s32 $0xFFFFFB00  }
0x392: {  	[hbm:s31], [sflag:s23] =	dma.local [spmem:s30], $0x500  }
0x393: {  	_ =	swait.ge [sflag:s1], $0x500  }
0x394: {  	s31 =	sld [smem:$0x7F2]  }
0x395: {  	s30 =	sld [smem:$0x7DC]  }
0x396: {  	[sflag:s1] =	ssyncset.done $0x0  }
0x397: {  	[sflag:s1] =	ssyncadd.s32 $0xFFFFFB00  }
0x398: {  	[hbm:s31], [sflag:s23] =	dma.local [spmem:s30], $0x500  }
0x399: {  	_ =	swait.ge [sflag:s1], $0x500  }
0x39a: {  	s31 =	sld [smem:$0x7F3]  }
0x39b: {  	s30 =	sld [smem:$0x7DD]  }
0x39c: {  	[sflag:s1] =	ssyncset.done $0x0  }
0x39d: {  	[sflag:s1] =	ssyncadd.s32 $0xFFFFFB00  }
0x39e: {  	[hbm:s31], [sflag:s23] =	dma.local [spmem:s30], $0x500  }
0x39f: {  	_ =	swait.ge [sflag:s1], $0x500  }
0x3a0: {  	s0 =	sld [smem:$0x7F4]  }
0x3a1: {  	s28 =	sld [smem:$0x7DE]  }
0x3a2: {  	[sflag:s1] =	ssyncset.done $0x0  }
0x3a3: {  	[sflag:s1] =	ssyncadd.s32 $0xFFFFFB00  }
0x3a4: {  	[hbm:s0], [sflag:s23] =	dma.local @!p0 [spmem:s28], $0x500  }
0x3a5: {  	s0 =	simm.s32 @!p0 $0x9  }
0x3a6: {  	_ =	swait.ge @!p0 [sflag:s0], $0x500  }
0x3a7: {  	s29 =	sld [smem:$0x7D6]  }
0x3a8: {  	s31 =	sld [smem:$0x7FD];
	_ =	sdelay $0x1  }
0x3a9: {  	s29 =	sadd.s32 $0x1, s29  }
0x3aa: {  	p1 =	sne.s32 s29, s31  }
.Ltmp1:
0x3ab: {  	_ = 	snop;
	(pc) =	sbr.rel @p1 .LBB2_1-.Ltmp1, $3  }
0x3ac: {  	_ =	sdelay $0x1  }
0x3ad: {  	[sflag:s0] =	ssyncset.done @!p0 $0x0  }
0x3ae: {  	[sflag:s0] =	ssyncadd.s32 @!p0 $0xFFFFFB00  }
0x3af: {  	_ =	sfence.sel $0x180000  }
0x3b0: {  	[bflag:$0x0] =	sbarrier.arrive $0xFFFF  }
0x3b1: {  	_ =	strace $0x9000004A  }
0x3b2: {  	s0 =	stileid.u32;
	[bflag:$0x2] =	sbarrier.arrive $0xFFFF  }
0x3b3: {  	p0 =	sne.s32 s0, $0x0;
	s0 =	rddreg [dreg:$0x3]  }
0x3b4: {  	s0 =	sadd.s32 @!p0 $0x100000, s0  }
0x3b5: {  	[sflag:s0] =	ssyncadd.tile.s32 @!p0 $0x1;
	_ =	shalt  }
.Lfunc_end2:
_tile_overlayer_lowered:
.L_overlay_start_2:
0x3b6: {  	(tag) =	ssettag $0x2  }
0x3b7: {  	s0 =	rddreg [dreg:$0x0];
	s2 =	stileid.u32  }
0x3b8: {  	s1 =	rddreg [dreg:$0x1];
	p0 =	sne.s32 s2, $0x0  }
0x3b9: {  	s3 =	rddreg [dreg:$0x2];
	[bflag:$0x3] =	sbarrier.arrive $0xFFFF;
	s2 =	simm.s32 @!p0 $0x1C09  }
0x3ba: {  	[timem:s3], [sflag:s2] =	dma.local @!p0 [hbm:s0], s1  }
0x3bb: {  	s0 =	simm.s32 @!p0 $0x9  }
0x3bc: {  	_ =	swait.ge @!p0 [sflag:s0], s1  }
0x3bd: {  	s1 =	ssub.s32 @!p0 $0x0, s1;
	[sflag:s0] =	ssyncset.done @!p0 $0x0  }
0x3be: {  	[sflag:s0] =	ssyncadd.s32 @!p0 s1  }
0x3bf: {  	[bflag:$0x3] =	sbarrier.arrive $0xFFFF  }
0x3c0: {  	_ =	shalt  }

// kernel: kernel.7.cloned.1.call-start
scs
__scs_entry_jumppad:
0x0: {  	(pc) =	sbr.rel $0x88, $3  }
0x1: {  	(tag) =	ssettag $0x0;
	lr =	simm.s32 $0x1  }
0x2: {  	[smem:$0x3F9D] =	sst lr;
	_ =	strace $0xD0000000  }
0x3: {  	_ = 	snop  }
0x4: {  	_ = 	snop  }
0x5: {  	_ = 	snop  }
0x6: {  	_ = 	snop  }
0x7: {  	_ = 	snop  }
__scs_overlays_trampoline_lowered:
0x8: {  	[smem:$0x3FAC] =	sst s0  }
0x9: {  	[smem:$0x3FAD] =	sst s1  }
0xa: {  	[smem:$0x3FAE] =	sst s2  }
0xb: {  	[smem:$0x3FAF] =	sst s3  }
0xc: {  	[smem:$0x3FB0] =	sst s4  }
0xd: {  	[smem:$0x3FB1] =	sst s5  }
0xe: {  	[smem:$0x3FB2] =	sst s6  }
0xf: {  	[smem:$0x3FB3] =	sst s7  }
0x10: {  	[smem:$0x3FB4] =	sst s8  }
0x11: {  	[smem:$0x3FB5] =	sst s9;
	s0 =	simm.s32 @!p0 $0x0  }
0x12: {  	s1 =	sld [smem:$0x3F9B];
	s0 =	simm.s32 @p0 $0x1  }
0x13: {  	[smem:$0x3FB6] =	sst s0;
	s0 =	simm.s32 @!p1 $0x0  }
0x14: {  	s2 =	sld [smem:$0x3F9A];
	s0 =	simm.s32 @p1 $0x1  }
0x15: {  	[smem:$0x3FB7] =	sst s0;
	s0 =	simm.s32 @!p2 $0x0  }
0x16: {  	s3 =	sld [smem:$0x3FDB];
	s0 =	simm.s32 @p2 $0x1  }
0x17: {  	s4 =	simm.s32 $0x1BF5;
	[smem:$0x3FB9] =	sst s0  }
0x18: {  	s0 =	sld [smem:$0x3F9C];
	_ =	swait.ge [sflag:s4], $0x0  }
0x19: {  	s7 =	sld [smem:$0x3F9D]  }
0x1a: {  	s8 =	sadd.s32 $0xFFFFE003, lr  }
0x1b: {  	s9 =	sadd.s32 $0xFFFFFEF7, lr;
	s5 =	simm.s32 $0xFFFFFFFF;
	p2 =	slt.u32 s8, $0xFFFFF086  }
0x1c: {  	p1 =	slt.u32 s9, $0xF7A;
	s5 =	simm.s32 @!p2 $0x0  }
0x1d: {  	s5 =	simm.s32 @p1 $0x1;
	p0 =	seq.s32 s7, s2  }
0x1e: {  	s7 =	smul.u32 @!p0 $0xF7A, s2;
	p2 =	seq.s32 @!p0 s5, $0x0  }
0x1f: {  	s9 =	smul.u32 $0xF7A, s1;
	s8 =	simm.s32 @!p0 $0x1BF5;
	p2 =	por !p2, p0  }
0x20: {  	[sflag:s8] =	ssyncset.s32 @!p0 $0xFFFFF086;
	s6 =	sadd.s32 @!p0 s3, s7;
	s7 =	simm.s32 @!p0 $0x108  }
0x21: {  	s3 =	sadd.s32 s3, s9;
	s6 =	sadd.s32 @!p0 $0x88, s6;
	s7 =	simm.s32 @p2 $0x1082  }
0x22: {  	[simem:s7], [sflag:s8] =	dma.local @!p0 [hbm:s6], $0xF7A  }
0x23: {  	s9 =	sor.u32 $0xD0000000, s2;
	s6 =	simm.s32 $0x108;
	_ =	swait.ge @!p0 [sflag:s8], $0x0  }
0x24: {  	s3 =	sadd.s32 $0x88, s3;
	s6 =	simm.s32 @!p1 $0x1082;
	[sflag:s4] =	ssyncset.s32 $0xFFFFF086  }
0x25: {  	[simem:s6], [sflag:s4] =	dma.local [hbm:s3], $0xF7A  }
0x26: {  	[smem:$0x3F9D] =	sst s1;
	(tag) =	ssettag s2;
	_ =	strace s9  }
0x27: {  	s1 =	sld [smem:$0x3FAD]  }
0x28: {  	s2 =	sld [smem:$0x3FAE]  }
0x29: {  	s4 =	sld [smem:$0x3FB0]  }
0x2a: {  	p0 =	seq.s32 s5, $0x0;
	s5 =	sld [smem:$0x3FB1]  }
0x2b: {  	s6 =	sld [smem:$0x3FB2]  }
0x2c: {  	s7 =	sld [smem:$0x3FB3]  }
0x2d: {  	s3 =	simm.s32 $0x108;
	s8 =	sld [smem:$0x3FB4]  }
0x2e: {  	s3 =	simm.s32 @!p0 $0x1082;
	s9 =	sld [smem:$0x3FB5]  }
0x2f: {  	lr =	sadd.s32 s0, s3;
	s0 =	sld [smem:$0x3FAC]  }
0x30: {  	s3 =	sld [smem:$0x3FAF]  }
0x31: {  	[smem:$0x3FB8] =	sst s10  }
0x32: {  	s10 =	sld [smem:$0x3FB6];
	_ =	sdelay $0x3  }
0x33: {  	p0 =	seq.s32 s10, $0x1;
	s10 =	sld [smem:$0x3FB8];
	_ =	sdelay $0x3  }
0x34: {  	[smem:$0x3FB8] =	sst s10  }
0x35: {  	s10 =	sld [smem:$0x3FB7];
	_ =	sdelay $0x3  }
0x36: {  	p1 =	seq.s32 s10, $0x1;
	s10 =	sld [smem:$0x3FB8];
	_ =	sdelay $0x3  }
0x37: {  	[smem:$0x3FB8] =	sst s10  }
0x38: {  	s10 =	sld [smem:$0x3FB9]  }
0x39: {  	_ = 	snop;
	(pc) =	sbr.ind lr, $3  }
0x3a: {  	_ = 	snop  }
0x3b: {  	_ = 	snop  }
0x3c: {  	p2 =	seq.s32 s10, $0x1;
	s10 =	sld [smem:$0x3FB8]  }
0x3d: {  	_ =	shalt  }
0x3e: {  	_ =	shalt  }
0x3f: {  	_ =	shalt  }
0x40: {  	_ =	shalt  }
0x41: {  	_ =	shalt  }
0x42: {  	_ =	shalt  }
0x43: {  	_ =	shalt  }
0x44: {  	_ =	shalt  }
0x45: {  	_ =	shalt  }
0x46: {  	_ =	shalt  }
0x47: {  	_ =	shalt  }
0x48: {  	_ =	shalt  }
0x49: {  	_ =	shalt  }
0x4a: {  	_ =	shalt  }
0x4b: {  	_ =	shalt  }
0x4c: {  	_ =	shalt  }
0x4d: {  	_ =	shalt  }
0x4e: {  	_ =	shalt  }
0x4f: {  	_ =	shalt  }
0x50: {  	_ =	shalt  }
0x51: {  	_ =	shalt  }
0x52: {  	_ =	shalt  }
0x53: {  	_ =	shalt  }
0x54: {  	_ =	shalt  }
0x55: {  	_ =	shalt  }
0x56: {  	_ =	shalt  }
0x57: {  	_ =	shalt  }
0x58: {  	_ =	shalt  }
0x59: {  	_ =	shalt  }
0x5a: {  	_ =	shalt  }
0x5b: {  	_ =	shalt  }
0x5c: {  	_ =	shalt  }
0x5d: {  	_ =	shalt  }
0x5e: {  	_ =	shalt  }
0x5f: {  	_ =	shalt  }
0x60: {  	_ =	shalt  }
0x61: {  	_ =	shalt  }
0x62: {  	_ =	shalt  }
0x63: {  	_ =	shalt  }
0x64: {  	_ =	shalt  }
0x65: {  	_ =	shalt  }
0x66: {  	_ =	shalt  }
0x67: {  	_ =	shalt  }
0x68: {  	_ =	shalt  }
0x69: {  	_ =	shalt  }
0x6a: {  	_ =	shalt  }
0x6b: {  	_ =	shalt  }
0x6c: {  	_ =	shalt  }
0x6d: {  	_ =	shalt  }
0x6e: {  	_ =	shalt  }
0x6f: {  	_ =	shalt  }
0x70: {  	_ =	shalt  }
0x71: {  	_ =	shalt  }
0x72: {  	_ =	shalt  }
0x73: {  	_ =	shalt  }
0x74: {  	_ =	shalt  }
0x75: {  	_ =	shalt  }
0x76: {  	_ =	shalt  }
0x77: {  	_ =	shalt  }
0x78: {  	_ =	shalt  }
0x79: {  	_ =	shalt  }
0x7a: {  	_ =	shalt  }
0x7b: {  	_ =	shalt  }
0x7c: {  	_ =	shalt  }
0x7d: {  	_ =	shalt  }
0x7e: {  	_ =	shalt  }
0x7f: {  	_ =	shalt  }
0x80: {  	_ =	shalt  }
0x81: {  	_ =	shalt  }
0x82: {  	_ =	shalt  }
0x83: {  	_ =	shalt  }
0x84: {  	_ =	shalt  }
0x85: {  	_ =	shalt  }
0x86: {  	_ =	shalt  }
0x87: {  	_ =	shalt  }
.Lfunc_end0:
.L_simem_size_0:
called_computation_lowered:
.L_overlay_start_0:
0x88: {  	s2 =	sld [smem:$0x3FD9]  }
0x89: {  	s3 =	sld [smem:$0x3FFE];
	_ =	sdelay $0x1  }
0x8a: {  	s1 =	srdreg.scid  }
0x8b: {  	s0 =	sand.u32 $0x1, s1  }
0x8c: {  	s17 =	sshll.u32 s0, $0xA;
	s2 =	sadd.s32 s3, s2  }
0x8d: {  	s2 =	sadd.s32 s2, s17  }
0x8e: {  	[smem:$0x3FC4] =	sst s2  }
0x8f: {  	_ = 	snop  }
0x90: {  	s2 =	sld [smem:$0x3FD0];
	(tm) =	ssettm $0x1  }
0x91: {  	s18 =	sld [smem:$0x3FFB];
	_ =	sdelay $0x3  }
0x92: {  	_ =	strace s18  }
0x93: {  	s3 =	sld [smem:$0x3FFC];
	_ =	sdelay $0x3  }
0x94: {  	_ =	strace s3  }
0x95: {  	s3 =	sld [smem:$0x3FFD];
	_ =	sdelay $0x3  }
0x96: {  	_ =	strace s3  }
0x97: {  	_ =	strace $0x8FFFFFFF  }
0x98: {  	s19 =	sld [smem:$0x3FDB];
	_ =	sdelay $0x1  }
0x99: {  	s4 =	simm.s32 $_scs_section_size  }
0x9a: {  	s5 =	simm.s32 $_size__tile_overlayer_lowered;
	s6 =	simm.s32 $_tile_overlayer_lowered  }
0x9b: {  	s22 =	simm.s32 $0x1BFF;
	s21 =	sshll.u32 s6, $0x1;
	s3 =	sadd.s32 s4, s19  }
0x9c: {  	s7 =	simm.s32 $0x0;
	s20 =	sshll.u32 s5, $0x1;
	s5 =	sadd.s32 s21, s3  }
0x9d: {  	[timem:s7], [sflag:s22] =	dma.local [hbm:s5], s20  }
0x9e: {  	_ =	swait.ge [sflag:s22], s20  }
0x9f: {  	s4 =	ssub.s32 $0x0, s20;
	[sflag:s22] =	ssyncset.done $0x0  }
0xa0: {  	[sflag:s22] =	ssyncadd.s32 s4;
	_ =	sdelay $0x1  }
0xa1: {  	s23 =	simm.s32 $0x1B8B  }
0xa2: {  	_ =	swait.ge [sflag:s23], $0x1  }
0xa3: {  	[sflag:s23] =	ssyncset.done $0x0  }
0xa4: {  	s25 =	simm.s32 $0x1B8E;
	s24 =	sld [smem:$0x3FFE];
	[sflag:s23] =	ssyncadd.s32 $0xFFFFFFFF  }
0xa5: {  	s26 =	simm.s32 $execute0_lowered;
	[smem:$0x3FD2] =	sst s25  }
0xa6: {  	s5 =	sshll.u32 s26, $0x1;
	_ =	strace $0x80000046;
	[dreg:$0x1] =	wrdreg $0xFFFFFFFF  }
0xa7: {  	s28 =	simm.s32 $_size_execute0_lowered;
	s3 =	sadd.s32 s3, s5;
	[dreg:$0x0] =	wrdreg $0x0  }
0xa8: {  	s5 =	sshll.u32 s28, $0x1;
	[dreg:$0x2] =	wrdreg s3  }
0xa9: {  	[dreg:$0x3] =	wrdreg s5  }
0xaa: {  	[dreg:$0x4] =	wrdreg $0xC0  }
0xab: {  	_ =	task [dreg:s7], $0x5FFFF  }
0xac: {  	[dreg:$0x1] =	wrdreg $0xFFFFFFFF  }
0xad: {  	[dreg:$0x0] =	wrdreg $0x60  }
0xae: {  	[dreg:$0x2] =	wrdreg s24  }
0xaf: {  	[dreg:$0x3] =	wrdreg s2  }
0xb0: {  	[dreg:$0x4] =	wrdreg $0x0  }
0xb1: {  	[dreg:$0x5] =	wrdreg $0x9  }
0xb2: {  	_ =	task.clear_ibuf [dreg:s7], $0x6FFFF;
	_ =	strace $0x90000046  }
0xb3: {  	s29 =	simm.s32 $0x9;
	_ =	strace $0x80000048  }
0xb4: {  	_ =	swait.ge [sflag:s29], $0x1  }
0xb5: {  	[sflag:s29] =	ssyncadd.s32 $0xFFFFFFFF  }
0xb6: {  	_ =	strace $0x90000048  }
0xb7: {  	_ =	sfence  }
0xb8: {  	s30 =	sld [smem:$0x0];
	_ =	sdelay $0x2  }
0xb9: {  	s31 =	sshll.u32 s1, $0xD;
	s1 =	sshrl.u32 s1, $0x2  }
0xba: {  	s3 =	sand.u32 $0x4000, s31;
	s1 =	sadd.s32 s1, s30  }
0xbb: {  	s0 =	sor.u32 s3, s0;
	s1 =	sshll.u32 s1, $0x11  }
0xbc: {  	s0 =	sor.u32 s1, s0  }
0xbd: {  	s0 =	sadd.s32 $0x8F2B, s0  }
0xbe: {  	[sflag:s0] =	ssyncadd.remote.s32 $0x1  }
0xbf: {  	_ =	sfence.sel $0xFFFF  }
0xc0: {  	[dreg:$0x0] =	wrdreg $0xFFFFFFFF;
	(pc) =	sbr.abs _section_cstart, $3  }
0xc1: {  	[dreg:$0x1] =	wrdreg $0xFFFFFFFF  }
0xc2: {  	_ =	task.clear_ibuf [dreg:s7], $0x2FFFF;
	_ =	strace $0x9FFFFFFF  }
0xc3: {  	(tm) =	ssettm $0x7FFFFFFF  }
tec
execute0_lowered:
.L_overlay_start_1:
0x0: {  	(tag) =	ssettag $0x1  }
0x1: {  	s26 =	stileid.u32  }
0x2: {  	s0 =	srdreg.scid;
	s4 =	smul.u32 $0xA000, s26  }
0x3: {  	s25 =	rddreg [dreg:$0x0];
	s6 =	sor.u32 $0x10, s26;
	s11 =	smul.u32 $0x2800, s26  }
0x4: {  	s3 =	rddreg [dreg:$0x2];
	s7 =	sor.u32 $0x20, s26;
	s8 =	smul.u32 $0xA000, s6  }
0x5: {  	s5 =	simm.s32 $0x0;
	s1 =	sand.u32 $0x1, s0;
	s9 =	smul.u32 $0xA000, s7  }
0x6: {  	s29 =	simm.s32 $0x80;
	s30 =	simm.s32 $0x1;
	s10 =	smul.u32 $0x138800, s1  }
0x7: {  	s31 =	simm.s32 $0x0;
	[smem:$0x7FF] =	sst s5;
	s6 =	smul.u32 $0x2800, s6  }
0x8: {  	s5 =	sadd.s32 $0x16600, s25;
	s13 =	sor.u32 $0x30, s26;
	s7 =	smul.u32 $0x2800, s7  }
0x9: {  	s0 =	sadd.s32 $0x16C00, s25;
	s15 =	sor.u32 $0x50, s26;
	s14 =	smul.u32 $0x2800, s13  }
0xa: {  	s17 =	sor.u32 $0x60, s26;
	s18 =	sor.u32 $0x70, s26;
	s19 =	smul.u32 $0x2800, s15  }
0xb: {  	p0 =	sgt.u32 s26, $0xC;
	s2 =	sshll.u32 s1, $0x4;
	s20 =	smul.u32 $0x2800, s17  }
0xc: {  	_ =	strace $0x80000047;
	s1 =	ssub.s32 $0x2, s1;
	s28 =	smul.u32 $0x2800, s18  }
0xd: {  	s13 =	smul.u32 $0xA000, s13;
	s2 =	sor.u32 s26, s2;
	s12 =	sshrl.u32 s1, $0x1  }
0xe: {  	s4 =	sshrl.u32 s4, $0x2;
	s2 =	smul.u32 $0x500, s2;
	s1 =	ssub.s32 s1, s12  }
0xf: {  	s12 =	sor.u32 $0x40, s26;
	s11 =	sadd.s32 s11, s10;
	s6 =	sadd.s32 s10, s6  }
0x10: {  	s21 =	sadd.s32 s10, s7;
	s22 =	sadd.s32 s10, s14;
	s24 =	sadd.s32 s10, s19  }
0x11: {  	s14 =	sshll.u32 s26, $0x6;
	s4 =	sadd.s32 s4, s3;
	s8 =	sshrl.u32 s8, $0x2  }
0x12: {  	s9 =	sshrl.u32 s9, $0x2;
	s19 =	smul.u32 $0xA000, s15;
	s13 =	sshrl.u32 s13, $0x2  }
0x13: {  	s26 =	simm.s32 $0x16300;
	s16 =	smul.u32 $0x2800, s12;
	[dreg:$0x4] =	wrdreg s4  }
0x14: {  	s7 =	sor.u32 $0x1C02, s14;
	s8 =	sadd.s32 s8, s3;
	s14 =	smul.u32 $0xA000, s18  }
0x15: {  	s21 =	sshrl.u32 s21, $0x3;
	s22 =	sshrl.u32 s22, $0x3;
	s24 =	sshrl.u32 s24, $0x3  }
0x16: {  	s2 =	sadd.s32 s2, s25;
	s25 =	sadd.s32 s10, s20;
	[dreg:$0x5] =	wrdreg s8  }
0x17: {  	s20 =	sadd.s32 s9, s3;
	s9 =	sadd.s32 s13, s3;
	s15 =	sshrl.u32 s19, $0x2  }
0x18: {  	s19 =	sshrl.u32 s11, $0x3;
	s23 =	sadd.s32 s10, s16;
	s16 =	smul.u32 $0xA000, s12  }
0x19: {  	s10 =	sadd.s32 s10, s28;
	[dreg:$0x6] =	wrdreg s20;
	s28 =	smul.u32 $0xA000, s17  }
0x1a: {  	[dreg:$0x7] =	wrdreg s9;
	s17 =	sshrl.u32 s14, $0x2;
	s20 =	sshrl.u32 s6, $0x3  }
0x1b: {  	s25 =	sshrl.u32 s25, $0x3;
	s18 =	sadd.s32 s17, s3;
	s17 =	sadd.s32 s0, s20  }
0x1c: {  	s23 =	sshrl.u32 s23, $0x3;
	s4 =	sshrl.u32 s16, $0x2;
	s16 =	sshrl.u32 s28, $0x2  }
0x1d: {  	[dreg:$0xb] =	wrdreg s18;
	s18 =	sadd.s32 s0, s21;
	s20 =	sadd.s32 s0, s23  }
0x1e: {  	s21 =	sadd.s32 s0, s24;
	s28 =	sshrl.u32 s10, $0x3;
	s4 =	sadd.s32 s4, s3  }
0x1f: {  	s24 =	smax.u32 s1, $0x1;
	[dreg:$0x8] =	wrdreg s4;
	s4 =	sadd.s32 s15, s3  }
0x20: {  	s23 =	sadd.s32 s0, s28;
	s15 =	sadd.s32 $0xC600, s2;
	[dreg:$0x9] =	wrdreg s4  }
0x21: {  	s4 =	sadd.s32 s16, s3;
	s16 =	sadd.s32 s0, s19;
	s19 =	sadd.s32 s0, s22  }
0x22: {  	s22 =	sadd.s32 s0, s25;
	s25 =	simm.s32 $0x2;
	[dreg:$0xa] =	wrdreg s4  }
.LBB2_1:
0x23: {  	s0 =	rddreg [dreg:$0x4]  }
0x24: {  	s1 =	sshrl.u32 s0, $0x3  }
0x25: {  	[spmem:s1], [sflag:s7] =	dma.local [hbm:s5], $0x500  }
0x26: {  	_ =	swait.ge [sflag:s25], $0x500  }
0x27: {  	[sflag:s25] =	ssyncset.done $0x0;
	s11 =	rddreg [dreg:$0x5]  }
0x28: {  	[sflag:s25] =	ssyncadd.s32 $0xFFFFFB00;
	s0 =	sshrl.u32 s11, $0x3  }
0x29: {  	[spmem:s0], [sflag:s7] =	dma.local [hbm:s5], $0x500  }
0x2a: {  	_ =	swait.ge [sflag:s25], $0x500  }
0x2b: {  	[sflag:s25] =	ssyncset.done $0x0;
	s2 =	rddreg [dreg:$0x6]  }
0x2c: {  	[sflag:s25] =	ssyncadd.s32 $0xFFFFFB00;
	s2 =	sshrl.u32 s2, $0x3  }
0x2d: {  	[spmem:s2], [sflag:s7] =	dma.local [hbm:s5], $0x500  }
0x2e: {  	_ =	swait.ge [sflag:s25], $0x500  }
0x2f: {  	[sflag:s25] =	ssyncset.done $0x0;
	s4 =	rddreg [dreg:$0x7]  }
0x30: {  	[sflag:s25] =	ssyncadd.s32 $0xFFFFFB00;
	s28 =	sshrl.u32 s4, $0x3  }
0x31: {  	[spmem:s28], [sflag:s7] =	dma.local [hbm:s5], $0x500  }
0x32: {  	_ =	swait.ge [sflag:s25], $0x500  }
0x33: {  	[sflag:s25] =	ssyncset.done $0x0;
	s12 =	rddreg [dreg:$0x8]  }
0x34: {  	[sflag:s25] =	ssyncadd.s32 $0xFFFFFB00;
	s4 =	sshrl.u32 s12, $0x3  }
0x35: {  	[spmem:s4], [sflag:s7] =	dma.local [hbm:s5], $0x500  }
0x36: {  	_ =	swait.ge [sflag:s25], $0x500  }
0x37: {  	[sflag:s25] =	ssyncset.done $0x0;
	s6 =	rddreg [dreg:$0x9]  }
0x38: {  	[sflag:s25] =	ssyncadd.s32 $0xFFFFFB00;
	s6 =	sshrl.u32 s6, $0x3  }
0x39: {  	[spmem:s6], [sflag:s7] =	dma.local [hbm:s5], $0x500  }
0x3a: {  	_ =	swait.ge [sflag:s25], $0x500  }
0x3b: {  	[sflag:s25] =	ssyncset.done $0x0;
	s8 =	rddreg [dreg:$0xa]  }
0x3c: {  	[sflag:s25] =	ssyncadd.s32 $0xFFFFFB00;
	s8 =	sshrl.u32 s8, $0x3  }
0x3d: {  	[spmem:s8], [sflag:s7] =	dma.local [hbm:s5], $0x500  }
0x3e: {  	_ =	swait.ge [sflag:s25], $0x500  }
0x3f: {  	[sflag:s25] =	ssyncset.done $0x0;
	s9 =	rddreg [dreg:$0xb]  }
0x40: {  	s10 =	simm.s32 @!p0 $0x2;
	[sflag:s25] =	ssyncadd.s32 $0xFFFFFB00;
	s9 =	sshrl.u32 @!p0 s9, $0x3  }
0x41: {  	[spmem:s9], [sflag:s7] =	dma.local @!p0 [hbm:s5], $0x500  }
0x42: {  	_ =	swait.ge @!p0 [sflag:s10], $0x500  }
0x43: {  	[sflag:s10] =	ssyncset.done @!p0 $0x0  }
0x44: {  	[sflag:s10] =	ssyncadd.s32 @!p0 $0xFFFFFB00  }
0x45: {  	s11 =	simm.s32 $0x0;
	s10 =	rddreg [dreg:$0x1]  }
0x46: {  	[tilespmem:s26], [sflag:$0x2] =	stream.linear.gather [hbm4b:s10+s11], $0x4000, $0x38;
	[tilespmem:$0x1A300] =	vst v63  }
0x47: {  	_ =	swait.ge [sflag:s25], $0x4000  }
0x48: {  	[sflag:s25] =	ssyncset.done $0x0  }
0x49: {  	s13 =	simm.s32 $0x13B00;
	[sflag:s25] =	ssyncadd.s32 $0xFFFFC000  }
0x4a: {  	[tilespmem:s13], [sflag:$0x2] =	stream.linear.gather [hbm4b:s15+s11], $0x2800, $0x38;
	[tilespmem:$0x1A300] =	vst v63  }
0x4b: {  	_ =	swait.ge [sflag:s25], $0x2800  }
0x4c: {  	[sflag:s25] =	ssyncset.done $0x0  }
0x4d: {  	[sflag:s25] =	ssyncadd.s32 $0xFFFFD800  }
0x4e: {  	s14 =	simm.s32 $0x13B00;
	[bflag:$0x0] =	sbarrier.arrive $0xFFFF  }
0x4f: {  	[spmem:s3] =	stream.indirect.scatter.add.f32 [tilespmem:s26], [sflag:$0x1], $0x80, s14, s29, $0xb8;
	[tilespmem:$0x1A300] =	vst v63  }
0x50: {  	s11 =	simm.s32 $0x13B80  }
0x51: {  	[spmem:s3] =	stream.indirect.scatter.add.f32 [tilespmem:s26], [sflag:$0x1], $0x80, s11, s29, $0xb8;
	[tilespmem:$0x1A300] =	vst v63  }
0x52: {  	s12 =	simm.s32 $0x13C00  }
0x53: {  	[spmem:s3] =	stream.indirect.scatter.add.f32 [tilespmem:s26], [sflag:$0x1], $0x80, s12, s29, $0xb8;
	[tilespmem:$0x1A300] =	vst v63  }
0x54: {  	s13 =	simm.s32 $0x13C80  }
0x55: {  	[spmem:s3] =	stream.indirect.scatter.add.f32 [tilespmem:s26], [sflag:$0x1], $0x80, s13, s29, $0xb8;
	[tilespmem:$0x1A300] =	vst v63  }
0x56: {  	s14 =	simm.s32 $0x13D00  }
0x57: {  	[spmem:s3] =	stream.indirect.scatter.add.f32 [tilespmem:s26], [sflag:$0x1], $0x80, s14, s29, $0xb8;
	[tilespmem:$0x1A300] =	vst v63  }
0x58: {  	_ =	swait.ge [sflag:s30], $0x4000  }
0x59: {  	[sflag:s30] =	ssyncset.done $0x0  }
0x5a: {  	[sflag:s30] =	ssyncadd.s32 $0xFFFFC000  }
0x5b: {  	_ =	swait.ge [sflag:s30], $0x4000  }
0x5c: {  	[sflag:s30] =	ssyncset.done $0x0  }
0x5d: {  	[sflag:s30] =	ssyncadd.s32 $0xFFFFC000  }
0x5e: {  	_ =	swait.ge [sflag:s30], $0x4000  }
0x5f: {  	[sflag:s30] =	ssyncset.done $0x0  }
0x60: {  	[sflag:s30] =	ssyncadd.s32 $0xFFFFC000  }
0x61: {  	_ =	swait.ge [sflag:s30], $0x4000  }
0x62: {  	[sflag:s30] =	ssyncset.done $0x0  }
0x63: {  	[sflag:s30] =	ssyncadd.s32 $0xFFFFC000  }
0x64: {  	_ =	swait.ge [sflag:s30], $0x4000  }
0x65: {  	s10 =	simm.s32 $0x280;
	s11 =	simm.s32 $0x1400;
	[sflag:s30] =	ssyncset.done $0x0  }
.LBB2_2:
0x66: {  	s12 =	sadd.s32 $0x13B00, s10  }
0x67: {  	[sflag:s30] =	ssyncadd.s32 $0xFFFFC000;
	s13 =	smov.u32 s11;
	s14 =	sadd.s32 $0xA00, s11  }
0x68: {  	[spmem:s3] =	stream.indirect.scatter.add.f32 [tilespmem:s26], [sflag:$0x1], $0x80, s12, s29, $0xb8;
	[tilespmem:$0x1A300] =	vst v63  }
0x69: {  	p1 =	sne.s32 s11, $0x9600;
	s11 =	sadd.s32 $0x13B80, s10  }
0x6a: {  	[spmem:s3] =	stream.indirect.scatter.add.f32 [tilespmem:s26], [sflag:$0x1], $0x80, s11, s29, $0xb8;
	[tilespmem:$0x1A300] =	vst v63  }
0x6b: {  	s11 =	sadd.s32 $0x13C00, s10  }
0x6c: {  	[spmem:s3] =	stream.indirect.scatter.add.f32 [tilespmem:s26], [sflag:$0x1], $0x80, s11, s29, $0xb8;
	[tilespmem:$0x1A300] =	vst v63  }
0x6d: {  	s11 =	sadd.s32 $0x13C80, s10  }
0x6e: {  	[spmem:s3] =	stream.indirect.scatter.add.f32 [tilespmem:s26], [sflag:$0x1], $0x80, s11, s29, $0xb8;
	[tilespmem:$0x1A300] =	vst v63  }
0x6f: {  	s10 =	sadd.s32 $0x13D00, s10  }
0x70: {  	[spmem:s3] =	stream.indirect.scatter.add.f32 [tilespmem:s26], [sflag:$0x1], $0x80, s10, s29, $0xb8;
	[tilespmem:$0x1A300] =	vst v63  }
0x71: {  	_ =	swait.ge [sflag:s30], $0x4000  }
0x72: {  	[sflag:s30] =	ssyncset.done $0x0  }
0x73: {  	[sflag:s30] =	ssyncadd.s32 $0xFFFFC000  }
0x74: {  	_ =	swait.ge [sflag:s30], $0x4000  }
0x75: {  	[sflag:s30] =	ssyncset.done $0x0  }
0x76: {  	[sflag:s30] =	ssyncadd.s32 $0xFFFFC000  }
0x77: {  	_ =	swait.ge [sflag:s30], $0x4000  }
0x78: {  	[sflag:s30] =	ssyncset.done $0x0  }
0x79: {  	[sflag:s30] =	ssyncadd.s32 $0xFFFFC000  }
.Ltmp0:
0x7a: {  	_ =	swait.ge [sflag:s30], $0x4000;
	(pc) =	sbr.rel @p1 .LBB2_2-.Ltmp0, $4  }
0x7b: {  	[sflag:s30] =	ssyncset.done $0x0  }
0x7c: {  	[sflag:s30] =	ssyncadd.s32 $0xFFFFC000  }
0x7d: {  	_ =	swait.ge [sflag:s30], $0x4000  }
0x7e: {  	s11 =	smov.u32 s14;
	s10 =	sshra.s32 s13, $0x2;
	[sflag:s30] =	ssyncset.done $0x0  }
0x7f: {  	s11 =	sadd.s32 $0x13B00, s10;
	[sflag:s30] =	ssyncadd.s32 $0xFFFFC000  }
0x80: {  	[spmem:s3] =	stream.indirect.scatter.add.f32 [tilespmem:s26], [sflag:$0x1], $0x80, s11, s29, $0xb8;
	[tilespmem:$0x1A300] =	vst v63  }
0x81: {  	s14 =	sadd.s32 $0x13B80, s10  }
0x82: {  	[spmem:s3] =	stream.indirect.scatter.add.f32 [tilespmem:s26], [sflag:$0x1], $0x80, s14, s29, $0xb8;
	[tilespmem:$0x1A300] =	vst v63  }
0x83: {  	s12 =	sadd.s32 $0x13C00, s10  }
0x84: {  	[spmem:s3] =	stream.indirect.scatter.add.f32 [tilespmem:s26], [sflag:$0x1], $0x80, s12, s29, $0xb8;
	[tilespmem:$0x1A300] =	vst v63  }
0x85: {  	s13 =	sadd.s32 $0x13C80, s10  }
0x86: {  	[spmem:s3] =	stream.indirect.scatter.add.f32 [tilespmem:s26], [sflag:$0x1], $0x80, s13, s29, $0xb8;
	[tilespmem:$0x1A300] =	vst v63  }
0x87: {  	s14 =	sadd.s32 $0x13D00, s10  }
0x88: {  	[spmem:s3] =	stream.indirect.scatter.add.f32 [tilespmem:s26], [sflag:$0x1], $0x80, s14, s29, $0xb8;
	[tilespmem:$0x1A300] =	vst v63  }
0x89: {  	_ =	swait.ge [sflag:s30], $0x4000  }
0x8a: {  	[sflag:s30] =	ssyncset.done $0x0  }
0x8b: {  	[sflag:s30] =	ssyncadd.s32 $0xFFFFC000  }
0x8c: {  	_ =	swait.ge [sflag:s30], $0x4000  }
0x8d: {  	[sflag:s30] =	ssyncset.done $0x0  }
0x8e: {  	[sflag:s30] =	ssyncadd.s32 $0xFFFFC000  }
0x8f: {  	_ =	swait.ge [sflag:s30], $0x4000  }
0x90: {  	[sflag:s30] =	ssyncset.done $0x0  }
0x91: {  	[sflag:s30] =	ssyncadd.s32 $0xFFFFC000  }
0x92: {  	_ =	swait.ge [sflag:s30], $0x4000  }
0x93: {  	[sflag:s30] =	ssyncset.done $0x0  }
0x94: {  	[sflag:s30] =	ssyncadd.s32 $0xFFFFC000  }
0x95: {  	_ =	swait.ge [sflag:s30], $0x4000  }
0x96: {  	[sflag:s30] =	ssyncset.done $0x0  }
0x97: {  	[sflag:s30] =	ssyncadd.s32 $0xFFFFC000  }
0x98: {  	[bflag:$0x0] =	sbarrier.arrive $0xFFFF  }
0x99: {  	[hbm:s16], [sflag:s7] =	dma.local [spmem:s1], $0x500  }
0x9a: {  	_ =	swait.ge [sflag:s25], $0x500  }
0x9b: {  	[sflag:s25] =	ssyncset.done $0x0  }
0x9c: {  	[sflag:s25] =	ssyncadd.s32 $0xFFFFFB00  }
0x9d: {  	[hbm:s17], [sflag:s7] =	dma.local [spmem:s0], $0x500  }
0x9e: {  	_ =	swait.ge [sflag:s25], $0x500  }
0x9f: {  	[sflag:s25] =	ssyncset.done $0x0  }
0xa0: {  	[sflag:s25] =	ssyncadd.s32 $0xFFFFFB00  }
0xa1: {  	[hbm:s18], [sflag:s7] =	dma.local [spmem:s2], $0x500  }
0xa2: {  	_ =	swait.ge [sflag:s25], $0x500  }
0xa3: {  	[sflag:s25] =	ssyncset.done $0x0  }
0xa4: {  	[sflag:s25] =	ssyncadd.s32 $0xFFFFFB00  }
0xa5: {  	[hbm:s19], [sflag:s7] =	dma.local [spmem:s28], $0x500  }
0xa6: {  	_ =	swait.ge [sflag:s25], $0x500  }
0xa7: {  	[sflag:s25] =	ssyncset.done $0x0  }
0xa8: {  	[sflag:s25] =	ssyncadd.s32 $0xFFFFFB00  }
0xa9: {  	[hbm:s20], [sflag:s7] =	dma.local [spmem:s4], $0x500  }
0xaa: {  	_ =	swait.ge [sflag:s25], $0x500  }
0xab: {  	[sflag:s25] =	ssyncset.done $0x0  }
0xac: {  	[sflag:s25] =	ssyncadd.s32 $0xFFFFFB00  }
0xad: {  	[hbm:s21], [sflag:s7] =	dma.local [spmem:s6], $0x500  }
0xae: {  	_ =	swait.ge [sflag:s25], $0x500  }
0xaf: {  	[sflag:s25] =	ssyncset.done $0x0  }
0xb0: {  	[sflag:s25] =	ssyncadd.s32 $0xFFFFFB00  }
0xb1: {  	[hbm:s22], [sflag:s7] =	dma.local [spmem:s8], $0x500  }
0xb2: {  	s31 =	sadd.s32 $0x1, s31;
	_ =	swait.ge [sflag:s25], $0x500  }
0xb3: {  	p1 =	sne.s32 s31, s24;
	[sflag:s25] =	ssyncset.done $0x0  }
.Ltmp1:
0xb4: {  	s0 =	simm.s32 @!p0 $0x2;
	[sflag:s25] =	ssyncadd.s32 $0xFFFFFB00;
	(pc) =	sbr.rel @p1 .LBB2_1-.Ltmp1, $4  }
0xb5: {  	[hbm:s23], [sflag:s7] =	dma.local @!p0 [spmem:s9], $0x500  }
0xb6: {  	_ =	swait.ge @!p0 [sflag:s0], $0x500  }
0xb7: {  	[sflag:s0] =	ssyncset.done @!p0 $0x0  }
0xb8: {  	[sflag:s0] =	ssyncadd.s32 @!p0 $0xFFFFFB00  }
0xb9: {  	_ =	sfence.sel $0x180000  }
0xba: {  	[bflag:$0x0] =	sbarrier.arrive $0xFFFF  }
0xbb: {  	_ =	strace $0x90000047  }
0xbc: {  	s0 =	stileid.u32;
	[bflag:$0x2] =	sbarrier.arrive $0xFFFF  }
0xbd: {  	p0 =	sne.s32 s0, $0x0;
	s0 =	rddreg [dreg:$0x3]  }
0xbe: {  	s0 =	sadd.s32 @!p0 $0x100000, s0  }
0xbf: {  	[sflag:s0] =	ssyncadd.tile.s32 @!p0 $0x1;
	_ =	shalt  }
.Lfunc_end2:
_tile_overlayer_lowered:
.L_overlay_start_2:
0xc0: {  	(tag) =	ssettag $0x2  }
0xc1: {  	s0 =	rddreg [dreg:$0x0];
	s2 =	stileid.u32  }
0xc2: {  	s1 =	rddreg [dreg:$0x1];
	p0 =	sne.s32 s2, $0x0  }
0xc3: {  	s3 =	rddreg [dreg:$0x2];
	[bflag:$0x3] =	sbarrier.arrive $0xFFFF;
	s2 =	simm.s32 @!p0 $0x1C02  }
0xc4: {  	[timem:s3], [sflag:s2] =	dma.local @!p0 [hbm:s0], s1  }
0xc5: {  	s0 =	simm.s32 @!p0 $0x2  }
0xc6: {  	_ =	swait.ge @!p0 [sflag:s0], s1  }
0xc7: {  	s1 =	ssub.s32 @!p0 $0x0, s1;
	[sflag:s0] =	ssyncset.done @!p0 $0x0  }
0xc8: {  	[sflag:s0] =	ssyncadd.s32 @!p0 s1  }
0xc9: {  	[bflag:$0x3] =	sbarrier.arrive $0xFFFF  }
0xca: {  	_ =	shalt  }

</sc_bundles>
